<compile_context>
chip_gen: v7x
topology: tpu7x:2x2x1
jax: 0.10.2.dev20260603
libtpu: 0.0.44.dev20260713+nightly
codegen_flags: <defaults>
</compile_context>

<pallas_src>
import jax
import jax.numpy as jnp
from jax import lax
from jax.experimental import pallas as pl
from jax.experimental.pallas import tpu as pltpu
from jax.experimental.pallas import tpu_sc as plsc

_VOCAB = 100000
_MAXLEN = 200
_EMBED = 64
_BATCH = 4096

_NC = 2
_NS = 16
_NW = _NC * _NS
_BPW = _BATCH // _NW
_NBUF = 4


def _emb_body(xt_hbm, tok_hbm, pos_hbm, out_hbm, idx_v, pos_v, gbuf, sbuf,
              gs0, gs1, gs2, gs3, ss0, ss1, ss2, ss3):
    gsem = (gs0, gs1, gs2, gs3)
    ssem = (ss0, ss1, ss2, ss3)
    wid = lax.axis_index("s") * _NC + lax.axis_index("c")
    b0 = wid * _BPW

    pltpu.sync_copy(xt_hbm.at[:, pl.ds(b0, _BPW)], idx_v)
    pltpu.sync_copy(pos_hbm, pos_v)

    lane = jnp.arange(16, dtype=jnp.int32)

    def g_start(s, slot):
        pltpu.async_copy(tok_hbm.at[idx_v.at[s]], gbuf.at[slot], gsem[slot])

    def g_wait(slot):
        pltpu.make_async_copy(tok_hbm.at[idx_v.at[0]], gbuf.at[slot],
                              gsem[slot]).wait()

    def s_start(s, slot):
        pltpu.async_copy(sbuf.at[slot, :, pl.ds(0, _BPW)],
                         out_hbm.at[s, :, pl.ds(b0, _BPW)], ssem[slot])

    def s_wait(slot):
        pltpu.make_async_copy(sbuf.at[slot, :, pl.ds(0, _BPW)],
                              out_hbm.at[0, :, pl.ds(b0, _BPW)],
                              ssem[slot]).wait()

    evecs = [j * 16 + lane for j in range(_EMBED // 16)]

    def compute(s, slot):
        prow = [pos_v[s, pl.ds(j * 16, 16)] for j in range(_EMBED // 16)]

        @plsc.parallel_loop(0, _BPW, unroll=4)
        def t_fn(t):
            b_splat = jnp.full((16,), t, dtype=jnp.int32)
            for j in range(_EMBED // 16):
                val = gbuf[slot, t, pl.ds(j * 16, 16)] + prow[j]
                plsc.store_scatter(sbuf.at[slot], [evecs[j], b_splat], val)

    g_start(0, 0)
    g_start(1, 1)
    g_start(2, 2)

    for s in range(4):
        g_start(s + 3, (s + 3) % _NBUF)
        g_wait(s % _NBUF)
        compute(s, s % _NBUF)
        s_start(s, s % _NBUF)

    def outer(g, c):
        s0 = 4 + g * _NBUF
        for b2 in range(_NBUF):
            s = s0 + b2
            g_start(s + 3, (b2 + 3) % _NBUF)
            g_wait(b2)
            s_wait(b2)
            compute(s, b2)
            s_start(s, b2)
        return c

    lax.fori_loop(0, (_MAXLEN - 4 - 4) // _NBUF, outer, 0)

    for s in range(_MAXLEN - 4, _MAXLEN):
        if s + 3 < _MAXLEN:
            g_start(s + 3, (s + 3) % _NBUF)
        g_wait(s % _NBUF)
        s_wait(s % _NBUF)
        compute(s, s % _NBUF)
        s_start(s, s % _NBUF)

    for slot in range(_NBUF):
        s_wait(slot)


@jax.jit
def kernel(x, token_table, pos_table):
    mesh = plsc.VectorSubcoreMesh(core_axis_name="c", subcore_axis_name="s")
    emb = pl.kernel(
        _emb_body,
        out_type=jax.ShapeDtypeStruct((_MAXLEN, _EMBED, _BATCH), jnp.float32),
        mesh=mesh,
        scratch_types=[
            pltpu.VMEM((_MAXLEN, _BPW), jnp.int32),
            pltpu.VMEM((_MAXLEN, _EMBED), jnp.float32),
            pltpu.VMEM((_NBUF, _BPW, _EMBED), jnp.float32),
            pltpu.VMEM((_NBUF, _EMBED, _BPW + 1), jnp.float32),
        ] + [pltpu.SemaphoreType.DMA] * (2 * _NBUF),
        compiler_params=pltpu.CompilerParams(use_tc_tiling_on_sc=False,
                                             needs_layout_passes=False),
    )
    out_seb = emb(x.T.astype(jnp.int32), token_table, pos_table)
    return jnp.transpose(out_seb, (2, 0, 1))

# --- scband reference (transcript-rebuilt; emitter-appended) ---
"""Pipeline reference for scband-token-and-position-embedding-16466904613071 (READ-ONLY COPY).

The authoritative reference and input builder live on the scoring server;
editing this copy changes nothing except your own understanding.
"""

import jax, jax.numpy as jnp
import numpy as np

VOCAB = 100000
MAXLEN = 200
EMBED = 64
BATCH = 4096

def setup_inputs(seed: int = 0) -> dict:
    key = jax.random.key(seed)
    k1, k2, k3 = jax.random.split(key, 3)
    x = jax.random.randint(k1, (BATCH, MAXLEN), 0, VOCAB, dtype=jnp.int64 if jax.config.read('jax_enable_x64') else jnp.int32)
    token_table = jax.random.normal(k2, (VOCAB, EMBED), dtype=jnp.float32) * 0.02
    pos_table = jax.random.normal(k3, (MAXLEN, EMBED), dtype=jnp.float32) * 0.02
    return {"x": x, "token_table": token_table, "pos_table": pos_table}

def reference(x, token_table, pos_table):
    # TokenAndPositionEmbedding.call:
    #   positions = range(seq_len); pos_emb(positions); token_emb(x); sum
    seq_len = x.shape[-1]
    positions = jnp.arange(0, seq_len, 1)
    pos = jnp.take(pos_table, positions, axis=0)          # [S, E]
    tok = jnp.take(token_table, x, axis=0)                # [B, S, E]
    return tok + pos[None, :, :]

if __name__ == "__main__":
    import jax
    _d = setup_inputs()
    print(jax.jit(kernel)(*tuple(_d.values())))

</pallas_src>

<mosaic_0001>
#map = affine_map<(d0, d1) -> (0, 0)>
#map1 = affine_map<(d0, d1) -> (0, 0, 0)>
module attributes {stable_mosaic.version = 14 : i64} {
  func.func @_emb_body(%arg0: i32, %arg1: i32, %arg2: memref<200x4096xi32, #tpu.memory_space<hbm>>, %arg3: memref<100000x64xf32, #tpu.memory_space<hbm>>, %arg4: memref<200x64xf32, #tpu.memory_space<hbm>>, %arg5: memref<200x64x4096xf32, #tpu.memory_space<hbm>>, %arg6: memref<200x128xi32, #tpu.memory_space<vmem>>, %arg7: memref<200x64xf32, #tpu.memory_space<vmem>>, %arg8: memref<4x128x64xf32, #tpu.memory_space<vmem>>, %arg9: memref<4x64x129xf32, #tpu.memory_space<vmem>>, %arg10: memref<!tpu.dma_semaphore, #tpu.memory_space<semaphore_mem>>, %arg11: memref<!tpu.dma_semaphore, #tpu.memory_space<semaphore_mem>>, %arg12: memref<!tpu.dma_semaphore, #tpu.memory_space<semaphore_mem>>, %arg13: memref<!tpu.dma_semaphore, #tpu.memory_space<semaphore_mem>>, %arg14: memref<!tpu.dma_semaphore, #tpu.memory_space<semaphore_mem>>, %arg15: memref<!tpu.dma_semaphore, #tpu.memory_space<semaphore_mem>>, %arg16: memref<!tpu.dma_semaphore, #tpu.memory_space<semaphore_mem>>, %arg17: memref<!tpu.dma_semaphore, #tpu.memory_space<semaphore_mem>>) attributes {dimension_semantics = [#tpu.dimension_semantics<core_parallel>, #tpu.dimension_semantics<subcore_parallel>], iteration_bounds = array<i64: 2, 16>, scalar_prefetch = 0 : i64, scratch_operands = 12 : i64, tpu.core_type = #tpu.core_type<sc_vector_subcore>, window_params = [{transform_indices = #map}, {transform_indices = #map}, {transform_indices = #map}, {transform_indices = #map1}]} {
    %mul3A = arith.constant 2 : i32
    %mul3A_0 = arith.muli %arg1, %mul3A : i32
    %add3A = arith.addi %mul3A_0, %arg0 : i32
    %mul3A_1 = arith.constant 128 : i32
    %mul3A_2 = arith.muli %add3A, %mul3A_1 : i32
    "tpu.region"() ({
      %run_scoped3A = tpu.sem_alloc : memref<!tpu.dma_semaphore, #tpu.memory_space<semaphore_mem>>
      %dma_start3A_616 = arith.constant 0 : i32
      %dma_start3A_617 = tpu.memref_slice %arg2[%dma_start3A_616, %mul3A_2] : memref<200x4096xi32, #tpu.memory_space<hbm>> -> memref<200x128xi32, #tpu.memory_space<hbm>>
      %dma_start3A_618 = arith.constant 0 : i32
      %dma_start3A_619 = tpu.memref_slice %arg2[%dma_start3A_618, %mul3A_2] : memref<200x4096xi32, #tpu.memory_space<hbm>> -> memref<200x128xi32, #tpu.memory_space<hbm>>
      tpu.enqueue_dma source(%dma_start3A_619 : memref<200x128xi32, #tpu.memory_space<hbm>>) target(%arg6 : memref<200x128xi32, #tpu.memory_space<vmem>>) target_semaphore(%run_scoped3A : memref<!tpu.dma_semaphore, #tpu.memory_space<semaphore_mem>>)
      %dma_wait3A_620 = arith.constant 0 : i32
      %dma_wait3A_621 = tpu.memref_slice %arg2[%dma_wait3A_620, %mul3A_2] : memref<200x4096xi32, #tpu.memory_space<hbm>> -> memref<200x128xi32, #tpu.memory_space<hbm>>
      %dma_wait3A_622 = arith.constant 0 : i32
      %dma_wait3A_623 = tpu.memref_slice %arg2[%dma_wait3A_622, %mul3A_2] : memref<200x4096xi32, #tpu.memory_space<hbm>> -> memref<200x128xi32, #tpu.memory_space<hbm>>
      tpu.wait_dma2 semaphore(%run_scoped3A : memref<!tpu.dma_semaphore, #tpu.memory_space<semaphore_mem>>) src(%dma_wait3A_623 : memref<200x128xi32, #tpu.memory_space<hbm>>) dst(%arg6 : memref<200x128xi32, #tpu.memory_space<vmem>>)
      tpu.yield
    }) : () -> ()
    "tpu.region"() ({
      %run_scoped3A = tpu.sem_alloc : memref<!tpu.dma_semaphore, #tpu.memory_space<semaphore_mem>>
      tpu.enqueue_dma source(%arg4 : memref<200x64xf32, #tpu.memory_space<hbm>>) target(%arg7 : memref<200x64xf32, #tpu.memory_space<vmem>>) target_semaphore(%run_scoped3A : memref<!tpu.dma_semaphore, #tpu.memory_space<semaphore_mem>>)
      tpu.wait_dma2 semaphore(%run_scoped3A : memref<!tpu.dma_semaphore, #tpu.memory_space<semaphore_mem>>) src(%arg4 : memref<200x64xf32, #tpu.memory_space<hbm>>) dst(%arg7 : memref<200x64xf32, #tpu.memory_space<vmem>>)
      tpu.yield
    }) : () -> ()
    %iota3A = tpu.iota {dimensions = array<i32: 0>} : vector<16xi32>
    %add3A_3 = arith.constant 0 : i32
    %add3A_4 = vector.broadcast %add3A_3 : i32 to vector<16xi32>
    %add3A_5 = arith.addi %add3A_4, %iota3A : vector<16xi32>
    %add3A_6 = arith.constant 16 : i32
    %add3A_7 = vector.broadcast %add3A_6 : i32 to vector<16xi32>
    %add3A_8 = arith.addi %add3A_7, %iota3A : vector<16xi32>
    %add3A_9 = arith.constant 32 : i32
    %add3A_10 = vector.broadcast %add3A_9 : i32 to vector<16xi32>
    %add3A_11 = arith.addi %add3A_10, %iota3A : vector<16xi32>
    %add3A_12 = arith.constant 48 : i32
    %add3A_13 = vector.broadcast %add3A_12 : i32 to vector<16xi32>
    %add3A_14 = arith.addi %add3A_13, %iota3A : vector<16xi32>
    %dma_start3A = arith.constant 0 : i32
    %dma_start3A_15 = arith.constant 0 : i32
    %dma_start3A_16 = arith.constant 0 : i32
    %dma_start3A_17 = arith.constant 0 : i32
    %dma_start3A_18 = tpu.memref_slice %arg8[%dma_start3A_15, %dma_start3A_16, %dma_start3A_17] : memref<4x128x64xf32, #tpu.memory_space<vmem>> -> memref<1x128x64xf32, #tpu.memory_space<vmem>>
    %dma_start3A_19 = tpu.memref_squeeze %dma_start3A_18 : memref<1x128x64xf32, #tpu.memory_space<vmem>> -> memref<128x64xf32, #tpu.memory_space<vmem>>
    %dma_start3A_20 = arith.constant 0 : i32
    %dma_start3A_21 = tpu.memref_slice %arg6[%dma_start3A, %dma_start3A_20] : memref<200x128xi32, #tpu.memory_space<vmem>> -> memref<1x128xi32, #tpu.memory_space<vmem>>
    %dma_start3A_22 = tpu.memref_squeeze %dma_start3A_21 : memref<1x128xi32, #tpu.memory_space<vmem>> -> memref<128xi32, #tpu.memory_space<vmem>>
    %dma_start3A_23 = arith.constant 0 : i32
    %dma_start3A_24 = arith.constant 0 : i32
    %dma_start3A_25 = tpu.memref_slice %arg3[%dma_start3A_23, %dma_start3A_24] : memref<100000x64xf32, #tpu.memory_space<hbm>> -> memref<100000x64xf32, #tpu.memory_space<hbm>>
    tpu.enqueue_indirect_dma source(%dma_start3A_25 : memref<100000x64xf32, #tpu.memory_space<hbm>>) target(%dma_start3A_19 : memref<128x64xf32, #tpu.memory_space<vmem>>) offsets(%dma_start3A_22 : memref<128xi32, #tpu.memory_space<vmem>>) semaphore(%arg10 : memref<!tpu.dma_semaphore, #tpu.memory_space<semaphore_mem>>)
    %dma_start3A_26 = arith.constant 1 : i32
    %dma_start3A_27 = arith.constant 1 : i32
    %dma_start3A_28 = arith.constant 0 : i32
    %dma_start3A_29 = arith.constant 0 : i32
    %dma_start3A_30 = tpu.memref_slice %arg8[%dma_start3A_27, %dma_start3A_28, %dma_start3A_29] : memref<4x128x64xf32, #tpu.memory_space<vmem>> -> memref<1x128x64xf32, #tpu.memory_space<vmem>>
    %dma_start3A_31 = tpu.memref_squeeze %dma_start3A_30 : memref<1x128x64xf32, #tpu.memory_space<vmem>> -> memref<128x64xf32, #tpu.memory_space<vmem>>
    %dma_start3A_32 = arith.constant 0 : i32
    %dma_start3A_33 = tpu.memref_slice %arg6[%dma_start3A_26, %dma_start3A_32] : memref<200x128xi32, #tpu.memory_space<vmem>> -> memref<1x128xi32, #tpu.memory_space<vmem>>
    %dma_start3A_34 = tpu.memref_squeeze %dma_start3A_33 : memref<1x128xi32, #tpu.memory_space<vmem>> -> memref<128xi32, #tpu.memory_space<vmem>>
    %dma_start3A_35 = arith.constant 0 : i32
    %dma_start3A_36 = arith.constant 0 : i32
    %dma_start3A_37 = tpu.memref_slice %arg3[%dma_start3A_35, %dma_start3A_36] : memref<100000x64xf32, #tpu.memory_space<hbm>> -> memref<100000x64xf32, #tpu.memory_space<hbm>>
    tpu.enqueue_indirect_dma source(%dma_start3A_37 : memref<100000x64xf32, #tpu.memory_space<hbm>>) target(%dma_start3A_31 : memref<128x64xf32, #tpu.memory_space<vmem>>) offsets(%dma_start3A_34 : memref<128xi32, #tpu.memory_space<vmem>>) semaphore(%arg11 : memref<!tpu.dma_semaphore, #tpu.memory_space<semaphore_mem>>)
    %dma_start3A_38 = arith.constant 2 : i32
    %dma_start3A_39 = arith.constant 2 : i32
    %dma_start3A_40 = arith.constant 0 : i32
    %dma_start3A_41 = arith.constant 0 : i32
    %dma_start3A_42 = tpu.memref_slice %arg8[%dma_start3A_39, %dma_start3A_40, %dma_start3A_41] : memref<4x128x64xf32, #tpu.memory_space<vmem>> -> memref<1x128x64xf32, #tpu.memory_space<vmem>>
    %dma_start3A_43 = tpu.memref_squeeze %dma_start3A_42 : memref<1x128x64xf32, #tpu.memory_space<vmem>> -> memref<128x64xf32, #tpu.memory_space<vmem>>
    %dma_start3A_44 = arith.constant 0 : i32
    %dma_start3A_45 = tpu.memref_slice %arg6[%dma_start3A_38, %dma_start3A_44] : memref<200x128xi32, #tpu.memory_space<vmem>> -> memref<1x128xi32, #tpu.memory_space<vmem>>
    %dma_start3A_46 = tpu.memref_squeeze %dma_start3A_45 : memref<1x128xi32, #tpu.memory_space<vmem>> -> memref<128xi32, #tpu.memory_space<vmem>>
    %dma_start3A_47 = arith.constant 0 : i32
    %dma_start3A_48 = arith.constant 0 : i32
    %dma_start3A_49 = tpu.memref_slice %arg3[%dma_start3A_47, %dma_start3A_48] : memref<100000x64xf32, #tpu.memory_space<hbm>> -> memref<100000x64xf32, #tpu.memory_space<hbm>>
    tpu.enqueue_indirect_dma source(%dma_start3A_49 : memref<100000x64xf32, #tpu.memory_space<hbm>>) target(%dma_start3A_43 : memref<128x64xf32, #tpu.memory_space<vmem>>) offsets(%dma_start3A_46 : memref<128xi32, #tpu.memory_space<vmem>>) semaphore(%arg12 : memref<!tpu.dma_semaphore, #tpu.memory_space<semaphore_mem>>)
    %dma_start3A_50 = arith.constant 3 : i32
    %dma_start3A_51 = arith.constant 3 : i32
    %dma_start3A_52 = arith.constant 0 : i32
    %dma_start3A_53 = arith.constant 0 : i32
    %dma_start3A_54 = tpu.memref_slice %arg8[%dma_start3A_51, %dma_start3A_52, %dma_start3A_53] : memref<4x128x64xf32, #tpu.memory_space<vmem>> -> memref<1x128x64xf32, #tpu.memory_space<vmem>>
    %dma_start3A_55 = tpu.memref_squeeze %dma_start3A_54 : memref<1x128x64xf32, #tpu.memory_space<vmem>> -> memref<128x64xf32, #tpu.memory_space<vmem>>
    %dma_start3A_56 = arith.constant 0 : i32
    %dma_start3A_57 = tpu.memref_slice %arg6[%dma_start3A_50, %dma_start3A_56] : memref<200x128xi32, #tpu.memory_space<vmem>> -> memref<1x128xi32, #tpu.memory_space<vmem>>
    %dma_start3A_58 = tpu.memref_squeeze %dma_start3A_57 : memref<1x128xi32, #tpu.memory_space<vmem>> -> memref<128xi32, #tpu.memory_space<vmem>>
    %dma_start3A_59 = arith.constant 0 : i32
    %dma_start3A_60 = arith.constant 0 : i32
    %dma_start3A_61 = tpu.memref_slice %arg3[%dma_start3A_59, %dma_start3A_60] : memref<100000x64xf32, #tpu.memory_space<hbm>> -> memref<100000x64xf32, #tpu.memory_space<hbm>>
    tpu.enqueue_indirect_dma source(%dma_start3A_61 : memref<100000x64xf32, #tpu.memory_space<hbm>>) target(%dma_start3A_55 : memref<128x64xf32, #tpu.memory_space<vmem>>) offsets(%dma_start3A_58 : memref<128xi32, #tpu.memory_space<vmem>>) semaphore(%arg13 : memref<!tpu.dma_semaphore, #tpu.memory_space<semaphore_mem>>)
    %dma_wait3A = arith.constant 0 : i32
    %dma_wait3A_62 = arith.constant 0 : i32
    %dma_wait3A_63 = arith.constant 0 : i32
    %dma_wait3A_64 = arith.constant 0 : i32
    %dma_wait3A_65 = tpu.memref_slice %arg8[%dma_wait3A_62, %dma_wait3A_63, %dma_wait3A_64] : memref<4x128x64xf32, #tpu.memory_space<vmem>> -> memref<1x128x64xf32, #tpu.memory_space<vmem>>
    %dma_wait3A_66 = tpu.memref_squeeze %dma_wait3A_65 : memref<1x128x64xf32, #tpu.memory_space<vmem>> -> memref<128x64xf32, #tpu.memory_space<vmem>>
    %dma_wait3A_67 = arith.constant 0 : i32
    %dma_wait3A_68 = tpu.memref_slice %arg6[%dma_wait3A, %dma_wait3A_67] : memref<200x128xi32, #tpu.memory_space<vmem>> -> memref<1x128xi32, #tpu.memory_space<vmem>>
    %dma_wait3A_69 = tpu.memref_squeeze %dma_wait3A_68 : memref<1x128xi32, #tpu.memory_space<vmem>> -> memref<128xi32, #tpu.memory_space<vmem>>
    %dma_wait3A_70 = arith.constant 0 : i32
    %dma_wait3A_71 = arith.constant 0 : i32
    %dma_wait3A_72 = tpu.memref_slice %arg3[%dma_wait3A_70, %dma_wait3A_71] : memref<100000x64xf32, #tpu.memory_space<hbm>> -> memref<100000x64xf32, #tpu.memory_space<hbm>>
    tpu.wait_indirect_dma semaphore(%arg10 : memref<!tpu.dma_semaphore, #tpu.memory_space<semaphore_mem>>) src(%dma_wait3A_72 : memref<100000x64xf32, #tpu.memory_space<hbm>>) dst(%dma_wait3A_66 : memref<128x64xf32, #tpu.memory_space<vmem>>)
    %get3A = arith.constant 0 : i32
    %get3A_73 = arith.index_cast %get3A : i32 to index
    %get3A_74 = arith.constant 0 : index
    %get3A_75 = tpu.vector_load %arg7[%get3A_73, %get3A_74] {strides = array<i32>} : memref<200x64xf32, #tpu.memory_space<vmem>>, vector<16xf32>,
    %get3A_76 = arith.constant 0 : i32
    %get3A_77 = arith.index_cast %get3A_76 : i32 to index
    %get3A_78 = arith.constant 16 : index
    %get3A_79 = tpu.vector_load %arg7[%get3A_77, %get3A_78] {strides = array<i32>} : memref<200x64xf32, #tpu.memory_space<vmem>>, vector<16xf32>,
    %get3A_80 = arith.constant 0 : i32
    %get3A_81 = arith.index_cast %get3A_80 : i32 to index
    %get3A_82 = arith.constant 32 : index
    %get3A_83 = tpu.vector_load %arg7[%get3A_81, %get3A_82] {strides = array<i32>} : memref<200x64xf32, #tpu.memory_space<vmem>>, vector<16xf32>,
    %get3A_84 = arith.constant 0 : i32
    %get3A_85 = arith.index_cast %get3A_84 : i32 to index
    %get3A_86 = arith.constant 48 : index
    %get3A_87 = tpu.vector_load %arg7[%get3A_85, %get3A_86] {strides = array<i32>} : memref<200x64xf32, #tpu.memory_space<vmem>>, vector<16xf32>,
    %parallel_loop3A = arith.constant 0 : i32
    %parallel_loop3A_88 = arith.constant 128 : i32
    %parallel_loop3A_89 = arith.constant 1 : i32
    scf.for %parallel_loop3A_616 = %parallel_loop3A to %parallel_loop3A_88 step %parallel_loop3A_89  : i32 {
      %parallel_loop3A_617 = vector.broadcast %parallel_loop3A_616 : i32 to vector<16xi32>
      %parallel_loop3A_618 = arith.constant 0 : i32
      %parallel_loop3A_619 = arith.index_cast %parallel_loop3A_618 : i32 to index
      %parallel_loop3A_620 = arith.index_cast %parallel_loop3A_616 : i32 to index
      %parallel_loop3A_621 = arith.constant 0 : index
      %parallel_loop3A_622 = tpu.vector_load %arg8[%parallel_loop3A_619, %parallel_loop3A_620, %parallel_loop3A_621] {strides = array<i32>} : memref<4x128x64xf32, #tpu.memory_space<vmem>>, vector<16xf32>,
      %parallel_loop3A_623 = arith.addf %parallel_loop3A_622, %get3A_75 : vector<16xf32>
      %parallel_loop3A_624 = arith.constant 0 : i32
      %parallel_loop3A_625 = arith.constant 0 : i32
      %parallel_loop3A_626 = arith.constant 0 : i32
      %parallel_loop3A_627 = tpu.memref_slice %arg9[%parallel_loop3A_624, %parallel_loop3A_625, %parallel_loop3A_626] : memref<4x64x129xf32, #tpu.memory_space<vmem>> -> memref<1x64x129xf32, #tpu.memory_space<vmem>>
      %parallel_loop3A_628 = tpu.memref_squeeze %parallel_loop3A_627 : memref<1x64x129xf32, #tpu.memory_space<vmem>> -> memref<64x129xf32, #tpu.memory_space<vmem>>
      tpu.vector_store_idx %parallel_loop3A_628[%add3A_5, %parallel_loop3A_617], %parallel_loop3A_623 : memref<64x129xf32, #tpu.memory_space<vmem>>[vector<16xi32>, vector<16xi32>], vector<16xf32>,
      %parallel_loop3A_629 = arith.constant 0 : i32
      %parallel_loop3A_630 = arith.index_cast %parallel_loop3A_629 : i32 to index
      %parallel_loop3A_631 = arith.index_cast %parallel_loop3A_616 : i32 to index
      %parallel_loop3A_632 = arith.constant 16 : index
      %parallel_loop3A_633 = tpu.vector_load %arg8[%parallel_loop3A_630, %parallel_loop3A_631, %parallel_loop3A_632] {strides = array<i32>} : memref<4x128x64xf32, #tpu.memory_space<vmem>>, vector<16xf32>,
      %parallel_loop3A_634 = arith.addf %parallel_loop3A_633, %get3A_79 : vector<16xf32>
      %parallel_loop3A_635 = arith.constant 0 : i32
      %parallel_loop3A_636 = arith.constant 0 : i32
      %parallel_loop3A_637 = arith.constant 0 : i32
      %parallel_loop3A_638 = tpu.memref_slice %arg9[%parallel_loop3A_635, %parallel_loop3A_636, %parallel_loop3A_637] : memref<4x64x129xf32, #tpu.memory_space<vmem>> -> memref<1x64x129xf32, #tpu.memory_space<vmem>>
      %parallel_loop3A_639 = tpu.memref_squeeze %parallel_loop3A_638 : memref<1x64x129xf32, #tpu.memory_space<vmem>> -> memref<64x129xf32, #tpu.memory_space<vmem>>
      tpu.vector_store_idx %parallel_loop3A_639[%add3A_8, %parallel_loop3A_617], %parallel_loop3A_634 : memref<64x129xf32, #tpu.memory_space<vmem>>[vector<16xi32>, vector<16xi32>], vector<16xf32>,
      %parallel_loop3A_640 = arith.constant 0 : i32
      %parallel_loop3A_641 = arith.index_cast %parallel_loop3A_640 : i32 to index
      %parallel_loop3A_642 = arith.index_cast %parallel_loop3A_616 : i32 to index
      %parallel_loop3A_643 = arith.constant 32 : index
      %parallel_loop3A_644 = tpu.vector_load %arg8[%parallel_loop3A_641, %parallel_loop3A_642, %parallel_loop3A_643] {strides = array<i32>} : memref<4x128x64xf32, #tpu.memory_space<vmem>>, vector<16xf32>,
      %parallel_loop3A_645 = arith.addf %parallel_loop3A_644, %get3A_83 : vector<16xf32>
      %parallel_loop3A_646 = arith.constant 0 : i32
      %parallel_loop3A_647 = arith.constant 0 : i32
      %parallel_loop3A_648 = arith.constant 0 : i32
      %parallel_loop3A_649 = tpu.memref_slice %arg9[%parallel_loop3A_646, %parallel_loop3A_647, %parallel_loop3A_648] : memref<4x64x129xf32, #tpu.memory_space<vmem>> -> memref<1x64x129xf32, #tpu.memory_space<vmem>>
      %parallel_loop3A_650 = tpu.memref_squeeze %parallel_loop3A_649 : memref<1x64x129xf32, #tpu.memory_space<vmem>> -> memref<64x129xf32, #tpu.memory_space<vmem>>
      tpu.vector_store_idx %parallel_loop3A_650[%add3A_11, %parallel_loop3A_617], %parallel_loop3A_645 : memref<64x129xf32, #tpu.memory_space<vmem>>[vector<16xi32>, vector<16xi32>], vector<16xf32>,
      %parallel_loop3A_651 = arith.constant 0 : i32
      %parallel_loop3A_652 = arith.index_cast %parallel_loop3A_651 : i32 to index
      %parallel_loop3A_653 = arith.index_cast %parallel_loop3A_616 : i32 to index
      %parallel_loop3A_654 = arith.constant 48 : index
      %parallel_loop3A_655 = tpu.vector_load %arg8[%parallel_loop3A_652, %parallel_loop3A_653, %parallel_loop3A_654] {strides = array<i32>} : memref<4x128x64xf32, #tpu.memory_space<vmem>>, vector<16xf32>,
      %parallel_loop3A_656 = arith.addf %parallel_loop3A_655, %get3A_87 : vector<16xf32>
      %parallel_loop3A_657 = arith.constant 0 : i32
      %parallel_loop3A_658 = arith.constant 0 : i32
      %parallel_loop3A_659 = arith.constant 0 : i32
      %parallel_loop3A_660 = tpu.memref_slice %arg9[%parallel_loop3A_657, %parallel_loop3A_658, %parallel_loop3A_659] : memref<4x64x129xf32, #tpu.memory_space<vmem>> -> memref<1x64x129xf32, #tpu.memory_space<vmem>>
      %parallel_loop3A_661 = tpu.memref_squeeze %parallel_loop3A_660 : memref<1x64x129xf32, #tpu.memory_space<vmem>> -> memref<64x129xf32, #tpu.memory_space<vmem>>
      tpu.vector_store_idx %parallel_loop3A_661[%add3A_14, %parallel_loop3A_617], %parallel_loop3A_656 : memref<64x129xf32, #tpu.memory_space<vmem>>[vector<16xi32>, vector<16xi32>], vector<16xf32>,
    } {sc.loop_unroll_factor = 4 : i64, sc.parallel_access}
    %dma_start3A_90 = arith.constant 0 : i32
    %dma_start3A_91 = arith.constant 0 : i32
    %dma_start3A_92 = arith.constant 0 : i32
    %dma_start3A_93 = arith.constant 0 : i32
    %dma_start3A_94 = tpu.memref_slice %arg9[%dma_start3A_90, %dma_start3A_92, %dma_start3A_93] : memref<4x64x129xf32, #tpu.memory_space<vmem>> -> memref<1x64x128xf32, #tpu.memory_space<vmem>>
    %dma_start3A_95 = tpu.memref_squeeze %dma_start3A_94 : memref<1x64x128xf32, #tpu.memory_space<vmem>> -> memref<64x128xf32, #tpu.memory_space<vmem>>
    %dma_start3A_96 = arith.constant 0 : i32
    %dma_start3A_97 = tpu.memref_slice %arg5[%dma_start3A_91, %dma_start3A_96, %mul3A_2] : memref<200x64x4096xf32, #tpu.memory_space<hbm>> -> memref<1x64x128xf32, #tpu.memory_space<hbm>>
    %dma_start3A_98 = tpu.memref_squeeze %dma_start3A_97 : memref<1x64x128xf32, #tpu.memory_space<hbm>> -> memref<64x128xf32, #tpu.memory_space<hbm>>
    %dma_start3A_99 = arith.constant 0 : i32
    %dma_start3A_100 = tpu.memref_slice %arg5[%dma_start3A_91, %dma_start3A_99, %mul3A_2] : memref<200x64x4096xf32, #tpu.memory_space<hbm>> -> memref<1x64x128xf32, #tpu.memory_space<hbm>>
    %dma_start3A_101 = tpu.memref_squeeze %dma_start3A_100 : memref<1x64x128xf32, #tpu.memory_space<hbm>> -> memref<64x128xf32, #tpu.memory_space<hbm>>
    %dma_start3A_102 = arith.constant 0 : i32
    %dma_start3A_103 = arith.constant 0 : i32
    %dma_start3A_104 = tpu.memref_slice %arg9[%dma_start3A_90, %dma_start3A_102, %dma_start3A_103] : memref<4x64x129xf32, #tpu.memory_space<vmem>> -> memref<1x64x128xf32, #tpu.memory_space<vmem>>
    %dma_start3A_105 = tpu.memref_squeeze %dma_start3A_104 : memref<1x64x128xf32, #tpu.memory_space<vmem>> -> memref<64x128xf32, #tpu.memory_space<vmem>>
    tpu.enqueue_dma source(%dma_start3A_105 : memref<64x128xf32, #tpu.memory_space<vmem>>) target(%dma_start3A_101 : memref<64x128xf32, #tpu.memory_space<hbm>>) target_semaphore(%arg14 : memref<!tpu.dma_semaphore, #tpu.memory_space<semaphore_mem>>)
    %dma_start3A_106 = arith.constant 4 : i32
    %dma_start3A_107 = arith.constant 0 : i32
    %dma_start3A_108 = arith.constant 0 : i32
    %dma_start3A_109 = arith.constant 0 : i32
    %dma_start3A_110 = tpu.memref_slice %arg8[%dma_start3A_107, %dma_start3A_108, %dma_start3A_109] : memref<4x128x64xf32, #tpu.memory_space<vmem>> -> memref<1x128x64xf32, #tpu.memory_space<vmem>>
    %dma_start3A_111 = tpu.memref_squeeze %dma_start3A_110 : memref<1x128x64xf32, #tpu.memory_space<vmem>> -> memref<128x64xf32, #tpu.memory_space<vmem>>
    %dma_start3A_112 = arith.constant 0 : i32
    %dma_start3A_113 = tpu.memref_slice %arg6[%dma_start3A_106, %dma_start3A_112] : memref<200x128xi32, #tpu.memory_space<vmem>> -> memref<1x128xi32, #tpu.memory_space<vmem>>
    %dma_start3A_114 = tpu.memref_squeeze %dma_start3A_113 : memref<1x128xi32, #tpu.memory_space<vmem>> -> memref<128xi32, #tpu.memory_space<vmem>>
    %dma_start3A_115 = arith.constant 0 : i32
    %dma_start3A_116 = arith.constant 0 : i32
    %dma_start3A_117 = tpu.memref_slice %arg3[%dma_start3A_115, %dma_start3A_116] : memref<100000x64xf32, #tpu.memory_space<hbm>> -> memref<100000x64xf32, #tpu.memory_space<hbm>>
    tpu.enqueue_indirect_dma source(%dma_start3A_117 : memref<100000x64xf32, #tpu.memory_space<hbm>>) target(%dma_start3A_111 : memref<128x64xf32, #tpu.memory_space<vmem>>) offsets(%dma_start3A_114 : memref<128xi32, #tpu.memory_space<vmem>>) semaphore(%arg10 : memref<!tpu.dma_semaphore, #tpu.memory_space<semaphore_mem>>)
    %dma_wait3A_118 = arith.constant 0 : i32
    %dma_wait3A_119 = arith.constant 1 : i32
    %dma_wait3A_120 = arith.constant 0 : i32
    %dma_wait3A_121 = arith.constant 0 : i32
    %dma_wait3A_122 = tpu.memref_slice %arg8[%dma_wait3A_119, %dma_wait3A_120, %dma_wait3A_121] : memref<4x128x64xf32, #tpu.memory_space<vmem>> -> memref<1x128x64xf32, #tpu.memory_space<vmem>>
    %dma_wait3A_123 = tpu.memref_squeeze %dma_wait3A_122 : memref<1x128x64xf32, #tpu.memory_space<vmem>> -> memref<128x64xf32, #tpu.memory_space<vmem>>
    %dma_wait3A_124 = arith.constant 0 : i32
    %dma_wait3A_125 = tpu.memref_slice %arg6[%dma_wait3A_118, %dma_wait3A_124] : memref<200x128xi32, #tpu.memory_space<vmem>> -> memref<1x128xi32, #tpu.memory_space<vmem>>
    %dma_wait3A_126 = tpu.memref_squeeze %dma_wait3A_125 : memref<1x128xi32, #tpu.memory_space<vmem>> -> memref<128xi32, #tpu.memory_space<vmem>>
    %dma_wait3A_127 = arith.constant 0 : i32
    %dma_wait3A_128 = arith.constant 0 : i32
    %dma_wait3A_129 = tpu.memref_slice %arg3[%dma_wait3A_127, %dma_wait3A_128] : memref<100000x64xf32, #tpu.memory_space<hbm>> -> memref<100000x64xf32, #tpu.memory_space<hbm>>
    tpu.wait_indirect_dma semaphore(%arg11 : memref<!tpu.dma_semaphore, #tpu.memory_space<semaphore_mem>>) src(%dma_wait3A_129 : memref<100000x64xf32, #tpu.memory_space<hbm>>) dst(%dma_wait3A_123 : memref<128x64xf32, #tpu.memory_space<vmem>>)
    %get3A_130 = arith.constant 1 : i32
    %get3A_131 = arith.index_cast %get3A_130 : i32 to index
    %get3A_132 = arith.constant 0 : index
    %get3A_133 = tpu.vector_load %arg7[%get3A_131, %get3A_132] {strides = array<i32>} : memref<200x64xf32, #tpu.memory_space<vmem>>, vector<16xf32>,
    %get3A_134 = arith.constant 1 : i32
    %get3A_135 = arith.index_cast %get3A_134 : i32 to index
    %get3A_136 = arith.constant 16 : index
    %get3A_137 = tpu.vector_load %arg7[%get3A_135, %get3A_136] {strides = array<i32>} : memref<200x64xf32, #tpu.memory_space<vmem>>, vector<16xf32>,
    %get3A_138 = arith.constant 1 : i32
    %get3A_139 = arith.index_cast %get3A_138 : i32 to index
    %get3A_140 = arith.constant 32 : index
    %get3A_141 = tpu.vector_load %arg7[%get3A_139, %get3A_140] {strides = array<i32>} : memref<200x64xf32, #tpu.memory_space<vmem>>, vector<16xf32>,
    %get3A_142 = arith.constant 1 : i32
    %get3A_143 = arith.index_cast %get3A_142 : i32 to index
    %get3A_144 = arith.constant 48 : index
    %get3A_145 = tpu.vector_load %arg7[%get3A_143, %get3A_144] {strides = array<i32>} : memref<200x64xf32, #tpu.memory_space<vmem>>, vector<16xf32>,
    %parallel_loop3A_146 = arith.constant 0 : i32
    %parallel_loop3A_147 = arith.constant 128 : i32
    %parallel_loop3A_148 = arith.constant 1 : i32
    scf.for %parallel_loop3A_616 = %parallel_loop3A_146 to %parallel_loop3A_147 step %parallel_loop3A_148  : i32 {
      %parallel_loop3A_617 = vector.broadcast %parallel_loop3A_616 : i32 to vector<16xi32>
      %parallel_loop3A_618 = arith.constant 1 : i32
      %parallel_loop3A_619 = arith.index_cast %parallel_loop3A_618 : i32 to index
      %parallel_loop3A_620 = arith.index_cast %parallel_loop3A_616 : i32 to index
      %parallel_loop3A_621 = arith.constant 0 : index
      %parallel_loop3A_622 = tpu.vector_load %arg8[%parallel_loop3A_619, %parallel_loop3A_620, %parallel_loop3A_621] {strides = array<i32>} : memref<4x128x64xf32, #tpu.memory_space<vmem>>, vector<16xf32>,
      %parallel_loop3A_623 = arith.addf %parallel_loop3A_622, %get3A_133 : vector<16xf32>
      %parallel_loop3A_624 = arith.constant 1 : i32
      %parallel_loop3A_625 = arith.constant 0 : i32
      %parallel_loop3A_626 = arith.constant 0 : i32
      %parallel_loop3A_627 = tpu.memref_slice %arg9[%parallel_loop3A_624, %parallel_loop3A_625, %parallel_loop3A_626] : memref<4x64x129xf32, #tpu.memory_space<vmem>> -> memref<1x64x129xf32, #tpu.memory_space<vmem>>
      %parallel_loop3A_628 = tpu.memref_squeeze %parallel_loop3A_627 : memref<1x64x129xf32, #tpu.memory_space<vmem>> -> memref<64x129xf32, #tpu.memory_space<vmem>>
      tpu.vector_store_idx %parallel_loop3A_628[%add3A_5, %parallel_loop3A_617], %parallel_loop3A_623 : memref<64x129xf32, #tpu.memory_space<vmem>>[vector<16xi32>, vector<16xi32>], vector<16xf32>,
      %parallel_loop3A_629 = arith.constant 1 : i32
      %parallel_loop3A_630 = arith.index_cast %parallel_loop3A_629 : i32 to index
      %parallel_loop3A_631 = arith.index_cast %parallel_loop3A_616 : i32 to index
      %parallel_loop3A_632 = arith.constant 16 : index
      %parallel_loop3A_633 = tpu.vector_load %arg8[%parallel_loop3A_630, %parallel_loop3A_631, %parallel_loop3A_632] {strides = array<i32>} : memref<4x128x64xf32, #tpu.memory_space<vmem>>, vector<16xf32>,
      %parallel_loop3A_634 = arith.addf %parallel_loop3A_633, %get3A_137 : vector<16xf32>
      %parallel_loop3A_635 = arith.constant 1 : i32
      %parallel_loop3A_636 = arith.constant 0 : i32
      %parallel_loop3A_637 = arith.constant 0 : i32
      %parallel_loop3A_638 = tpu.memref_slice %arg9[%parallel_loop3A_635, %parallel_loop3A_636, %parallel_loop3A_637] : memref<4x64x129xf32, #tpu.memory_space<vmem>> -> memref<1x64x129xf32, #tpu.memory_space<vmem>>
      %parallel_loop3A_639 = tpu.memref_squeeze %parallel_loop3A_638 : memref<1x64x129xf32, #tpu.memory_space<vmem>> -> memref<64x129xf32, #tpu.memory_space<vmem>>
      tpu.vector_store_idx %parallel_loop3A_639[%add3A_8, %parallel_loop3A_617], %parallel_loop3A_634 : memref<64x129xf32, #tpu.memory_space<vmem>>[vector<16xi32>, vector<16xi32>], vector<16xf32>,
      %parallel_loop3A_640 = arith.constant 1 : i32
      %parallel_loop3A_641 = arith.index_cast %parallel_loop3A_640 : i32 to index
      %parallel_loop3A_642 = arith.index_cast %parallel_loop3A_616 : i32 to index
      %parallel_loop3A_643 = arith.constant 32 : index
      %parallel_loop3A_644 = tpu.vector_load %arg8[%parallel_loop3A_641, %parallel_loop3A_642, %parallel_loop3A_643] {strides = array<i32>} : memref<4x128x64xf32, #tpu.memory_space<vmem>>, vector<16xf32>,
      %parallel_loop3A_645 = arith.addf %parallel_loop3A_644, %get3A_141 : vector<16xf32>
      %parallel_loop3A_646 = arith.constant 1 : i32
      %parallel_loop3A_647 = arith.constant 0 : i32
      %parallel_loop3A_648 = arith.constant 0 : i32
      %parallel_loop3A_649 = tpu.memref_slice %arg9[%parallel_loop3A_646, %parallel_loop3A_647, %parallel_loop3A_648] : memref<4x64x129xf32, #tpu.memory_space<vmem>> -> memref<1x64x129xf32, #tpu.memory_space<vmem>>
      %parallel_loop3A_650 = tpu.memref_squeeze %parallel_loop3A_649 : memref<1x64x129xf32, #tpu.memory_space<vmem>> -> memref<64x129xf32, #tpu.memory_space<vmem>>
      tpu.vector_store_idx %parallel_loop3A_650[%add3A_11, %parallel_loop3A_617], %parallel_loop3A_645 : memref<64x129xf32, #tpu.memory_space<vmem>>[vector<16xi32>, vector<16xi32>], vector<16xf32>,
      %parallel_loop3A_651 = arith.constant 1 : i32
      %parallel_loop3A_652 = arith.index_cast %parallel_loop3A_651 : i32 to index
      %parallel_loop3A_653 = arith.index_cast %parallel_loop3A_616 : i32 to index
      %parallel_loop3A_654 = arith.constant 48 : index
      %parallel_loop3A_655 = tpu.vector_load %arg8[%parallel_loop3A_652, %parallel_loop3A_653, %parallel_loop3A_654] {strides = array<i32>} : memref<4x128x64xf32, #tpu.memory_space<vmem>>, vector<16xf32>,
      %parallel_loop3A_656 = arith.addf %parallel_loop3A_655, %get3A_145 : vector<16xf32>
      %parallel_loop3A_657 = arith.constant 1 : i32
      %parallel_loop3A_658 = arith.constant 0 : i32
      %parallel_loop3A_659 = arith.constant 0 : i32
      %parallel_loop3A_660 = tpu.memref_slice %arg9[%parallel_loop3A_657, %parallel_loop3A_658, %parallel_loop3A_659] : memref<4x64x129xf32, #tpu.memory_space<vmem>> -> memref<1x64x129xf32, #tpu.memory_space<vmem>>
      %parallel_loop3A_661 = tpu.memref_squeeze %parallel_loop3A_660 : memref<1x64x129xf32, #tpu.memory_space<vmem>> -> memref<64x129xf32, #tpu.memory_space<vmem>>
      tpu.vector_store_idx %parallel_loop3A_661[%add3A_14, %parallel_loop3A_617], %parallel_loop3A_656 : memref<64x129xf32, #tpu.memory_space<vmem>>[vector<16xi32>, vector<16xi32>], vector<16xf32>,
    } {sc.loop_unroll_factor = 4 : i64, sc.parallel_access}
    %dma_start3A_149 = arith.constant 1 : i32
    %dma_start3A_150 = arith.constant 1 : i32
    %dma_start3A_151 = arith.constant 0 : i32
    %dma_start3A_152 = arith.constant 0 : i32
    %dma_start3A_153 = tpu.memref_slice %arg9[%dma_start3A_149, %dma_start3A_151, %dma_start3A_152] : memref<4x64x129xf32, #tpu.memory_space<vmem>> -> memref<1x64x128xf32, #tpu.memory_space<vmem>>
    %dma_start3A_154 = tpu.memref_squeeze %dma_start3A_153 : memref<1x64x128xf32, #tpu.memory_space<vmem>> -> memref<64x128xf32, #tpu.memory_space<vmem>>
    %dma_start3A_155 = arith.constant 0 : i32
    %dma_start3A_156 = tpu.memref_slice %arg5[%dma_start3A_150, %dma_start3A_155, %mul3A_2] : memref<200x64x4096xf32, #tpu.memory_space<hbm>> -> memref<1x64x128xf32, #tpu.memory_space<hbm>>
    %dma_start3A_157 = tpu.memref_squeeze %dma_start3A_156 : memref<1x64x128xf32, #tpu.memory_space<hbm>> -> memref<64x128xf32, #tpu.memory_space<hbm>>
    %dma_start3A_158 = arith.constant 0 : i32
    %dma_start3A_159 = tpu.memref_slice %arg5[%dma_start3A_150, %dma_start3A_158, %mul3A_2] : memref<200x64x4096xf32, #tpu.memory_space<hbm>> -> memref<1x64x128xf32, #tpu.memory_space<hbm>>
    %dma_start3A_160 = tpu.memref_squeeze %dma_start3A_159 : memref<1x64x128xf32, #tpu.memory_space<hbm>> -> memref<64x128xf32, #tpu.memory_space<hbm>>
    %dma_start3A_161 = arith.constant 0 : i32
    %dma_start3A_162 = arith.constant 0 : i32
    %dma_start3A_163 = tpu.memref_slice %arg9[%dma_start3A_149, %dma_start3A_161, %dma_start3A_162] : memref<4x64x129xf32, #tpu.memory_space<vmem>> -> memref<1x64x128xf32, #tpu.memory_space<vmem>>
    %dma_start3A_164 = tpu.memref_squeeze %dma_start3A_163 : memref<1x64x128xf32, #tpu.memory_space<vmem>> -> memref<64x128xf32, #tpu.memory_space<vmem>>
    tpu.enqueue_dma source(%dma_start3A_164 : memref<64x128xf32, #tpu.memory_space<vmem>>) target(%dma_start3A_160 : memref<64x128xf32, #tpu.memory_space<hbm>>) target_semaphore(%arg15 : memref<!tpu.dma_semaphore, #tpu.memory_space<semaphore_mem>>)
    %dma_start3A_165 = arith.constant 5 : i32
    %dma_start3A_166 = arith.constant 1 : i32
    %dma_start3A_167 = arith.constant 0 : i32
    %dma_start3A_168 = arith.constant 0 : i32
    %dma_start3A_169 = tpu.memref_slice %arg8[%dma_start3A_166, %dma_start3A_167, %dma_start3A_168] : memref<4x128x64xf32, #tpu.memory_space<vmem>> -> memref<1x128x64xf32, #tpu.memory_space<vmem>>
    %dma_start3A_170 = tpu.memref_squeeze %dma_start3A_169 : memref<1x128x64xf32, #tpu.memory_space<vmem>> -> memref<128x64xf32, #tpu.memory_space<vmem>>
    %dma_start3A_171 = arith.constant 0 : i32
    %dma_start3A_172 = tpu.memref_slice %arg6[%dma_start3A_165, %dma_start3A_171] : memref<200x128xi32, #tpu.memory_space<vmem>> -> memref<1x128xi32, #tpu.memory_space<vmem>>
    %dma_start3A_173 = tpu.memref_squeeze %dma_start3A_172 : memref<1x128xi32, #tpu.memory_space<vmem>> -> memref<128xi32, #tpu.memory_space<vmem>>
    %dma_start3A_174 = arith.constant 0 : i32
    %dma_start3A_175 = arith.constant 0 : i32
    %dma_start3A_176 = tpu.memref_slice %arg3[%dma_start3A_174, %dma_start3A_175] : memref<100000x64xf32, #tpu.memory_space<hbm>> -> memref<100000x64xf32, #tpu.memory_space<hbm>>
    tpu.enqueue_indirect_dma source(%dma_start3A_176 : memref<100000x64xf32, #tpu.memory_space<hbm>>) target(%dma_start3A_170 : memref<128x64xf32, #tpu.memory_space<vmem>>) offsets(%dma_start3A_173 : memref<128xi32, #tpu.memory_space<vmem>>) semaphore(%arg11 : memref<!tpu.dma_semaphore, #tpu.memory_space<semaphore_mem>>)
    %dma_wait3A_177 = arith.constant 0 : i32
    %dma_wait3A_178 = arith.constant 2 : i32
    %dma_wait3A_179 = arith.constant 0 : i32
    %dma_wait3A_180 = arith.constant 0 : i32
    %dma_wait3A_181 = tpu.memref_slice %arg8[%dma_wait3A_178, %dma_wait3A_179, %dma_wait3A_180] : memref<4x128x64xf32, #tpu.memory_space<vmem>> -> memref<1x128x64xf32, #tpu.memory_space<vmem>>
    %dma_wait3A_182 = tpu.memref_squeeze %dma_wait3A_181 : memref<1x128x64xf32, #tpu.memory_space<vmem>> -> memref<128x64xf32, #tpu.memory_space<vmem>>
    %dma_wait3A_183 = arith.constant 0 : i32
    %dma_wait3A_184 = tpu.memref_slice %arg6[%dma_wait3A_177, %dma_wait3A_183] : memref<200x128xi32, #tpu.memory_space<vmem>> -> memref<1x128xi32, #tpu.memory_space<vmem>>
    %dma_wait3A_185 = tpu.memref_squeeze %dma_wait3A_184 : memref<1x128xi32, #tpu.memory_space<vmem>> -> memref<128xi32, #tpu.memory_space<vmem>>
    %dma_wait3A_186 = arith.constant 0 : i32
    %dma_wait3A_187 = arith.constant 0 : i32
    %dma_wait3A_188 = tpu.memref_slice %arg3[%dma_wait3A_186, %dma_wait3A_187] : memref<100000x64xf32, #tpu.memory_space<hbm>> -> memref<100000x64xf32, #tpu.memory_space<hbm>>
    tpu.wait_indirect_dma semaphore(%arg12 : memref<!tpu.dma_semaphore, #tpu.memory_space<semaphore_mem>>) src(%dma_wait3A_188 : memref<100000x64xf32, #tpu.memory_space<hbm>>) dst(%dma_wait3A_182 : memref<128x64xf32, #tpu.memory_space<vmem>>)
    %get3A_189 = arith.constant 2 : i32
    %get3A_190 = arith.index_cast %get3A_189 : i32 to index
    %get3A_191 = arith.constant 0 : index
    %get3A_192 = tpu.vector_load %arg7[%get3A_190, %get3A_191] {strides = array<i32>} : memref<200x64xf32, #tpu.memory_space<vmem>>, vector<16xf32>,
    %get3A_193 = arith.constant 2 : i32
    %get3A_194 = arith.index_cast %get3A_193 : i32 to index
    %get3A_195 = arith.constant 16 : index
    %get3A_196 = tpu.vector_load %arg7[%get3A_194, %get3A_195] {strides = array<i32>} : memref<200x64xf32, #tpu.memory_space<vmem>>, vector<16xf32>,
    %get3A_197 = arith.constant 2 : i32
    %get3A_198 = arith.index_cast %get3A_197 : i32 to index
    %get3A_199 = arith.constant 32 : index
    %get3A_200 = tpu.vector_load %arg7[%get3A_198, %get3A_199] {strides = array<i32>} : memref<200x64xf32, #tpu.memory_space<vmem>>, vector<16xf32>,
    %get3A_201 = arith.constant 2 : i32
    %get3A_202 = arith.index_cast %get3A_201 : i32 to index
    %get3A_203 = arith.constant 48 : index
    %get3A_204 = tpu.vector_load %arg7[%get3A_202, %get3A_203] {strides = array<i32>} : memref<200x64xf32, #tpu.memory_space<vmem>>, vector<16xf32>,
    %parallel_loop3A_205 = arith.constant 0 : i32
    %parallel_loop3A_206 = arith.constant 128 : i32
    %parallel_loop3A_207 = arith.constant 1 : i32
    scf.for %parallel_loop3A_616 = %parallel_loop3A_205 to %parallel_loop3A_206 step %parallel_loop3A_207  : i32 {
      %parallel_loop3A_617 = vector.broadcast %parallel_loop3A_616 : i32 to vector<16xi32>
      %parallel_loop3A_618 = arith.constant 2 : i32
      %parallel_loop3A_619 = arith.index_cast %parallel_loop3A_618 : i32 to index
      %parallel_loop3A_620 = arith.index_cast %parallel_loop3A_616 : i32 to index
      %parallel_loop3A_621 = arith.constant 0 : index
      %parallel_loop3A_622 = tpu.vector_load %arg8[%parallel_loop3A_619, %parallel_loop3A_620, %parallel_loop3A_621] {strides = array<i32>} : memref<4x128x64xf32, #tpu.memory_space<vmem>>, vector<16xf32>,
      %parallel_loop3A_623 = arith.addf %parallel_loop3A_622, %get3A_192 : vector<16xf32>
      %parallel_loop3A_624 = arith.constant 2 : i32
      %parallel_loop3A_625 = arith.constant 0 : i32
      %parallel_loop3A_626 = arith.constant 0 : i32
      %parallel_loop3A_627 = tpu.memref_slice %arg9[%parallel_loop3A_624, %parallel_loop3A_625, %parallel_loop3A_626] : memref<4x64x129xf32, #tpu.memory_space<vmem>> -> memref<1x64x129xf32, #tpu.memory_space<vmem>>
      %parallel_loop3A_628 = tpu.memref_squeeze %parallel_loop3A_627 : memref<1x64x129xf32, #tpu.memory_space<vmem>> -> memref<64x129xf32, #tpu.memory_space<vmem>>
      tpu.vector_store_idx %parallel_loop3A_628[%add3A_5, %parallel_loop3A_617], %parallel_loop3A_623 : memref<64x129xf32, #tpu.memory_space<vmem>>[vector<16xi32>, vector<16xi32>], vector<16xf32>,
      %parallel_loop3A_629 = arith.constant 2 : i32
      %parallel_loop3A_630 = arith.index_cast %parallel_loop3A_629 : i32 to index
      %parallel_loop3A_631 = arith.index_cast %parallel_loop3A_616 : i32 to index
      %parallel_loop3A_632 = arith.constant 16 : index
      %parallel_loop3A_633 = tpu.vector_load %arg8[%parallel_loop3A_630, %parallel_loop3A_631, %parallel_loop3A_632] {strides = array<i32>} : memref<4x128x64xf32, #tpu.memory_space<vmem>>, vector<16xf32>,
      %parallel_loop3A_634 = arith.addf %parallel_loop3A_633, %get3A_196 : vector<16xf32>
      %parallel_loop3A_635 = arith.constant 2 : i32
      %parallel_loop3A_636 = arith.constant 0 : i32
      %parallel_loop3A_637 = arith.constant 0 : i32
      %parallel_loop3A_638 = tpu.memref_slice %arg9[%parallel_loop3A_635, %parallel_loop3A_636, %parallel_loop3A_637] : memref<4x64x129xf32, #tpu.memory_space<vmem>> -> memref<1x64x129xf32, #tpu.memory_space<vmem>>
      %parallel_loop3A_639 = tpu.memref_squeeze %parallel_loop3A_638 : memref<1x64x129xf32, #tpu.memory_space<vmem>> -> memref<64x129xf32, #tpu.memory_space<vmem>>
      tpu.vector_store_idx %parallel_loop3A_639[%add3A_8, %parallel_loop3A_617], %parallel_loop3A_634 : memref<64x129xf32, #tpu.memory_space<vmem>>[vector<16xi32>, vector<16xi32>], vector<16xf32>,
      %parallel_loop3A_640 = arith.constant 2 : i32
      %parallel_loop3A_641 = arith.index_cast %parallel_loop3A_640 : i32 to index
      %parallel_loop3A_642 = arith.index_cast %parallel_loop3A_616 : i32 to index
      %parallel_loop3A_643 = arith.constant 32 : index
      %parallel_loop3A_644 = tpu.vector_load %arg8[%parallel_loop3A_641, %parallel_loop3A_642, %parallel_loop3A_643] {strides = array<i32>} : memref<4x128x64xf32, #tpu.memory_space<vmem>>, vector<16xf32>,
      %parallel_loop3A_645 = arith.addf %parallel_loop3A_644, %get3A_200 : vector<16xf32>
      %parallel_loop3A_646 = arith.constant 2 : i32
      %parallel_loop3A_647 = arith.constant 0 : i32
      %parallel_loop3A_648 = arith.constant 0 : i32
      %parallel_loop3A_649 = tpu.memref_slice %arg9[%parallel_loop3A_646, %parallel_loop3A_647, %parallel_loop3A_648] : memref<4x64x129xf32, #tpu.memory_space<vmem>> -> memref<1x64x129xf32, #tpu.memory_space<vmem>>
      %parallel_loop3A_650 = tpu.memref_squeeze %parallel_loop3A_649 : memref<1x64x129xf32, #tpu.memory_space<vmem>> -> memref<64x129xf32, #tpu.memory_space<vmem>>
      tpu.vector_store_idx %parallel_loop3A_650[%add3A_11, %parallel_loop3A_617], %parallel_loop3A_645 : memref<64x129xf32, #tpu.memory_space<vmem>>[vector<16xi32>, vector<16xi32>], vector<16xf32>,
      %parallel_loop3A_651 = arith.constant 2 : i32
      %parallel_loop3A_652 = arith.index_cast %parallel_loop3A_651 : i32 to index
      %parallel_loop3A_653 = arith.index_cast %parallel_loop3A_616 : i32 to index
      %parallel_loop3A_654 = arith.constant 48 : index
      %parallel_loop3A_655 = tpu.vector_load %arg8[%parallel_loop3A_652, %parallel_loop3A_653, %parallel_loop3A_654] {strides = array<i32>} : memref<4x128x64xf32, #tpu.memory_space<vmem>>, vector<16xf32>,
      %parallel_loop3A_656 = arith.addf %parallel_loop3A_655, %get3A_204 : vector<16xf32>
      %parallel_loop3A_657 = arith.constant 2 : i32
      %parallel_loop3A_658 = arith.constant 0 : i32
      %parallel_loop3A_659 = arith.constant 0 : i32
      %parallel_loop3A_660 = tpu.memref_slice %arg9[%parallel_loop3A_657, %parallel_loop3A_658, %parallel_loop3A_659] : memref<4x64x129xf32, #tpu.memory_space<vmem>> -> memref<1x64x129xf32, #tpu.memory_space<vmem>>
      %parallel_loop3A_661 = tpu.memref_squeeze %parallel_loop3A_660 : memref<1x64x129xf32, #tpu.memory_space<vmem>> -> memref<64x129xf32, #tpu.memory_space<vmem>>
      tpu.vector_store_idx %parallel_loop3A_661[%add3A_14, %parallel_loop3A_617], %parallel_loop3A_656 : memref<64x129xf32, #tpu.memory_space<vmem>>[vector<16xi32>, vector<16xi32>], vector<16xf32>,
    } {sc.loop_unroll_factor = 4 : i64, sc.parallel_access}
    %dma_start3A_208 = arith.constant 2 : i32
    %dma_start3A_209 = arith.constant 2 : i32
    %dma_start3A_210 = arith.constant 0 : i32
    %dma_start3A_211 = arith.constant 0 : i32
    %dma_start3A_212 = tpu.memref_slice %arg9[%dma_start3A_208, %dma_start3A_210, %dma_start3A_211] : memref<4x64x129xf32, #tpu.memory_space<vmem>> -> memref<1x64x128xf32, #tpu.memory_space<vmem>>
    %dma_start3A_213 = tpu.memref_squeeze %dma_start3A_212 : memref<1x64x128xf32, #tpu.memory_space<vmem>> -> memref<64x128xf32, #tpu.memory_space<vmem>>
    %dma_start3A_214 = arith.constant 0 : i32
    %dma_start3A_215 = tpu.memref_slice %arg5[%dma_start3A_209, %dma_start3A_214, %mul3A_2] : memref<200x64x4096xf32, #tpu.memory_space<hbm>> -> memref<1x64x128xf32, #tpu.memory_space<hbm>>
    %dma_start3A_216 = tpu.memref_squeeze %dma_start3A_215 : memref<1x64x128xf32, #tpu.memory_space<hbm>> -> memref<64x128xf32, #tpu.memory_space<hbm>>
    %dma_start3A_217 = arith.constant 0 : i32
    %dma_start3A_218 = tpu.memref_slice %arg5[%dma_start3A_209, %dma_start3A_217, %mul3A_2] : memref<200x64x4096xf32, #tpu.memory_space<hbm>> -> memref<1x64x128xf32, #tpu.memory_space<hbm>>
    %dma_start3A_219 = tpu.memref_squeeze %dma_start3A_218 : memref<1x64x128xf32, #tpu.memory_space<hbm>> -> memref<64x128xf32, #tpu.memory_space<hbm>>
    %dma_start3A_220 = arith.constant 0 : i32
    %dma_start3A_221 = arith.constant 0 : i32
    %dma_start3A_222 = tpu.memref_slice %arg9[%dma_start3A_208, %dma_start3A_220, %dma_start3A_221] : memref<4x64x129xf32, #tpu.memory_space<vmem>> -> memref<1x64x128xf32, #tpu.memory_space<vmem>>
    %dma_start3A_223 = tpu.memref_squeeze %dma_start3A_222 : memref<1x64x128xf32, #tpu.memory_space<vmem>> -> memref<64x128xf32, #tpu.memory_space<vmem>>
    tpu.enqueue_dma source(%dma_start3A_223 : memref<64x128xf32, #tpu.memory_space<vmem>>) target(%dma_start3A_219 : memref<64x128xf32, #tpu.memory_space<hbm>>) target_semaphore(%arg16 : memref<!tpu.dma_semaphore, #tpu.memory_space<semaphore_mem>>)
    %dma_start3A_224 = arith.constant 6 : i32
    %dma_start3A_225 = arith.constant 2 : i32
    %dma_start3A_226 = arith.constant 0 : i32
    %dma_start3A_227 = arith.constant 0 : i32
    %dma_start3A_228 = tpu.memref_slice %arg8[%dma_start3A_225, %dma_start3A_226, %dma_start3A_227] : memref<4x128x64xf32, #tpu.memory_space<vmem>> -> memref<1x128x64xf32, #tpu.memory_space<vmem>>
    %dma_start3A_229 = tpu.memref_squeeze %dma_start3A_228 : memref<1x128x64xf32, #tpu.memory_space<vmem>> -> memref<128x64xf32, #tpu.memory_space<vmem>>
    %dma_start3A_230 = arith.constant 0 : i32
    %dma_start3A_231 = tpu.memref_slice %arg6[%dma_start3A_224, %dma_start3A_230] : memref<200x128xi32, #tpu.memory_space<vmem>> -> memref<1x128xi32, #tpu.memory_space<vmem>>
    %dma_start3A_232 = tpu.memref_squeeze %dma_start3A_231 : memref<1x128xi32, #tpu.memory_space<vmem>> -> memref<128xi32, #tpu.memory_space<vmem>>
    %dma_start3A_233 = arith.constant 0 : i32
    %dma_start3A_234 = arith.constant 0 : i32
    %dma_start3A_235 = tpu.memref_slice %arg3[%dma_start3A_233, %dma_start3A_234] : memref<100000x64xf32, #tpu.memory_space<hbm>> -> memref<100000x64xf32, #tpu.memory_space<hbm>>
    tpu.enqueue_indirect_dma source(%dma_start3A_235 : memref<100000x64xf32, #tpu.memory_space<hbm>>) target(%dma_start3A_229 : memref<128x64xf32, #tpu.memory_space<vmem>>) offsets(%dma_start3A_232 : memref<128xi32, #tpu.memory_space<vmem>>) semaphore(%arg12 : memref<!tpu.dma_semaphore, #tpu.memory_space<semaphore_mem>>)
    %dma_wait3A_236 = arith.constant 0 : i32
    %dma_wait3A_237 = arith.constant 3 : i32
    %dma_wait3A_238 = arith.constant 0 : i32
    %dma_wait3A_239 = arith.constant 0 : i32
    %dma_wait3A_240 = tpu.memref_slice %arg8[%dma_wait3A_237, %dma_wait3A_238, %dma_wait3A_239] : memref<4x128x64xf32, #tpu.memory_space<vmem>> -> memref<1x128x64xf32, #tpu.memory_space<vmem>>
    %dma_wait3A_241 = tpu.memref_squeeze %dma_wait3A_240 : memref<1x128x64xf32, #tpu.memory_space<vmem>> -> memref<128x64xf32, #tpu.memory_space<vmem>>
    %dma_wait3A_242 = arith.constant 0 : i32
    %dma_wait3A_243 = tpu.memref_slice %arg6[%dma_wait3A_236, %dma_wait3A_242] : memref<200x128xi32, #tpu.memory_space<vmem>> -> memref<1x128xi32, #tpu.memory_space<vmem>>
    %dma_wait3A_244 = tpu.memref_squeeze %dma_wait3A_243 : memref<1x128xi32, #tpu.memory_space<vmem>> -> memref<128xi32, #tpu.memory_space<vmem>>
    %dma_wait3A_245 = arith.constant 0 : i32
    %dma_wait3A_246 = arith.constant 0 : i32
    %dma_wait3A_247 = tpu.memref_slice %arg3[%dma_wait3A_245, %dma_wait3A_246] : memref<100000x64xf32, #tpu.memory_space<hbm>> -> memref<100000x64xf32, #tpu.memory_space<hbm>>
    tpu.wait_indirect_dma semaphore(%arg13 : memref<!tpu.dma_semaphore, #tpu.memory_space<semaphore_mem>>) src(%dma_wait3A_247 : memref<100000x64xf32, #tpu.memory_space<hbm>>) dst(%dma_wait3A_241 : memref<128x64xf32, #tpu.memory_space<vmem>>)
    %get3A_248 = arith.constant 3 : i32
    %get3A_249 = arith.index_cast %get3A_248 : i32 to index
    %get3A_250 = arith.constant 0 : index
    %get3A_251 = tpu.vector_load %arg7[%get3A_249, %get3A_250] {strides = array<i32>} : memref<200x64xf32, #tpu.memory_space<vmem>>, vector<16xf32>,
    %get3A_252 = arith.constant 3 : i32
    %get3A_253 = arith.index_cast %get3A_252 : i32 to index
    %get3A_254 = arith.constant 16 : index
    %get3A_255 = tpu.vector_load %arg7[%get3A_253, %get3A_254] {strides = array<i32>} : memref<200x64xf32, #tpu.memory_space<vmem>>, vector<16xf32>,
    %get3A_256 = arith.constant 3 : i32
    %get3A_257 = arith.index_cast %get3A_256 : i32 to index
    %get3A_258 = arith.constant 32 : index
    %get3A_259 = tpu.vector_load %arg7[%get3A_257, %get3A_258] {strides = array<i32>} : memref<200x64xf32, #tpu.memory_space<vmem>>, vector<16xf32>,
    %get3A_260 = arith.constant 3 : i32
    %get3A_261 = arith.index_cast %get3A_260 : i32 to index
    %get3A_262 = arith.constant 48 : index
    %get3A_263 = tpu.vector_load %arg7[%get3A_261, %get3A_262] {strides = array<i32>} : memref<200x64xf32, #tpu.memory_space<vmem>>, vector<16xf32>,
    %parallel_loop3A_264 = arith.constant 0 : i32
    %parallel_loop3A_265 = arith.constant 128 : i32
    %parallel_loop3A_266 = arith.constant 1 : i32
    scf.for %parallel_loop3A_616 = %parallel_loop3A_264 to %parallel_loop3A_265 step %parallel_loop3A_266  : i32 {
      %parallel_loop3A_617 = vector.broadcast %parallel_loop3A_616 : i32 to vector<16xi32>
      %parallel_loop3A_618 = arith.constant 3 : i32
      %parallel_loop3A_619 = arith.index_cast %parallel_loop3A_618 : i32 to index
      %parallel_loop3A_620 = arith.index_cast %parallel_loop3A_616 : i32 to index
      %parallel_loop3A_621 = arith.constant 0 : index
      %parallel_loop3A_622 = tpu.vector_load %arg8[%parallel_loop3A_619, %parallel_loop3A_620, %parallel_loop3A_621] {strides = array<i32>} : memref<4x128x64xf32, #tpu.memory_space<vmem>>, vector<16xf32>,
      %parallel_loop3A_623 = arith.addf %parallel_loop3A_622, %get3A_251 : vector<16xf32>
      %parallel_loop3A_624 = arith.constant 3 : i32
      %parallel_loop3A_625 = arith.constant 0 : i32
      %parallel_loop3A_626 = arith.constant 0 : i32
      %parallel_loop3A_627 = tpu.memref_slice %arg9[%parallel_loop3A_624, %parallel_loop3A_625, %parallel_loop3A_626] : memref<4x64x129xf32, #tpu.memory_space<vmem>> -> memref<1x64x129xf32, #tpu.memory_space<vmem>>
      %parallel_loop3A_628 = tpu.memref_squeeze %parallel_loop3A_627 : memref<1x64x129xf32, #tpu.memory_space<vmem>> -> memref<64x129xf32, #tpu.memory_space<vmem>>
      tpu.vector_store_idx %parallel_loop3A_628[%add3A_5, %parallel_loop3A_617], %parallel_loop3A_623 : memref<64x129xf32, #tpu.memory_space<vmem>>[vector<16xi32>, vector<16xi32>], vector<16xf32>,
      %parallel_loop3A_629 = arith.constant 3 : i32
      %parallel_loop3A_630 = arith.index_cast %parallel_loop3A_629 : i32 to index
      %parallel_loop3A_631 = arith.index_cast %parallel_loop3A_616 : i32 to index
      %parallel_loop3A_632 = arith.constant 16 : index
      %parallel_loop3A_633 = tpu.vector_load %arg8[%parallel_loop3A_630, %parallel_loop3A_631, %parallel_loop3A_632] {strides = array<i32>} : memref<4x128x64xf32, #tpu.memory_space<vmem>>, vector<16xf32>,
      %parallel_loop3A_634 = arith.addf %parallel_loop3A_633, %get3A_255 : vector<16xf32>
      %parallel_loop3A_635 = arith.constant 3 : i32
      %parallel_loop3A_636 = arith.constant 0 : i32
      %parallel_loop3A_637 = arith.constant 0 : i32
      %parallel_loop3A_638 = tpu.memref_slice %arg9[%parallel_loop3A_635, %parallel_loop3A_636, %parallel_loop3A_637] : memref<4x64x129xf32, #tpu.memory_space<vmem>> -> memref<1x64x129xf32, #tpu.memory_space<vmem>>
      %parallel_loop3A_639 = tpu.memref_squeeze %parallel_loop3A_638 : memref<1x64x129xf32, #tpu.memory_space<vmem>> -> memref<64x129xf32, #tpu.memory_space<vmem>>
      tpu.vector_store_idx %parallel_loop3A_639[%add3A_8, %parallel_loop3A_617], %parallel_loop3A_634 : memref<64x129xf32, #tpu.memory_space<vmem>>[vector<16xi32>, vector<16xi32>], vector<16xf32>,
      %parallel_loop3A_640 = arith.constant 3 : i32
      %parallel_loop3A_641 = arith.index_cast %parallel_loop3A_640 : i32 to index
      %parallel_loop3A_642 = arith.index_cast %parallel_loop3A_616 : i32 to index
      %parallel_loop3A_643 = arith.constant 32 : index
      %parallel_loop3A_644 = tpu.vector_load %arg8[%parallel_loop3A_641, %parallel_loop3A_642, %parallel_loop3A_643] {strides = array<i32>} : memref<4x128x64xf32, #tpu.memory_space<vmem>>, vector<16xf32>,
      %parallel_loop3A_645 = arith.addf %parallel_loop3A_644, %get3A_259 : vector<16xf32>
      %parallel_loop3A_646 = arith.constant 3 : i32
      %parallel_loop3A_647 = arith.constant 0 : i32
      %parallel_loop3A_648 = arith.constant 0 : i32
      %parallel_loop3A_649 = tpu.memref_slice %arg9[%parallel_loop3A_646, %parallel_loop3A_647, %parallel_loop3A_648] : memref<4x64x129xf32, #tpu.memory_space<vmem>> -> memref<1x64x129xf32, #tpu.memory_space<vmem>>
      %parallel_loop3A_650 = tpu.memref_squeeze %parallel_loop3A_649 : memref<1x64x129xf32, #tpu.memory_space<vmem>> -> memref<64x129xf32, #tpu.memory_space<vmem>>
      tpu.vector_store_idx %parallel_loop3A_650[%add3A_11, %parallel_loop3A_617], %parallel_loop3A_645 : memref<64x129xf32, #tpu.memory_space<vmem>>[vector<16xi32>, vector<16xi32>], vector<16xf32>,
      %parallel_loop3A_651 = arith.constant 3 : i32
      %parallel_loop3A_652 = arith.index_cast %parallel_loop3A_651 : i32 to index
      %parallel_loop3A_653 = arith.index_cast %parallel_loop3A_616 : i32 to index
      %parallel_loop3A_654 = arith.constant 48 : index
      %parallel_loop3A_655 = tpu.vector_load %arg8[%parallel_loop3A_652, %parallel_loop3A_653, %parallel_loop3A_654] {strides = array<i32>} : memref<4x128x64xf32, #tpu.memory_space<vmem>>, vector<16xf32>,
      %parallel_loop3A_656 = arith.addf %parallel_loop3A_655, %get3A_263 : vector<16xf32>
      %parallel_loop3A_657 = arith.constant 3 : i32
      %parallel_loop3A_658 = arith.constant 0 : i32
      %parallel_loop3A_659 = arith.constant 0 : i32
      %parallel_loop3A_660 = tpu.memref_slice %arg9[%parallel_loop3A_657, %parallel_loop3A_658, %parallel_loop3A_659] : memref<4x64x129xf32, #tpu.memory_space<vmem>> -> memref<1x64x129xf32, #tpu.memory_space<vmem>>
      %parallel_loop3A_661 = tpu.memref_squeeze %parallel_loop3A_660 : memref<1x64x129xf32, #tpu.memory_space<vmem>> -> memref<64x129xf32, #tpu.memory_space<vmem>>
      tpu.vector_store_idx %parallel_loop3A_661[%add3A_14, %parallel_loop3A_617], %parallel_loop3A_656 : memref<64x129xf32, #tpu.memory_space<vmem>>[vector<16xi32>, vector<16xi32>], vector<16xf32>,
    } {sc.loop_unroll_factor = 4 : i64, sc.parallel_access}
    %dma_start3A_267 = arith.constant 3 : i32
    %dma_start3A_268 = arith.constant 3 : i32
    %dma_start3A_269 = arith.constant 0 : i32
    %dma_start3A_270 = arith.constant 0 : i32
    %dma_start3A_271 = tpu.memref_slice %arg9[%dma_start3A_267, %dma_start3A_269, %dma_start3A_270] : memref<4x64x129xf32, #tpu.memory_space<vmem>> -> memref<1x64x128xf32, #tpu.memory_space<vmem>>
    %dma_start3A_272 = tpu.memref_squeeze %dma_start3A_271 : memref<1x64x128xf32, #tpu.memory_space<vmem>> -> memref<64x128xf32, #tpu.memory_space<vmem>>
    %dma_start3A_273 = arith.constant 0 : i32
    %dma_start3A_274 = tpu.memref_slice %arg5[%dma_start3A_268, %dma_start3A_273, %mul3A_2] : memref<200x64x4096xf32, #tpu.memory_space<hbm>> -> memref<1x64x128xf32, #tpu.memory_space<hbm>>
    %dma_start3A_275 = tpu.memref_squeeze %dma_start3A_274 : memref<1x64x128xf32, #tpu.memory_space<hbm>> -> memref<64x128xf32, #tpu.memory_space<hbm>>
    %dma_start3A_276 = arith.constant 0 : i32
    %dma_start3A_277 = tpu.memref_slice %arg5[%dma_start3A_268, %dma_start3A_276, %mul3A_2] : memref<200x64x4096xf32, #tpu.memory_space<hbm>> -> memref<1x64x128xf32, #tpu.memory_space<hbm>>
    %dma_start3A_278 = tpu.memref_squeeze %dma_start3A_277 : memref<1x64x128xf32, #tpu.memory_space<hbm>> -> memref<64x128xf32, #tpu.memory_space<hbm>>
    %dma_start3A_279 = arith.constant 0 : i32
    %dma_start3A_280 = arith.constant 0 : i32
    %dma_start3A_281 = tpu.memref_slice %arg9[%dma_start3A_267, %dma_start3A_279, %dma_start3A_280] : memref<4x64x129xf32, #tpu.memory_space<vmem>> -> memref<1x64x128xf32, #tpu.memory_space<vmem>>
    %dma_start3A_282 = tpu.memref_squeeze %dma_start3A_281 : memref<1x64x128xf32, #tpu.memory_space<vmem>> -> memref<64x128xf32, #tpu.memory_space<vmem>>
    tpu.enqueue_dma source(%dma_start3A_282 : memref<64x128xf32, #tpu.memory_space<vmem>>) target(%dma_start3A_278 : memref<64x128xf32, #tpu.memory_space<hbm>>) target_semaphore(%arg17 : memref<!tpu.dma_semaphore, #tpu.memory_space<semaphore_mem>>)
    %scan3A = arith.constant 0 : i32
    %scan3A_283 = arith.constant 0 : i32
    %scan3A_284 = arith.constant 48 : i32
    %scan3A_285 = arith.addi %scan3A_283, %scan3A_284 : i32
    %scan3A_286 = arith.constant 1 : i32
    scf.for %scan3A_616 = %scan3A_283 to %scan3A_285 step %scan3A_286  : i32 {
      %mul3A_617 = arith.constant 4 : i32
      %mul3A_618 = arith.muli %scan3A_616, %mul3A_617 : i32
      %add3A_619 = arith.constant 4 : i32
      %add3A_620 = arith.addi %add3A_619, %mul3A_618 : i32
      %add3A_621 = arith.constant 0 : i32
      %add3A_622 = arith.addi %add3A_620, %add3A_621 : i32
      %add3A_623 = arith.constant 3 : i32
      %add3A_624 = arith.addi %add3A_622, %add3A_623 : i32
      %dma_start3A_625 = arith.constant 3 : i32
      %dma_start3A_626 = arith.constant 0 : i32
      %dma_start3A_627 = arith.constant 0 : i32
      %dma_start3A_628 = tpu.memref_slice %arg8[%dma_start3A_625, %dma_start3A_626, %dma_start3A_627] : memref<4x128x64xf32, #tpu.memory_space<vmem>> -> memref<1x128x64xf32, #tpu.memory_space<vmem>>
      %dma_start3A_629 = tpu.memref_squeeze %dma_start3A_628 : memref<1x128x64xf32, #tpu.memory_space<vmem>> -> memref<128x64xf32, #tpu.memory_space<vmem>>
      %dma_start3A_630 = arith.constant 0 : i32
      %dma_start3A_631 = tpu.memref_slice %arg6[%add3A_624, %dma_start3A_630] : memref<200x128xi32, #tpu.memory_space<vmem>> -> memref<1x128xi32, #tpu.memory_space<vmem>>
      %dma_start3A_632 = tpu.memref_squeeze %dma_start3A_631 : memref<1x128xi32, #tpu.memory_space<vmem>> -> memref<128xi32, #tpu.memory_space<vmem>>
      %dma_start3A_633 = arith.constant 0 : i32
      %dma_start3A_634 = arith.constant 0 : i32
      %dma_start3A_635 = tpu.memref_slice %arg3[%dma_start3A_633, %dma_start3A_634] : memref<100000x64xf32, #tpu.memory_space<hbm>> -> memref<100000x64xf32, #tpu.memory_space<hbm>>
      tpu.enqueue_indirect_dma source(%dma_start3A_635 : memref<100000x64xf32, #tpu.memory_space<hbm>>) target(%dma_start3A_629 : memref<128x64xf32, #tpu.memory_space<vmem>>) offsets(%dma_start3A_632 : memref<128xi32, #tpu.memory_space<vmem>>) semaphore(%arg13 : memref<!tpu.dma_semaphore, #tpu.memory_space<semaphore_mem>>)
      %dma_wait3A_636 = arith.constant 0 : i32
      %dma_wait3A_637 = arith.constant 0 : i32
      %dma_wait3A_638 = arith.constant 0 : i32
      %dma_wait3A_639 = arith.constant 0 : i32
      %dma_wait3A_640 = tpu.memref_slice %arg8[%dma_wait3A_637, %dma_wait3A_638, %dma_wait3A_639] : memref<4x128x64xf32, #tpu.memory_space<vmem>> -> memref<1x128x64xf32, #tpu.memory_space<vmem>>
      %dma_wait3A_641 = tpu.memref_squeeze %dma_wait3A_640 : memref<1x128x64xf32, #tpu.memory_space<vmem>> -> memref<128x64xf32, #tpu.memory_space<vmem>>
      %dma_wait3A_642 = arith.constant 0 : i32
      %dma_wait3A_643 = tpu.memref_slice %arg6[%dma_wait3A_636, %dma_wait3A_642] : memref<200x128xi32, #tpu.memory_space<vmem>> -> memref<1x128xi32, #tpu.memory_space<vmem>>
      %dma_wait3A_644 = tpu.memref_squeeze %dma_wait3A_643 : memref<1x128xi32, #tpu.memory_space<vmem>> -> memref<128xi32, #tpu.memory_space<vmem>>
      %dma_wait3A_645 = arith.constant 0 : i32
      %dma_wait3A_646 = arith.constant 0 : i32
      %dma_wait3A_647 = tpu.memref_slice %arg3[%dma_wait3A_645, %dma_wait3A_646] : memref<100000x64xf32, #tpu.memory_space<hbm>> -> memref<100000x64xf32, #tpu.memory_space<hbm>>
      tpu.wait_indirect_dma semaphore(%arg10 : memref<!tpu.dma_semaphore, #tpu.memory_space<semaphore_mem>>) src(%dma_wait3A_647 : memref<100000x64xf32, #tpu.memory_space<hbm>>) dst(%dma_wait3A_641 : memref<128x64xf32, #tpu.memory_space<vmem>>)
      %dma_wait3A_648 = arith.constant 0 : i32
      %dma_wait3A_649 = arith.constant 0 : i32
      %dma_wait3A_650 = arith.constant 0 : i32
      %dma_wait3A_651 = arith.constant 0 : i32
      %dma_wait3A_652 = tpu.memref_slice %arg9[%dma_wait3A_648, %dma_wait3A_650, %dma_wait3A_651] : memref<4x64x129xf32, #tpu.memory_space<vmem>> -> memref<1x64x128xf32, #tpu.memory_space<vmem>>
      %dma_wait3A_653 = tpu.memref_squeeze %dma_wait3A_652 : memref<1x64x128xf32, #tpu.memory_space<vmem>> -> memref<64x128xf32, #tpu.memory_space<vmem>>
      %dma_wait3A_654 = arith.constant 0 : i32
      %dma_wait3A_655 = tpu.memref_slice %arg5[%dma_wait3A_649, %dma_wait3A_654, %mul3A_2] : memref<200x64x4096xf32, #tpu.memory_space<hbm>> -> memref<1x64x128xf32, #tpu.memory_space<hbm>>
      %dma_wait3A_656 = tpu.memref_squeeze %dma_wait3A_655 : memref<1x64x128xf32, #tpu.memory_space<hbm>> -> memref<64x128xf32, #tpu.memory_space<hbm>>
      %dma_wait3A_657 = arith.constant 0 : i32
      %dma_wait3A_658 = tpu.memref_slice %arg5[%dma_wait3A_649, %dma_wait3A_657, %mul3A_2] : memref<200x64x4096xf32, #tpu.memory_space<hbm>> -> memref<1x64x128xf32, #tpu.memory_space<hbm>>
      %dma_wait3A_659 = tpu.memref_squeeze %dma_wait3A_658 : memref<1x64x128xf32, #tpu.memory_space<hbm>> -> memref<64x128xf32, #tpu.memory_space<hbm>>
      %dma_wait3A_660 = arith.constant 0 : i32
      %dma_wait3A_661 = arith.constant 0 : i32
      %dma_wait3A_662 = tpu.memref_slice %arg9[%dma_wait3A_648, %dma_wait3A_660, %dma_wait3A_661] : memref<4x64x129xf32, #tpu.memory_space<vmem>> -> memref<1x64x128xf32, #tpu.memory_space<vmem>>
      %dma_wait3A_663 = tpu.memref_squeeze %dma_wait3A_662 : memref<1x64x128xf32, #tpu.memory_space<vmem>> -> memref<64x128xf32, #tpu.memory_space<vmem>>
      tpu.wait_dma2 semaphore(%arg14 : memref<!tpu.dma_semaphore, #tpu.memory_space<semaphore_mem>>) src(%dma_wait3A_663 : memref<64x128xf32, #tpu.memory_space<vmem>>) dst(%dma_wait3A_659 : memref<64x128xf32, #tpu.memory_space<hbm>>)
      %get3A_664 = arith.index_cast %add3A_622 : i32 to index
      %get3A_665 = arith.constant 0 : index
      %get3A_666 = tpu.vector_load %arg7[%get3A_664, %get3A_665] {strides = array<i32>} : memref<200x64xf32, #tpu.memory_space<vmem>>, vector<16xf32>,
      %get3A_667 = arith.index_cast %add3A_622 : i32 to index
      %get3A_668 = arith.constant 16 : index
      %get3A_669 = tpu.vector_load %arg7[%get3A_667, %get3A_668] {strides = array<i32>} : memref<200x64xf32, #tpu.memory_space<vmem>>, vector<16xf32>,
      %get3A_670 = arith.index_cast %add3A_622 : i32 to index
      %get3A_671 = arith.constant 32 : index
      %get3A_672 = tpu.vector_load %arg7[%get3A_670, %get3A_671] {strides = array<i32>} : memref<200x64xf32, #tpu.memory_space<vmem>>, vector<16xf32>,
      %get3A_673 = arith.index_cast %add3A_622 : i32 to index
      %get3A_674 = arith.constant 48 : index
      %get3A_675 = tpu.vector_load %arg7[%get3A_673, %get3A_674] {strides = array<i32>} : memref<200x64xf32, #tpu.memory_space<vmem>>, vector<16xf32>,
      %parallel_loop3A_676 = arith.constant 0 : i32
      %parallel_loop3A_677 = arith.constant 128 : i32
      %parallel_loop3A_678 = arith.constant 1 : i32
      scf.for %parallel_loop3A_913 = %parallel_loop3A_676 to %parallel_loop3A_677 step %parallel_loop3A_678  : i32 {
        %parallel_loop3A_914 = vector.broadcast %parallel_loop3A_913 : i32 to vector<16xi32>
        %parallel_loop3A_915 = arith.constant 0 : i32
        %parallel_loop3A_916 = arith.index_cast %parallel_loop3A_915 : i32 to index
        %parallel_loop3A_917 = arith.index_cast %parallel_loop3A_913 : i32 to index
        %parallel_loop3A_918 = arith.constant 0 : index
        %parallel_loop3A_919 = tpu.vector_load %arg8[%parallel_loop3A_916, %parallel_loop3A_917, %parallel_loop3A_918] {strides = array<i32>} : memref<4x128x64xf32, #tpu.memory_space<vmem>>, vector<16xf32>,
        %parallel_loop3A_920 = arith.addf %parallel_loop3A_919, %get3A_666 : vector<16xf32>
        %parallel_loop3A_921 = arith.constant 0 : i32
        %parallel_loop3A_922 = arith.constant 0 : i32
        %parallel_loop3A_923 = arith.constant 0 : i32
        %parallel_loop3A_924 = tpu.memref_slice %arg9[%parallel_loop3A_921, %parallel_loop3A_922, %parallel_loop3A_923] : memref<4x64x129xf32, #tpu.memory_space<vmem>> -> memref<1x64x129xf32, #tpu.memory_space<vmem>>
        %parallel_loop3A_925 = tpu.memref_squeeze %parallel_loop3A_924 : memref<1x64x129xf32, #tpu.memory_space<vmem>> -> memref<64x129xf32, #tpu.memory_space<vmem>>
        tpu.vector_store_idx %parallel_loop3A_925[%add3A_5, %parallel_loop3A_914], %parallel_loop3A_920 : memref<64x129xf32, #tpu.memory_space<vmem>>[vector<16xi32>, vector<16xi32>], vector<16xf32>,
        %parallel_loop3A_926 = arith.constant 0 : i32
        %parallel_loop3A_927 = arith.index_cast %parallel_loop3A_926 : i32 to index
        %parallel_loop3A_928 = arith.index_cast %parallel_loop3A_913 : i32 to index
        %parallel_loop3A_929 = arith.constant 16 : index
        %parallel_loop3A_930 = tpu.vector_load %arg8[%parallel_loop3A_927, %parallel_loop3A_928, %parallel_loop3A_929] {strides = array<i32>} : memref<4x128x64xf32, #tpu.memory_space<vmem>>, vector<16xf32>,
        %parallel_loop3A_931 = arith.addf %parallel_loop3A_930, %get3A_669 : vector<16xf32>
        %parallel_loop3A_932 = arith.constant 0 : i32
        %parallel_loop3A_933 = arith.constant 0 : i32
        %parallel_loop3A_934 = arith.constant 0 : i32
        %parallel_loop3A_935 = tpu.memref_slice %arg9[%parallel_loop3A_932, %parallel_loop3A_933, %parallel_loop3A_934] : memref<4x64x129xf32, #tpu.memory_space<vmem>> -> memref<1x64x129xf32, #tpu.memory_space<vmem>>
        %parallel_loop3A_936 = tpu.memref_squeeze %parallel_loop3A_935 : memref<1x64x129xf32, #tpu.memory_space<vmem>> -> memref<64x129xf32, #tpu.memory_space<vmem>>
        tpu.vector_store_idx %parallel_loop3A_936[%add3A_8, %parallel_loop3A_914], %parallel_loop3A_931 : memref<64x129xf32, #tpu.memory_space<vmem>>[vector<16xi32>, vector<16xi32>], vector<16xf32>,
        %parallel_loop3A_937 = arith.constant 0 : i32
        %parallel_loop3A_938 = arith.index_cast %parallel_loop3A_937 : i32 to index
        %parallel_loop3A_939 = arith.index_cast %parallel_loop3A_913 : i32 to index
        %parallel_loop3A_940 = arith.constant 32 : index
        %parallel_loop3A_941 = tpu.vector_load %arg8[%parallel_loop3A_938, %parallel_loop3A_939, %parallel_loop3A_940] {strides = array<i32>} : memref<4x128x64xf32, #tpu.memory_space<vmem>>, vector<16xf32>,
        %parallel_loop3A_942 = arith.addf %parallel_loop3A_941, %get3A_672 : vector<16xf32>
        %parallel_loop3A_943 = arith.constant 0 : i32
        %parallel_loop3A_944 = arith.constant 0 : i32
        %parallel_loop3A_945 = arith.constant 0 : i32
        %parallel_loop3A_946 = tpu.memref_slice %arg9[%parallel_loop3A_943, %parallel_loop3A_944, %parallel_loop3A_945] : memref<4x64x129xf32, #tpu.memory_space<vmem>> -> memref<1x64x129xf32, #tpu.memory_space<vmem>>
        %parallel_loop3A_947 = tpu.memref_squeeze %parallel_loop3A_946 : memref<1x64x129xf32, #tpu.memory_space<vmem>> -> memref<64x129xf32, #tpu.memory_space<vmem>>
        tpu.vector_store_idx %parallel_loop3A_947[%add3A_11, %parallel_loop3A_914], %parallel_loop3A_942 : memref<64x129xf32, #tpu.memory_space<vmem>>[vector<16xi32>, vector<16xi32>], vector<16xf32>,
        %parallel_loop3A_948 = arith.constant 0 : i32
        %parallel_loop3A_949 = arith.index_cast %parallel_loop3A_948 : i32 to index
        %parallel_loop3A_950 = arith.index_cast %parallel_loop3A_913 : i32 to index
        %parallel_loop3A_951 = arith.constant 48 : index
        %parallel_loop3A_952 = tpu.vector_load %arg8[%parallel_loop3A_949, %parallel_loop3A_950, %parallel_loop3A_951] {strides = array<i32>} : memref<4x128x64xf32, #tpu.memory_space<vmem>>, vector<16xf32>,
        %parallel_loop3A_953 = arith.addf %parallel_loop3A_952, %get3A_675 : vector<16xf32>
        %parallel_loop3A_954 = arith.constant 0 : i32
        %parallel_loop3A_955 = arith.constant 0 : i32
        %parallel_loop3A_956 = arith.constant 0 : i32
        %parallel_loop3A_957 = tpu.memref_slice %arg9[%parallel_loop3A_954, %parallel_loop3A_955, %parallel_loop3A_956] : memref<4x64x129xf32, #tpu.memory_space<vmem>> -> memref<1x64x129xf32, #tpu.memory_space<vmem>>
        %parallel_loop3A_958 = tpu.memref_squeeze %parallel_loop3A_957 : memref<1x64x129xf32, #tpu.memory_space<vmem>> -> memref<64x129xf32, #tpu.memory_space<vmem>>
        tpu.vector_store_idx %parallel_loop3A_958[%add3A_14, %parallel_loop3A_914], %parallel_loop3A_953 : memref<64x129xf32, #tpu.memory_space<vmem>>[vector<16xi32>, vector<16xi32>], vector<16xf32>,
      } {sc.loop_unroll_factor = 4 : i64, sc.parallel_access}
      %dma_start3A_679 = arith.constant 0 : i32
      %dma_start3A_680 = arith.constant 0 : i32
      %dma_start3A_681 = arith.constant 0 : i32
      %dma_start3A_682 = tpu.memref_slice %arg9[%dma_start3A_679, %dma_start3A_680, %dma_start3A_681] : memref<4x64x129xf32, #tpu.memory_space<vmem>> -> memref<1x64x128xf32, #tpu.memory_space<vmem>>
      %dma_start3A_683 = tpu.memref_squeeze %dma_start3A_682 : memref<1x64x128xf32, #tpu.memory_space<vmem>> -> memref<64x128xf32, #tpu.memory_space<vmem>>
      %dma_start3A_684 = arith.constant 0 : i32
      %dma_start3A_685 = tpu.memref_slice %arg5[%add3A_622, %dma_start3A_684, %mul3A_2] : memref<200x64x4096xf32, #tpu.memory_space<hbm>> -> memref<1x64x128xf32, #tpu.memory_space<hbm>>
      %dma_start3A_686 = tpu.memref_squeeze %dma_start3A_685 : memref<1x64x128xf32, #tpu.memory_space<hbm>> -> memref<64x128xf32, #tpu.memory_space<hbm>>
      %dma_start3A_687 = arith.constant 0 : i32
      %dma_start3A_688 = tpu.memref_slice %arg5[%add3A_622, %dma_start3A_687, %mul3A_2] : memref<200x64x4096xf32, #tpu.memory_space<hbm>> -> memref<1x64x128xf32, #tpu.memory_space<hbm>>
      %dma_start3A_689 = tpu.memref_squeeze %dma_start3A_688 : memref<1x64x128xf32, #tpu.memory_space<hbm>> -> memref<64x128xf32, #tpu.memory_space<hbm>>
      %dma_start3A_690 = arith.constant 0 : i32
      %dma_start3A_691 = arith.constant 0 : i32
      %dma_start3A_692 = tpu.memref_slice %arg9[%dma_start3A_679, %dma_start3A_690, %dma_start3A_691] : memref<4x64x129xf32, #tpu.memory_space<vmem>> -> memref<1x64x128xf32, #tpu.memory_space<vmem>>
      %dma_start3A_693 = tpu.memref_squeeze %dma_start3A_692 : memref<1x64x128xf32, #tpu.memory_space<vmem>> -> memref<64x128xf32, #tpu.memory_space<vmem>>
      tpu.enqueue_dma source(%dma_start3A_693 : memref<64x128xf32, #tpu.memory_space<vmem>>) target(%dma_start3A_689 : memref<64x128xf32, #tpu.memory_space<hbm>>) target_semaphore(%arg14 : memref<!tpu.dma_semaphore, #tpu.memory_space<semaphore_mem>>)
      %add3A_694 = arith.constant 1 : i32
      %add3A_695 = arith.addi %add3A_620, %add3A_694 : i32
      %add3A_696 = arith.constant 3 : i32
      %add3A_697 = arith.addi %add3A_695, %add3A_696 : i32
      %dma_start3A_698 = arith.constant 0 : i32
      %dma_start3A_699 = arith.constant 0 : i32
      %dma_start3A_700 = arith.constant 0 : i32
      %dma_start3A_701 = tpu.memref_slice %arg8[%dma_start3A_698, %dma_start3A_699, %dma_start3A_700] : memref<4x128x64xf32, #tpu.memory_space<vmem>> -> memref<1x128x64xf32, #tpu.memory_space<vmem>>
      %dma_start3A_702 = tpu.memref_squeeze %dma_start3A_701 : memref<1x128x64xf32, #tpu.memory_space<vmem>> -> memref<128x64xf32, #tpu.memory_space<vmem>>
      %dma_start3A_703 = arith.constant 0 : i32
      %dma_start3A_704 = tpu.memref_slice %arg6[%add3A_697, %dma_start3A_703] : memref<200x128xi32, #tpu.memory_space<vmem>> -> memref<1x128xi32, #tpu.memory_space<vmem>>
      %dma_start3A_705 = tpu.memref_squeeze %dma_start3A_704 : memref<1x128xi32, #tpu.memory_space<vmem>> -> memref<128xi32, #tpu.memory_space<vmem>>
      %dma_start3A_706 = arith.constant 0 : i32
      %dma_start3A_707 = arith.constant 0 : i32
      %dma_start3A_708 = tpu.memref_slice %arg3[%dma_start3A_706, %dma_start3A_707] : memref<100000x64xf32, #tpu.memory_space<hbm>> -> memref<100000x64xf32, #tpu.memory_space<hbm>>
      tpu.enqueue_indirect_dma source(%dma_start3A_708 : memref<100000x64xf32, #tpu.memory_space<hbm>>) target(%dma_start3A_702 : memref<128x64xf32, #tpu.memory_space<vmem>>) offsets(%dma_start3A_705 : memref<128xi32, #tpu.memory_space<vmem>>) semaphore(%arg10 : memref<!tpu.dma_semaphore, #tpu.memory_space<semaphore_mem>>)
      %dma_wait3A_709 = arith.constant 0 : i32
      %dma_wait3A_710 = arith.constant 1 : i32
      %dma_wait3A_711 = arith.constant 0 : i32
      %dma_wait3A_712 = arith.constant 0 : i32
      %dma_wait3A_713 = tpu.memref_slice %arg8[%dma_wait3A_710, %dma_wait3A_711, %dma_wait3A_712] : memref<4x128x64xf32, #tpu.memory_space<vmem>> -> memref<1x128x64xf32, #tpu.memory_space<vmem>>
      %dma_wait3A_714 = tpu.memref_squeeze %dma_wait3A_713 : memref<1x128x64xf32, #tpu.memory_space<vmem>> -> memref<128x64xf32, #tpu.memory_space<vmem>>
      %dma_wait3A_715 = arith.constant 0 : i32
      %dma_wait3A_716 = tpu.memref_slice %arg6[%dma_wait3A_709, %dma_wait3A_715] : memref<200x128xi32, #tpu.memory_space<vmem>> -> memref<1x128xi32, #tpu.memory_space<vmem>>
      %dma_wait3A_717 = tpu.memref_squeeze %dma_wait3A_716 : memref<1x128xi32, #tpu.memory_space<vmem>> -> memref<128xi32, #tpu.memory_space<vmem>>
      %dma_wait3A_718 = arith.constant 0 : i32
      %dma_wait3A_719 = arith.constant 0 : i32
      %dma_wait3A_720 = tpu.memref_slice %arg3[%dma_wait3A_718, %dma_wait3A_719] : memref<100000x64xf32, #tpu.memory_space<hbm>> -> memref<100000x64xf32, #tpu.memory_space<hbm>>
      tpu.wait_indirect_dma semaphore(%arg11 : memref<!tpu.dma_semaphore, #tpu.memory_space<semaphore_mem>>) src(%dma_wait3A_720 : memref<100000x64xf32, #tpu.memory_space<hbm>>) dst(%dma_wait3A_714 : memref<128x64xf32, #tpu.memory_space<vmem>>)
      %dma_wait3A_721 = arith.constant 1 : i32
      %dma_wait3A_722 = arith.constant 0 : i32
      %dma_wait3A_723 = arith.constant 0 : i32
      %dma_wait3A_724 = arith.constant 0 : i32
      %dma_wait3A_725 = tpu.memref_slice %arg9[%dma_wait3A_721, %dma_wait3A_723, %dma_wait3A_724] : memref<4x64x129xf32, #tpu.memory_space<vmem>> -> memref<1x64x128xf32, #tpu.memory_space<vmem>>
      %dma_wait3A_726 = tpu.memref_squeeze %dma_wait3A_725 : memref<1x64x128xf32, #tpu.memory_space<vmem>> -> memref<64x128xf32, #tpu.memory_space<vmem>>
      %dma_wait3A_727 = arith.constant 0 : i32
      %dma_wait3A_728 = tpu.memref_slice %arg5[%dma_wait3A_722, %dma_wait3A_727, %mul3A_2] : memref<200x64x4096xf32, #tpu.memory_space<hbm>> -> memref<1x64x128xf32, #tpu.memory_space<hbm>>
      %dma_wait3A_729 = tpu.memref_squeeze %dma_wait3A_728 : memref<1x64x128xf32, #tpu.memory_space<hbm>> -> memref<64x128xf32, #tpu.memory_space<hbm>>
      %dma_wait3A_730 = arith.constant 0 : i32
      %dma_wait3A_731 = tpu.memref_slice %arg5[%dma_wait3A_722, %dma_wait3A_730, %mul3A_2] : memref<200x64x4096xf32, #tpu.memory_space<hbm>> -> memref<1x64x128xf32, #tpu.memory_space<hbm>>
      %dma_wait3A_732 = tpu.memref_squeeze %dma_wait3A_731 : memref<1x64x128xf32, #tpu.memory_space<hbm>> -> memref<64x128xf32, #tpu.memory_space<hbm>>
      %dma_wait3A_733 = arith.constant 0 : i32
      %dma_wait3A_734 = arith.constant 0 : i32
      %dma_wait3A_735 = tpu.memref_slice %arg9[%dma_wait3A_721, %dma_wait3A_733, %dma_wait3A_734] : memref<4x64x129xf32, #tpu.memory_space<vmem>> -> memref<1x64x128xf32, #tpu.memory_space<vmem>>
      %dma_wait3A_736 = tpu.memref_squeeze %dma_wait3A_735 : memref<1x64x128xf32, #tpu.memory_space<vmem>> -> memref<64x128xf32, #tpu.memory_space<vmem>>
      tpu.wait_dma2 semaphore(%arg15 : memref<!tpu.dma_semaphore, #tpu.memory_space<semaphore_mem>>) src(%dma_wait3A_736 : memref<64x128xf32, #tpu.memory_space<vmem>>) dst(%dma_wait3A_732 : memref<64x128xf32, #tpu.memory_space<hbm>>)
      %get3A_737 = arith.index_cast %add3A_695 : i32 to index
      %get3A_738 = arith.constant 0 : index
      %get3A_739 = tpu.vector_load %arg7[%get3A_737, %get3A_738] {strides = array<i32>} : memref<200x64xf32, #tpu.memory_space<vmem>>, vector<16xf32>,
      %get3A_740 = arith.index_cast %add3A_695 : i32 to index
      %get3A_741 = arith.constant 16 : index
      %get3A_742 = tpu.vector_load %arg7[%get3A_740, %get3A_741] {strides = array<i32>} : memref<200x64xf32, #tpu.memory_space<vmem>>, vector<16xf32>,
      %get3A_743 = arith.index_cast %add3A_695 : i32 to index
      %get3A_744 = arith.constant 32 : index
      %get3A_745 = tpu.vector_load %arg7[%get3A_743, %get3A_744] {strides = array<i32>} : memref<200x64xf32, #tpu.memory_space<vmem>>, vector<16xf32>,
      %get3A_746 = arith.index_cast %add3A_695 : i32 to index
      %get3A_747 = arith.constant 48 : index
      %get3A_748 = tpu.vector_load %arg7[%get3A_746, %get3A_747] {strides = array<i32>} : memref<200x64xf32, #tpu.memory_space<vmem>>, vector<16xf32>,
      %parallel_loop3A_749 = arith.constant 0 : i32
      %parallel_loop3A_750 = arith.constant 128 : i32
      %parallel_loop3A_751 = arith.constant 1 : i32
      scf.for %parallel_loop3A_913 = %parallel_loop3A_749 to %parallel_loop3A_750 step %parallel_loop3A_751  : i32 {
        %parallel_loop3A_914 = vector.broadcast %parallel_loop3A_913 : i32 to vector<16xi32>
        %parallel_loop3A_915 = arith.constant 1 : i32
        %parallel_loop3A_916 = arith.index_cast %parallel_loop3A_915 : i32 to index
        %parallel_loop3A_917 = arith.index_cast %parallel_loop3A_913 : i32 to index
        %parallel_loop3A_918 = arith.constant 0 : index
        %parallel_loop3A_919 = tpu.vector_load %arg8[%parallel_loop3A_916, %parallel_loop3A_917, %parallel_loop3A_918] {strides = array<i32>} : memref<4x128x64xf32, #tpu.memory_space<vmem>>, vector<16xf32>,
        %parallel_loop3A_920 = arith.addf %parallel_loop3A_919, %get3A_739 : vector<16xf32>
        %parallel_loop3A_921 = arith.constant 1 : i32
        %parallel_loop3A_922 = arith.constant 0 : i32
        %parallel_loop3A_923 = arith.constant 0 : i32
        %parallel_loop3A_924 = tpu.memref_slice %arg9[%parallel_loop3A_921, %parallel_loop3A_922, %parallel_loop3A_923] : memref<4x64x129xf32, #tpu.memory_space<vmem>> -> memref<1x64x129xf32, #tpu.memory_space<vmem>>
        %parallel_loop3A_925 = tpu.memref_squeeze %parallel_loop3A_924 : memref<1x64x129xf32, #tpu.memory_space<vmem>> -> memref<64x129xf32, #tpu.memory_space<vmem>>
        tpu.vector_store_idx %parallel_loop3A_925[%add3A_5, %parallel_loop3A_914], %parallel_loop3A_920 : memref<64x129xf32, #tpu.memory_space<vmem>>[vector<16xi32>, vector<16xi32>], vector<16xf32>,
        %parallel_loop3A_926 = arith.constant 1 : i32
        %parallel_loop3A_927 = arith.index_cast %parallel_loop3A_926 : i32 to index
        %parallel_loop3A_928 = arith.index_cast %parallel_loop3A_913 : i32 to index
        %parallel_loop3A_929 = arith.constant 16 : index
        %parallel_loop3A_930 = tpu.vector_load %arg8[%parallel_loop3A_927, %parallel_loop3A_928, %parallel_loop3A_929] {strides = array<i32>} : memref<4x128x64xf32, #tpu.memory_space<vmem>>, vector<16xf32>,
        %parallel_loop3A_931 = arith.addf %parallel_loop3A_930, %get3A_742 : vector<16xf32>
        %parallel_loop3A_932 = arith.constant 1 : i32
        %parallel_loop3A_933 = arith.constant 0 : i32
        %parallel_loop3A_934 = arith.constant 0 : i32
        %parallel_loop3A_935 = tpu.memref_slice %arg9[%parallel_loop3A_932, %parallel_loop3A_933, %parallel_loop3A_934] : memref<4x64x129xf32, #tpu.memory_space<vmem>> -> memref<1x64x129xf32, #tpu.memory_space<vmem>>
        %parallel_loop3A_936 = tpu.memref_squeeze %parallel_loop3A_935 : memref<1x64x129xf32, #tpu.memory_space<vmem>> -> memref<64x129xf32, #tpu.memory_space<vmem>>
        tpu.vector_store_idx %parallel_loop3A_936[%add3A_8, %parallel_loop3A_914], %parallel_loop3A_931 : memref<64x129xf32, #tpu.memory_space<vmem>>[vector<16xi32>, vector<16xi32>], vector<16xf32>,
        %parallel_loop3A_937 = arith.constant 1 : i32
        %parallel_loop3A_938 = arith.index_cast %parallel_loop3A_937 : i32 to index
        %parallel_loop3A_939 = arith.index_cast %parallel_loop3A_913 : i32 to index
        %parallel_loop3A_940 = arith.constant 32 : index
        %parallel_loop3A_941 = tpu.vector_load %arg8[%parallel_loop3A_938, %parallel_loop3A_939, %parallel_loop3A_940] {strides = array<i32>} : memref<4x128x64xf32, #tpu.memory_space<vmem>>, vector<16xf32>,
        %parallel_loop3A_942 = arith.addf %parallel_loop3A_941, %get3A_745 : vector<16xf32>
        %parallel_loop3A_943 = arith.constant 1 : i32
        %parallel_loop3A_944 = arith.constant 0 : i32
        %parallel_loop3A_945 = arith.constant 0 : i32
        %parallel_loop3A_946 = tpu.memref_slice %arg9[%parallel_loop3A_943, %parallel_loop3A_944, %parallel_loop3A_945] : memref<4x64x129xf32, #tpu.memory_space<vmem>> -> memref<1x64x129xf32, #tpu.memory_space<vmem>>
        %parallel_loop3A_947 = tpu.memref_squeeze %parallel_loop3A_946 : memref<1x64x129xf32, #tpu.memory_space<vmem>> -> memref<64x129xf32, #tpu.memory_space<vmem>>
        tpu.vector_store_idx %parallel_loop3A_947[%add3A_11, %parallel_loop3A_914], %parallel_loop3A_942 : memref<64x129xf32, #tpu.memory_space<vmem>>[vector<16xi32>, vector<16xi32>], vector<16xf32>,
        %parallel_loop3A_948 = arith.constant 1 : i32
        %parallel_loop3A_949 = arith.index_cast %parallel_loop3A_948 : i32 to index
        %parallel_loop3A_950 = arith.index_cast %parallel_loop3A_913 : i32 to index
        %parallel_loop3A_951 = arith.constant 48 : index
        %parallel_loop3A_952 = tpu.vector_load %arg8[%parallel_loop3A_949, %parallel_loop3A_950, %parallel_loop3A_951] {strides = array<i32>} : memref<4x128x64xf32, #tpu.memory_space<vmem>>, vector<16xf32>,
        %parallel_loop3A_953 = arith.addf %parallel_loop3A_952, %get3A_748 : vector<16xf32>
        %parallel_loop3A_954 = arith.constant 1 : i32
        %parallel_loop3A_955 = arith.constant 0 : i32
        %parallel_loop3A_956 = arith.constant 0 : i32
        %parallel_loop3A_957 = tpu.memref_slice %arg9[%parallel_loop3A_954, %parallel_loop3A_955, %parallel_loop3A_956] : memref<4x64x129xf32, #tpu.memory_space<vmem>> -> memref<1x64x129xf32, #tpu.memory_space<vmem>>
        %parallel_loop3A_958 = tpu.memref_squeeze %parallel_loop3A_957 : memref<1x64x129xf32, #tpu.memory_space<vmem>> -> memref<64x129xf32, #tpu.memory_space<vmem>>
        tpu.vector_store_idx %parallel_loop3A_958[%add3A_14, %parallel_loop3A_914], %parallel_loop3A_953 : memref<64x129xf32, #tpu.memory_space<vmem>>[vector<16xi32>, vector<16xi32>], vector<16xf32>,
      } {sc.loop_unroll_factor = 4 : i64, sc.parallel_access}
      %dma_start3A_752 = arith.constant 1 : i32
      %dma_start3A_753 = arith.constant 0 : i32
      %dma_start3A_754 = arith.constant 0 : i32
      %dma_start3A_755 = tpu.memref_slice %arg9[%dma_start3A_752, %dma_start3A_753, %dma_start3A_754] : memref<4x64x129xf32, #tpu.memory_space<vmem>> -> memref<1x64x128xf32, #tpu.memory_space<vmem>>
      %dma_start3A_756 = tpu.memref_squeeze %dma_start3A_755 : memref<1x64x128xf32, #tpu.memory_space<vmem>> -> memref<64x128xf32, #tpu.memory_space<vmem>>
      %dma_start3A_757 = arith.constant 0 : i32
      %dma_start3A_758 = tpu.memref_slice %arg5[%add3A_695, %dma_start3A_757, %mul3A_2] : memref<200x64x4096xf32, #tpu.memory_space<hbm>> -> memref<1x64x128xf32, #tpu.memory_space<hbm>>
      %dma_start3A_759 = tpu.memref_squeeze %dma_start3A_758 : memref<1x64x128xf32, #tpu.memory_space<hbm>> -> memref<64x128xf32, #tpu.memory_space<hbm>>
      %dma_start3A_760 = arith.constant 0 : i32
      %dma_start3A_761 = tpu.memref_slice %arg5[%add3A_695, %dma_start3A_760, %mul3A_2] : memref<200x64x4096xf32, #tpu.memory_space<hbm>> -> memref<1x64x128xf32, #tpu.memory_space<hbm>>
      %dma_start3A_762 = tpu.memref_squeeze %dma_start3A_761 : memref<1x64x128xf32, #tpu.memory_space<hbm>> -> memref<64x128xf32, #tpu.memory_space<hbm>>
      %dma_start3A_763 = arith.constant 0 : i32
      %dma_start3A_764 = arith.constant 0 : i32
      %dma_start3A_765 = tpu.memref_slice %arg9[%dma_start3A_752, %dma_start3A_763, %dma_start3A_764] : memref<4x64x129xf32, #tpu.memory_space<vmem>> -> memref<1x64x128xf32, #tpu.memory_space<vmem>>
      %dma_start3A_766 = tpu.memref_squeeze %dma_start3A_765 : memref<1x64x128xf32, #tpu.memory_space<vmem>> -> memref<64x128xf32, #tpu.memory_space<vmem>>
      tpu.enqueue_dma source(%dma_start3A_766 : memref<64x128xf32, #tpu.memory_space<vmem>>) target(%dma_start3A_762 : memref<64x128xf32, #tpu.memory_space<hbm>>) target_semaphore(%arg15 : memref<!tpu.dma_semaphore, #tpu.memory_space<semaphore_mem>>)
      %add3A_767 = arith.constant 2 : i32
      %add3A_768 = arith.addi %add3A_620, %add3A_767 : i32
      %add3A_769 = arith.constant 3 : i32
      %add3A_770 = arith.addi %add3A_768, %add3A_769 : i32
      %dma_start3A_771 = arith.constant 1 : i32
      %dma_start3A_772 = arith.constant 0 : i32
      %dma_start3A_773 = arith.constant 0 : i32
      %dma_start3A_774 = tpu.memref_slice %arg8[%dma_start3A_771, %dma_start3A_772, %dma_start3A_773] : memref<4x128x64xf32, #tpu.memory_space<vmem>> -> memref<1x128x64xf32, #tpu.memory_space<vmem>>
      %dma_start3A_775 = tpu.memref_squeeze %dma_start3A_774 : memref<1x128x64xf32, #tpu.memory_space<vmem>> -> memref<128x64xf32, #tpu.memory_space<vmem>>
      %dma_start3A_776 = arith.constant 0 : i32
      %dma_start3A_777 = tpu.memref_slice %arg6[%add3A_770, %dma_start3A_776] : memref<200x128xi32, #tpu.memory_space<vmem>> -> memref<1x128xi32, #tpu.memory_space<vmem>>
      %dma_start3A_778 = tpu.memref_squeeze %dma_start3A_777 : memref<1x128xi32, #tpu.memory_space<vmem>> -> memref<128xi32, #tpu.memory_space<vmem>>
      %dma_start3A_779 = arith.constant 0 : i32
      %dma_start3A_780 = arith.constant 0 : i32
      %dma_start3A_781 = tpu.memref_slice %arg3[%dma_start3A_779, %dma_start3A_780] : memref<100000x64xf32, #tpu.memory_space<hbm>> -> memref<100000x64xf32, #tpu.memory_space<hbm>>
      tpu.enqueue_indirect_dma source(%dma_start3A_781 : memref<100000x64xf32, #tpu.memory_space<hbm>>) target(%dma_start3A_775 : memref<128x64xf32, #tpu.memory_space<vmem>>) offsets(%dma_start3A_778 : memref<128xi32, #tpu.memory_space<vmem>>) semaphore(%arg11 : memref<!tpu.dma_semaphore, #tpu.memory_space<semaphore_mem>>)
      %dma_wait3A_782 = arith.constant 0 : i32
      %dma_wait3A_783 = arith.constant 2 : i32
      %dma_wait3A_784 = arith.constant 0 : i32
      %dma_wait3A_785 = arith.constant 0 : i32
      %dma_wait3A_786 = tpu.memref_slice %arg8[%dma_wait3A_783, %dma_wait3A_784, %dma_wait3A_785] : memref<4x128x64xf32, #tpu.memory_space<vmem>> -> memref<1x128x64xf32, #tpu.memory_space<vmem>>
      %dma_wait3A_787 = tpu.memref_squeeze %dma_wait3A_786 : memref<1x128x64xf32, #tpu.memory_space<vmem>> -> memref<128x64xf32, #tpu.memory_space<vmem>>
      %dma_wait3A_788 = arith.constant 0 : i32
      %dma_wait3A_789 = tpu.memref_slice %arg6[%dma_wait3A_782, %dma_wait3A_788] : memref<200x128xi32, #tpu.memory_space<vmem>> -> memref<1x128xi32, #tpu.memory_space<vmem>>
      %dma_wait3A_790 = tpu.memref_squeeze %dma_wait3A_789 : memref<1x128xi32, #tpu.memory_space<vmem>> -> memref<128xi32, #tpu.memory_space<vmem>>
      %dma_wait3A_791 = arith.constant 0 : i32
      %dma_wait3A_792 = arith.constant 0 : i32
      %dma_wait3A_793 = tpu.memref_slice %arg3[%dma_wait3A_791, %dma_wait3A_792] : memref<100000x64xf32, #tpu.memory_space<hbm>> -> memref<100000x64xf32, #tpu.memory_space<hbm>>
      tpu.wait_indirect_dma semaphore(%arg12 : memref<!tpu.dma_semaphore, #tpu.memory_space<semaphore_mem>>) src(%dma_wait3A_793 : memref<100000x64xf32, #tpu.memory_space<hbm>>) dst(%dma_wait3A_787 : memref<128x64xf32, #tpu.memory_space<vmem>>)
      %dma_wait3A_794 = arith.constant 2 : i32
      %dma_wait3A_795 = arith.constant 0 : i32
      %dma_wait3A_796 = arith.constant 0 : i32
      %dma_wait3A_797 = arith.constant 0 : i32
      %dma_wait3A_798 = tpu.memref_slice %arg9[%dma_wait3A_794, %dma_wait3A_796, %dma_wait3A_797] : memref<4x64x129xf32, #tpu.memory_space<vmem>> -> memref<1x64x128xf32, #tpu.memory_space<vmem>>
      %dma_wait3A_799 = tpu.memref_squeeze %dma_wait3A_798 : memref<1x64x128xf32, #tpu.memory_space<vmem>> -> memref<64x128xf32, #tpu.memory_space<vmem>>
      %dma_wait3A_800 = arith.constant 0 : i32
      %dma_wait3A_801 = tpu.memref_slice %arg5[%dma_wait3A_795, %dma_wait3A_800, %mul3A_2] : memref<200x64x4096xf32, #tpu.memory_space<hbm>> -> memref<1x64x128xf32, #tpu.memory_space<hbm>>
      %dma_wait3A_802 = tpu.memref_squeeze %dma_wait3A_801 : memref<1x64x128xf32, #tpu.memory_space<hbm>> -> memref<64x128xf32, #tpu.memory_space<hbm>>
      %dma_wait3A_803 = arith.constant 0 : i32
      %dma_wait3A_804 = tpu.memref_slice %arg5[%dma_wait3A_795, %dma_wait3A_803, %mul3A_2] : memref<200x64x4096xf32, #tpu.memory_space<hbm>> -> memref<1x64x128xf32, #tpu.memory_space<hbm>>
      %dma_wait3A_805 = tpu.memref_squeeze %dma_wait3A_804 : memref<1x64x128xf32, #tpu.memory_space<hbm>> -> memref<64x128xf32, #tpu.memory_space<hbm>>
      %dma_wait3A_806 = arith.constant 0 : i32
      %dma_wait3A_807 = arith.constant 0 : i32
      %dma_wait3A_808 = tpu.memref_slice %arg9[%dma_wait3A_794, %dma_wait3A_806, %dma_wait3A_807] : memref<4x64x129xf32, #tpu.memory_space<vmem>> -> memref<1x64x128xf32, #tpu.memory_space<vmem>>
      %dma_wait3A_809 = tpu.memref_squeeze %dma_wait3A_808 : memref<1x64x128xf32, #tpu.memory_space<vmem>> -> memref<64x128xf32, #tpu.memory_space<vmem>>
      tpu.wait_dma2 semaphore(%arg16 : memref<!tpu.dma_semaphore, #tpu.memory_space<semaphore_mem>>) src(%dma_wait3A_809 : memref<64x128xf32, #tpu.memory_space<vmem>>) dst(%dma_wait3A_805 : memref<64x128xf32, #tpu.memory_space<hbm>>)
      %get3A_810 = arith.index_cast %add3A_768 : i32 to index
      %get3A_811 = arith.constant 0 : index
      %get3A_812 = tpu.vector_load %arg7[%get3A_810, %get3A_811] {strides = array<i32>} : memref<200x64xf32, #tpu.memory_space<vmem>>, vector<16xf32>,
      %get3A_813 = arith.index_cast %add3A_768 : i32 to index
      %get3A_814 = arith.constant 16 : index
      %get3A_815 = tpu.vector_load %arg7[%get3A_813, %get3A_814] {strides = array<i32>} : memref<200x64xf32, #tpu.memory_space<vmem>>, vector<16xf32>,
      %get3A_816 = arith.index_cast %add3A_768 : i32 to index
      %get3A_817 = arith.constant 32 : index
      %get3A_818 = tpu.vector_load %arg7[%get3A_816, %get3A_817] {strides = array<i32>} : memref<200x64xf32, #tpu.memory_space<vmem>>, vector<16xf32>,
      %get3A_819 = arith.index_cast %add3A_768 : i32 to index
      %get3A_820 = arith.constant 48 : index
      %get3A_821 = tpu.vector_load %arg7[%get3A_819, %get3A_820] {strides = array<i32>} : memref<200x64xf32, #tpu.memory_space<vmem>>, vector<16xf32>,
      %parallel_loop3A_822 = arith.constant 0 : i32
      %parallel_loop3A_823 = arith.constant 128 : i32
      %parallel_loop3A_824 = arith.constant 1 : i32
      scf.for %parallel_loop3A_913 = %parallel_loop3A_822 to %parallel_loop3A_823 step %parallel_loop3A_824  : i32 {
        %parallel_loop3A_914 = vector.broadcast %parallel_loop3A_913 : i32 to vector<16xi32>
        %parallel_loop3A_915 = arith.constant 2 : i32
        %parallel_loop3A_916 = arith.index_cast %parallel_loop3A_915 : i32 to index
        %parallel_loop3A_917 = arith.index_cast %parallel_loop3A_913 : i32 to index
        %parallel_loop3A_918 = arith.constant 0 : index
        %parallel_loop3A_919 = tpu.vector_load %arg8[%parallel_loop3A_916, %parallel_loop3A_917, %parallel_loop3A_918] {strides = array<i32>} : memref<4x128x64xf32, #tpu.memory_space<vmem>>, vector<16xf32>,
        %parallel_loop3A_920 = arith.addf %parallel_loop3A_919, %get3A_812 : vector<16xf32>
        %parallel_loop3A_921 = arith.constant 2 : i32
        %parallel_loop3A_922 = arith.constant 0 : i32
        %parallel_loop3A_923 = arith.constant 0 : i32
        %parallel_loop3A_924 = tpu.memref_slice %arg9[%parallel_loop3A_921, %parallel_loop3A_922, %parallel_loop3A_923] : memref<4x64x129xf32, #tpu.memory_space<vmem>> -> memref<1x64x129xf32, #tpu.memory_space<vmem>>
        %parallel_loop3A_925 = tpu.memref_squeeze %parallel_loop3A_924 : memref<1x64x129xf32, #tpu.memory_space<vmem>> -> memref<64x129xf32, #tpu.memory_space<vmem>>
        tpu.vector_store_idx %parallel_loop3A_925[%add3A_5, %parallel_loop3A_914], %parallel_loop3A_920 : memref<64x129xf32, #tpu.memory_space<vmem>>[vector<16xi32>, vector<16xi32>], vector<16xf32>,
        %parallel_loop3A_926 = arith.constant 2 : i32
        %parallel_loop3A_927 = arith.index_cast %parallel_loop3A_926 : i32 to index
        %parallel_loop3A_928 = arith.index_cast %parallel_loop3A_913 : i32 to index
        %parallel_loop3A_929 = arith.constant 16 : index
        %parallel_loop3A_930 = tpu.vector_load %arg8[%parallel_loop3A_927, %parallel_loop3A_928, %parallel_loop3A_929] {strides = array<i32>} : memref<4x128x64xf32, #tpu.memory_space<vmem>>, vector<16xf32>,
        %parallel_loop3A_931 = arith.addf %parallel_loop3A_930, %get3A_815 : vector<16xf32>
        %parallel_loop3A_932 = arith.constant 2 : i32
        %parallel_loop3A_933 = arith.constant 0 : i32
        %parallel_loop3A_934 = arith.constant 0 : i32
        %parallel_loop3A_935 = tpu.memref_slice %arg9[%parallel_loop3A_932, %parallel_loop3A_933, %parallel_loop3A_934] : memref<4x64x129xf32, #tpu.memory_space<vmem>> -> memref<1x64x129xf32, #tpu.memory_space<vmem>>
        %parallel_loop3A_936 = tpu.memref_squeeze %parallel_loop3A_935 : memref<1x64x129xf32, #tpu.memory_space<vmem>> -> memref<64x129xf32, #tpu.memory_space<vmem>>
        tpu.vector_store_idx %parallel_loop3A_936[%add3A_8, %parallel_loop3A_914], %parallel_loop3A_931 : memref<64x129xf32, #tpu.memory_space<vmem>>[vector<16xi32>, vector<16xi32>], vector<16xf32>,
        %parallel_loop3A_937 = arith.constant 2 : i32
        %parallel_loop3A_938 = arith.index_cast %parallel_loop3A_937 : i32 to index
        %parallel_loop3A_939 = arith.index_cast %parallel_loop3A_913 : i32 to index
        %parallel_loop3A_940 = arith.constant 32 : index
        %parallel_loop3A_941 = tpu.vector_load %arg8[%parallel_loop3A_938, %parallel_loop3A_939, %parallel_loop3A_940] {strides = array<i32>} : memref<4x128x64xf32, #tpu.memory_space<vmem>>, vector<16xf32>,
        %parallel_loop3A_942 = arith.addf %parallel_loop3A_941, %get3A_818 : vector<16xf32>
        %parallel_loop3A_943 = arith.constant 2 : i32
        %parallel_loop3A_944 = arith.constant 0 : i32
        %parallel_loop3A_945 = arith.constant 0 : i32
        %parallel_loop3A_946 = tpu.memref_slice %arg9[%parallel_loop3A_943, %parallel_loop3A_944, %parallel_loop3A_945] : memref<4x64x129xf32, #tpu.memory_space<vmem>> -> memref<1x64x129xf32, #tpu.memory_space<vmem>>
        %parallel_loop3A_947 = tpu.memref_squeeze %parallel_loop3A_946 : memref<1x64x129xf32, #tpu.memory_space<vmem>> -> memref<64x129xf32, #tpu.memory_space<vmem>>
        tpu.vector_store_idx %parallel_loop3A_947[%add3A_11, %parallel_loop3A_914], %parallel_loop3A_942 : memref<64x129xf32, #tpu.memory_space<vmem>>[vector<16xi32>, vector<16xi32>], vector<16xf32>,
        %parallel_loop3A_948 = arith.constant 2 : i32
        %parallel_loop3A_949 = arith.index_cast %parallel_loop3A_948 : i32 to index
        %parallel_loop3A_950 = arith.index_cast %parallel_loop3A_913 : i32 to index
        %parallel_loop3A_951 = arith.constant 48 : index
        %parallel_loop3A_952 = tpu.vector_load %arg8[%parallel_loop3A_949, %parallel_loop3A_950, %parallel_loop3A_951] {strides = array<i32>} : memref<4x128x64xf32, #tpu.memory_space<vmem>>, vector<16xf32>,
        %parallel_loop3A_953 = arith.addf %parallel_loop3A_952, %get3A_821 : vector<16xf32>
        %parallel_loop3A_954 = arith.constant 2 : i32
        %parallel_loop3A_955 = arith.constant 0 : i32
        %parallel_loop3A_956 = arith.constant 0 : i32
        %parallel_loop3A_957 = tpu.memref_slice %arg9[%parallel_loop3A_954, %parallel_loop3A_955, %parallel_loop3A_956] : memref<4x64x129xf32, #tpu.memory_space<vmem>> -> memref<1x64x129xf32, #tpu.memory_space<vmem>>
        %parallel_loop3A_958 = tpu.memref_squeeze %parallel_loop3A_957 : memref<1x64x129xf32, #tpu.memory_space<vmem>> -> memref<64x129xf32, #tpu.memory_space<vmem>>
        tpu.vector_store_idx %parallel_loop3A_958[%add3A_14, %parallel_loop3A_914], %parallel_loop3A_953 : memref<64x129xf32, #tpu.memory_space<vmem>>[vector<16xi32>, vector<16xi32>], vector<16xf32>,
      } {sc.loop_unroll_factor = 4 : i64, sc.parallel_access}
      %dma_start3A_825 = arith.constant 2 : i32
      %dma_start3A_826 = arith.constant 0 : i32
      %dma_start3A_827 = arith.constant 0 : i32
      %dma_start3A_828 = tpu.memref_slice %arg9[%dma_start3A_825, %dma_start3A_826, %dma_start3A_827] : memref<4x64x129xf32, #tpu.memory_space<vmem>> -> memref<1x64x128xf32, #tpu.memory_space<vmem>>
      %dma_start3A_829 = tpu.memref_squeeze %dma_start3A_828 : memref<1x64x128xf32, #tpu.memory_space<vmem>> -> memref<64x128xf32, #tpu.memory_space<vmem>>
      %dma_start3A_830 = arith.constant 0 : i32
      %dma_start3A_831 = tpu.memref_slice %arg5[%add3A_768, %dma_start3A_830, %mul3A_2] : memref<200x64x4096xf32, #tpu.memory_space<hbm>> -> memref<1x64x128xf32, #tpu.memory_space<hbm>>
      %dma_start3A_832 = tpu.memref_squeeze %dma_start3A_831 : memref<1x64x128xf32, #tpu.memory_space<hbm>> -> memref<64x128xf32, #tpu.memory_space<hbm>>
      %dma_start3A_833 = arith.constant 0 : i32
      %dma_start3A_834 = tpu.memref_slice %arg5[%add3A_768, %dma_start3A_833, %mul3A_2] : memref<200x64x4096xf32, #tpu.memory_space<hbm>> -> memref<1x64x128xf32, #tpu.memory_space<hbm>>
      %dma_start3A_835 = tpu.memref_squeeze %dma_start3A_834 : memref<1x64x128xf32, #tpu.memory_space<hbm>> -> memref<64x128xf32, #tpu.memory_space<hbm>>
      %dma_start3A_836 = arith.constant 0 : i32
      %dma_start3A_837 = arith.constant 0 : i32
      %dma_start3A_838 = tpu.memref_slice %arg9[%dma_start3A_825, %dma_start3A_836, %dma_start3A_837] : memref<4x64x129xf32, #tpu.memory_space<vmem>> -> memref<1x64x128xf32, #tpu.memory_space<vmem>>
      %dma_start3A_839 = tpu.memref_squeeze %dma_start3A_838 : memref<1x64x128xf32, #tpu.memory_space<vmem>> -> memref<64x128xf32, #tpu.memory_space<vmem>>
      tpu.enqueue_dma source(%dma_start3A_839 : memref<64x128xf32, #tpu.memory_space<vmem>>) target(%dma_start3A_835 : memref<64x128xf32, #tpu.memory_space<hbm>>) target_semaphore(%arg16 : memref<!tpu.dma_semaphore, #tpu.memory_space<semaphore_mem>>)
      %add3A_840 = arith.constant 3 : i32
      %add3A_841 = arith.addi %add3A_620, %add3A_840 : i32
      %add3A_842 = arith.constant 3 : i32
      %add3A_843 = arith.addi %add3A_841, %add3A_842 : i32
      %dma_start3A_844 = arith.constant 2 : i32
      %dma_start3A_845 = arith.constant 0 : i32
      %dma_start3A_846 = arith.constant 0 : i32
      %dma_start3A_847 = tpu.memref_slice %arg8[%dma_start3A_844, %dma_start3A_845, %dma_start3A_846] : memref<4x128x64xf32, #tpu.memory_space<vmem>> -> memref<1x128x64xf32, #tpu.memory_space<vmem>>
      %dma_start3A_848 = tpu.memref_squeeze %dma_start3A_847 : memref<1x128x64xf32, #tpu.memory_space<vmem>> -> memref<128x64xf32, #tpu.memory_space<vmem>>
      %dma_start3A_849 = arith.constant 0 : i32
      %dma_start3A_850 = tpu.memref_slice %arg6[%add3A_843, %dma_start3A_849] : memref<200x128xi32, #tpu.memory_space<vmem>> -> memref<1x128xi32, #tpu.memory_space<vmem>>
      %dma_start3A_851 = tpu.memref_squeeze %dma_start3A_850 : memref<1x128xi32, #tpu.memory_space<vmem>> -> memref<128xi32, #tpu.memory_space<vmem>>
      %dma_start3A_852 = arith.constant 0 : i32
      %dma_start3A_853 = arith.constant 0 : i32
      %dma_start3A_854 = tpu.memref_slice %arg3[%dma_start3A_852, %dma_start3A_853] : memref<100000x64xf32, #tpu.memory_space<hbm>> -> memref<100000x64xf32, #tpu.memory_space<hbm>>
      tpu.enqueue_indirect_dma source(%dma_start3A_854 : memref<100000x64xf32, #tpu.memory_space<hbm>>) target(%dma_start3A_848 : memref<128x64xf32, #tpu.memory_space<vmem>>) offsets(%dma_start3A_851 : memref<128xi32, #tpu.memory_space<vmem>>) semaphore(%arg12 : memref<!tpu.dma_semaphore, #tpu.memory_space<semaphore_mem>>)
      %dma_wait3A_855 = arith.constant 0 : i32
      %dma_wait3A_856 = arith.constant 3 : i32
      %dma_wait3A_857 = arith.constant 0 : i32
      %dma_wait3A_858 = arith.constant 0 : i32
      %dma_wait3A_859 = tpu.memref_slice %arg8[%dma_wait3A_856, %dma_wait3A_857, %dma_wait3A_858] : memref<4x128x64xf32, #tpu.memory_space<vmem>> -> memref<1x128x64xf32, #tpu.memory_space<vmem>>
      %dma_wait3A_860 = tpu.memref_squeeze %dma_wait3A_859 : memref<1x128x64xf32, #tpu.memory_space<vmem>> -> memref<128x64xf32, #tpu.memory_space<vmem>>
      %dma_wait3A_861 = arith.constant 0 : i32
      %dma_wait3A_862 = tpu.memref_slice %arg6[%dma_wait3A_855, %dma_wait3A_861] : memref<200x128xi32, #tpu.memory_space<vmem>> -> memref<1x128xi32, #tpu.memory_space<vmem>>
      %dma_wait3A_863 = tpu.memref_squeeze %dma_wait3A_862 : memref<1x128xi32, #tpu.memory_space<vmem>> -> memref<128xi32, #tpu.memory_space<vmem>>
      %dma_wait3A_864 = arith.constant 0 : i32
      %dma_wait3A_865 = arith.constant 0 : i32
      %dma_wait3A_866 = tpu.memref_slice %arg3[%dma_wait3A_864, %dma_wait3A_865] : memref<100000x64xf32, #tpu.memory_space<hbm>> -> memref<100000x64xf32, #tpu.memory_space<hbm>>
      tpu.wait_indirect_dma semaphore(%arg13 : memref<!tpu.dma_semaphore, #tpu.memory_space<semaphore_mem>>) src(%dma_wait3A_866 : memref<100000x64xf32, #tpu.memory_space<hbm>>) dst(%dma_wait3A_860 : memref<128x64xf32, #tpu.memory_space<vmem>>)
      %dma_wait3A_867 = arith.constant 3 : i32
      %dma_wait3A_868 = arith.constant 0 : i32
      %dma_wait3A_869 = arith.constant 0 : i32
      %dma_wait3A_870 = arith.constant 0 : i32
      %dma_wait3A_871 = tpu.memref_slice %arg9[%dma_wait3A_867, %dma_wait3A_869, %dma_wait3A_870] : memref<4x64x129xf32, #tpu.memory_space<vmem>> -> memref<1x64x128xf32, #tpu.memory_space<vmem>>
      %dma_wait3A_872 = tpu.memref_squeeze %dma_wait3A_871 : memref<1x64x128xf32, #tpu.memory_space<vmem>> -> memref<64x128xf32, #tpu.memory_space<vmem>>
      %dma_wait3A_873 = arith.constant 0 : i32
      %dma_wait3A_874 = tpu.memref_slice %arg5[%dma_wait3A_868, %dma_wait3A_873, %mul3A_2] : memref<200x64x4096xf32, #tpu.memory_space<hbm>> -> memref<1x64x128xf32, #tpu.memory_space<hbm>>
      %dma_wait3A_875 = tpu.memref_squeeze %dma_wait3A_874 : memref<1x64x128xf32, #tpu.memory_space<hbm>> -> memref<64x128xf32, #tpu.memory_space<hbm>>
      %dma_wait3A_876 = arith.constant 0 : i32
      %dma_wait3A_877 = tpu.memref_slice %arg5[%dma_wait3A_868, %dma_wait3A_876, %mul3A_2] : memref<200x64x4096xf32, #tpu.memory_space<hbm>> -> memref<1x64x128xf32, #tpu.memory_space<hbm>>
      %dma_wait3A_878 = tpu.memref_squeeze %dma_wait3A_877 : memref<1x64x128xf32, #tpu.memory_space<hbm>> -> memref<64x128xf32, #tpu.memory_space<hbm>>
      %dma_wait3A_879 = arith.constant 0 : i32
      %dma_wait3A_880 = arith.constant 0 : i32
      %dma_wait3A_881 = tpu.memref_slice %arg9[%dma_wait3A_867, %dma_wait3A_879, %dma_wait3A_880] : memref<4x64x129xf32, #tpu.memory_space<vmem>> -> memref<1x64x128xf32, #tpu.memory_space<vmem>>
      %dma_wait3A_882 = tpu.memref_squeeze %dma_wait3A_881 : memref<1x64x128xf32, #tpu.memory_space<vmem>> -> memref<64x128xf32, #tpu.memory_space<vmem>>
      tpu.wait_dma2 semaphore(%arg17 : memref<!tpu.dma_semaphore, #tpu.memory_space<semaphore_mem>>) src(%dma_wait3A_882 : memref<64x128xf32, #tpu.memory_space<vmem>>) dst(%dma_wait3A_878 : memref<64x128xf32, #tpu.memory_space<hbm>>)
      %get3A_883 = arith.index_cast %add3A_841 : i32 to index
      %get3A_884 = arith.constant 0 : index
      %get3A_885 = tpu.vector_load %arg7[%get3A_883, %get3A_884] {strides = array<i32>} : memref<200x64xf32, #tpu.memory_space<vmem>>, vector<16xf32>,
      %get3A_886 = arith.index_cast %add3A_841 : i32 to index
      %get3A_887 = arith.constant 16 : index
      %get3A_888 = tpu.vector_load %arg7[%get3A_886, %get3A_887] {strides = array<i32>} : memref<200x64xf32, #tpu.memory_space<vmem>>, vector<16xf32>,
      %get3A_889 = arith.index_cast %add3A_841 : i32 to index
      %get3A_890 = arith.constant 32 : index
      %get3A_891 = tpu.vector_load %arg7[%get3A_889, %get3A_890] {strides = array<i32>} : memref<200x64xf32, #tpu.memory_space<vmem>>, vector<16xf32>,
      %get3A_892 = arith.index_cast %add3A_841 : i32 to index
      %get3A_893 = arith.constant 48 : index
      %get3A_894 = tpu.vector_load %arg7[%get3A_892, %get3A_893] {strides = array<i32>} : memref<200x64xf32, #tpu.memory_space<vmem>>, vector<16xf32>,
      %parallel_loop3A_895 = arith.constant 0 : i32
      %parallel_loop3A_896 = arith.constant 128 : i32
      %parallel_loop3A_897 = arith.constant 1 : i32
      scf.for %parallel_loop3A_913 = %parallel_loop3A_895 to %parallel_loop3A_896 step %parallel_loop3A_897  : i32 {
        %parallel_loop3A_914 = vector.broadcast %parallel_loop3A_913 : i32 to vector<16xi32>
        %parallel_loop3A_915 = arith.constant 3 : i32
        %parallel_loop3A_916 = arith.index_cast %parallel_loop3A_915 : i32 to index
        %parallel_loop3A_917 = arith.index_cast %parallel_loop3A_913 : i32 to index
        %parallel_loop3A_918 = arith.constant 0 : index
        %parallel_loop3A_919 = tpu.vector_load %arg8[%parallel_loop3A_916, %parallel_loop3A_917, %parallel_loop3A_918] {strides = array<i32>} : memref<4x128x64xf32, #tpu.memory_space<vmem>>, vector<16xf32>,
        %parallel_loop3A_920 = arith.addf %parallel_loop3A_919, %get3A_885 : vector<16xf32>
        %parallel_loop3A_921 = arith.constant 3 : i32
        %parallel_loop3A_922 = arith.constant 0 : i32
        %parallel_loop3A_923 = arith.constant 0 : i32
        %parallel_loop3A_924 = tpu.memref_slice %arg9[%parallel_loop3A_921, %parallel_loop3A_922, %parallel_loop3A_923] : memref<4x64x129xf32, #tpu.memory_space<vmem>> -> memref<1x64x129xf32, #tpu.memory_space<vmem>>
        %parallel_loop3A_925 = tpu.memref_squeeze %parallel_loop3A_924 : memref<1x64x129xf32, #tpu.memory_space<vmem>> -> memref<64x129xf32, #tpu.memory_space<vmem>>
        tpu.vector_store_idx %parallel_loop3A_925[%add3A_5, %parallel_loop3A_914], %parallel_loop3A_920 : memref<64x129xf32, #tpu.memory_space<vmem>>[vector<16xi32>, vector<16xi32>], vector<16xf32>,
        %parallel_loop3A_926 = arith.constant 3 : i32
        %parallel_loop3A_927 = arith.index_cast %parallel_loop3A_926 : i32 to index
        %parallel_loop3A_928 = arith.index_cast %parallel_loop3A_913 : i32 to index
        %parallel_loop3A_929 = arith.constant 16 : index
        %parallel_loop3A_930 = tpu.vector_load %arg8[%parallel_loop3A_927, %parallel_loop3A_928, %parallel_loop3A_929] {strides = array<i32>} : memref<4x128x64xf32, #tpu.memory_space<vmem>>, vector<16xf32>,
        %parallel_loop3A_931 = arith.addf %parallel_loop3A_930, %get3A_888 : vector<16xf32>
        %parallel_loop3A_932 = arith.constant 3 : i32
        %parallel_loop3A_933 = arith.constant 0 : i32
        %parallel_loop3A_934 = arith.constant 0 : i32
        %parallel_loop3A_935 = tpu.memref_slice %arg9[%parallel_loop3A_932, %parallel_loop3A_933, %parallel_loop3A_934] : memref<4x64x129xf32, #tpu.memory_space<vmem>> -> memref<1x64x129xf32, #tpu.memory_space<vmem>>
        %parallel_loop3A_936 = tpu.memref_squeeze %parallel_loop3A_935 : memref<1x64x129xf32, #tpu.memory_space<vmem>> -> memref<64x129xf32, #tpu.memory_space<vmem>>
        tpu.vector_store_idx %parallel_loop3A_936[%add3A_8, %parallel_loop3A_914], %parallel_loop3A_931 : memref<64x129xf32, #tpu.memory_space<vmem>>[vector<16xi32>, vector<16xi32>], vector<16xf32>,
        %parallel_loop3A_937 = arith.constant 3 : i32
        %parallel_loop3A_938 = arith.index_cast %parallel_loop3A_937 : i32 to index
        %parallel_loop3A_939 = arith.index_cast %parallel_loop3A_913 : i32 to index
        %parallel_loop3A_940 = arith.constant 32 : index
        %parallel_loop3A_941 = tpu.vector_load %arg8[%parallel_loop3A_938, %parallel_loop3A_939, %parallel_loop3A_940] {strides = array<i32>} : memref<4x128x64xf32, #tpu.memory_space<vmem>>, vector<16xf32>,
        %parallel_loop3A_942 = arith.addf %parallel_loop3A_941, %get3A_891 : vector<16xf32>
        %parallel_loop3A_943 = arith.constant 3 : i32
        %parallel_loop3A_944 = arith.constant 0 : i32
        %parallel_loop3A_945 = arith.constant 0 : i32
        %parallel_loop3A_946 = tpu.memref_slice %arg9[%parallel_loop3A_943, %parallel_loop3A_944, %parallel_loop3A_945] : memref<4x64x129xf32, #tpu.memory_space<vmem>> -> memref<1x64x129xf32, #tpu.memory_space<vmem>>
        %parallel_loop3A_947 = tpu.memref_squeeze %parallel_loop3A_946 : memref<1x64x129xf32, #tpu.memory_space<vmem>> -> memref<64x129xf32, #tpu.memory_space<vmem>>
        tpu.vector_store_idx %parallel_loop3A_947[%add3A_11, %parallel_loop3A_914], %parallel_loop3A_942 : memref<64x129xf32, #tpu.memory_space<vmem>>[vector<16xi32>, vector<16xi32>], vector<16xf32>,
        %parallel_loop3A_948 = arith.constant 3 : i32
        %parallel_loop3A_949 = arith.index_cast %parallel_loop3A_948 : i32 to index
        %parallel_loop3A_950 = arith.index_cast %parallel_loop3A_913 : i32 to index
        %parallel_loop3A_951 = arith.constant 48 : index
        %parallel_loop3A_952 = tpu.vector_load %arg8[%parallel_loop3A_949, %parallel_loop3A_950, %parallel_loop3A_951] {strides = array<i32>} : memref<4x128x64xf32, #tpu.memory_space<vmem>>, vector<16xf32>,
        %parallel_loop3A_953 = arith.addf %parallel_loop3A_952, %get3A_894 : vector<16xf32>
        %parallel_loop3A_954 = arith.constant 3 : i32
        %parallel_loop3A_955 = arith.constant 0 : i32
        %parallel_loop3A_956 = arith.constant 0 : i32
        %parallel_loop3A_957 = tpu.memref_slice %arg9[%parallel_loop3A_954, %parallel_loop3A_955, %parallel_loop3A_956] : memref<4x64x129xf32, #tpu.memory_space<vmem>> -> memref<1x64x129xf32, #tpu.memory_space<vmem>>
        %parallel_loop3A_958 = tpu.memref_squeeze %parallel_loop3A_957 : memref<1x64x129xf32, #tpu.memory_space<vmem>> -> memref<64x129xf32, #tpu.memory_space<vmem>>
        tpu.vector_store_idx %parallel_loop3A_958[%add3A_14, %parallel_loop3A_914], %parallel_loop3A_953 : memref<64x129xf32, #tpu.memory_space<vmem>>[vector<16xi32>, vector<16xi32>], vector<16xf32>,
      } {sc.loop_unroll_factor = 4 : i64, sc.parallel_access}
      %dma_start3A_898 = arith.constant 3 : i32
      %dma_start3A_899 = arith.constant 0 : i32
      %dma_start3A_900 = arith.constant 0 : i32
      %dma_start3A_901 = tpu.memref_slice %arg9[%dma_start3A_898, %dma_start3A_899, %dma_start3A_900] : memref<4x64x129xf32, #tpu.memory_space<vmem>> -> memref<1x64x128xf32, #tpu.memory_space<vmem>>
      %dma_start3A_902 = tpu.memref_squeeze %dma_start3A_901 : memref<1x64x128xf32, #tpu.memory_space<vmem>> -> memref<64x128xf32, #tpu.memory_space<vmem>>
      %dma_start3A_903 = arith.constant 0 : i32
      %dma_start3A_904 = tpu.memref_slice %arg5[%add3A_841, %dma_start3A_903, %mul3A_2] : memref<200x64x4096xf32, #tpu.memory_space<hbm>> -> memref<1x64x128xf32, #tpu.memory_space<hbm>>
      %dma_start3A_905 = tpu.memref_squeeze %dma_start3A_904 : memref<1x64x128xf32, #tpu.memory_space<hbm>> -> memref<64x128xf32, #tpu.memory_space<hbm>>
      %dma_start3A_906 = arith.constant 0 : i32
      %dma_start3A_907 = tpu.memref_slice %arg5[%add3A_841, %dma_start3A_906, %mul3A_2] : memref<200x64x4096xf32, #tpu.memory_space<hbm>> -> memref<1x64x128xf32, #tpu.memory_space<hbm>>
      %dma_start3A_908 = tpu.memref_squeeze %dma_start3A_907 : memref<1x64x128xf32, #tpu.memory_space<hbm>> -> memref<64x128xf32, #tpu.memory_space<hbm>>
      %dma_start3A_909 = arith.constant 0 : i32
      %dma_start3A_910 = arith.constant 0 : i32
      %dma_start3A_911 = tpu.memref_slice %arg9[%dma_start3A_898, %dma_start3A_909, %dma_start3A_910] : memref<4x64x129xf32, #tpu.memory_space<vmem>> -> memref<1x64x128xf32, #tpu.memory_space<vmem>>
      %dma_start3A_912 = tpu.memref_squeeze %dma_start3A_911 : memref<1x64x128xf32, #tpu.memory_space<vmem>> -> memref<64x128xf32, #tpu.memory_space<vmem>>
      tpu.enqueue_dma source(%dma_start3A_912 : memref<64x128xf32, #tpu.memory_space<vmem>>) target(%dma_start3A_908 : memref<64x128xf32, #tpu.memory_space<hbm>>) target_semaphore(%arg17 : memref<!tpu.dma_semaphore, #tpu.memory_space<semaphore_mem>>)
    }
    %scan3A_287 = arith.constant 48 : i32
    %dma_start3A_288 = arith.constant 199 : i32
    %dma_start3A_289 = arith.constant 3 : i32
    %dma_start3A_290 = arith.constant 0 : i32
    %dma_start3A_291 = arith.constant 0 : i32
    %dma_start3A_292 = tpu.memref_slice %arg8[%dma_start3A_289, %dma_start3A_290, %dma_start3A_291] : memref<4x128x64xf32, #tpu.memory_space<vmem>> -> memref<1x128x64xf32, #tpu.memory_space<vmem>>
    %dma_start3A_293 = tpu.memref_squeeze %dma_start3A_292 : memref<1x128x64xf32, #tpu.memory_space<vmem>> -> memref<128x64xf32, #tpu.memory_space<vmem>>
    %dma_start3A_294 = arith.constant 0 : i32
    %dma_start3A_295 = tpu.memref_slice %arg6[%dma_start3A_288, %dma_start3A_294] : memref<200x128xi32, #tpu.memory_space<vmem>> -> memref<1x128xi32, #tpu.memory_space<vmem>>
    %dma_start3A_296 = tpu.memref_squeeze %dma_start3A_295 : memref<1x128xi32, #tpu.memory_space<vmem>> -> memref<128xi32, #tpu.memory_space<vmem>>
    %dma_start3A_297 = arith.constant 0 : i32
    %dma_start3A_298 = arith.constant 0 : i32
    %dma_start3A_299 = tpu.memref_slice %arg3[%dma_start3A_297, %dma_start3A_298] : memref<100000x64xf32, #tpu.memory_space<hbm>> -> memref<100000x64xf32, #tpu.memory_space<hbm>>
    tpu.enqueue_indirect_dma source(%dma_start3A_299 : memref<100000x64xf32, #tpu.memory_space<hbm>>) target(%dma_start3A_293 : memref<128x64xf32, #tpu.memory_space<vmem>>) offsets(%dma_start3A_296 : memref<128xi32, #tpu.memory_space<vmem>>) semaphore(%arg13 : memref<!tpu.dma_semaphore, #tpu.memory_space<semaphore_mem>>)
    %dma_wait3A_300 = arith.constant 0 : i32
    %dma_wait3A_301 = arith.constant 0 : i32
    %dma_wait3A_302 = arith.constant 0 : i32
    %dma_wait3A_303 = arith.constant 0 : i32
    %dma_wait3A_304 = tpu.memref_slice %arg8[%dma_wait3A_301, %dma_wait3A_302, %dma_wait3A_303] : memref<4x128x64xf32, #tpu.memory_space<vmem>> -> memref<1x128x64xf32, #tpu.memory_space<vmem>>
    %dma_wait3A_305 = tpu.memref_squeeze %dma_wait3A_304 : memref<1x128x64xf32, #tpu.memory_space<vmem>> -> memref<128x64xf32, #tpu.memory_space<vmem>>
    %dma_wait3A_306 = arith.constant 0 : i32
    %dma_wait3A_307 = tpu.memref_slice %arg6[%dma_wait3A_300, %dma_wait3A_306] : memref<200x128xi32, #tpu.memory_space<vmem>> -> memref<1x128xi32, #tpu.memory_space<vmem>>
    %dma_wait3A_308 = tpu.memref_squeeze %dma_wait3A_307 : memref<1x128xi32, #tpu.memory_space<vmem>> -> memref<128xi32, #tpu.memory_space<vmem>>
    %dma_wait3A_309 = arith.constant 0 : i32
    %dma_wait3A_310 = arith.constant 0 : i32
    %dma_wait3A_311 = tpu.memref_slice %arg3[%dma_wait3A_309, %dma_wait3A_310] : memref<100000x64xf32, #tpu.memory_space<hbm>> -> memref<100000x64xf32, #tpu.memory_space<hbm>>
    tpu.wait_indirect_dma semaphore(%arg10 : memref<!tpu.dma_semaphore, #tpu.memory_space<semaphore_mem>>) src(%dma_wait3A_311 : memref<100000x64xf32, #tpu.memory_space<hbm>>) dst(%dma_wait3A_305 : memref<128x64xf32, #tpu.memory_space<vmem>>)
    %dma_wait3A_312 = arith.constant 0 : i32
    %dma_wait3A_313 = arith.constant 0 : i32
    %dma_wait3A_314 = arith.constant 0 : i32
    %dma_wait3A_315 = arith.constant 0 : i32
    %dma_wait3A_316 = tpu.memref_slice %arg9[%dma_wait3A_312, %dma_wait3A_314, %dma_wait3A_315] : memref<4x64x129xf32, #tpu.memory_space<vmem>> -> memref<1x64x128xf32, #tpu.memory_space<vmem>>
    %dma_wait3A_317 = tpu.memref_squeeze %dma_wait3A_316 : memref<1x64x128xf32, #tpu.memory_space<vmem>> -> memref<64x128xf32, #tpu.memory_space<vmem>>
    %dma_wait3A_318 = arith.constant 0 : i32
    %dma_wait3A_319 = tpu.memref_slice %arg5[%dma_wait3A_313, %dma_wait3A_318, %mul3A_2] : memref<200x64x4096xf32, #tpu.memory_space<hbm>> -> memref<1x64x128xf32, #tpu.memory_space<hbm>>
    %dma_wait3A_320 = tpu.memref_squeeze %dma_wait3A_319 : memref<1x64x128xf32, #tpu.memory_space<hbm>> -> memref<64x128xf32, #tpu.memory_space<hbm>>
    %dma_wait3A_321 = arith.constant 0 : i32
    %dma_wait3A_322 = tpu.memref_slice %arg5[%dma_wait3A_313, %dma_wait3A_321, %mul3A_2] : memref<200x64x4096xf32, #tpu.memory_space<hbm>> -> memref<1x64x128xf32, #tpu.memory_space<hbm>>
    %dma_wait3A_323 = tpu.memref_squeeze %dma_wait3A_322 : memref<1x64x128xf32, #tpu.memory_space<hbm>> -> memref<64x128xf32, #tpu.memory_space<hbm>>
    %dma_wait3A_324 = arith.constant 0 : i32
    %dma_wait3A_325 = arith.constant 0 : i32
    %dma_wait3A_326 = tpu.memref_slice %arg9[%dma_wait3A_312, %dma_wait3A_324, %dma_wait3A_325] : memref<4x64x129xf32, #tpu.memory_space<vmem>> -> memref<1x64x128xf32, #tpu.memory_space<vmem>>
    %dma_wait3A_327 = tpu.memref_squeeze %dma_wait3A_326 : memref<1x64x128xf32, #tpu.memory_space<vmem>> -> memref<64x128xf32, #tpu.memory_space<vmem>>
    tpu.wait_dma2 semaphore(%arg14 : memref<!tpu.dma_semaphore, #tpu.memory_space<semaphore_mem>>) src(%dma_wait3A_327 : memref<64x128xf32, #tpu.memory_space<vmem>>) dst(%dma_wait3A_323 : memref<64x128xf32, #tpu.memory_space<hbm>>)
    %get3A_328 = arith.constant 196 : i32
    %get3A_329 = arith.index_cast %get3A_328 : i32 to index
    %get3A_330 = arith.constant 0 : index
    %get3A_331 = tpu.vector_load %arg7[%get3A_329, %get3A_330] {strides = array<i32>} : memref<200x64xf32, #tpu.memory_space<vmem>>, vector<16xf32>,
    %get3A_332 = arith.constant 196 : i32
    %get3A_333 = arith.index_cast %get3A_332 : i32 to index
    %get3A_334 = arith.constant 16 : index
    %get3A_335 = tpu.vector_load %arg7[%get3A_333, %get3A_334] {strides = array<i32>} : memref<200x64xf32, #tpu.memory_space<vmem>>, vector<16xf32>,
    %get3A_336 = arith.constant 196 : i32
    %get3A_337 = arith.index_cast %get3A_336 : i32 to index
    %get3A_338 = arith.constant 32 : index
    %get3A_339 = tpu.vector_load %arg7[%get3A_337, %get3A_338] {strides = array<i32>} : memref<200x64xf32, #tpu.memory_space<vmem>>, vector<16xf32>,
    %get3A_340 = arith.constant 196 : i32
    %get3A_341 = arith.index_cast %get3A_340 : i32 to index
    %get3A_342 = arith.constant 48 : index
    %get3A_343 = tpu.vector_load %arg7[%get3A_341, %get3A_342] {strides = array<i32>} : memref<200x64xf32, #tpu.memory_space<vmem>>, vector<16xf32>,
    %parallel_loop3A_344 = arith.constant 0 : i32
    %parallel_loop3A_345 = arith.constant 128 : i32
    %parallel_loop3A_346 = arith.constant 1 : i32
    scf.for %parallel_loop3A_616 = %parallel_loop3A_344 to %parallel_loop3A_345 step %parallel_loop3A_346  : i32 {
      %parallel_loop3A_617 = vector.broadcast %parallel_loop3A_616 : i32 to vector<16xi32>
      %parallel_loop3A_618 = arith.constant 0 : i32
      %parallel_loop3A_619 = arith.index_cast %parallel_loop3A_618 : i32 to index
      %parallel_loop3A_620 = arith.index_cast %parallel_loop3A_616 : i32 to index
      %parallel_loop3A_621 = arith.constant 0 : index
      %parallel_loop3A_622 = tpu.vector_load %arg8[%parallel_loop3A_619, %parallel_loop3A_620, %parallel_loop3A_621] {strides = array<i32>} : memref<4x128x64xf32, #tpu.memory_space<vmem>>, vector<16xf32>,
      %parallel_loop3A_623 = arith.addf %parallel_loop3A_622, %get3A_331 : vector<16xf32>
      %parallel_loop3A_624 = arith.constant 0 : i32
      %parallel_loop3A_625 = arith.constant 0 : i32
      %parallel_loop3A_626 = arith.constant 0 : i32
      %parallel_loop3A_627 = tpu.memref_slice %arg9[%parallel_loop3A_624, %parallel_loop3A_625, %parallel_loop3A_626] : memref<4x64x129xf32, #tpu.memory_space<vmem>> -> memref<1x64x129xf32, #tpu.memory_space<vmem>>
      %parallel_loop3A_628 = tpu.memref_squeeze %parallel_loop3A_627 : memref<1x64x129xf32, #tpu.memory_space<vmem>> -> memref<64x129xf32, #tpu.memory_space<vmem>>
      tpu.vector_store_idx %parallel_loop3A_628[%add3A_5, %parallel_loop3A_617], %parallel_loop3A_623 : memref<64x129xf32, #tpu.memory_space<vmem>>[vector<16xi32>, vector<16xi32>], vector<16xf32>,
      %parallel_loop3A_629 = arith.constant 0 : i32
      %parallel_loop3A_630 = arith.index_cast %parallel_loop3A_629 : i32 to index
      %parallel_loop3A_631 = arith.index_cast %parallel_loop3A_616 : i32 to index
      %parallel_loop3A_632 = arith.constant 16 : index
      %parallel_loop3A_633 = tpu.vector_load %arg8[%parallel_loop3A_630, %parallel_loop3A_631, %parallel_loop3A_632] {strides = array<i32>} : memref<4x128x64xf32, #tpu.memory_space<vmem>>, vector<16xf32>,
      %parallel_loop3A_634 = arith.addf %parallel_loop3A_633, %get3A_335 : vector<16xf32>
      %parallel_loop3A_635 = arith.constant 0 : i32
      %parallel_loop3A_636 = arith.constant 0 : i32
      %parallel_loop3A_637 = arith.constant 0 : i32
      %parallel_loop3A_638 = tpu.memref_slice %arg9[%parallel_loop3A_635, %parallel_loop3A_636, %parallel_loop3A_637] : memref<4x64x129xf32, #tpu.memory_space<vmem>> -> memref<1x64x129xf32, #tpu.memory_space<vmem>>
      %parallel_loop3A_639 = tpu.memref_squeeze %parallel_loop3A_638 : memref<1x64x129xf32, #tpu.memory_space<vmem>> -> memref<64x129xf32, #tpu.memory_space<vmem>>
      tpu.vector_store_idx %parallel_loop3A_639[%add3A_8, %parallel_loop3A_617], %parallel_loop3A_634 : memref<64x129xf32, #tpu.memory_space<vmem>>[vector<16xi32>, vector<16xi32>], vector<16xf32>,
      %parallel_loop3A_640 = arith.constant 0 : i32
      %parallel_loop3A_641 = arith.index_cast %parallel_loop3A_640 : i32 to index
      %parallel_loop3A_642 = arith.index_cast %parallel_loop3A_616 : i32 to index
      %parallel_loop3A_643 = arith.constant 32 : index
      %parallel_loop3A_644 = tpu.vector_load %arg8[%parallel_loop3A_641, %parallel_loop3A_642, %parallel_loop3A_643] {strides = array<i32>} : memref<4x128x64xf32, #tpu.memory_space<vmem>>, vector<16xf32>,
      %parallel_loop3A_645 = arith.addf %parallel_loop3A_644, %get3A_339 : vector<16xf32>
      %parallel_loop3A_646 = arith.constant 0 : i32
      %parallel_loop3A_647 = arith.constant 0 : i32
      %parallel_loop3A_648 = arith.constant 0 : i32
      %parallel_loop3A_649 = tpu.memref_slice %arg9[%parallel_loop3A_646, %parallel_loop3A_647, %parallel_loop3A_648] : memref<4x64x129xf32, #tpu.memory_space<vmem>> -> memref<1x64x129xf32, #tpu.memory_space<vmem>>
      %parallel_loop3A_650 = tpu.memref_squeeze %parallel_loop3A_649 : memref<1x64x129xf32, #tpu.memory_space<vmem>> -> memref<64x129xf32, #tpu.memory_space<vmem>>
      tpu.vector_store_idx %parallel_loop3A_650[%add3A_11, %parallel_loop3A_617], %parallel_loop3A_645 : memref<64x129xf32, #tpu.memory_space<vmem>>[vector<16xi32>, vector<16xi32>], vector<16xf32>,
      %parallel_loop3A_651 = arith.constant 0 : i32
      %parallel_loop3A_652 = arith.index_cast %parallel_loop3A_651 : i32 to index
      %parallel_loop3A_653 = arith.index_cast %parallel_loop3A_616 : i32 to index
      %parallel_loop3A_654 = arith.constant 48 : index
      %parallel_loop3A_655 = tpu.vector_load %arg8[%parallel_loop3A_652, %parallel_loop3A_653, %parallel_loop3A_654] {strides = array<i32>} : memref<4x128x64xf32, #tpu.memory_space<vmem>>, vector<16xf32>,
      %parallel_loop3A_656 = arith.addf %parallel_loop3A_655, %get3A_343 : vector<16xf32>
      %parallel_loop3A_657 = arith.constant 0 : i32
      %parallel_loop3A_658 = arith.constant 0 : i32
      %parallel_loop3A_659 = arith.constant 0 : i32
      %parallel_loop3A_660 = tpu.memref_slice %arg9[%parallel_loop3A_657, %parallel_loop3A_658, %parallel_loop3A_659] : memref<4x64x129xf32, #tpu.memory_space<vmem>> -> memref<1x64x129xf32, #tpu.memory_space<vmem>>
      %parallel_loop3A_661 = tpu.memref_squeeze %parallel_loop3A_660 : memref<1x64x129xf32, #tpu.memory_space<vmem>> -> memref<64x129xf32, #tpu.memory_space<vmem>>
      tpu.vector_store_idx %parallel_loop3A_661[%add3A_14, %parallel_loop3A_617], %parallel_loop3A_656 : memref<64x129xf32, #tpu.memory_space<vmem>>[vector<16xi32>, vector<16xi32>], vector<16xf32>,
    } {sc.loop_unroll_factor = 4 : i64, sc.parallel_access}
    %dma_start3A_347 = arith.constant 0 : i32
    %dma_start3A_348 = arith.constant 196 : i32
    %dma_start3A_349 = arith.constant 0 : i32
    %dma_start3A_350 = arith.constant 0 : i32
    %dma_start3A_351 = tpu.memref_slice %arg9[%dma_start3A_347, %dma_start3A_349, %dma_start3A_350] : memref<4x64x129xf32, #tpu.memory_space<vmem>> -> memref<1x64x128xf32, #tpu.memory_space<vmem>>
    %dma_start3A_352 = tpu.memref_squeeze %dma_start3A_351 : memref<1x64x128xf32, #tpu.memory_space<vmem>> -> memref<64x128xf32, #tpu.memory_space<vmem>>
    %dma_start3A_353 = arith.constant 0 : i32
    %dma_start3A_354 = tpu.memref_slice %arg5[%dma_start3A_348, %dma_start3A_353, %mul3A_2] : memref<200x64x4096xf32, #tpu.memory_space<hbm>> -> memref<1x64x128xf32, #tpu.memory_space<hbm>>
    %dma_start3A_355 = tpu.memref_squeeze %dma_start3A_354 : memref<1x64x128xf32, #tpu.memory_space<hbm>> -> memref<64x128xf32, #tpu.memory_space<hbm>>
    %dma_start3A_356 = arith.constant 0 : i32
    %dma_start3A_357 = tpu.memref_slice %arg5[%dma_start3A_348, %dma_start3A_356, %mul3A_2] : memref<200x64x4096xf32, #tpu.memory_space<hbm>> -> memref<1x64x128xf32, #tpu.memory_space<hbm>>
    %dma_start3A_358 = tpu.memref_squeeze %dma_start3A_357 : memref<1x64x128xf32, #tpu.memory_space<hbm>> -> memref<64x128xf32, #tpu.memory_space<hbm>>
    %dma_start3A_359 = arith.constant 0 : i32
    %dma_start3A_360 = arith.constant 0 : i32
    %dma_start3A_361 = tpu.memref_slice %arg9[%dma_start3A_347, %dma_start3A_359, %dma_start3A_360] : memref<4x64x129xf32, #tpu.memory_space<vmem>> -> memref<1x64x128xf32, #tpu.memory_space<vmem>>
    %dma_start3A_362 = tpu.memref_squeeze %dma_start3A_361 : memref<1x64x128xf32, #tpu.memory_space<vmem>> -> memref<64x128xf32, #tpu.memory_space<vmem>>
    tpu.enqueue_dma source(%dma_start3A_362 : memref<64x128xf32, #tpu.memory_space<vmem>>) target(%dma_start3A_358 : memref<64x128xf32, #tpu.memory_space<hbm>>) target_semaphore(%arg14 : memref<!tpu.dma_semaphore, #tpu.memory_space<semaphore_mem>>)
    %dma_wait3A_363 = arith.constant 0 : i32
    %dma_wait3A_364 = arith.constant 1 : i32
    %dma_wait3A_365 = arith.constant 0 : i32
    %dma_wait3A_366 = arith.constant 0 : i32
    %dma_wait3A_367 = tpu.memref_slice %arg8[%dma_wait3A_364, %dma_wait3A_365, %dma_wait3A_366] : memref<4x128x64xf32, #tpu.memory_space<vmem>> -> memref<1x128x64xf32, #tpu.memory_space<vmem>>
    %dma_wait3A_368 = tpu.memref_squeeze %dma_wait3A_367 : memref<1x128x64xf32, #tpu.memory_space<vmem>> -> memref<128x64xf32, #tpu.memory_space<vmem>>
    %dma_wait3A_369 = arith.constant 0 : i32
    %dma_wait3A_370 = tpu.memref_slice %arg6[%dma_wait3A_363, %dma_wait3A_369] : memref<200x128xi32, #tpu.memory_space<vmem>> -> memref<1x128xi32, #tpu.memory_space<vmem>>
    %dma_wait3A_371 = tpu.memref_squeeze %dma_wait3A_370 : memref<1x128xi32, #tpu.memory_space<vmem>> -> memref<128xi32, #tpu.memory_space<vmem>>
    %dma_wait3A_372 = arith.constant 0 : i32
    %dma_wait3A_373 = arith.constant 0 : i32
    %dma_wait3A_374 = tpu.memref_slice %arg3[%dma_wait3A_372, %dma_wait3A_373] : memref<100000x64xf32, #tpu.memory_space<hbm>> -> memref<100000x64xf32, #tpu.memory_space<hbm>>
    tpu.wait_indirect_dma semaphore(%arg11 : memref<!tpu.dma_semaphore, #tpu.memory_space<semaphore_mem>>) src(%dma_wait3A_374 : memref<100000x64xf32, #tpu.memory_space<hbm>>) dst(%dma_wait3A_368 : memref<128x64xf32, #tpu.memory_space<vmem>>)
    %dma_wait3A_375 = arith.constant 1 : i32
    %dma_wait3A_376 = arith.constant 0 : i32
    %dma_wait3A_377 = arith.constant 0 : i32
    %dma_wait3A_378 = arith.constant 0 : i32
    %dma_wait3A_379 = tpu.memref_slice %arg9[%dma_wait3A_375, %dma_wait3A_377, %dma_wait3A_378] : memref<4x64x129xf32, #tpu.memory_space<vmem>> -> memref<1x64x128xf32, #tpu.memory_space<vmem>>
    %dma_wait3A_380 = tpu.memref_squeeze %dma_wait3A_379 : memref<1x64x128xf32, #tpu.memory_space<vmem>> -> memref<64x128xf32, #tpu.memory_space<vmem>>
    %dma_wait3A_381 = arith.constant 0 : i32
    %dma_wait3A_382 = tpu.memref_slice %arg5[%dma_wait3A_376, %dma_wait3A_381, %mul3A_2] : memref<200x64x4096xf32, #tpu.memory_space<hbm>> -> memref<1x64x128xf32, #tpu.memory_space<hbm>>
    %dma_wait3A_383 = tpu.memref_squeeze %dma_wait3A_382 : memref<1x64x128xf32, #tpu.memory_space<hbm>> -> memref<64x128xf32, #tpu.memory_space<hbm>>
    %dma_wait3A_384 = arith.constant 0 : i32
    %dma_wait3A_385 = tpu.memref_slice %arg5[%dma_wait3A_376, %dma_wait3A_384, %mul3A_2] : memref<200x64x4096xf32, #tpu.memory_space<hbm>> -> memref<1x64x128xf32, #tpu.memory_space<hbm>>
    %dma_wait3A_386 = tpu.memref_squeeze %dma_wait3A_385 : memref<1x64x128xf32, #tpu.memory_space<hbm>> -> memref<64x128xf32, #tpu.memory_space<hbm>>
    %dma_wait3A_387 = arith.constant 0 : i32
    %dma_wait3A_388 = arith.constant 0 : i32
    %dma_wait3A_389 = tpu.memref_slice %arg9[%dma_wait3A_375, %dma_wait3A_387, %dma_wait3A_388] : memref<4x64x129xf32, #tpu.memory_space<vmem>> -> memref<1x64x128xf32, #tpu.memory_space<vmem>>
    %dma_wait3A_390 = tpu.memref_squeeze %dma_wait3A_389 : memref<1x64x128xf32, #tpu.memory_space<vmem>> -> memref<64x128xf32, #tpu.memory_space<vmem>>
    tpu.wait_dma2 semaphore(%arg15 : memref<!tpu.dma_semaphore, #tpu.memory_space<semaphore_mem>>) src(%dma_wait3A_390 : memref<64x128xf32, #tpu.memory_space<vmem>>) dst(%dma_wait3A_386 : memref<64x128xf32, #tpu.memory_space<hbm>>)
    %get3A_391 = arith.constant 197 : i32
    %get3A_392 = arith.index_cast %get3A_391 : i32 to index
    %get3A_393 = arith.constant 0 : index
    %get3A_394 = tpu.vector_load %arg7[%get3A_392, %get3A_393] {strides = array<i32>} : memref<200x64xf32, #tpu.memory_space<vmem>>, vector<16xf32>,
    %get3A_395 = arith.constant 197 : i32
    %get3A_396 = arith.index_cast %get3A_395 : i32 to index
    %get3A_397 = arith.constant 16 : index
    %get3A_398 = tpu.vector_load %arg7[%get3A_396, %get3A_397] {strides = array<i32>} : memref<200x64xf32, #tpu.memory_space<vmem>>, vector<16xf32>,
    %get3A_399 = arith.constant 197 : i32
    %get3A_400 = arith.index_cast %get3A_399 : i32 to index
    %get3A_401 = arith.constant 32 : index
    %get3A_402 = tpu.vector_load %arg7[%get3A_400, %get3A_401] {strides = array<i32>} : memref<200x64xf32, #tpu.memory_space<vmem>>, vector<16xf32>,
    %get3A_403 = arith.constant 197 : i32
    %get3A_404 = arith.index_cast %get3A_403 : i32 to index
    %get3A_405 = arith.constant 48 : index
    %get3A_406 = tpu.vector_load %arg7[%get3A_404, %get3A_405] {strides = array<i32>} : memref<200x64xf32, #tpu.memory_space<vmem>>, vector<16xf32>,
    %parallel_loop3A_407 = arith.constant 0 : i32
    %parallel_loop3A_408 = arith.constant 128 : i32
    %parallel_loop3A_409 = arith.constant 1 : i32
    scf.for %parallel_loop3A_616 = %parallel_loop3A_407 to %parallel_loop3A_408 step %parallel_loop3A_409  : i32 {
      %parallel_loop3A_617 = vector.broadcast %parallel_loop3A_616 : i32 to vector<16xi32>
      %parallel_loop3A_618 = arith.constant 1 : i32
      %parallel_loop3A_619 = arith.index_cast %parallel_loop3A_618 : i32 to index
      %parallel_loop3A_620 = arith.index_cast %parallel_loop3A_616 : i32 to index
      %parallel_loop3A_621 = arith.constant 0 : index
      %parallel_loop3A_622 = tpu.vector_load %arg8[%parallel_loop3A_619, %parallel_loop3A_620, %parallel_loop3A_621] {strides = array<i32>} : memref<4x128x64xf32, #tpu.memory_space<vmem>>, vector<16xf32>,
      %parallel_loop3A_623 = arith.addf %parallel_loop3A_622, %get3A_394 : vector<16xf32>
      %parallel_loop3A_624 = arith.constant 1 : i32
      %parallel_loop3A_625 = arith.constant 0 : i32
      %parallel_loop3A_626 = arith.constant 0 : i32
      %parallel_loop3A_627 = tpu.memref_slice %arg9[%parallel_loop3A_624, %parallel_loop3A_625, %parallel_loop3A_626] : memref<4x64x129xf32, #tpu.memory_space<vmem>> -> memref<1x64x129xf32, #tpu.memory_space<vmem>>
      %parallel_loop3A_628 = tpu.memref_squeeze %parallel_loop3A_627 : memref<1x64x129xf32, #tpu.memory_space<vmem>> -> memref<64x129xf32, #tpu.memory_space<vmem>>
      tpu.vector_store_idx %parallel_loop3A_628[%add3A_5, %parallel_loop3A_617], %parallel_loop3A_623 : memref<64x129xf32, #tpu.memory_space<vmem>>[vector<16xi32>, vector<16xi32>], vector<16xf32>,
      %parallel_loop3A_629 = arith.constant 1 : i32
      %parallel_loop3A_630 = arith.index_cast %parallel_loop3A_629 : i32 to index
      %parallel_loop3A_631 = arith.index_cast %parallel_loop3A_616 : i32 to index
      %parallel_loop3A_632 = arith.constant 16 : index
      %parallel_loop3A_633 = tpu.vector_load %arg8[%parallel_loop3A_630, %parallel_loop3A_631, %parallel_loop3A_632] {strides = array<i32>} : memref<4x128x64xf32, #tpu.memory_space<vmem>>, vector<16xf32>,
      %parallel_loop3A_634 = arith.addf %parallel_loop3A_633, %get3A_398 : vector<16xf32>
      %parallel_loop3A_635 = arith.constant 1 : i32
      %parallel_loop3A_636 = arith.constant 0 : i32
      %parallel_loop3A_637 = arith.constant 0 : i32
      %parallel_loop3A_638 = tpu.memref_slice %arg9[%parallel_loop3A_635, %parallel_loop3A_636, %parallel_loop3A_637] : memref<4x64x129xf32, #tpu.memory_space<vmem>> -> memref<1x64x129xf32, #tpu.memory_space<vmem>>
      %parallel_loop3A_639 = tpu.memref_squeeze %parallel_loop3A_638 : memref<1x64x129xf32, #tpu.memory_space<vmem>> -> memref<64x129xf32, #tpu.memory_space<vmem>>
      tpu.vector_store_idx %parallel_loop3A_639[%add3A_8, %parallel_loop3A_617], %parallel_loop3A_634 : memref<64x129xf32, #tpu.memory_space<vmem>>[vector<16xi32>, vector<16xi32>], vector<16xf32>,
      %parallel_loop3A_640 = arith.constant 1 : i32
      %parallel_loop3A_641 = arith.index_cast %parallel_loop3A_640 : i32 to index
      %parallel_loop3A_642 = arith.index_cast %parallel_loop3A_616 : i32 to index
      %parallel_loop3A_643 = arith.constant 32 : index
      %parallel_loop3A_644 = tpu.vector_load %arg8[%parallel_loop3A_641, %parallel_loop3A_642, %parallel_loop3A_643] {strides = array<i32>} : memref<4x128x64xf32, #tpu.memory_space<vmem>>, vector<16xf32>,
      %parallel_loop3A_645 = arith.addf %parallel_loop3A_644, %get3A_402 : vector<16xf32>
      %parallel_loop3A_646 = arith.constant 1 : i32
      %parallel_loop3A_647 = arith.constant 0 : i32
      %parallel_loop3A_648 = arith.constant 0 : i32
      %parallel_loop3A_649 = tpu.memref_slice %arg9[%parallel_loop3A_646, %parallel_loop3A_647, %parallel_loop3A_648] : memref<4x64x129xf32, #tpu.memory_space<vmem>> -> memref<1x64x129xf32, #tpu.memory_space<vmem>>
      %parallel_loop3A_650 = tpu.memref_squeeze %parallel_loop3A_649 : memref<1x64x129xf32, #tpu.memory_space<vmem>> -> memref<64x129xf32, #tpu.memory_space<vmem>>
      tpu.vector_store_idx %parallel_loop3A_650[%add3A_11, %parallel_loop3A_617], %parallel_loop3A_645 : memref<64x129xf32, #tpu.memory_space<vmem>>[vector<16xi32>, vector<16xi32>], vector<16xf32>,
      %parallel_loop3A_651 = arith.constant 1 : i32
      %parallel_loop3A_652 = arith.index_cast %parallel_loop3A_651 : i32 to index
      %parallel_loop3A_653 = arith.index_cast %parallel_loop3A_616 : i32 to index
      %parallel_loop3A_654 = arith.constant 48 : index
      %parallel_loop3A_655 = tpu.vector_load %arg8[%parallel_loop3A_652, %parallel_loop3A_653, %parallel_loop3A_654] {strides = array<i32>} : memref<4x128x64xf32, #tpu.memory_space<vmem>>, vector<16xf32>,
      %parallel_loop3A_656 = arith.addf %parallel_loop3A_655, %get3A_406 : vector<16xf32>
      %parallel_loop3A_657 = arith.constant 1 : i32
      %parallel_loop3A_658 = arith.constant 0 : i32
      %parallel_loop3A_659 = arith.constant 0 : i32
      %parallel_loop3A_660 = tpu.memref_slice %arg9[%parallel_loop3A_657, %parallel_loop3A_658, %parallel_loop3A_659] : memref<4x64x129xf32, #tpu.memory_space<vmem>> -> memref<1x64x129xf32, #tpu.memory_space<vmem>>
      %parallel_loop3A_661 = tpu.memref_squeeze %parallel_loop3A_660 : memref<1x64x129xf32, #tpu.memory_space<vmem>> -> memref<64x129xf32, #tpu.memory_space<vmem>>
      tpu.vector_store_idx %parallel_loop3A_661[%add3A_14, %parallel_loop3A_617], %parallel_loop3A_656 : memref<64x129xf32, #tpu.memory_space<vmem>>[vector<16xi32>, vector<16xi32>], vector<16xf32>,
    } {sc.loop_unroll_factor = 4 : i64, sc.parallel_access}
    %dma_start3A_410 = arith.constant 1 : i32
    %dma_start3A_411 = arith.constant 197 : i32
    %dma_start3A_412 = arith.constant 0 : i32
    %dma_start3A_413 = arith.constant 0 : i32
    %dma_start3A_414 = tpu.memref_slice %arg9[%dma_start3A_410, %dma_start3A_412, %dma_start3A_413] : memref<4x64x129xf32, #tpu.memory_space<vmem>> -> memref<1x64x128xf32, #tpu.memory_space<vmem>>
    %dma_start3A_415 = tpu.memref_squeeze %dma_start3A_414 : memref<1x64x128xf32, #tpu.memory_space<vmem>> -> memref<64x128xf32, #tpu.memory_space<vmem>>
    %dma_start3A_416 = arith.constant 0 : i32
    %dma_start3A_417 = tpu.memref_slice %arg5[%dma_start3A_411, %dma_start3A_416, %mul3A_2] : memref<200x64x4096xf32, #tpu.memory_space<hbm>> -> memref<1x64x128xf32, #tpu.memory_space<hbm>>
    %dma_start3A_418 = tpu.memref_squeeze %dma_start3A_417 : memref<1x64x128xf32, #tpu.memory_space<hbm>> -> memref<64x128xf32, #tpu.memory_space<hbm>>
    %dma_start3A_419 = arith.constant 0 : i32
    %dma_start3A_420 = tpu.memref_slice %arg5[%dma_start3A_411, %dma_start3A_419, %mul3A_2] : memref<200x64x4096xf32, #tpu.memory_space<hbm>> -> memref<1x64x128xf32, #tpu.memory_space<hbm>>
    %dma_start3A_421 = tpu.memref_squeeze %dma_start3A_420 : memref<1x64x128xf32, #tpu.memory_space<hbm>> -> memref<64x128xf32, #tpu.memory_space<hbm>>
    %dma_start3A_422 = arith.constant 0 : i32
    %dma_start3A_423 = arith.constant 0 : i32
    %dma_start3A_424 = tpu.memref_slice %arg9[%dma_start3A_410, %dma_start3A_422, %dma_start3A_423] : memref<4x64x129xf32, #tpu.memory_space<vmem>> -> memref<1x64x128xf32, #tpu.memory_space<vmem>>
    %dma_start3A_425 = tpu.memref_squeeze %dma_start3A_424 : memref<1x64x128xf32, #tpu.memory_space<vmem>> -> memref<64x128xf32, #tpu.memory_space<vmem>>
    tpu.enqueue_dma source(%dma_start3A_425 : memref<64x128xf32, #tpu.memory_space<vmem>>) target(%dma_start3A_421 : memref<64x128xf32, #tpu.memory_space<hbm>>) target_semaphore(%arg15 : memref<!tpu.dma_semaphore, #tpu.memory_space<semaphore_mem>>)
    %dma_wait3A_426 = arith.constant 0 : i32
    %dma_wait3A_427 = arith.constant 2 : i32
    %dma_wait3A_428 = arith.constant 0 : i32
    %dma_wait3A_429 = arith.constant 0 : i32
    %dma_wait3A_430 = tpu.memref_slice %arg8[%dma_wait3A_427, %dma_wait3A_428, %dma_wait3A_429] : memref<4x128x64xf32, #tpu.memory_space<vmem>> -> memref<1x128x64xf32, #tpu.memory_space<vmem>>
    %dma_wait3A_431 = tpu.memref_squeeze %dma_wait3A_430 : memref<1x128x64xf32, #tpu.memory_space<vmem>> -> memref<128x64xf32, #tpu.memory_space<vmem>>
    %dma_wait3A_432 = arith.constant 0 : i32
    %dma_wait3A_433 = tpu.memref_slice %arg6[%dma_wait3A_426, %dma_wait3A_432] : memref<200x128xi32, #tpu.memory_space<vmem>> -> memref<1x128xi32, #tpu.memory_space<vmem>>
    %dma_wait3A_434 = tpu.memref_squeeze %dma_wait3A_433 : memref<1x128xi32, #tpu.memory_space<vmem>> -> memref<128xi32, #tpu.memory_space<vmem>>
    %dma_wait3A_435 = arith.constant 0 : i32
    %dma_wait3A_436 = arith.constant 0 : i32
    %dma_wait3A_437 = tpu.memref_slice %arg3[%dma_wait3A_435, %dma_wait3A_436] : memref<100000x64xf32, #tpu.memory_space<hbm>> -> memref<100000x64xf32, #tpu.memory_space<hbm>>
    tpu.wait_indirect_dma semaphore(%arg12 : memref<!tpu.dma_semaphore, #tpu.memory_space<semaphore_mem>>) src(%dma_wait3A_437 : memref<100000x64xf32, #tpu.memory_space<hbm>>) dst(%dma_wait3A_431 : memref<128x64xf32, #tpu.memory_space<vmem>>)
    %dma_wait3A_438 = arith.constant 2 : i32
    %dma_wait3A_439 = arith.constant 0 : i32
    %dma_wait3A_440 = arith.constant 0 : i32
    %dma_wait3A_441 = arith.constant 0 : i32
    %dma_wait3A_442 = tpu.memref_slice %arg9[%dma_wait3A_438, %dma_wait3A_440, %dma_wait3A_441] : memref<4x64x129xf32, #tpu.memory_space<vmem>> -> memref<1x64x128xf32, #tpu.memory_space<vmem>>
    %dma_wait3A_443 = tpu.memref_squeeze %dma_wait3A_442 : memref<1x64x128xf32, #tpu.memory_space<vmem>> -> memref<64x128xf32, #tpu.memory_space<vmem>>
    %dma_wait3A_444 = arith.constant 0 : i32
    %dma_wait3A_445 = tpu.memref_slice %arg5[%dma_wait3A_439, %dma_wait3A_444, %mul3A_2] : memref<200x64x4096xf32, #tpu.memory_space<hbm>> -> memref<1x64x128xf32, #tpu.memory_space<hbm>>
    %dma_wait3A_446 = tpu.memref_squeeze %dma_wait3A_445 : memref<1x64x128xf32, #tpu.memory_space<hbm>> -> memref<64x128xf32, #tpu.memory_space<hbm>>
    %dma_wait3A_447 = arith.constant 0 : i32
    %dma_wait3A_448 = tpu.memref_slice %arg5[%dma_wait3A_439, %dma_wait3A_447, %mul3A_2] : memref<200x64x4096xf32, #tpu.memory_space<hbm>> -> memref<1x64x128xf32, #tpu.memory_space<hbm>>
    %dma_wait3A_449 = tpu.memref_squeeze %dma_wait3A_448 : memref<1x64x128xf32, #tpu.memory_space<hbm>> -> memref<64x128xf32, #tpu.memory_space<hbm>>
    %dma_wait3A_450 = arith.constant 0 : i32
    %dma_wait3A_451 = arith.constant 0 : i32
    %dma_wait3A_452 = tpu.memref_slice %arg9[%dma_wait3A_438, %dma_wait3A_450, %dma_wait3A_451] : memref<4x64x129xf32, #tpu.memory_space<vmem>> -> memref<1x64x128xf32, #tpu.memory_space<vmem>>
    %dma_wait3A_453 = tpu.memref_squeeze %dma_wait3A_452 : memref<1x64x128xf32, #tpu.memory_space<vmem>> -> memref<64x128xf32, #tpu.memory_space<vmem>>
    tpu.wait_dma2 semaphore(%arg16 : memref<!tpu.dma_semaphore, #tpu.memory_space<semaphore_mem>>) src(%dma_wait3A_453 : memref<64x128xf32, #tpu.memory_space<vmem>>) dst(%dma_wait3A_449 : memref<64x128xf32, #tpu.memory_space<hbm>>)
    %get3A_454 = arith.constant 198 : i32
    %get3A_455 = arith.index_cast %get3A_454 : i32 to index
    %get3A_456 = arith.constant 0 : index
    %get3A_457 = tpu.vector_load %arg7[%get3A_455, %get3A_456] {strides = array<i32>} : memref<200x64xf32, #tpu.memory_space<vmem>>, vector<16xf32>,
    %get3A_458 = arith.constant 198 : i32
    %get3A_459 = arith.index_cast %get3A_458 : i32 to index
    %get3A_460 = arith.constant 16 : index
    %get3A_461 = tpu.vector_load %arg7[%get3A_459, %get3A_460] {strides = array<i32>} : memref<200x64xf32, #tpu.memory_space<vmem>>, vector<16xf32>,
    %get3A_462 = arith.constant 198 : i32
    %get3A_463 = arith.index_cast %get3A_462 : i32 to index
    %get3A_464 = arith.constant 32 : index
    %get3A_465 = tpu.vector_load %arg7[%get3A_463, %get3A_464] {strides = array<i32>} : memref<200x64xf32, #tpu.memory_space<vmem>>, vector<16xf32>,
    %get3A_466 = arith.constant 198 : i32
    %get3A_467 = arith.index_cast %get3A_466 : i32 to index
    %get3A_468 = arith.constant 48 : index
    %get3A_469 = tpu.vector_load %arg7[%get3A_467, %get3A_468] {strides = array<i32>} : memref<200x64xf32, #tpu.memory_space<vmem>>, vector<16xf32>,
    %parallel_loop3A_470 = arith.constant 0 : i32
    %parallel_loop3A_471 = arith.constant 128 : i32
    %parallel_loop3A_472 = arith.constant 1 : i32
    scf.for %parallel_loop3A_616 = %parallel_loop3A_470 to %parallel_loop3A_471 step %parallel_loop3A_472  : i32 {
      %parallel_loop3A_617 = vector.broadcast %parallel_loop3A_616 : i32 to vector<16xi32>
      %parallel_loop3A_618 = arith.constant 2 : i32
      %parallel_loop3A_619 = arith.index_cast %parallel_loop3A_618 : i32 to index
      %parallel_loop3A_620 = arith.index_cast %parallel_loop3A_616 : i32 to index
      %parallel_loop3A_621 = arith.constant 0 : index
      %parallel_loop3A_622 = tpu.vector_load %arg8[%parallel_loop3A_619, %parallel_loop3A_620, %parallel_loop3A_621] {strides = array<i32>} : memref<4x128x64xf32, #tpu.memory_space<vmem>>, vector<16xf32>,
      %parallel_loop3A_623 = arith.addf %parallel_loop3A_622, %get3A_457 : vector<16xf32>
      %parallel_loop3A_624 = arith.constant 2 : i32
      %parallel_loop3A_625 = arith.constant 0 : i32
      %parallel_loop3A_626 = arith.constant 0 : i32
      %parallel_loop3A_627 = tpu.memref_slice %arg9[%parallel_loop3A_624, %parallel_loop3A_625, %parallel_loop3A_626] : memref<4x64x129xf32, #tpu.memory_space<vmem>> -> memref<1x64x129xf32, #tpu.memory_space<vmem>>
      %parallel_loop3A_628 = tpu.memref_squeeze %parallel_loop3A_627 : memref<1x64x129xf32, #tpu.memory_space<vmem>> -> memref<64x129xf32, #tpu.memory_space<vmem>>
      tpu.vector_store_idx %parallel_loop3A_628[%add3A_5, %parallel_loop3A_617], %parallel_loop3A_623 : memref<64x129xf32, #tpu.memory_space<vmem>>[vector<16xi32>, vector<16xi32>], vector<16xf32>,
      %parallel_loop3A_629 = arith.constant 2 : i32
      %parallel_loop3A_630 = arith.index_cast %parallel_loop3A_629 : i32 to index
      %parallel_loop3A_631 = arith.index_cast %parallel_loop3A_616 : i32 to index
      %parallel_loop3A_632 = arith.constant 16 : index
      %parallel_loop3A_633 = tpu.vector_load %arg8[%parallel_loop3A_630, %parallel_loop3A_631, %parallel_loop3A_632] {strides = array<i32>} : memref<4x128x64xf32, #tpu.memory_space<vmem>>, vector<16xf32>,
      %parallel_loop3A_634 = arith.addf %parallel_loop3A_633, %get3A_461 : vector<16xf32>
      %parallel_loop3A_635 = arith.constant 2 : i32
      %parallel_loop3A_636 = arith.constant 0 : i32
      %parallel_loop3A_637 = arith.constant 0 : i32
      %parallel_loop3A_638 = tpu.memref_slice %arg9[%parallel_loop3A_635, %parallel_loop3A_636, %parallel_loop3A_637] : memref<4x64x129xf32, #tpu.memory_space<vmem>> -> memref<1x64x129xf32, #tpu.memory_space<vmem>>
      %parallel_loop3A_639 = tpu.memref_squeeze %parallel_loop3A_638 : memref<1x64x129xf32, #tpu.memory_space<vmem>> -> memref<64x129xf32, #tpu.memory_space<vmem>>
      tpu.vector_store_idx %parallel_loop3A_639[%add3A_8, %parallel_loop3A_617], %parallel_loop3A_634 : memref<64x129xf32, #tpu.memory_space<vmem>>[vector<16xi32>, vector<16xi32>], vector<16xf32>,
      %parallel_loop3A_640 = arith.constant 2 : i32
      %parallel_loop3A_641 = arith.index_cast %parallel_loop3A_640 : i32 to index
      %parallel_loop3A_642 = arith.index_cast %parallel_loop3A_616 : i32 to index
      %parallel_loop3A_643 = arith.constant 32 : index
      %parallel_loop3A_644 = tpu.vector_load %arg8[%parallel_loop3A_641, %parallel_loop3A_642, %parallel_loop3A_643] {strides = array<i32>} : memref<4x128x64xf32, #tpu.memory_space<vmem>>, vector<16xf32>,
      %parallel_loop3A_645 = arith.addf %parallel_loop3A_644, %get3A_465 : vector<16xf32>
      %parallel_loop3A_646 = arith.constant 2 : i32
      %parallel_loop3A_647 = arith.constant 0 : i32
      %parallel_loop3A_648 = arith.constant 0 : i32
      %parallel_loop3A_649 = tpu.memref_slice %arg9[%parallel_loop3A_646, %parallel_loop3A_647, %parallel_loop3A_648] : memref<4x64x129xf32, #tpu.memory_space<vmem>> -> memref<1x64x129xf32, #tpu.memory_space<vmem>>
      %parallel_loop3A_650 = tpu.memref_squeeze %parallel_loop3A_649 : memref<1x64x129xf32, #tpu.memory_space<vmem>> -> memref<64x129xf32, #tpu.memory_space<vmem>>
      tpu.vector_store_idx %parallel_loop3A_650[%add3A_11, %parallel_loop3A_617], %parallel_loop3A_645 : memref<64x129xf32, #tpu.memory_space<vmem>>[vector<16xi32>, vector<16xi32>], vector<16xf32>,
      %parallel_loop3A_651 = arith.constant 2 : i32
      %parallel_loop3A_652 = arith.index_cast %parallel_loop3A_651 : i32 to index
      %parallel_loop3A_653 = arith.index_cast %parallel_loop3A_616 : i32 to index
      %parallel_loop3A_654 = arith.constant 48 : index
      %parallel_loop3A_655 = tpu.vector_load %arg8[%parallel_loop3A_652, %parallel_loop3A_653, %parallel_loop3A_654] {strides = array<i32>} : memref<4x128x64xf32, #tpu.memory_space<vmem>>, vector<16xf32>,
      %parallel_loop3A_656 = arith.addf %parallel_loop3A_655, %get3A_469 : vector<16xf32>
      %parallel_loop3A_657 = arith.constant 2 : i32
      %parallel_loop3A_658 = arith.constant 0 : i32
      %parallel_loop3A_659 = arith.constant 0 : i32
      %parallel_loop3A_660 = tpu.memref_slice %arg9[%parallel_loop3A_657, %parallel_loop3A_658, %parallel_loop3A_659] : memref<4x64x129xf32, #tpu.memory_space<vmem>> -> memref<1x64x129xf32, #tpu.memory_space<vmem>>
      %parallel_loop3A_661 = tpu.memref_squeeze %parallel_loop3A_660 : memref<1x64x129xf32, #tpu.memory_space<vmem>> -> memref<64x129xf32, #tpu.memory_space<vmem>>
      tpu.vector_store_idx %parallel_loop3A_661[%add3A_14, %parallel_loop3A_617], %parallel_loop3A_656 : memref<64x129xf32, #tpu.memory_space<vmem>>[vector<16xi32>, vector<16xi32>], vector<16xf32>,
    } {sc.loop_unroll_factor = 4 : i64, sc.parallel_access}
    %dma_start3A_473 = arith.constant 2 : i32
    %dma_start3A_474 = arith.constant 198 : i32
    %dma_start3A_475 = arith.constant 0 : i32
    %dma_start3A_476 = arith.constant 0 : i32
    %dma_start3A_477 = tpu.memref_slice %arg9[%dma_start3A_473, %dma_start3A_475, %dma_start3A_476] : memref<4x64x129xf32, #tpu.memory_space<vmem>> -> memref<1x64x128xf32, #tpu.memory_space<vmem>>
    %dma_start3A_478 = tpu.memref_squeeze %dma_start3A_477 : memref<1x64x128xf32, #tpu.memory_space<vmem>> -> memref<64x128xf32, #tpu.memory_space<vmem>>
    %dma_start3A_479 = arith.constant 0 : i32
    %dma_start3A_480 = tpu.memref_slice %arg5[%dma_start3A_474, %dma_start3A_479, %mul3A_2] : memref<200x64x4096xf32, #tpu.memory_space<hbm>> -> memref<1x64x128xf32, #tpu.memory_space<hbm>>
    %dma_start3A_481 = tpu.memref_squeeze %dma_start3A_480 : memref<1x64x128xf32, #tpu.memory_space<hbm>> -> memref<64x128xf32, #tpu.memory_space<hbm>>
    %dma_start3A_482 = arith.constant 0 : i32
    %dma_start3A_483 = tpu.memref_slice %arg5[%dma_start3A_474, %dma_start3A_482, %mul3A_2] : memref<200x64x4096xf32, #tpu.memory_space<hbm>> -> memref<1x64x128xf32, #tpu.memory_space<hbm>>
    %dma_start3A_484 = tpu.memref_squeeze %dma_start3A_483 : memref<1x64x128xf32, #tpu.memory_space<hbm>> -> memref<64x128xf32, #tpu.memory_space<hbm>>
    %dma_start3A_485 = arith.constant 0 : i32
    %dma_start3A_486 = arith.constant 0 : i32
    %dma_start3A_487 = tpu.memref_slice %arg9[%dma_start3A_473, %dma_start3A_485, %dma_start3A_486] : memref<4x64x129xf32, #tpu.memory_space<vmem>> -> memref<1x64x128xf32, #tpu.memory_space<vmem>>
    %dma_start3A_488 = tpu.memref_squeeze %dma_start3A_487 : memref<1x64x128xf32, #tpu.memory_space<vmem>> -> memref<64x128xf32, #tpu.memory_space<vmem>>
    tpu.enqueue_dma source(%dma_start3A_488 : memref<64x128xf32, #tpu.memory_space<vmem>>) target(%dma_start3A_484 : memref<64x128xf32, #tpu.memory_space<hbm>>) target_semaphore(%arg16 : memref<!tpu.dma_semaphore, #tpu.memory_space<semaphore_mem>>)
    %dma_wait3A_489 = arith.constant 0 : i32
    %dma_wait3A_490 = arith.constant 3 : i32
    %dma_wait3A_491 = arith.constant 0 : i32
    %dma_wait3A_492 = arith.constant 0 : i32
    %dma_wait3A_493 = tpu.memref_slice %arg8[%dma_wait3A_490, %dma_wait3A_491, %dma_wait3A_492] : memref<4x128x64xf32, #tpu.memory_space<vmem>> -> memref<1x128x64xf32, #tpu.memory_space<vmem>>
    %dma_wait3A_494 = tpu.memref_squeeze %dma_wait3A_493 : memref<1x128x64xf32, #tpu.memory_space<vmem>> -> memref<128x64xf32, #tpu.memory_space<vmem>>
    %dma_wait3A_495 = arith.constant 0 : i32
    %dma_wait3A_496 = tpu.memref_slice %arg6[%dma_wait3A_489, %dma_wait3A_495] : memref<200x128xi32, #tpu.memory_space<vmem>> -> memref<1x128xi32, #tpu.memory_space<vmem>>
    %dma_wait3A_497 = tpu.memref_squeeze %dma_wait3A_496 : memref<1x128xi32, #tpu.memory_space<vmem>> -> memref<128xi32, #tpu.memory_space<vmem>>
    %dma_wait3A_498 = arith.constant 0 : i32
    %dma_wait3A_499 = arith.constant 0 : i32
    %dma_wait3A_500 = tpu.memref_slice %arg3[%dma_wait3A_498, %dma_wait3A_499] : memref<100000x64xf32, #tpu.memory_space<hbm>> -> memref<100000x64xf32, #tpu.memory_space<hbm>>
    tpu.wait_indirect_dma semaphore(%arg13 : memref<!tpu.dma_semaphore, #tpu.memory_space<semaphore_mem>>) src(%dma_wait3A_500 : memref<100000x64xf32, #tpu.memory_space<hbm>>) dst(%dma_wait3A_494 : memref<128x64xf32, #tpu.memory_space<vmem>>)
    %dma_wait3A_501 = arith.constant 3 : i32
    %dma_wait3A_502 = arith.constant 0 : i32
    %dma_wait3A_503 = arith.constant 0 : i32
    %dma_wait3A_504 = arith.constant 0 : i32
    %dma_wait3A_505 = tpu.memref_slice %arg9[%dma_wait3A_501, %dma_wait3A_503, %dma_wait3A_504] : memref<4x64x129xf32, #tpu.memory_space<vmem>> -> memref<1x64x128xf32, #tpu.memory_space<vmem>>
    %dma_wait3A_506 = tpu.memref_squeeze %dma_wait3A_505 : memref<1x64x128xf32, #tpu.memory_space<vmem>> -> memref<64x128xf32, #tpu.memory_space<vmem>>
    %dma_wait3A_507 = arith.constant 0 : i32
    %dma_wait3A_508 = tpu.memref_slice %arg5[%dma_wait3A_502, %dma_wait3A_507, %mul3A_2] : memref<200x64x4096xf32, #tpu.memory_space<hbm>> -> memref<1x64x128xf32, #tpu.memory_space<hbm>>
    %dma_wait3A_509 = tpu.memref_squeeze %dma_wait3A_508 : memref<1x64x128xf32, #tpu.memory_space<hbm>> -> memref<64x128xf32, #tpu.memory_space<hbm>>
    %dma_wait3A_510 = arith.constant 0 : i32
    %dma_wait3A_511 = tpu.memref_slice %arg5[%dma_wait3A_502, %dma_wait3A_510, %mul3A_2] : memref<200x64x4096xf32, #tpu.memory_space<hbm>> -> memref<1x64x128xf32, #tpu.memory_space<hbm>>
    %dma_wait3A_512 = tpu.memref_squeeze %dma_wait3A_511 : memref<1x64x128xf32, #tpu.memory_space<hbm>> -> memref<64x128xf32, #tpu.memory_space<hbm>>
    %dma_wait3A_513 = arith.constant 0 : i32
    %dma_wait3A_514 = arith.constant 0 : i32
    %dma_wait3A_515 = tpu.memref_slice %arg9[%dma_wait3A_501, %dma_wait3A_513, %dma_wait3A_514] : memref<4x64x129xf32, #tpu.memory_space<vmem>> -> memref<1x64x128xf32, #tpu.memory_space<vmem>>
    %dma_wait3A_516 = tpu.memref_squeeze %dma_wait3A_515 : memref<1x64x128xf32, #tpu.memory_space<vmem>> -> memref<64x128xf32, #tpu.memory_space<vmem>>
    tpu.wait_dma2 semaphore(%arg17 : memref<!tpu.dma_semaphore, #tpu.memory_space<semaphore_mem>>) src(%dma_wait3A_516 : memref<64x128xf32, #tpu.memory_space<vmem>>) dst(%dma_wait3A_512 : memref<64x128xf32, #tpu.memory_space<hbm>>)
    %get3A_517 = arith.constant 199 : i32
    %get3A_518 = arith.index_cast %get3A_517 : i32 to index
    %get3A_519 = arith.constant 0 : index
    %get3A_520 = tpu.vector_load %arg7[%get3A_518, %get3A_519] {strides = array<i32>} : memref<200x64xf32, #tpu.memory_space<vmem>>, vector<16xf32>,
    %get3A_521 = arith.constant 199 : i32
    %get3A_522 = arith.index_cast %get3A_521 : i32 to index
    %get3A_523 = arith.constant 16 : index
    %get3A_524 = tpu.vector_load %arg7[%get3A_522, %get3A_523] {strides = array<i32>} : memref<200x64xf32, #tpu.memory_space<vmem>>, vector<16xf32>,
    %get3A_525 = arith.constant 199 : i32
    %get3A_526 = arith.index_cast %get3A_525 : i32 to index
    %get3A_527 = arith.constant 32 : index
    %get3A_528 = tpu.vector_load %arg7[%get3A_526, %get3A_527] {strides = array<i32>} : memref<200x64xf32, #tpu.memory_space<vmem>>, vector<16xf32>,
    %get3A_529 = arith.constant 199 : i32
    %get3A_530 = arith.index_cast %get3A_529 : i32 to index
    %get3A_531 = arith.constant 48 : index
    %get3A_532 = tpu.vector_load %arg7[%get3A_530, %get3A_531] {strides = array<i32>} : memref<200x64xf32, #tpu.memory_space<vmem>>, vector<16xf32>,
    %parallel_loop3A_533 = arith.constant 0 : i32
    %parallel_loop3A_534 = arith.constant 128 : i32
    %parallel_loop3A_535 = arith.constant 1 : i32
    scf.for %parallel_loop3A_616 = %parallel_loop3A_533 to %parallel_loop3A_534 step %parallel_loop3A_535  : i32 {
      %parallel_loop3A_617 = vector.broadcast %parallel_loop3A_616 : i32 to vector<16xi32>
      %parallel_loop3A_618 = arith.constant 3 : i32
      %parallel_loop3A_619 = arith.index_cast %parallel_loop3A_618 : i32 to index
      %parallel_loop3A_620 = arith.index_cast %parallel_loop3A_616 : i32 to index
      %parallel_loop3A_621 = arith.constant 0 : index
      %parallel_loop3A_622 = tpu.vector_load %arg8[%parallel_loop3A_619, %parallel_loop3A_620, %parallel_loop3A_621] {strides = array<i32>} : memref<4x128x64xf32, #tpu.memory_space<vmem>>, vector<16xf32>,
      %parallel_loop3A_623 = arith.addf %parallel_loop3A_622, %get3A_520 : vector<16xf32>
      %parallel_loop3A_624 = arith.constant 3 : i32
      %parallel_loop3A_625 = arith.constant 0 : i32
      %parallel_loop3A_626 = arith.constant 0 : i32
      %parallel_loop3A_627 = tpu.memref_slice %arg9[%parallel_loop3A_624, %parallel_loop3A_625, %parallel_loop3A_626] : memref<4x64x129xf32, #tpu.memory_space<vmem>> -> memref<1x64x129xf32, #tpu.memory_space<vmem>>
      %parallel_loop3A_628 = tpu.memref_squeeze %parallel_loop3A_627 : memref<1x64x129xf32, #tpu.memory_space<vmem>> -> memref<64x129xf32, #tpu.memory_space<vmem>>
      tpu.vector_store_idx %parallel_loop3A_628[%add3A_5, %parallel_loop3A_617], %parallel_loop3A_623 : memref<64x129xf32, #tpu.memory_space<vmem>>[vector<16xi32>, vector<16xi32>], vector<16xf32>,
      %parallel_loop3A_629 = arith.constant 3 : i32
      %parallel_loop3A_630 = arith.index_cast %parallel_loop3A_629 : i32 to index
      %parallel_loop3A_631 = arith.index_cast %parallel_loop3A_616 : i32 to index
      %parallel_loop3A_632 = arith.constant 16 : index
      %parallel_loop3A_633 = tpu.vector_load %arg8[%parallel_loop3A_630, %parallel_loop3A_631, %parallel_loop3A_632] {strides = array<i32>} : memref<4x128x64xf32, #tpu.memory_space<vmem>>, vector<16xf32>,
      %parallel_loop3A_634 = arith.addf %parallel_loop3A_633, %get3A_524 : vector<16xf32>
      %parallel_loop3A_635 = arith.constant 3 : i32
      %parallel_loop3A_636 = arith.constant 0 : i32
      %parallel_loop3A_637 = arith.constant 0 : i32
      %parallel_loop3A_638 = tpu.memref_slice %arg9[%parallel_loop3A_635, %parallel_loop3A_636, %parallel_loop3A_637] : memref<4x64x129xf32, #tpu.memory_space<vmem>> -> memref<1x64x129xf32, #tpu.memory_space<vmem>>
      %parallel_loop3A_639 = tpu.memref_squeeze %parallel_loop3A_638 : memref<1x64x129xf32, #tpu.memory_space<vmem>> -> memref<64x129xf32, #tpu.memory_space<vmem>>
      tpu.vector_store_idx %parallel_loop3A_639[%add3A_8, %parallel_loop3A_617], %parallel_loop3A_634 : memref<64x129xf32, #tpu.memory_space<vmem>>[vector<16xi32>, vector<16xi32>], vector<16xf32>,
      %parallel_loop3A_640 = arith.constant 3 : i32
      %parallel_loop3A_641 = arith.index_cast %parallel_loop3A_640 : i32 to index
      %parallel_loop3A_642 = arith.index_cast %parallel_loop3A_616 : i32 to index
      %parallel_loop3A_643 = arith.constant 32 : index
      %parallel_loop3A_644 = tpu.vector_load %arg8[%parallel_loop3A_641, %parallel_loop3A_642, %parallel_loop3A_643] {strides = array<i32>} : memref<4x128x64xf32, #tpu.memory_space<vmem>>, vector<16xf32>,
      %parallel_loop3A_645 = arith.addf %parallel_loop3A_644, %get3A_528 : vector<16xf32>
      %parallel_loop3A_646 = arith.constant 3 : i32
      %parallel_loop3A_647 = arith.constant 0 : i32
      %parallel_loop3A_648 = arith.constant 0 : i32
      %parallel_loop3A_649 = tpu.memref_slice %arg9[%parallel_loop3A_646, %parallel_loop3A_647, %parallel_loop3A_648] : memref<4x64x129xf32, #tpu.memory_space<vmem>> -> memref<1x64x129xf32, #tpu.memory_space<vmem>>
      %parallel_loop3A_650 = tpu.memref_squeeze %parallel_loop3A_649 : memref<1x64x129xf32, #tpu.memory_space<vmem>> -> memref<64x129xf32, #tpu.memory_space<vmem>>
      tpu.vector_store_idx %parallel_loop3A_650[%add3A_11, %parallel_loop3A_617], %parallel_loop3A_645 : memref<64x129xf32, #tpu.memory_space<vmem>>[vector<16xi32>, vector<16xi32>], vector<16xf32>,
      %parallel_loop3A_651 = arith.constant 3 : i32
      %parallel_loop3A_652 = arith.index_cast %parallel_loop3A_651 : i32 to index
      %parallel_loop3A_653 = arith.index_cast %parallel_loop3A_616 : i32 to index
      %parallel_loop3A_654 = arith.constant 48 : index
      %parallel_loop3A_655 = tpu.vector_load %arg8[%parallel_loop3A_652, %parallel_loop3A_653, %parallel_loop3A_654] {strides = array<i32>} : memref<4x128x64xf32, #tpu.memory_space<vmem>>, vector<16xf32>,
      %parallel_loop3A_656 = arith.addf %parallel_loop3A_655, %get3A_532 : vector<16xf32>
      %parallel_loop3A_657 = arith.constant 3 : i32
      %parallel_loop3A_658 = arith.constant 0 : i32
      %parallel_loop3A_659 = arith.constant 0 : i32
      %parallel_loop3A_660 = tpu.memref_slice %arg9[%parallel_loop3A_657, %parallel_loop3A_658, %parallel_loop3A_659] : memref<4x64x129xf32, #tpu.memory_space<vmem>> -> memref<1x64x129xf32, #tpu.memory_space<vmem>>
      %parallel_loop3A_661 = tpu.memref_squeeze %parallel_loop3A_660 : memref<1x64x129xf32, #tpu.memory_space<vmem>> -> memref<64x129xf32, #tpu.memory_space<vmem>>
      tpu.vector_store_idx %parallel_loop3A_661[%add3A_14, %parallel_loop3A_617], %parallel_loop3A_656 : memref<64x129xf32, #tpu.memory_space<vmem>>[vector<16xi32>, vector<16xi32>], vector<16xf32>,
    } {sc.loop_unroll_factor = 4 : i64, sc.parallel_access}
    %dma_start3A_536 = arith.constant 3 : i32
    %dma_start3A_537 = arith.constant 199 : i32
    %dma_start3A_538 = arith.constant 0 : i32
    %dma_start3A_539 = arith.constant 0 : i32
    %dma_start3A_540 = tpu.memref_slice %arg9[%dma_start3A_536, %dma_start3A_538, %dma_start3A_539] : memref<4x64x129xf32, #tpu.memory_space<vmem>> -> memref<1x64x128xf32, #tpu.memory_space<vmem>>
    %dma_start3A_541 = tpu.memref_squeeze %dma_start3A_540 : memref<1x64x128xf32, #tpu.memory_space<vmem>> -> memref<64x128xf32, #tpu.memory_space<vmem>>
    %dma_start3A_542 = arith.constant 0 : i32
    %dma_start3A_543 = tpu.memref_slice %arg5[%dma_start3A_537, %dma_start3A_542, %mul3A_2] : memref<200x64x4096xf32, #tpu.memory_space<hbm>> -> memref<1x64x128xf32, #tpu.memory_space<hbm>>
    %dma_start3A_544 = tpu.memref_squeeze %dma_start3A_543 : memref<1x64x128xf32, #tpu.memory_space<hbm>> -> memref<64x128xf32, #tpu.memory_space<hbm>>
    %dma_start3A_545 = arith.constant 0 : i32
    %dma_start3A_546 = tpu.memref_slice %arg5[%dma_start3A_537, %dma_start3A_545, %mul3A_2] : memref<200x64x4096xf32, #tpu.memory_space<hbm>> -> memref<1x64x128xf32, #tpu.memory_space<hbm>>
    %dma_start3A_547 = tpu.memref_squeeze %dma_start3A_546 : memref<1x64x128xf32, #tpu.memory_space<hbm>> -> memref<64x128xf32, #tpu.memory_space<hbm>>
    %dma_start3A_548 = arith.constant 0 : i32
    %dma_start3A_549 = arith.constant 0 : i32
    %dma_start3A_550 = tpu.memref_slice %arg9[%dma_start3A_536, %dma_start3A_548, %dma_start3A_549] : memref<4x64x129xf32, #tpu.memory_space<vmem>> -> memref<1x64x128xf32, #tpu.memory_space<vmem>>
    %dma_start3A_551 = tpu.memref_squeeze %dma_start3A_550 : memref<1x64x128xf32, #tpu.memory_space<vmem>> -> memref<64x128xf32, #tpu.memory_space<vmem>>
    tpu.enqueue_dma source(%dma_start3A_551 : memref<64x128xf32, #tpu.memory_space<vmem>>) target(%dma_start3A_547 : memref<64x128xf32, #tpu.memory_space<hbm>>) target_semaphore(%arg17 : memref<!tpu.dma_semaphore, #tpu.memory_space<semaphore_mem>>)
    %dma_wait3A_552 = arith.constant 0 : i32
    %dma_wait3A_553 = arith.constant 0 : i32
    %dma_wait3A_554 = arith.constant 0 : i32
    %dma_wait3A_555 = arith.constant 0 : i32
    %dma_wait3A_556 = tpu.memref_slice %arg9[%dma_wait3A_552, %dma_wait3A_554, %dma_wait3A_555] : memref<4x64x129xf32, #tpu.memory_space<vmem>> -> memref<1x64x128xf32, #tpu.memory_space<vmem>>
    %dma_wait3A_557 = tpu.memref_squeeze %dma_wait3A_556 : memref<1x64x128xf32, #tpu.memory_space<vmem>> -> memref<64x128xf32, #tpu.memory_space<vmem>>
    %dma_wait3A_558 = arith.constant 0 : i32
    %dma_wait3A_559 = tpu.memref_slice %arg5[%dma_wait3A_553, %dma_wait3A_558, %mul3A_2] : memref<200x64x4096xf32, #tpu.memory_space<hbm>> -> memref<1x64x128xf32, #tpu.memory_space<hbm>>
    %dma_wait3A_560 = tpu.memref_squeeze %dma_wait3A_559 : memref<1x64x128xf32, #tpu.memory_space<hbm>> -> memref<64x128xf32, #tpu.memory_space<hbm>>
    %dma_wait3A_561 = arith.constant 0 : i32
    %dma_wait3A_562 = tpu.memref_slice %arg5[%dma_wait3A_553, %dma_wait3A_561, %mul3A_2] : memref<200x64x4096xf32, #tpu.memory_space<hbm>> -> memref<1x64x128xf32, #tpu.memory_space<hbm>>
    %dma_wait3A_563 = tpu.memref_squeeze %dma_wait3A_562 : memref<1x64x128xf32, #tpu.memory_space<hbm>> -> memref<64x128xf32, #tpu.memory_space<hbm>>
    %dma_wait3A_564 = arith.constant 0 : i32
    %dma_wait3A_565 = arith.constant 0 : i32
    %dma_wait3A_566 = tpu.memref_slice %arg9[%dma_wait3A_552, %dma_wait3A_564, %dma_wait3A_565] : memref<4x64x129xf32, #tpu.memory_space<vmem>> -> memref<1x64x128xf32, #tpu.memory_space<vmem>>
    %dma_wait3A_567 = tpu.memref_squeeze %dma_wait3A_566 : memref<1x64x128xf32, #tpu.memory_space<vmem>> -> memref<64x128xf32, #tpu.memory_space<vmem>>
    tpu.wait_dma2 semaphore(%arg14 : memref<!tpu.dma_semaphore, #tpu.memory_space<semaphore_mem>>) src(%dma_wait3A_567 : memref<64x128xf32, #tpu.memory_space<vmem>>) dst(%dma_wait3A_563 : memref<64x128xf32, #tpu.memory_space<hbm>>)
    %dma_wait3A_568 = arith.constant 1 : i32
    %dma_wait3A_569 = arith.constant 0 : i32
    %dma_wait3A_570 = arith.constant 0 : i32
    %dma_wait3A_571 = arith.constant 0 : i32
    %dma_wait3A_572 = tpu.memref_slice %arg9[%dma_wait3A_568, %dma_wait3A_570, %dma_wait3A_571] : memref<4x64x129xf32, #tpu.memory_space<vmem>> -> memref<1x64x128xf32, #tpu.memory_space<vmem>>
    %dma_wait3A_573 = tpu.memref_squeeze %dma_wait3A_572 : memref<1x64x128xf32, #tpu.memory_space<vmem>> -> memref<64x128xf32, #tpu.memory_space<vmem>>
    %dma_wait3A_574 = arith.constant 0 : i32
    %dma_wait3A_575 = tpu.memref_slice %arg5[%dma_wait3A_569, %dma_wait3A_574, %mul3A_2] : memref<200x64x4096xf32, #tpu.memory_space<hbm>> -> memref<1x64x128xf32, #tpu.memory_space<hbm>>
    %dma_wait3A_576 = tpu.memref_squeeze %dma_wait3A_575 : memref<1x64x128xf32, #tpu.memory_space<hbm>> -> memref<64x128xf32, #tpu.memory_space<hbm>>
    %dma_wait3A_577 = arith.constant 0 : i32
    %dma_wait3A_578 = tpu.memref_slice %arg5[%dma_wait3A_569, %dma_wait3A_577, %mul3A_2] : memref<200x64x4096xf32, #tpu.memory_space<hbm>> -> memref<1x64x128xf32, #tpu.memory_space<hbm>>
    %dma_wait3A_579 = tpu.memref_squeeze %dma_wait3A_578 : memref<1x64x128xf32, #tpu.memory_space<hbm>> -> memref<64x128xf32, #tpu.memory_space<hbm>>
    %dma_wait3A_580 = arith.constant 0 : i32
    %dma_wait3A_581 = arith.constant 0 : i32
    %dma_wait3A_582 = tpu.memref_slice %arg9[%dma_wait3A_568, %dma_wait3A_580, %dma_wait3A_581] : memref<4x64x129xf32, #tpu.memory_space<vmem>> -> memref<1x64x128xf32, #tpu.memory_space<vmem>>
    %dma_wait3A_583 = tpu.memref_squeeze %dma_wait3A_582 : memref<1x64x128xf32, #tpu.memory_space<vmem>> -> memref<64x128xf32, #tpu.memory_space<vmem>>
    tpu.wait_dma2 semaphore(%arg15 : memref<!tpu.dma_semaphore, #tpu.memory_space<semaphore_mem>>) src(%dma_wait3A_583 : memref<64x128xf32, #tpu.memory_space<vmem>>) dst(%dma_wait3A_579 : memref<64x128xf32, #tpu.memory_space<hbm>>)
    %dma_wait3A_584 = arith.constant 2 : i32
    %dma_wait3A_585 = arith.constant 0 : i32
    %dma_wait3A_586 = arith.constant 0 : i32
    %dma_wait3A_587 = arith.constant 0 : i32
    %dma_wait3A_588 = tpu.memref_slice %arg9[%dma_wait3A_584, %dma_wait3A_586, %dma_wait3A_587] : memref<4x64x129xf32, #tpu.memory_space<vmem>> -> memref<1x64x128xf32, #tpu.memory_space<vmem>>
    %dma_wait3A_589 = tpu.memref_squeeze %dma_wait3A_588 : memref<1x64x128xf32, #tpu.memory_space<vmem>> -> memref<64x128xf32, #tpu.memory_space<vmem>>
    %dma_wait3A_590 = arith.constant 0 : i32
    %dma_wait3A_591 = tpu.memref_slice %arg5[%dma_wait3A_585, %dma_wait3A_590, %mul3A_2] : memref<200x64x4096xf32, #tpu.memory_space<hbm>> -> memref<1x64x128xf32, #tpu.memory_space<hbm>>
    %dma_wait3A_592 = tpu.memref_squeeze %dma_wait3A_591 : memref<1x64x128xf32, #tpu.memory_space<hbm>> -> memref<64x128xf32, #tpu.memory_space<hbm>>
    %dma_wait3A_593 = arith.constant 0 : i32
    %dma_wait3A_594 = tpu.memref_slice %arg5[%dma_wait3A_585, %dma_wait3A_593, %mul3A_2] : memref<200x64x4096xf32, #tpu.memory_space<hbm>> -> memref<1x64x128xf32, #tpu.memory_space<hbm>>
    %dma_wait3A_595 = tpu.memref_squeeze %dma_wait3A_594 : memref<1x64x128xf32, #tpu.memory_space<hbm>> -> memref<64x128xf32, #tpu.memory_space<hbm>>
    %dma_wait3A_596 = arith.constant 0 : i32
    %dma_wait3A_597 = arith.constant 0 : i32
    %dma_wait3A_598 = tpu.memref_slice %arg9[%dma_wait3A_584, %dma_wait3A_596, %dma_wait3A_597] : memref<4x64x129xf32, #tpu.memory_space<vmem>> -> memref<1x64x128xf32, #tpu.memory_space<vmem>>
    %dma_wait3A_599 = tpu.memref_squeeze %dma_wait3A_598 : memref<1x64x128xf32, #tpu.memory_space<vmem>> -> memref<64x128xf32, #tpu.memory_space<vmem>>
    tpu.wait_dma2 semaphore(%arg16 : memref<!tpu.dma_semaphore, #tpu.memory_space<semaphore_mem>>) src(%dma_wait3A_599 : memref<64x128xf32, #tpu.memory_space<vmem>>) dst(%dma_wait3A_595 : memref<64x128xf32, #tpu.memory_space<hbm>>)
    %dma_wait3A_600 = arith.constant 3 : i32
    %dma_wait3A_601 = arith.constant 0 : i32
    %dma_wait3A_602 = arith.constant 0 : i32
    %dma_wait3A_603 = arith.constant 0 : i32
    %dma_wait3A_604 = tpu.memref_slice %arg9[%dma_wait3A_600, %dma_wait3A_602, %dma_wait3A_603] : memref<4x64x129xf32, #tpu.memory_space<vmem>> -> memref<1x64x128xf32, #tpu.memory_space<vmem>>
    %dma_wait3A_605 = tpu.memref_squeeze %dma_wait3A_604 : memref<1x64x128xf32, #tpu.memory_space<vmem>> -> memref<64x128xf32, #tpu.memory_space<vmem>>
    %dma_wait3A_606 = arith.constant 0 : i32
    %dma_wait3A_607 = tpu.memref_slice %arg5[%dma_wait3A_601, %dma_wait3A_606, %mul3A_2] : memref<200x64x4096xf32, #tpu.memory_space<hbm>> -> memref<1x64x128xf32, #tpu.memory_space<hbm>>
    %dma_wait3A_608 = tpu.memref_squeeze %dma_wait3A_607 : memref<1x64x128xf32, #tpu.memory_space<hbm>> -> memref<64x128xf32, #tpu.memory_space<hbm>>
    %dma_wait3A_609 = arith.constant 0 : i32
    %dma_wait3A_610 = tpu.memref_slice %arg5[%dma_wait3A_601, %dma_wait3A_609, %mul3A_2] : memref<200x64x4096xf32, #tpu.memory_space<hbm>> -> memref<1x64x128xf32, #tpu.memory_space<hbm>>
    %dma_wait3A_611 = tpu.memref_squeeze %dma_wait3A_610 : memref<1x64x128xf32, #tpu.memory_space<hbm>> -> memref<64x128xf32, #tpu.memory_space<hbm>>
    %dma_wait3A_612 = arith.constant 0 : i32
    %dma_wait3A_613 = arith.constant 0 : i32
    %dma_wait3A_614 = tpu.memref_slice %arg9[%dma_wait3A_600, %dma_wait3A_612, %dma_wait3A_613] : memref<4x64x129xf32, #tpu.memory_space<vmem>> -> memref<1x64x128xf32, #tpu.memory_space<vmem>>
    %dma_wait3A_615 = tpu.memref_squeeze %dma_wait3A_614 : memref<1x64x128xf32, #tpu.memory_space<vmem>> -> memref<64x128xf32, #tpu.memory_space<vmem>>
    tpu.wait_dma2 semaphore(%arg17 : memref<!tpu.dma_semaphore, #tpu.memory_space<semaphore_mem>>) src(%dma_wait3A_615 : memref<64x128xf32, #tpu.memory_space<vmem>>) dst(%dma_wait3A_611 : memref<64x128xf32, #tpu.memory_space<hbm>>)
    return
  }
}

</mosaic_0001>

<sc_bundles>
// kernel: kernel.3.cloned.1.call-start
scs
__scs_entry_jumppad:
0x0: {  	(pc) =	sbr.rel $0x88, $3  }
0x1: {  	(tag) =	ssettag $0x0;
	lr =	simm.s32 $0x1  }
0x2: {  	[smem:$0x3F9E] =	sst lr;
	_ =	strace $0xD0000000  }
0x3: {  	_ = 	snop  }
0x4: {  	_ = 	snop  }
0x5: {  	_ = 	snop  }
0x6: {  	_ = 	snop  }
0x7: {  	_ = 	snop  }
__scs_overlays_trampoline_lowered:
0x8: {  	[smem:$0x3FAD] =	sst s0  }
0x9: {  	[smem:$0x3FAE] =	sst s1  }
0xa: {  	[smem:$0x3FAF] =	sst s2  }
0xb: {  	[smem:$0x3FB0] =	sst s3  }
0xc: {  	[smem:$0x3FB1] =	sst s4  }
0xd: {  	[smem:$0x3FB2] =	sst s5  }
0xe: {  	[smem:$0x3FB3] =	sst s6  }
0xf: {  	[smem:$0x3FB4] =	sst s7  }
0x10: {  	[smem:$0x3FB5] =	sst s8  }
0x11: {  	[smem:$0x3FB6] =	sst s9;
	s0 =	simm.s32 @!p0 $0x0  }
0x12: {  	s1 =	sld [smem:$0x3F9C];
	s0 =	simm.s32 @p0 $0x1  }
0x13: {  	[smem:$0x3FB7] =	sst s0;
	s0 =	simm.s32 @!p1 $0x0  }
0x14: {  	s2 =	sld [smem:$0x3F9B];
	s0 =	simm.s32 @p1 $0x1  }
0x15: {  	[smem:$0x3FB8] =	sst s0;
	s0 =	simm.s32 @!p2 $0x0  }
0x16: {  	s3 =	sld [smem:$0x3FDB];
	s0 =	simm.s32 @p2 $0x1  }
0x17: {  	s4 =	simm.s32 $0x1BF5;
	[smem:$0x3FBA] =	sst s0  }
0x18: {  	s0 =	sld [smem:$0x3F9D];
	_ =	swait.ge [sflag:s4], $0x0  }
0x19: {  	s7 =	sld [smem:$0x3F9E]  }
0x1a: {  	s8 =	sadd.s32 $0xFFFFE003, lr  }
0x1b: {  	s9 =	sadd.s32 $0xFFFFFEF7, lr;
	s5 =	simm.s32 $0xFFFFFFFF;
	p2 =	slt.u32 s8, $0xFFFFF086  }
0x1c: {  	p1 =	slt.u32 s9, $0xF7A;
	s5 =	simm.s32 @!p2 $0x0  }
0x1d: {  	s5 =	simm.s32 @p1 $0x1;
	p0 =	seq.s32 s7, s2  }
0x1e: {  	s7 =	smul.u32 @!p0 $0xF7A, s2;
	p2 =	seq.s32 @!p0 s5, $0x0  }
0x1f: {  	s9 =	smul.u32 $0xF7A, s1;
	s8 =	simm.s32 @!p0 $0x1BF5;
	p2 =	por !p2, p0  }
0x20: {  	[sflag:s8] =	ssyncset.s32 @!p0 $0xFFFFF086;
	s6 =	sadd.s32 @!p0 s3, s7;
	s7 =	simm.s32 @!p0 $0x108  }
0x21: {  	s3 =	sadd.s32 s3, s9;
	s6 =	sadd.s32 @!p0 $0x88, s6;
	s7 =	simm.s32 @p2 $0x1082  }
0x22: {  	[simem:s7], [sflag:s8] =	dma.local @!p0 [hbm:s6], $0xF7A  }
0x23: {  	s9 =	sor.u32 $0xD0000000, s2;
	s6 =	simm.s32 $0x108;
	_ =	swait.ge @!p0 [sflag:s8], $0x0  }
0x24: {  	s3 =	sadd.s32 $0x88, s3;
	s6 =	simm.s32 @!p1 $0x1082;
	[sflag:s4] =	ssyncset.s32 $0xFFFFF086  }
0x25: {  	[simem:s6], [sflag:s4] =	dma.local [hbm:s3], $0xF7A  }
0x26: {  	[smem:$0x3F9E] =	sst s1;
	(tag) =	ssettag s2;
	_ =	strace s9  }
0x27: {  	s1 =	sld [smem:$0x3FAE]  }
0x28: {  	s2 =	sld [smem:$0x3FAF]  }
0x29: {  	s4 =	sld [smem:$0x3FB1]  }
0x2a: {  	p0 =	seq.s32 s5, $0x0;
	s5 =	sld [smem:$0x3FB2]  }
0x2b: {  	s6 =	sld [smem:$0x3FB3]  }
0x2c: {  	s7 =	sld [smem:$0x3FB4]  }
0x2d: {  	s3 =	simm.s32 $0x108;
	s8 =	sld [smem:$0x3FB5]  }
0x2e: {  	s3 =	simm.s32 @!p0 $0x1082;
	s9 =	sld [smem:$0x3FB6]  }
0x2f: {  	lr =	sadd.s32 s0, s3;
	s0 =	sld [smem:$0x3FAD]  }
0x30: {  	s3 =	sld [smem:$0x3FB0]  }
0x31: {  	[smem:$0x3FB9] =	sst s10  }
0x32: {  	s10 =	sld [smem:$0x3FB7];
	_ =	sdelay $0x3  }
0x33: {  	p0 =	seq.s32 s10, $0x1;
	s10 =	sld [smem:$0x3FB9];
	_ =	sdelay $0x3  }
0x34: {  	[smem:$0x3FB9] =	sst s10  }
0x35: {  	s10 =	sld [smem:$0x3FB8];
	_ =	sdelay $0x3  }
0x36: {  	p1 =	seq.s32 s10, $0x1;
	s10 =	sld [smem:$0x3FB9];
	_ =	sdelay $0x3  }
0x37: {  	[smem:$0x3FB9] =	sst s10  }
0x38: {  	s10 =	sld [smem:$0x3FBA]  }
0x39: {  	_ = 	snop;
	(pc) =	sbr.ind lr, $3  }
0x3a: {  	_ = 	snop  }
0x3b: {  	_ = 	snop  }
0x3c: {  	p2 =	seq.s32 s10, $0x1;
	s10 =	sld [smem:$0x3FB9]  }
0x3d: {  	_ =	shalt  }
0x3e: {  	_ =	shalt  }
0x3f: {  	_ =	shalt  }
0x40: {  	_ =	shalt  }
0x41: {  	_ =	shalt  }
0x42: {  	_ =	shalt  }
0x43: {  	_ =	shalt  }
0x44: {  	_ =	shalt  }
0x45: {  	_ =	shalt  }
0x46: {  	_ =	shalt  }
0x47: {  	_ =	shalt  }
0x48: {  	_ =	shalt  }
0x49: {  	_ =	shalt  }
0x4a: {  	_ =	shalt  }
0x4b: {  	_ =	shalt  }
0x4c: {  	_ =	shalt  }
0x4d: {  	_ =	shalt  }
0x4e: {  	_ =	shalt  }
0x4f: {  	_ =	shalt  }
0x50: {  	_ =	shalt  }
0x51: {  	_ =	shalt  }
0x52: {  	_ =	shalt  }
0x53: {  	_ =	shalt  }
0x54: {  	_ =	shalt  }
0x55: {  	_ =	shalt  }
0x56: {  	_ =	shalt  }
0x57: {  	_ =	shalt  }
0x58: {  	_ =	shalt  }
0x59: {  	_ =	shalt  }
0x5a: {  	_ =	shalt  }
0x5b: {  	_ =	shalt  }
0x5c: {  	_ =	shalt  }
0x5d: {  	_ =	shalt  }
0x5e: {  	_ =	shalt  }
0x5f: {  	_ =	shalt  }
0x60: {  	_ =	shalt  }
0x61: {  	_ =	shalt  }
0x62: {  	_ =	shalt  }
0x63: {  	_ =	shalt  }
0x64: {  	_ =	shalt  }
0x65: {  	_ =	shalt  }
0x66: {  	_ =	shalt  }
0x67: {  	_ =	shalt  }
0x68: {  	_ =	shalt  }
0x69: {  	_ =	shalt  }
0x6a: {  	_ =	shalt  }
0x6b: {  	_ =	shalt  }
0x6c: {  	_ =	shalt  }
0x6d: {  	_ =	shalt  }
0x6e: {  	_ =	shalt  }
0x6f: {  	_ =	shalt  }
0x70: {  	_ =	shalt  }
0x71: {  	_ =	shalt  }
0x72: {  	_ =	shalt  }
0x73: {  	_ =	shalt  }
0x74: {  	_ =	shalt  }
0x75: {  	_ =	shalt  }
0x76: {  	_ =	shalt  }
0x77: {  	_ =	shalt  }
0x78: {  	_ =	shalt  }
0x79: {  	_ =	shalt  }
0x7a: {  	_ =	shalt  }
0x7b: {  	_ =	shalt  }
0x7c: {  	_ =	shalt  }
0x7d: {  	_ =	shalt  }
0x7e: {  	_ =	shalt  }
0x7f: {  	_ =	shalt  }
0x80: {  	_ =	shalt  }
0x81: {  	_ =	shalt  }
0x82: {  	_ =	shalt  }
0x83: {  	_ =	shalt  }
0x84: {  	_ =	shalt  }
0x85: {  	_ =	shalt  }
0x86: {  	_ =	shalt  }
0x87: {  	_ =	shalt  }
.Lfunc_end0:
.L_simem_size_0:
called_computation_lowered:
.L_overlay_start_0:
0x88: {  	s2 =	sld [smem:$0x3FD9]  }
0x89: {  	s3 =	sld [smem:$0x3FFE];
	_ =	sdelay $0x1  }
0x8a: {  	s1 =	srdreg.scid  }
0x8b: {  	s0 =	sand.u32 $0x1, s1  }
0x8c: {  	s16 =	sshll.u32 s0, $0xA;
	s2 =	sadd.s32 s3, s2  }
0x8d: {  	s2 =	sadd.s32 s2, s16  }
0x8e: {  	[smem:$0x3FC5] =	sst s2  }
0x8f: {  	_ = 	snop  }
0x90: {  	(tm) =	ssettm $0x1  }
0x91: {  	s17 =	sld [smem:$0x3FFB];
	_ =	sdelay $0x3  }
0x92: {  	_ =	strace s17  }
0x93: {  	s2 =	sld [smem:$0x3FFC];
	_ =	sdelay $0x3  }
0x94: {  	_ =	strace s2  }
0x95: {  	s2 =	sld [smem:$0x3FFD];
	_ =	sdelay $0x3  }
0x96: {  	_ =	strace s2  }
0x97: {  	_ =	strace $0x8FFFFFFF  }
0x98: {  	s18 =	sld [smem:$0x3FDB];
	_ =	sdelay $0x1  }
0x99: {  	s19 =	simm.s32 $_scs_section_size  }
0x9a: {  	s4 =	simm.s32 $_size__tile_overlayer_lowered;
	s5 =	simm.s32 $_tile_overlayer_lowered  }
0x9b: {  	s22 =	simm.s32 $0x1BFF;
	s21 =	sshll.u32 s5, $0x1;
	s2 =	sadd.s32 s19, s18  }
0x9c: {  	s6 =	simm.s32 $0x0;
	s20 =	sshll.u32 s4, $0x1;
	s4 =	sadd.s32 s21, s2  }
0x9d: {  	[timem:s6], [sflag:s22] =	dma.local [hbm:s4], s20  }
0x9e: {  	_ =	swait.ge [sflag:s22], s20  }
0x9f: {  	s3 =	ssub.s32 $0x0, s20;
	[sflag:s22] =	ssyncset.done $0x0  }
0xa0: {  	[sflag:s22] =	ssyncadd.s32 s3;
	_ =	sdelay $0x1  }
0xa1: {  	s23 =	simm.s32 $0x1B8B  }
0xa2: {  	_ =	swait.ge [sflag:s23], $0x1  }
0xa3: {  	[sflag:s23] =	ssyncset.done $0x0  }
0xa4: {  	s25 =	simm.s32 $0x1B8E;
	s24 =	sld [smem:$0x3FFE];
	[sflag:s23] =	ssyncadd.s32 $0xFFFFFFFF  }
0xa5: {  	s26 =	simm.s32 $execute0_lowered;
	[smem:$0x3FD2] =	sst s25  }
0xa6: {  	s4 =	sshll.u32 s26, $0x1;
	_ =	strace $0x80000046;
	[dreg:$0x1] =	wrdreg $0xFFFFFFFF  }
0xa7: {  	s28 =	simm.s32 $_size_execute0_lowered;
	s2 =	sadd.s32 s2, s4;
	[dreg:$0x0] =	wrdreg $0x0  }
0xa8: {  	s4 =	sshll.u32 s28, $0x1;
	[dreg:$0x2] =	wrdreg s2  }
0xa9: {  	[dreg:$0x3] =	wrdreg s4  }
0xaa: {  	[dreg:$0x4] =	wrdreg $0xC0  }
0xab: {  	_ =	task [dreg:s6], $0x5FFFF  }
0xac: {  	[dreg:$0x1] =	wrdreg $0xFFFFFFFF  }
0xad: {  	[dreg:$0x0] =	wrdreg $0x60  }
0xae: {  	[dreg:$0x2] =	wrdreg s24  }
0xaf: {  	[dreg:$0x3] =	wrdreg $0x9  }
0xb0: {  	_ =	task.clear_ibuf [dreg:s6], $0x4FFFF;
	_ =	strace $0x90000046  }
0xb1: {  	s29 =	simm.s32 $0x9;
	_ =	strace $0x80000048  }
0xb2: {  	_ =	swait.ge [sflag:s29], $0x1  }
0xb3: {  	[sflag:s29] =	ssyncadd.s32 $0xFFFFFFFF  }
0xb4: {  	_ =	strace $0x90000048  }
0xb5: {  	_ =	sfence  }
0xb6: {  	s30 =	sld [smem:$0x0];
	_ =	sdelay $0x2  }
0xb7: {  	s31 =	sshll.u32 s1, $0xD;
	s1 =	sshrl.u32 s1, $0x2  }
0xb8: {  	s3 =	sand.u32 $0x4000, s31;
	s1 =	sadd.s32 s1, s30  }
0xb9: {  	s0 =	sor.u32 s3, s0;
	s1 =	sshll.u32 s1, $0x11  }
0xba: {  	s0 =	sor.u32 s1, s0  }
0xbb: {  	s0 =	sadd.s32 $0x8F2B, s0  }
0xbc: {  	[sflag:s0] =	ssyncadd.remote.s32 $0x1  }
0xbd: {  	_ =	sfence.sel $0xFFFF  }
0xbe: {  	[dreg:$0x0] =	wrdreg $0xFFFFFFFF;
	(pc) =	sbr.abs _section_cstart, $3  }
0xbf: {  	[dreg:$0x1] =	wrdreg $0xFFFFFFFF  }
0xc0: {  	_ =	task.clear_ibuf [dreg:s6], $0x2FFFF;
	_ =	strace $0x9FFFFFFF  }
0xc1: {  	(tm) =	ssettm $0x7FFFFFFF  }
tec
execute0_lowered:
.L_overlay_start_1:
0x0: {  	(tag) =	ssettag $0x1  }
0x1: {  	s0 =	srdreg.scid;
	s2 =	stileid.u32  }
0x2: {  	s1 =	rddreg [dreg:$0x0];
	s17 =	simm.s32 $0x80;
	s29 =	simm.s32 $0x11600  }
0x3: {  	s20 =	simm.s32 $0x15A00;
	s30 =	simm.s32 $0x17C00;
	s23 =	simm.s32 $0x6  }
0x4: {  	s18 =	simm.s32 $0x0;
	s0 =	sand.u32 $0x1, s0;
	s3 =	sshll.u32 s2, $0x8  }
0x5: {  	s2 =	simm.s32 $0x0;
	s5 =	sadd.s32 $0xDD200, s1;
	s4 =	sshll.u32 s0, $0x7  }
0x6: {  	[smem:$0x7FF] =	sst s2;
	s0 =	ssub.s32 $0x2, s0;
	s3 =	sor.u32 s4, s3  }
0x7: {  	_ =	strace $0x80000047;
	s7 =	sshrl.u32 s0, $0x1;
	s6 =	sshrl.u32 s3, $0x3  }
0x8: {  	s4 =	sadd.s32 $0x19C00, s1;
	s0 =	ssub.s32 s0, s7;
	s8 =	sadd.s32 s6, s1  }
0x9: {  	s1 =	sadd.s32 $0x400, s1;
	s7 =	sadd.s32 s5, s6;
	s0 =	smax.u32 s0, $0x1  }
0xa: {  	s6 =	simm.s32 $0x7;
	[dreg:$0x2] =	wrdreg s1;
	s31 =	sadd.s32 $0xC00, s8  }
0xb: {  	v0 =	vlaneseq.u32;
	s9 =	sadd.s32 $0x8000, s7;
	s10 =	sadd.s32 $0x10000, s7;
	s11 =	sadd.s32 $0x18000, s7  }
0xc: {  	v0 =	vmul.u32 $0x88, v0;
	s12 =	sadd.s32 $0x620000, s7;
	s13 =	sadd.s32 $0x628000, s7;
	s14 =	sadd.s32 $0x630000, s7  }
0xd: {  	s15 =	sadd.s32 $0x638000, s7;
	[dreg:$0x4] =	wrdreg s0;
	s1 =	simm.s32 $0x13800  }
0xe: {  	v1 =	vadd.s32 $0x880, v0;
	v2 =	vadd.s32 $0x1100, v0;
	v3 =	vadd.s32 $0x1980, v0;
	s0 =	simm.s32 $0x5;
	s8 =	simm.s32 $0x8;
	[dreg:$0x3] =	wrdreg s31  }
.LBB2_1:
0xf: {  	[dreg:$0x5] =	wrdreg s18  }
0x10: {  	s16 =	rddreg [dreg:$0x3];
	s21 =	simm.s32 $0x1000;
	s22 =	simm.s32 $0x9  }
0x11: {  	[tilespmem:s2], [sflag:$0x9] =	stream.strided.gather [hbm4b:s16+s17], $0x6400, s21, s17, $0x38;
	[tilespmem:$0x19E00] =	vst v63  }
0x12: {  	_ =	swait.ge [sflag:s22], $0x6400  }
0x13: {  	[sflag:s22] =	ssyncset.done $0x0  }
0x14: {  	s19 =	simm.s32 $0x6400;
	s24 =	rddreg [dreg:$0x2];
	[sflag:s22] =	ssyncadd.s32 $0xFFFF9C00  }
0x15: {  	[tilespmem:s19], [sflag:$0x9] =	stream.linear.gather [hbm4b:s24+s2], $0x3200, $0x38;
	[tilespmem:$0x19E00] =	vst v63  }
0x16: {  	_ =	swait.ge [sflag:s22], $0x3200  }
0x17: {  	[sflag:s22] =	ssyncset.done $0x0  }
0x18: {  	s25 =	simm.s32 $0x9600;
	[sflag:s22] =	ssyncadd.s32 $0xFFFFCE00  }
0x19: {  	[tilespmem:s25], [sflag:$0x1] =	stream.indirect.gather [hbm4b:s4+s17], $0x40, s2, s17, $0xb8;
	[tilespmem:$0x19E00] =	vst v63  }
0x1a: {  	s26 =	simm.s32 $0xB600  }
0x1b: {  	[tilespmem:s26], [sflag:$0x2] =	stream.indirect.gather [hbm4b:s4+s17], $0x40, s17, s17, $0xb8;
	[tilespmem:$0x19E00] =	vst v63  }
0x1c: {  	s28 =	simm.s32 $0x100;
	s31 =	simm.s32 $0xD600  }
0x1d: {  	[tilespmem:s31], [sflag:$0x3] =	stream.indirect.gather [hbm4b:s4+s17], $0x40, s28, s17, $0xb8;
	[tilespmem:$0x19E00] =	vst v63  }
0x1e: {  	s18 =	simm.s32 $0x180;
	s21 =	simm.s32 $0x1;
	s19 =	simm.s32 $0xF600  }
0x1f: {  	[tilespmem:s19], [sflag:$0x4] =	stream.indirect.gather [hbm4b:s4+s17], $0x40, s18, s17, $0xb8;
	[tilespmem:$0x19E00] =	vst v63  }
0x20: {  	_ =	swait.ge [sflag:s21], $0x2000  }
0x21: {  	[sflag:s21] =	ssyncset.done $0x0  }
0x22: {  	[sflag:s21] =	ssyncadd.s32 $0xFFFFE000  }
0x23: {  	s22 =	simm.s32 $0x3;
	s18 =	simm.s32 $0x9680;
	v9 =	vld [tilespmem:$0x6400]  }
0x24: {  	v4 =	vmov s22;
	v7 =	vld [tilespmem:s18+$0x40]  }
0x25: {  	v13 =	vand.u32 $0x7F, v4  }
0x26: {  	v8 =	vadd.s32 v0, v13;
	v6 =	vld [tilespmem:$0x6410]  }
0x27: {  	s24 =	simm.s32 $0x1;
	s25 =	simm.s32 $0x2;
	v4 =	vmov s2;
	v10 =	vld [tilespmem:s18+$0xFFFFFF80]  }
0x28: {  	v14 =	vmov s25;
	v12 =	vand.u32 $0x7C, v4;
	v4 =	vmov s24;
	v11 =	vld [tilespmem:s18+$0xFFFFFFC0]  }
0x29: {  	v15 =	vadd.s32 v0, v12;
	v19 =	vand.u32 $0x7D, v4;
	v16 =	vld [tilespmem:s18+$0x0];
	v7 =	vadd.f32 v7, v9  }
0x2a: {  	v20 =	vand.u32 $0x7E, v14;
	v17 =	vadd.s32 v0, v19;
	v5 =	vld [tilespmem:$0x6420]  }
0x2b: {  	v14 =	vadd.s32 v0, v20;
	v4 =	vld [tilespmem:$0x6430];
	[tilespmem:v8+s29+$0x0] =	vst.idx.msk $0xffff, v7  }
0x2c: {  	v7 =	vadd.f32 v10, v9;
	v8 =	vld [tilespmem:s18+$0x50]  }
0x2d: {  	v10 =	vadd.f32 v11, v9  }
0x2e: {  	v11 =	vadd.s32 v1, v13;
	[tilespmem:v15+s29+$0x0] =	vst.idx.msk $0xffff, v7;
	v7 =	vadd.f32 v16, v9  }
0x2f: {  	[tilespmem:v17+s29+$0x0] =	vst.idx.msk $0xffff, v10;
	v15 =	vld [tilespmem:s18+$0xFFFFFF90]  }
0x30: {  	v10 =	vld [tilespmem:s18+$0xFFFFFFD0];
	[tilespmem:v14+s29+$0x0] =	vst.idx.msk $0xffff, v7  }
0x31: {  	v14 =	vld [tilespmem:s18+$0x10];
	v7 =	vadd.f32 v8, v6  }
0x32: {  	s16 =	simm.s32 $0x9780;
	s21 =	simm.s32 $0x7;
	v16 =	vadd.s32 v1, v19  }
0x33: {  	s26 =	simm.s32 $0x4;
	v26 =	vadd.s32 v2, v13;
	v18 =	vld [tilespmem:s16+$0x40];
	v17 =	vadd.s32 v1, v20;
	[tilespmem:v11+s29+$0x0] =	vst.idx.msk $0xffff, v7;
	v7 =	vmov s21  }
0x34: {  	v21 =	vadd.s32 v1, v12;
	v8 =	vmov s26;
	v7 =	vand.u32 $0x7F, v7;
	v22 =	vld [tilespmem:s18+$0x60]  }
0x35: {  	s28 =	simm.s32 $0x5;
	v23 =	vld [tilespmem:s16+$0xFFFFFF80];
	v8 =	vand.u32 $0x7C, v8;
	v10 =	vadd.f32 v10, v6;
	v24 =	vadd.s32 v0, v7  }
0x36: {  	s31 =	simm.s32 $0x6;
	v25 =	vld [tilespmem:s16+$0xFFFFFFC0];
	v15 =	vadd.f32 v15, v6;
	v11 =	vadd.f32 v14, v6;
	v14 =	vmov s28  }
0x37: {  	v27 =	vadd.s32 v0, v8;
	[tilespmem:v16+s29+$0x0] =	vst.idx.msk $0xffff, v10;
	v16 =	vmov s31;
	v10 =	vand.u32 $0x7D, v14;
	v14 =	vld [tilespmem:s16+$0x0]  }
0x38: {  	[tilespmem:v17+s29+$0x0] =	vst.idx.msk $0xffff, v11;
	v17 =	vadd.s32 v0, v10;
	v11 =	vand.u32 $0x7E, v16;
	v16 =	vadd.f32 v18, v9;
	v18 =	vld [tilespmem:s18+$0xFFFFFFE0]  }
0x39: {  	[tilespmem:v21+s29+$0x0] =	vst.idx.msk $0xffff, v15;
	v15 =	vadd.s32 v0, v11;
	v21 =	vld [tilespmem:s18+$0x20];
	v22 =	vadd.f32 v22, v5  }
0x3a: {  	v23 =	vadd.f32 v23, v9;
	[tilespmem:v24+s29+$0x0] =	vst.idx.msk $0xffff, v16;
	v16 =	vld [tilespmem:s18+$0xFFFFFFA0];
	v24 =	vadd.s32 v2, v19  }
0x3b: {  	v29 =	vadd.s32 v2, v20;
	v25 =	vadd.f32 v25, v9;
	v28 =	vld [tilespmem:s16+$0x50];
	[tilespmem:v26+s29+$0x0] =	vst.idx.msk $0xffff, v22  }
0x3c: {  	[tilespmem:v27+s29+$0x0] =	vst.idx.msk $0xffff, v23;
	v23 =	vadd.s32 v2, v12;
	v14 =	vadd.f32 v14, v9;
	v26 =	vld [tilespmem:s18+$0x70]  }
0x3d: {  	v27 =	vld [tilespmem:s16+$0xFFFFFF90];
	[tilespmem:v17+s29+$0x0] =	vst.idx.msk $0xffff, v25;
	v25 =	vadd.s32 v1, v7;
	v18 =	vadd.f32 v18, v5  }
0x3e: {  	v31 =	vadd.s32 v3, v13;
	v30 =	vld [tilespmem:s16+$0xFFFFFFD0];
	[tilespmem:v15+s29+$0x0] =	vst.idx.msk $0xffff, v14;
	v14 =	vadd.f32 v21, v5  }
0x3f: {  	v22 =	vadd.s32 v1, v8;
	v17 =	vld [tilespmem:s16+$0x10];
	v13 =	vadd.f32 v16, v5;
	[tilespmem:v24+s29+$0x0] =	vst.idx.msk $0xffff, v18  }
0x40: {  	s21 =	simm.s32 $0x8;
	v21 =	vadd.s32 v1, v10;
	[tilespmem:v29+s29+$0x0] =	vst.idx.msk $0xffff, v14;
	v18 =	vadd.f32 v28, v6;
	v16 =	vld [tilespmem:s18+$0xFFFFFFF0]  }
0x41: {  	v24 =	vmov s21;
	v14 =	vadd.s32 v1, v11;
	v15 =	vld [tilespmem:s18+$0x30];
	[tilespmem:v23+s29+$0x0] =	vst.idx.msk $0xffff, v13;
	v63 =	vadd.f32 v26, v4  }
0x42: {  	s22 =	simm.s32 $0xB;
	s19 =	simm.s32 $0x9880;
	v19 =	vadd.s32 v3, v19;
	v13 =	vand.u32 $0x7C, v24;
	v24 =	vadd.f32 v27, v6;
	[tilespmem:v25+s29+$0x0] =	vst.idx.msk $0xffff, v18;
	v18 =	vld [tilespmem:s18+$0xFFFFFFB0]  }
0x43: {  	v20 =	vadd.s32 v3, v20;
	v26 =	vmov s22;
	v23 =	vld [tilespmem:s19+$0x40];
	s18 =	simm.s32 $0xC;
	v25 =	vadd.f32 v30, v6;
	[tilespmem:v31+s29+$0x0] =	vst.idx.msk $0xffff, v63  }
.LBB2_2:
0x44: {  	p0 =	slt.u32 s18, $0x7C;
	s22 =	sadd.s32 $0x1, s21;
	v26 =	vand.u32 $0x7F, v26;
	[tilespmem:v22+s29+$0x0] =	vst.idx.msk $0xffff, v24;
	v17 =	vadd.f32 v17, v6;
	v22 =	vld [tilespmem:s16+$0x60];
	v24 =	vadd.s32 v3, v12  }
0x45: {  	v30 =	vmovc v11;
	v27 =	vld [tilespmem:s19+$0xFFFFFF80];
	v28 =	vmov s22;
	s22 =	sadd.s32 $0x2, s21;
	v29 =	vadd.s32 v0, v26;
	[tilespmem:v21+s29+$0x0] =	vst.idx.msk $0xffff, v25;
	v16 =	vadd.f32 v16, v4;
	s21 =	smov.u32 s18  }
0x46: {  	v12 =	vmovc v8;
	v21 =	vld [tilespmem:s19+$0xFFFFFFC0];
	v11 =	vmov s22;
	[tilespmem:v14+s29+$0x0] =	vst.idx.msk $0xffff, v17;
	v14 =	vadd.s32 v2, v7;
	v15 =	vadd.f32 v15, v4  }
0x47: {  	v17 =	vadd.s32 v0, v13;
	v28 =	vand.u32 $0x7D, v28;
	v25 =	vld [tilespmem:s19+$0x0];
	v31 =	vadd.f32 v18, v4;
	[tilespmem:v19+s29+$0x0] =	vst.idx.msk $0xffff, v16  }
0x48: {  	v16 =	vadd.s32 v0, v28;
	v11 =	vand.u32 $0x7E, v11;
	v18 =	vadd.f32 v23, v9;
	v19 =	vld [tilespmem:s16+$0xFFFFFFE0];
	[tilespmem:v20+s29+$0x0] =	vst.idx.msk $0xffff, v15  }
0x49: {  	v8 =	vmov v13;
	v15 =	vadd.s32 v0, v11;
	v20 =	vld [tilespmem:s16+$0x20];
	v22 =	vadd.f32 v22, v5;
	[tilespmem:v24+s29+$0x0] =	vst.idx.msk $0xffff, v31  }
0x4a: {  	v23 =	vadd.s32 v2, v10;
	v13 =	vadd.f32 v27, v9;
	[tilespmem:v29+s29+$0x0] =	vst.idx.msk $0xffff, v18;
	v18 =	vld [tilespmem:s16+$0xFFFFFFA0]  }
0x4b: {  	v27 =	vadd.s32 v2, v30;
	v21 =	vadd.f32 v21, v9;
	v24 =	vld [tilespmem:s19+$0x50];
	[tilespmem:v14+s29+$0x0] =	vst.idx.msk $0xffff, v22  }
0x4c: {  	[tilespmem:v17+s29+$0x0] =	vst.idx.msk $0xffff, v13;
	v13 =	vadd.f32 v25, v9;
	v25 =	vadd.s32 v2, v12;
	v29 =	vld [tilespmem:s16+$0x70]  }
0x4d: {  	v32 =	vadd.s32 v1, v26;
	v31 =	vld [tilespmem:s19+$0xFFFFFF90];
	[tilespmem:v16+s29+$0x0] =	vst.idx.msk $0xffff, v21;
	v14 =	vadd.f32 v19, v5  }
0x4e: {  	v34 =	vadd.s32 v3, v7;
	v7 =	vmov v26;
	v33 =	vld [tilespmem:s19+$0xFFFFFFD0];
	[tilespmem:v15+s29+$0x0] =	vst.idx.msk $0xffff, v13;
	v13 =	vadd.f32 v20, v5  }
.Ltmp0:
0x4f: {  	v22 =	vadd.s32 v1, v8;
	v17 =	vld [tilespmem:s19+$0x10];
	v15 =	vadd.f32 v18, v5;
	[tilespmem:v23+s29+$0x0] =	vst.idx.msk $0xffff, v14;
	(pc) =	sbr.rel @p0 .LBB2_2-.Ltmp0, $4  }
0x50: {  	v21 =	vadd.s32 v1, v28;
	v18 =	vadd.f32 v24, v6;
	v16 =	vld [tilespmem:s16+$0xFFFFFFF0];
	[tilespmem:v27+s29+$0x0] =	vst.idx.msk $0xffff, v13  }
0x51: {  	v14 =	vadd.s32 v1, v11;
	v13 =	vmov s18;
	[tilespmem:v25+s29+$0x0] =	vst.idx.msk $0xffff, v15;
	v15 =	vld [tilespmem:s16+$0x30];
	v27 =	vadd.f32 v29, v4  }
0x52: {  	s22 =	sadd.s32 $0x3, s18;
	v19 =	vadd.s32 v3, v10;
	v13 =	vand.u32 $0x7C, v13;
	v24 =	vadd.f32 v31, v6;
	[tilespmem:v32+s29+$0x0] =	vst.idx.msk $0xffff, v18;
	v18 =	vld [tilespmem:s16+$0xFFFFFFB0];
	s16 =	smov.u32 s19;
	s19 =	sadd.s32 $0x100, s19  }
0x53: {  	v26 =	vmov s22;
	v10 =	vmovc v28;
	v20 =	vadd.s32 v3, v30;
	s18 =	sadd.s32 $0x4, s18;
	v23 =	vld [tilespmem:s19+$0x40];
	v25 =	vadd.f32 v33, v6;
	[tilespmem:v34+s29+$0x0] =	vst.idx.msk $0xffff, v27  }
0x54: {  	s18 =	sadd.s32 $0x1, s21  }
0x55: {  	v26 =	vand.u32 $0x7F, v26;
	s31 =	sadd.s32 $0x2, s21;
	v28 =	vld [tilespmem:s19+$0xFFFFFFC0];
	v27 =	vmov s18  }
0x56: {  	v31 =	vld [tilespmem:s19+$0x0];
	v29 =	vadd.s32 v0, v26;
	v30 =	vmov s31;
	v27 =	vand.u32 $0x7D, v27  }
0x57: {  	v32 =	vld [tilespmem:s19+$0xFFFFFF80];
	v30 =	vand.u32 $0x7E, v30;
	v33 =	vadd.s32 v0, v27  }
0x58: {  	v34 =	vadd.s32 v0, v30  }
0x59: {  	[tilespmem:v22+s29+$0x0] =	vst.idx.msk $0xffff, v24;
	v44 =	vadd.s32 v0, v13;
	v23 =	vadd.f32 v23, v9  }
0x5a: {  	[tilespmem:v21+s29+$0x0] =	vst.idx.msk $0xffff, v25;
	v45 =	vadd.f32 v28, v9  }
0x5b: {  	v46 =	vadd.f32 v31, v9;
	[tilespmem:v29+s29+$0x0] =	vst.idx.msk $0xffff, v23  }
0x5c: {  	v47 =	vadd.f32 v32, v9;
	v48 =	vld [tilespmem:s19+$0x50];
	[tilespmem:v33+s29+$0x0] =	vst.idx.msk $0xffff, v45  }
0x5d: {  	v17 =	vadd.f32 v17, v6;
	v12 =	vadd.s32 v3, v12;
	[tilespmem:v34+s29+$0x0] =	vst.idx.msk $0xffff, v46;
	v21 =	vld [tilespmem:s19+$0xFFFFFFD0]  }
0x5e: {  	v16 =	vadd.f32 v16, v4;
	v49 =	vadd.s32 v1, v26;
	[tilespmem:v44+s29+$0x0] =	vst.idx.msk $0xffff, v47;
	v50 =	vld [tilespmem:s19+$0x10]  }
0x5f: {  	[tilespmem:v14+s29+$0x0] =	vst.idx.msk $0xffff, v17;
	v51 =	vadd.f32 v15, v4;
	v53 =	vadd.s32 v1, v27;
	v52 =	vld [tilespmem:s19+$0xFFFFFF90]  }
0x60: {  	v54 =	vld [tilespmem:s16+$0x60];
	v18 =	vadd.f32 v18, v4;
	[tilespmem:v19+s29+$0x0] =	vst.idx.msk $0xffff, v16;
	v55 =	vadd.s32 v1, v30  }
0x61: {  	v57 =	vadd.s32 v1, v13;
	v60 =	vld [tilespmem:s16+$0x20];
	[tilespmem:v20+s29+$0x0] =	vst.idx.msk $0xffff, v51;
	v58 =	vadd.f32 v48, v6  }
0x62: {  	v59 =	vadd.s32 v2, v7;
	v56 =	vld [tilespmem:s16+$0xFFFFFFE0];
	[tilespmem:v12+s29+$0x0] =	vst.idx.msk $0xffff, v18;
	v61 =	vadd.f32 v21, v6  }
0x63: {  	v62 =	vld [tilespmem:s16+$0xFFFFFFA0];
	v29 =	vadd.s32 v2, v11;
	[tilespmem:v49+s29+$0x0] =	vst.idx.msk $0xffff, v58;
	v28 =	vadd.f32 v50, v6  }
0x64: {  	v63 =	vadd.s32 v2, v10;
	v31 =	vadd.f32 v52, v6;
	v32 =	vld [tilespmem:s19+$0x60];
	[tilespmem:v53+s29+$0x0] =	vst.idx.msk $0xffff, v61  }
0x65: {  	v33 =	vadd.f32 v54, v5;
	v34 =	vadd.s32 v2, v8;
	[tilespmem:v55+s29+$0x0] =	vst.idx.msk $0xffff, v28;
	v35 =	vld [tilespmem:s19+$0xFFFFFFE0]  }
0x66: {  	v37 =	vadd.s32 v2, v26;
	v39 =	vadd.f32 v60, v5;
	[tilespmem:v57+s29+$0x0] =	vst.idx.msk $0xffff, v31;
	v38 =	vld [tilespmem:s19+$0x20]  }
0x67: {  	v41 =	vadd.s32 v2, v27;
	v36 =	vadd.f32 v56, v5;
	[tilespmem:v59+s29+$0x0] =	vst.idx.msk $0xffff, v33;
	v40 =	vld [tilespmem:s19+$0xFFFFFFA0]  }
0x68: {  	v43 =	vadd.s32 v2, v30;
	v18 =	vadd.f32 v62, v5;
	v42 =	vld [tilespmem:s16+$0x70];
	[tilespmem:v29+s29+$0x0] =	vst.idx.msk $0xffff, v39  }
0x69: {  	v45 =	vadd.s32 v2, v13;
	[tilespmem:v63+s29+$0x0] =	vst.idx.msk $0xffff, v36;
	v47 =	vld [tilespmem:s16+$0x30];
	v44 =	vadd.f32 v32, v5  }
0x6a: {  	v46 =	vadd.s32 v3, v7;
	[tilespmem:v34+s29+$0x0] =	vst.idx.msk $0xffff, v18;
	v21 =	vld [tilespmem:s16+$0xFFFFFFF0];
	v9 =	vadd.f32 v35, v5  }
0x6b: {  	v18 =	vld [tilespmem:s16+$0xFFFFFFB0];
	v50 =	vadd.s32 v3, v11;
	[tilespmem:v37+s29+$0x0] =	vst.idx.msk $0xffff, v44;
	v49 =	vadd.f32 v38, v5  }
0x6c: {  	v48 =	vadd.s32 v3, v10;
	v5 =	vadd.f32 v40, v5;
	v12 =	vld [tilespmem:s19+$0x70];
	[tilespmem:v41+s29+$0x0] =	vst.idx.msk $0xffff, v9  }
0x6d: {  	v52 =	vadd.s32 v3, v8;
	v51 =	vadd.f32 v42, v4;
	[tilespmem:v43+s29+$0x0] =	vst.idx.msk $0xffff, v49;
	v53 =	vld [tilespmem:s19+$0xFFFFFFF0]  }
0x6e: {  	v55 =	vadd.s32 v3, v26;
	v56 =	vadd.f32 v47, v4;
	[tilespmem:v45+s29+$0x0] =	vst.idx.msk $0xffff, v5;
	v5 =	vld [tilespmem:s19+$0x30]  }
0x6f: {  	v58 =	vadd.s32 v3, v27;
	[tilespmem:v46+s29+$0x0] =	vst.idx.msk $0xffff, v51;
	v54 =	vadd.f32 v21, v4;
	v57 =	vld [tilespmem:s19+$0xFFFFFFB0]  }
0x70: {  	v60 =	vadd.s32 v3, v30;
	v59 =	vadd.f32 v18, v4;
	[tilespmem:v50+s29+$0x0] =	vst.idx.msk $0xffff, v56  }
0x71: {  	v62 =	vadd.s32 v3, v13;
	[tilespmem:v48+s29+$0x0] =	vst.idx.msk $0xffff, v54;
	v61 =	vadd.f32 v12, v4  }
0x72: {  	[tilespmem:v52+s29+$0x0] =	vst.idx.msk $0xffff, v59;
	v63 =	vadd.f32 v53, v4  }
0x73: {  	[tilespmem:v55+s29+$0x0] =	vst.idx.msk $0xffff, v61;
	v5 =	vadd.f32 v5, v4  }
0x74: {  	v4 =	vadd.f32 v57, v4;
	[tilespmem:v58+s29+$0x0] =	vst.idx.msk $0xffff, v63  }
0x75: {  	s21 =	sadd.s32 $0x0, s7;
	[tilespmem:v60+s29+$0x0] =	vst.idx.msk $0xffff, v5  }
0x76: {  	s18 =	simm.s32 $0x200;
	s16 =	simm.s32 $0x11600;
	s19 =	simm.s32 $0x11688;
	[tilespmem:v62+s29+$0x0] =	vst.idx.msk $0xffff, v4  }
.LBB2_4:
0x77: {  	[hbm4b:s21+s2] =	stream.linear.scatter [tilespmem:s16], [sflag:$0x5], $0x80, $0x38;
	[tilespmem:$0x19E00] =	vst v63  }
0x78: {  	s21 =	smov.u32 s18;
	s16 =	smov.u32 s19;
	p0 =	sne.s32 s18, $0x7E00  }
.Ltmp1:
0x79: {  	s18 =	sadd.s32 $0x200, s18;
	(pc) =	sbr.rel @p0 .LBB2_4-.Ltmp1, $2  }
0x7a: {  	_ =	sdelay $0x2  }
0x7b: {  	s19 =	sadd.s32 $0x88, s19;
	s21 =	sadd.s32 s21, s7  }
0x7c: {  	[hbm4b:s21+s2] =	stream.linear.scatter [tilespmem:s16], [sflag:$0x5], $0x80, $0x38;
	[tilespmem:$0x19E00] =	vst v63  }
0x7d: {  	s28 =	simm.s32 $0x9600;
	s18 =	simm.s32 $0x200;
	s31 =	simm.s32 $0x2  }
0x7e: {  	[tilespmem:s28], [sflag:$0x1] =	stream.indirect.gather [hbm4b:s4+s17], $0x40, s18, s17, $0xb8;
	[tilespmem:$0x19E00] =	vst v63  }
0x7f: {  	_ =	swait.ge [sflag:s31], $0x2000  }
0x80: {  	[sflag:s31] =	ssyncset.done $0x0  }
0x81: {  	[sflag:s31] =	ssyncadd.s32 $0xFFFFE000  }
0x82: {  	s22 =	simm.s32 $0xB6F0;
	s18 =	simm.s32 $0x3;
	v9 =	vld [tilespmem:$0x6440]  }
0x83: {  	v4 =	vmov s18;
	v7 =	vld [tilespmem:s22+$0xFFFFFFD0]  }
0x84: {  	v13 =	vand.u32 $0x7F, v4  }
0x85: {  	s19 =	simm.s32 $0x0;
	v8 =	vadd.s32 v0, v13;
	v6 =	vld [tilespmem:$0x6450]  }
0x86: {  	s21 =	simm.s32 $0x1;
	s24 =	simm.s32 $0x2;
	v4 =	vmov s19;
	v10 =	vld [tilespmem:s22+$0xFFFFFF10]  }
0x87: {  	v14 =	vmov s24;
	v12 =	vand.u32 $0x7C, v4;
	v4 =	vmov s21;
	v11 =	vld [tilespmem:s22+$0xFFFFFF50]  }
0x88: {  	v15 =	vadd.s32 v0, v12;
	v19 =	vand.u32 $0x7D, v4;
	v16 =	vld [tilespmem:s22+$0xFFFFFF90];
	v7 =	vadd.f32 v7, v9  }
0x89: {  	v20 =	vand.u32 $0x7E, v14;
	v5 =	vld [tilespmem:$0x6460];
	v17 =	vadd.s32 v0, v19  }
0x8a: {  	v14 =	vadd.s32 v0, v20;
	v4 =	vld [tilespmem:$0x6470];
	[tilespmem:v8+s1+$0x0] =	vst.idx.msk $0xffff, v7  }
0x8b: {  	v7 =	vadd.f32 v10, v9;
	v8 =	vld [tilespmem:s22+$0xFFFFFFE0]  }
0x8c: {  	v10 =	vadd.f32 v11, v9  }
0x8d: {  	v11 =	vadd.s32 v1, v13;
	[tilespmem:v15+s1+$0x0] =	vst.idx.msk $0xffff, v7;
	v7 =	vadd.f32 v16, v9  }
0x8e: {  	[tilespmem:v17+s1+$0x0] =	vst.idx.msk $0xffff, v10;
	v15 =	vld [tilespmem:s22+$0xFFFFFF20]  }
0x8f: {  	v10 =	vld [tilespmem:s22+$0xFFFFFF60];
	[tilespmem:v14+s1+$0x0] =	vst.idx.msk $0xffff, v7  }
0x90: {  	v14 =	vld [tilespmem:s22+$0xFFFFFFA0];
	v7 =	vadd.f32 v8, v6  }
0x91: {  	s16 =	simm.s32 $0xB7F0;
	s19 =	simm.s32 $0x7;
	v16 =	vadd.s32 v1, v19  }
0x92: {  	s25 =	simm.s32 $0x4;
	v26 =	vadd.s32 v2, v13;
	v18 =	vld [tilespmem:s16+$0xFFFFFFD0];
	v17 =	vadd.s32 v1, v20;
	[tilespmem:v11+s1+$0x0] =	vst.idx.msk $0xffff, v7;
	v7 =	vmov s19  }
0x93: {  	v21 =	vadd.s32 v1, v12;
	v8 =	vmov s25;
	v7 =	vand.u32 $0x7F, v7;
	v22 =	vld [tilespmem:s22+$0xFFFFFFF0]  }
0x94: {  	s26 =	simm.s32 $0x5;
	v23 =	vld [tilespmem:s16+$0xFFFFFF10];
	v8 =	vand.u32 $0x7C, v8;
	v10 =	vadd.f32 v10, v6;
	v24 =	vadd.s32 v0, v7  }
0x95: {  	s28 =	simm.s32 $0x6;
	v25 =	vld [tilespmem:s16+$0xFFFFFF50];
	v15 =	vadd.f32 v15, v6;
	v11 =	vadd.f32 v14, v6;
	v14 =	vmov s26  }
0x96: {  	v27 =	vadd.s32 v0, v8;
	[tilespmem:v16+s1+$0x0] =	vst.idx.msk $0xffff, v10;
	v16 =	vmov s28;
	v10 =	vand.u32 $0x7D, v14;
	v14 =	vld [tilespmem:s16+$0xFFFFFF90]  }
0x97: {  	[tilespmem:v17+s1+$0x0] =	vst.idx.msk $0xffff, v11;
	v17 =	vadd.s32 v0, v10;
	v11 =	vand.u32 $0x7E, v16;
	v16 =	vadd.f32 v18, v9;
	v18 =	vld [tilespmem:s22+$0xFFFFFF70]  }
0x98: {  	[tilespmem:v21+s1+$0x0] =	vst.idx.msk $0xffff, v15;
	v15 =	vadd.s32 v0, v11;
	v21 =	vld [tilespmem:s22+$0xFFFFFFB0];
	v22 =	vadd.f32 v22, v5  }
0x99: {  	v23 =	vadd.f32 v23, v9;
	[tilespmem:v24+s1+$0x0] =	vst.idx.msk $0xffff, v16;
	v16 =	vld [tilespmem:s22+$0xFFFFFF30];
	v24 =	vadd.s32 v2, v19  }
0x9a: {  	v29 =	vadd.s32 v2, v20;
	v25 =	vadd.f32 v25, v9;
	v28 =	vld [tilespmem:s16+$0xFFFFFFE0];
	[tilespmem:v26+s1+$0x0] =	vst.idx.msk $0xffff, v22  }
0x9b: {  	[tilespmem:v27+s1+$0x0] =	vst.idx.msk $0xffff, v23;
	v23 =	vadd.s32 v2, v12;
	v14 =	vadd.f32 v14, v9;
	v26 =	vld [tilespmem:s22+$0x0]  }
0x9c: {  	v27 =	vld [tilespmem:s16+$0xFFFFFF20];
	[tilespmem:v17+s1+$0x0] =	vst.idx.msk $0xffff, v25;
	v25 =	vadd.s32 v1, v7;
	v18 =	vadd.f32 v18, v5  }
0x9d: {  	v31 =	vadd.s32 v3, v13;
	v30 =	vld [tilespmem:s16+$0xFFFFFF60];
	[tilespmem:v15+s1+$0x0] =	vst.idx.msk $0xffff, v14;
	v14 =	vadd.f32 v21, v5  }
0x9e: {  	v22 =	vadd.s32 v1, v8;
	v17 =	vld [tilespmem:s16+$0xFFFFFFA0];
	v13 =	vadd.f32 v16, v5;
	[tilespmem:v24+s1+$0x0] =	vst.idx.msk $0xffff, v18  }
0x9f: {  	s21 =	simm.s32 $0x8;
	v21 =	vadd.s32 v1, v10;
	[tilespmem:v29+s1+$0x0] =	vst.idx.msk $0xffff, v14;
	v18 =	vadd.f32 v28, v6;
	v16 =	vld [tilespmem:s22+$0xFFFFFF80]  }
0xa0: {  	v24 =	vmov s21;
	v14 =	vadd.s32 v1, v11;
	v15 =	vld [tilespmem:s22+$0xFFFFFFC0];
	[tilespmem:v23+s1+$0x0] =	vst.idx.msk $0xffff, v13;
	v63 =	vadd.f32 v26, v4  }
0xa1: {  	s31 =	simm.s32 $0xB;
	s19 =	simm.s32 $0xB8F0;
	v19 =	vadd.s32 v3, v19;
	v13 =	vand.u32 $0x7C, v24;
	v24 =	vadd.f32 v27, v6;
	[tilespmem:v25+s1+$0x0] =	vst.idx.msk $0xffff, v18;
	v18 =	vld [tilespmem:s22+$0xFFFFFF40]  }
0xa2: {  	s18 =	simm.s32 $0xC;
	v20 =	vadd.s32 v3, v20;
	v26 =	vmov s31;
	v23 =	vld [tilespmem:s19+$0xFFFFFFD0];
	v25 =	vadd.f32 v30, v6;
	[tilespmem:v31+s1+$0x0] =	vst.idx.msk $0xffff, v63  }
.LBB2_6:
0xa3: {  	p0 =	slt.u32 s18, $0x7C;
	s22 =	sadd.s32 $0x1, s21;
	v26 =	vand.u32 $0x7F, v26;
	[tilespmem:v22+s1+$0x0] =	vst.idx.msk $0xffff, v24;
	v17 =	vadd.f32 v17, v6;
	v22 =	vld [tilespmem:s16+$0xFFFFFFF0];
	v24 =	vadd.s32 v3, v12  }
0xa4: {  	v30 =	vmovc v11;
	v27 =	vld [tilespmem:s19+$0xFFFFFF10];
	v28 =	vmov s22;
	s22 =	sadd.s32 $0x2, s21;
	v29 =	vadd.s32 v0, v26;
	[tilespmem:v21+s1+$0x0] =	vst.idx.msk $0xffff, v25;
	v16 =	vadd.f32 v16, v4;
	s21 =	smov.u32 s18  }
0xa5: {  	v12 =	vmovc v8;
	v21 =	vld [tilespmem:s19+$0xFFFFFF50];
	v11 =	vmov s22;
	[tilespmem:v14+s1+$0x0] =	vst.idx.msk $0xffff, v17;
	v14 =	vadd.s32 v2, v7;
	v15 =	vadd.f32 v15, v4  }
0xa6: {  	v17 =	vadd.s32 v0, v13;
	v28 =	vand.u32 $0x7D, v28;
	v25 =	vld [tilespmem:s19+$0xFFFFFF90];
	v31 =	vadd.f32 v18, v4;
	[tilespmem:v19+s1+$0x0] =	vst.idx.msk $0xffff, v16  }
0xa7: {  	v16 =	vadd.s32 v0, v28;
	v11 =	vand.u32 $0x7E, v11;
	v18 =	vadd.f32 v23, v9;
	v19 =	vld [tilespmem:s16+$0xFFFFFF70];
	[tilespmem:v20+s1+$0x0] =	vst.idx.msk $0xffff, v15  }
0xa8: {  	v8 =	vmov v13;
	v15 =	vadd.s32 v0, v11;
	v20 =	vld [tilespmem:s16+$0xFFFFFFB0];
	v22 =	vadd.f32 v22, v5;
	[tilespmem:v24+s1+$0x0] =	vst.idx.msk $0xffff, v31  }
0xa9: {  	v23 =	vadd.s32 v2, v10;
	v13 =	vadd.f32 v27, v9;
	[tilespmem:v29+s1+$0x0] =	vst.idx.msk $0xffff, v18;
	v18 =	vld [tilespmem:s16+$0xFFFFFF30]  }
0xaa: {  	v27 =	vadd.s32 v2, v30;
	v21 =	vadd.f32 v21, v9;
	v24 =	vld [tilespmem:s19+$0xFFFFFFE0];
	[tilespmem:v14+s1+$0x0] =	vst.idx.msk $0xffff, v22  }
0xab: {  	[tilespmem:v17+s1+$0x0] =	vst.idx.msk $0xffff, v13;
	v13 =	vadd.f32 v25, v9;
	v25 =	vadd.s32 v2, v12;
	v29 =	vld [tilespmem:s16+$0x0]  }
0xac: {  	v32 =	vadd.s32 v1, v26;
	v31 =	vld [tilespmem:s19+$0xFFFFFF20];
	[tilespmem:v16+s1+$0x0] =	vst.idx.msk $0xffff, v21;
	v14 =	vadd.f32 v19, v5  }
0xad: {  	v34 =	vadd.s32 v3, v7;
	v7 =	vmov v26;
	v33 =	vld [tilespmem:s19+$0xFFFFFF60];
	[tilespmem:v15+s1+$0x0] =	vst.idx.msk $0xffff, v13;
	v13 =	vadd.f32 v20, v5  }
.Ltmp2:
0xae: {  	v22 =	vadd.s32 v1, v8;
	v17 =	vld [tilespmem:s19+$0xFFFFFFA0];
	v15 =	vadd.f32 v18, v5;
	[tilespmem:v23+s1+$0x0] =	vst.idx.msk $0xffff, v14;
	(pc) =	sbr.rel @p0 .LBB2_6-.Ltmp2, $4  }
0xaf: {  	v21 =	vadd.s32 v1, v28;
	v18 =	vadd.f32 v24, v6;
	v16 =	vld [tilespmem:s16+$0xFFFFFF80];
	[tilespmem:v27+s1+$0x0] =	vst.idx.msk $0xffff, v13  }
0xb0: {  	v14 =	vadd.s32 v1, v11;
	v13 =	vmov s18;
	[tilespmem:v25+s1+$0x0] =	vst.idx.msk $0xffff, v15;
	v15 =	vld [tilespmem:s16+$0xFFFFFFC0];
	v27 =	vadd.f32 v29, v4  }
0xb1: {  	s22 =	sadd.s32 $0x3, s18;
	v19 =	vadd.s32 v3, v10;
	v13 =	vand.u32 $0x7C, v13;
	v24 =	vadd.f32 v31, v6;
	[tilespmem:v32+s1+$0x0] =	vst.idx.msk $0xffff, v18;
	v18 =	vld [tilespmem:s16+$0xFFFFFF40];
	s16 =	smov.u32 s19;
	s19 =	sadd.s32 $0x100, s19  }
0xb2: {  	v26 =	vmov s22;
	v10 =	vmovc v28;
	v20 =	vadd.s32 v3, v30;
	s18 =	sadd.s32 $0x4, s18;
	v23 =	vld [tilespmem:s19+$0xFFFFFFD0];
	v25 =	vadd.f32 v33, v6;
	[tilespmem:v34+s1+$0x0] =	vst.idx.msk $0xffff, v27  }
0xb3: {  	s18 =	sadd.s32 $0x1, s21  }
0xb4: {  	v26 =	vand.u32 $0x7F, v26;
	s31 =	sadd.s32 $0x2, s21;
	v28 =	vld [tilespmem:s19+$0xFFFFFF50];
	v27 =	vmov s18  }
0xb5: {  	v31 =	vld [tilespmem:s19+$0xFFFFFF90];
	v29 =	vadd.s32 v0, v26;
	v30 =	vmov s31;
	v27 =	vand.u32 $0x7D, v27  }
0xb6: {  	v32 =	vld [tilespmem:s19+$0xFFFFFF10];
	v30 =	vand.u32 $0x7E, v30;
	v33 =	vadd.s32 v0, v27  }
0xb7: {  	v34 =	vadd.s32 v0, v30  }
0xb8: {  	[tilespmem:v22+s1+$0x0] =	vst.idx.msk $0xffff, v24;
	v44 =	vadd.s32 v0, v13;
	v23 =	vadd.f32 v23, v9  }
0xb9: {  	[tilespmem:v21+s1+$0x0] =	vst.idx.msk $0xffff, v25;
	v45 =	vadd.f32 v28, v9  }
0xba: {  	v46 =	vadd.f32 v31, v9;
	[tilespmem:v29+s1+$0x0] =	vst.idx.msk $0xffff, v23  }
0xbb: {  	v47 =	vadd.f32 v32, v9;
	v48 =	vld [tilespmem:s19+$0xFFFFFFE0];
	[tilespmem:v33+s1+$0x0] =	vst.idx.msk $0xffff, v45  }
0xbc: {  	v17 =	vadd.f32 v17, v6;
	v12 =	vadd.s32 v3, v12;
	[tilespmem:v34+s1+$0x0] =	vst.idx.msk $0xffff, v46;
	v21 =	vld [tilespmem:s19+$0xFFFFFF60]  }
0xbd: {  	v16 =	vadd.f32 v16, v4;
	v49 =	vadd.s32 v1, v26;
	[tilespmem:v44+s1+$0x0] =	vst.idx.msk $0xffff, v47;
	v50 =	vld [tilespmem:s19+$0xFFFFFFA0]  }
0xbe: {  	[tilespmem:v14+s1+$0x0] =	vst.idx.msk $0xffff, v17;
	v51 =	vadd.f32 v15, v4;
	v53 =	vadd.s32 v1, v27;
	v52 =	vld [tilespmem:s19+$0xFFFFFF20]  }
0xbf: {  	v54 =	vld [tilespmem:s16+$0xFFFFFFF0];
	v18 =	vadd.f32 v18, v4;
	[tilespmem:v19+s1+$0x0] =	vst.idx.msk $0xffff, v16;
	v55 =	vadd.s32 v1, v30  }
0xc0: {  	v57 =	vadd.s32 v1, v13;
	v60 =	vld [tilespmem:s16+$0xFFFFFFB0];
	[tilespmem:v20+s1+$0x0] =	vst.idx.msk $0xffff, v51;
	v58 =	vadd.f32 v48, v6  }
0xc1: {  	v59 =	vadd.s32 v2, v7;
	v56 =	vld [tilespmem:s16+$0xFFFFFF70];
	[tilespmem:v12+s1+$0x0] =	vst.idx.msk $0xffff, v18;
	v61 =	vadd.f32 v21, v6  }
0xc2: {  	v62 =	vld [tilespmem:s16+$0xFFFFFF30];
	v29 =	vadd.s32 v2, v11;
	[tilespmem:v49+s1+$0x0] =	vst.idx.msk $0xffff, v58;
	v28 =	vadd.f32 v50, v6  }
0xc3: {  	v63 =	vadd.s32 v2, v10;
	v31 =	vadd.f32 v52, v6;
	v32 =	vld [tilespmem:s19+$0xFFFFFFF0];
	[tilespmem:v53+s1+$0x0] =	vst.idx.msk $0xffff, v61  }
0xc4: {  	v33 =	vadd.f32 v54, v5;
	v34 =	vadd.s32 v2, v8;
	[tilespmem:v55+s1+$0x0] =	vst.idx.msk $0xffff, v28;
	v35 =	vld [tilespmem:s19+$0xFFFFFF70]  }
0xc5: {  	v37 =	vadd.s32 v2, v26;
	v39 =	vadd.f32 v60, v5;
	[tilespmem:v57+s1+$0x0] =	vst.idx.msk $0xffff, v31;
	v38 =	vld [tilespmem:s19+$0xFFFFFFB0]  }
0xc6: {  	v41 =	vadd.s32 v2, v27;
	v36 =	vadd.f32 v56, v5;
	[tilespmem:v59+s1+$0x0] =	vst.idx.msk $0xffff, v33;
	v40 =	vld [tilespmem:s19+$0xFFFFFF30]  }
0xc7: {  	v43 =	vadd.s32 v2, v30;
	v18 =	vadd.f32 v62, v5;
	v42 =	vld [tilespmem:s16+$0x0];
	[tilespmem:v29+s1+$0x0] =	vst.idx.msk $0xffff, v39  }
0xc8: {  	v45 =	vadd.s32 v2, v13;
	[tilespmem:v63+s1+$0x0] =	vst.idx.msk $0xffff, v36;
	v47 =	vld [tilespmem:s16+$0xFFFFFFC0];
	v44 =	vadd.f32 v32, v5  }
0xc9: {  	v46 =	vadd.s32 v3, v7;
	[tilespmem:v34+s1+$0x0] =	vst.idx.msk $0xffff, v18;
	v21 =	vld [tilespmem:s16+$0xFFFFFF80];
	v9 =	vadd.f32 v35, v5  }
0xca: {  	v18 =	vld [tilespmem:s16+$0xFFFFFF40];
	v50 =	vadd.s32 v3, v11;
	[tilespmem:v37+s1+$0x0] =	vst.idx.msk $0xffff, v44;
	v49 =	vadd.f32 v38, v5  }
0xcb: {  	v48 =	vadd.s32 v3, v10;
	v5 =	vadd.f32 v40, v5;
	v12 =	vld [tilespmem:s19+$0x0];
	[tilespmem:v41+s1+$0x0] =	vst.idx.msk $0xffff, v9  }
0xcc: {  	v52 =	vadd.s32 v3, v8;
	v51 =	vadd.f32 v42, v4;
	[tilespmem:v43+s1+$0x0] =	vst.idx.msk $0xffff, v49;
	v53 =	vld [tilespmem:s19+$0xFFFFFF80]  }
0xcd: {  	v55 =	vadd.s32 v3, v26;
	v56 =	vadd.f32 v47, v4;
	[tilespmem:v45+s1+$0x0] =	vst.idx.msk $0xffff, v5;
	v5 =	vld [tilespmem:s19+$0xFFFFFFC0]  }
0xce: {  	v58 =	vadd.s32 v3, v27;
	[tilespmem:v46+s1+$0x0] =	vst.idx.msk $0xffff, v51;
	v54 =	vadd.f32 v21, v4;
	v57 =	vld [tilespmem:s19+$0xFFFFFF40]  }
0xcf: {  	v60 =	vadd.s32 v3, v30;
	v59 =	vadd.f32 v18, v4;
	[tilespmem:v50+s1+$0x0] =	vst.idx.msk $0xffff, v56  }
0xd0: {  	v62 =	vadd.s32 v3, v13;
	[tilespmem:v48+s1+$0x0] =	vst.idx.msk $0xffff, v54;
	v61 =	vadd.f32 v12, v4  }
0xd1: {  	[tilespmem:v52+s1+$0x0] =	vst.idx.msk $0xffff, v59;
	v63 =	vadd.f32 v53, v4  }
0xd2: {  	[tilespmem:v55+s1+$0x0] =	vst.idx.msk $0xffff, v61;
	v5 =	vadd.f32 v5, v4  }
0xd3: {  	v4 =	vadd.f32 v57, v4;
	[tilespmem:v58+s1+$0x0] =	vst.idx.msk $0xffff, v63  }
0xd4: {  	s21 =	sadd.s32 $0x0, s9;
	[tilespmem:v60+s1+$0x0] =	vst.idx.msk $0xffff, v5  }
0xd5: {  	s18 =	simm.s32 $0x200;
	s16 =	simm.s32 $0x13800;
	s19 =	simm.s32 $0x13888;
	[tilespmem:v62+s1+$0x0] =	vst.idx.msk $0xffff, v4  }
.LBB2_8:
0xd6: {  	[hbm4b:s21+s2] =	stream.linear.scatter [tilespmem:s16], [sflag:$0x6], $0x80, $0x38;
	[tilespmem:$0x19E00] =	vst v63  }
0xd7: {  	s21 =	smov.u32 s18;
	s16 =	smov.u32 s19;
	p0 =	sne.s32 s18, $0x7E00  }
.Ltmp3:
0xd8: {  	s18 =	sadd.s32 $0x200, s18;
	(pc) =	sbr.rel @p0 .LBB2_8-.Ltmp3, $2  }
0xd9: {  	_ =	sdelay $0x2  }
0xda: {  	s19 =	sadd.s32 $0x88, s19;
	s21 =	sadd.s32 s21, s9  }
0xdb: {  	[hbm4b:s21+s2] =	stream.linear.scatter [tilespmem:s16], [sflag:$0x6], $0x80, $0x38;
	[tilespmem:$0x19E00] =	vst v63  }
0xdc: {  	s28 =	simm.s32 $0xB600;
	s18 =	simm.s32 $0x280;
	s31 =	simm.s32 $0x3  }
0xdd: {  	[tilespmem:s28], [sflag:$0x2] =	stream.indirect.gather [hbm4b:s4+s17], $0x40, s18, s17, $0xb8;
	[tilespmem:$0x19E00] =	vst v63  }
0xde: {  	_ =	swait.ge [sflag:s31], $0x2000  }
0xdf: {  	[sflag:s31] =	ssyncset.done $0x0  }
0xe0: {  	[sflag:s31] =	ssyncadd.s32 $0xFFFFE000  }
0xe1: {  	s22 =	simm.s32 $0xD6F0;
	s18 =	simm.s32 $0x3;
	v9 =	vld [tilespmem:$0x6480]  }
0xe2: {  	v4 =	vmov s18;
	v7 =	vld [tilespmem:s22+$0xFFFFFFD0]  }
0xe3: {  	v13 =	vand.u32 $0x7F, v4  }
0xe4: {  	s19 =	simm.s32 $0x0;
	v8 =	vadd.s32 v0, v13;
	v6 =	vld [tilespmem:$0x6490]  }
0xe5: {  	s21 =	simm.s32 $0x1;
	s24 =	simm.s32 $0x2;
	v4 =	vmov s19;
	v10 =	vld [tilespmem:s22+$0xFFFFFF10]  }
0xe6: {  	v14 =	vmov s24;
	v12 =	vand.u32 $0x7C, v4;
	v4 =	vmov s21;
	v11 =	vld [tilespmem:s22+$0xFFFFFF50]  }
0xe7: {  	v15 =	vadd.s32 v0, v12;
	v19 =	vand.u32 $0x7D, v4;
	v16 =	vld [tilespmem:s22+$0xFFFFFF90];
	v7 =	vadd.f32 v7, v9  }
0xe8: {  	v20 =	vand.u32 $0x7E, v14;
	v5 =	vld [tilespmem:$0x64A0];
	v17 =	vadd.s32 v0, v19  }
0xe9: {  	v14 =	vadd.s32 v0, v20;
	v4 =	vld [tilespmem:$0x64B0];
	[tilespmem:v8+s20+$0x0] =	vst.idx.msk $0xffff, v7  }
0xea: {  	v7 =	vadd.f32 v10, v9;
	v8 =	vld [tilespmem:s22+$0xFFFFFFE0]  }
0xeb: {  	v10 =	vadd.f32 v11, v9  }
0xec: {  	v11 =	vadd.s32 v1, v13;
	[tilespmem:v15+s20+$0x0] =	vst.idx.msk $0xffff, v7;
	v7 =	vadd.f32 v16, v9  }
0xed: {  	[tilespmem:v17+s20+$0x0] =	vst.idx.msk $0xffff, v10;
	v15 =	vld [tilespmem:s22+$0xFFFFFF20]  }
0xee: {  	v10 =	vld [tilespmem:s22+$0xFFFFFF60];
	[tilespmem:v14+s20+$0x0] =	vst.idx.msk $0xffff, v7  }
0xef: {  	v14 =	vld [tilespmem:s22+$0xFFFFFFA0];
	v7 =	vadd.f32 v8, v6  }
0xf0: {  	s16 =	simm.s32 $0xD7F0;
	s19 =	simm.s32 $0x7;
	v16 =	vadd.s32 v1, v19  }
0xf1: {  	s25 =	simm.s32 $0x4;
	v26 =	vadd.s32 v2, v13;
	v18 =	vld [tilespmem:s16+$0xFFFFFFD0];
	v17 =	vadd.s32 v1, v20;
	[tilespmem:v11+s20+$0x0] =	vst.idx.msk $0xffff, v7;
	v7 =	vmov s19  }
0xf2: {  	v21 =	vadd.s32 v1, v12;
	v8 =	vmov s25;
	v7 =	vand.u32 $0x7F, v7;
	v22 =	vld [tilespmem:s22+$0xFFFFFFF0]  }
0xf3: {  	s26 =	simm.s32 $0x5;
	v23 =	vld [tilespmem:s16+$0xFFFFFF10];
	v8 =	vand.u32 $0x7C, v8;
	v10 =	vadd.f32 v10, v6;
	v24 =	vadd.s32 v0, v7  }
0xf4: {  	s28 =	simm.s32 $0x6;
	v25 =	vld [tilespmem:s16+$0xFFFFFF50];
	v15 =	vadd.f32 v15, v6;
	v11 =	vadd.f32 v14, v6;
	v14 =	vmov s26  }
0xf5: {  	v27 =	vadd.s32 v0, v8;
	[tilespmem:v16+s20+$0x0] =	vst.idx.msk $0xffff, v10;
	v16 =	vmov s28;
	v10 =	vand.u32 $0x7D, v14;
	v14 =	vld [tilespmem:s16+$0xFFFFFF90]  }
0xf6: {  	[tilespmem:v17+s20+$0x0] =	vst.idx.msk $0xffff, v11;
	v17 =	vadd.s32 v0, v10;
	v11 =	vand.u32 $0x7E, v16;
	v16 =	vadd.f32 v18, v9;
	v18 =	vld [tilespmem:s22+$0xFFFFFF70]  }
0xf7: {  	[tilespmem:v21+s20+$0x0] =	vst.idx.msk $0xffff, v15;
	v15 =	vadd.s32 v0, v11;
	v21 =	vld [tilespmem:s22+$0xFFFFFFB0];
	v22 =	vadd.f32 v22, v5  }
0xf8: {  	v23 =	vadd.f32 v23, v9;
	[tilespmem:v24+s20+$0x0] =	vst.idx.msk $0xffff, v16;
	v16 =	vld [tilespmem:s22+$0xFFFFFF30];
	v24 =	vadd.s32 v2, v19  }
0xf9: {  	v29 =	vadd.s32 v2, v20;
	v25 =	vadd.f32 v25, v9;
	v28 =	vld [tilespmem:s16+$0xFFFFFFE0];
	[tilespmem:v26+s20+$0x0] =	vst.idx.msk $0xffff, v22  }
0xfa: {  	[tilespmem:v27+s20+$0x0] =	vst.idx.msk $0xffff, v23;
	v23 =	vadd.s32 v2, v12;
	v14 =	vadd.f32 v14, v9;
	v26 =	vld [tilespmem:s22+$0x0]  }
0xfb: {  	v27 =	vld [tilespmem:s16+$0xFFFFFF20];
	[tilespmem:v17+s20+$0x0] =	vst.idx.msk $0xffff, v25;
	v25 =	vadd.s32 v1, v7;
	v18 =	vadd.f32 v18, v5  }
0xfc: {  	v31 =	vadd.s32 v3, v13;
	v30 =	vld [tilespmem:s16+$0xFFFFFF60];
	[tilespmem:v15+s20+$0x0] =	vst.idx.msk $0xffff, v14;
	v14 =	vadd.f32 v21, v5  }
0xfd: {  	v22 =	vadd.s32 v1, v8;
	v17 =	vld [tilespmem:s16+$0xFFFFFFA0];
	v13 =	vadd.f32 v16, v5;
	[tilespmem:v24+s20+$0x0] =	vst.idx.msk $0xffff, v18  }
0xfe: {  	s21 =	simm.s32 $0x8;
	v21 =	vadd.s32 v1, v10;
	[tilespmem:v29+s20+$0x0] =	vst.idx.msk $0xffff, v14;
	v18 =	vadd.f32 v28, v6;
	v16 =	vld [tilespmem:s22+$0xFFFFFF80]  }
0xff: {  	v24 =	vmov s21;
	v14 =	vadd.s32 v1, v11;
	v15 =	vld [tilespmem:s22+$0xFFFFFFC0];
	[tilespmem:v23+s20+$0x0] =	vst.idx.msk $0xffff, v13;
	v63 =	vadd.f32 v26, v4  }
0x100: {  	s31 =	simm.s32 $0xB;
	s19 =	simm.s32 $0xD8F0;
	v19 =	vadd.s32 v3, v19;
	v13 =	vand.u32 $0x7C, v24;
	v24 =	vadd.f32 v27, v6;
	[tilespmem:v25+s20+$0x0] =	vst.idx.msk $0xffff, v18;
	v18 =	vld [tilespmem:s22+$0xFFFFFF40]  }
0x101: {  	s18 =	simm.s32 $0xC;
	v20 =	vadd.s32 v3, v20;
	v26 =	vmov s31;
	v23 =	vld [tilespmem:s19+$0xFFFFFFD0];
	v25 =	vadd.f32 v30, v6;
	[tilespmem:v31+s20+$0x0] =	vst.idx.msk $0xffff, v63  }
.LBB2_10:
0x102: {  	p0 =	slt.u32 s18, $0x7C;
	s22 =	sadd.s32 $0x1, s21;
	v26 =	vand.u32 $0x7F, v26;
	[tilespmem:v22+s20+$0x0] =	vst.idx.msk $0xffff, v24;
	v17 =	vadd.f32 v17, v6;
	v22 =	vld [tilespmem:s16+$0xFFFFFFF0];
	v24 =	vadd.s32 v3, v12  }
0x103: {  	v30 =	vmovc v11;
	v27 =	vld [tilespmem:s19+$0xFFFFFF10];
	v28 =	vmov s22;
	s22 =	sadd.s32 $0x2, s21;
	v29 =	vadd.s32 v0, v26;
	[tilespmem:v21+s20+$0x0] =	vst.idx.msk $0xffff, v25;
	v16 =	vadd.f32 v16, v4;
	s21 =	smov.u32 s18  }
0x104: {  	v12 =	vmovc v8;
	v21 =	vld [tilespmem:s19+$0xFFFFFF50];
	v11 =	vmov s22;
	[tilespmem:v14+s20+$0x0] =	vst.idx.msk $0xffff, v17;
	v14 =	vadd.s32 v2, v7;
	v15 =	vadd.f32 v15, v4  }
0x105: {  	v17 =	vadd.s32 v0, v13;
	v28 =	vand.u32 $0x7D, v28;
	v25 =	vld [tilespmem:s19+$0xFFFFFF90];
	v31 =	vadd.f32 v18, v4;
	[tilespmem:v19+s20+$0x0] =	vst.idx.msk $0xffff, v16  }
0x106: {  	v16 =	vadd.s32 v0, v28;
	v11 =	vand.u32 $0x7E, v11;
	v18 =	vadd.f32 v23, v9;
	v19 =	vld [tilespmem:s16+$0xFFFFFF70];
	[tilespmem:v20+s20+$0x0] =	vst.idx.msk $0xffff, v15  }
0x107: {  	v8 =	vmov v13;
	v15 =	vadd.s32 v0, v11;
	v20 =	vld [tilespmem:s16+$0xFFFFFFB0];
	v22 =	vadd.f32 v22, v5;
	[tilespmem:v24+s20+$0x0] =	vst.idx.msk $0xffff, v31  }
0x108: {  	v23 =	vadd.s32 v2, v10;
	v13 =	vadd.f32 v27, v9;
	[tilespmem:v29+s20+$0x0] =	vst.idx.msk $0xffff, v18;
	v18 =	vld [tilespmem:s16+$0xFFFFFF30]  }
0x109: {  	v27 =	vadd.s32 v2, v30;
	v21 =	vadd.f32 v21, v9;
	v24 =	vld [tilespmem:s19+$0xFFFFFFE0];
	[tilespmem:v14+s20+$0x0] =	vst.idx.msk $0xffff, v22  }
0x10a: {  	[tilespmem:v17+s20+$0x0] =	vst.idx.msk $0xffff, v13;
	v13 =	vadd.f32 v25, v9;
	v25 =	vadd.s32 v2, v12;
	v29 =	vld [tilespmem:s16+$0x0]  }
0x10b: {  	v32 =	vadd.s32 v1, v26;
	v31 =	vld [tilespmem:s19+$0xFFFFFF20];
	[tilespmem:v16+s20+$0x0] =	vst.idx.msk $0xffff, v21;
	v14 =	vadd.f32 v19, v5  }
0x10c: {  	v34 =	vadd.s32 v3, v7;
	v7 =	vmov v26;
	v33 =	vld [tilespmem:s19+$0xFFFFFF60];
	[tilespmem:v15+s20+$0x0] =	vst.idx.msk $0xffff, v13;
	v13 =	vadd.f32 v20, v5  }
.Ltmp4:
0x10d: {  	v22 =	vadd.s32 v1, v8;
	v17 =	vld [tilespmem:s19+$0xFFFFFFA0];
	v15 =	vadd.f32 v18, v5;
	[tilespmem:v23+s20+$0x0] =	vst.idx.msk $0xffff, v14;
	(pc) =	sbr.rel @p0 .LBB2_10-.Ltmp4, $4  }
0x10e: {  	v21 =	vadd.s32 v1, v28;
	v18 =	vadd.f32 v24, v6;
	v16 =	vld [tilespmem:s16+$0xFFFFFF80];
	[tilespmem:v27+s20+$0x0] =	vst.idx.msk $0xffff, v13  }
0x10f: {  	v14 =	vadd.s32 v1, v11;
	v13 =	vmov s18;
	[tilespmem:v25+s20+$0x0] =	vst.idx.msk $0xffff, v15;
	v15 =	vld [tilespmem:s16+$0xFFFFFFC0];
	v27 =	vadd.f32 v29, v4  }
0x110: {  	s22 =	sadd.s32 $0x3, s18;
	v19 =	vadd.s32 v3, v10;
	v13 =	vand.u32 $0x7C, v13;
	v24 =	vadd.f32 v31, v6;
	[tilespmem:v32+s20+$0x0] =	vst.idx.msk $0xffff, v18;
	v18 =	vld [tilespmem:s16+$0xFFFFFF40];
	s16 =	smov.u32 s19;
	s19 =	sadd.s32 $0x100, s19  }
0x111: {  	v26 =	vmov s22;
	v10 =	vmovc v28;
	v20 =	vadd.s32 v3, v30;
	s18 =	sadd.s32 $0x4, s18;
	v23 =	vld [tilespmem:s19+$0xFFFFFFD0];
	v25 =	vadd.f32 v33, v6;
	[tilespmem:v34+s20+$0x0] =	vst.idx.msk $0xffff, v27  }
0x112: {  	s18 =	sadd.s32 $0x1, s21  }
0x113: {  	v26 =	vand.u32 $0x7F, v26;
	s31 =	sadd.s32 $0x2, s21;
	v28 =	vld [tilespmem:s19+$0xFFFFFF50];
	v27 =	vmov s18  }
0x114: {  	v31 =	vld [tilespmem:s19+$0xFFFFFF90];
	v29 =	vadd.s32 v0, v26;
	v30 =	vmov s31;
	v27 =	vand.u32 $0x7D, v27  }
0x115: {  	v32 =	vld [tilespmem:s19+$0xFFFFFF10];
	v30 =	vand.u32 $0x7E, v30;
	v33 =	vadd.s32 v0, v27  }
0x116: {  	v34 =	vadd.s32 v0, v30  }
0x117: {  	[tilespmem:v22+s20+$0x0] =	vst.idx.msk $0xffff, v24;
	v44 =	vadd.s32 v0, v13;
	v23 =	vadd.f32 v23, v9  }
0x118: {  	[tilespmem:v21+s20+$0x0] =	vst.idx.msk $0xffff, v25;
	v45 =	vadd.f32 v28, v9  }
0x119: {  	v46 =	vadd.f32 v31, v9;
	[tilespmem:v29+s20+$0x0] =	vst.idx.msk $0xffff, v23  }
0x11a: {  	v47 =	vadd.f32 v32, v9;
	v48 =	vld [tilespmem:s19+$0xFFFFFFE0];
	[tilespmem:v33+s20+$0x0] =	vst.idx.msk $0xffff, v45  }
0x11b: {  	v17 =	vadd.f32 v17, v6;
	v12 =	vadd.s32 v3, v12;
	[tilespmem:v34+s20+$0x0] =	vst.idx.msk $0xffff, v46;
	v21 =	vld [tilespmem:s19+$0xFFFFFF60]  }
0x11c: {  	v16 =	vadd.f32 v16, v4;
	v49 =	vadd.s32 v1, v26;
	[tilespmem:v44+s20+$0x0] =	vst.idx.msk $0xffff, v47;
	v50 =	vld [tilespmem:s19+$0xFFFFFFA0]  }
0x11d: {  	[tilespmem:v14+s20+$0x0] =	vst.idx.msk $0xffff, v17;
	v51 =	vadd.f32 v15, v4;
	v53 =	vadd.s32 v1, v27;
	v52 =	vld [tilespmem:s19+$0xFFFFFF20]  }
0x11e: {  	v54 =	vld [tilespmem:s16+$0xFFFFFFF0];
	v18 =	vadd.f32 v18, v4;
	[tilespmem:v19+s20+$0x0] =	vst.idx.msk $0xffff, v16;
	v55 =	vadd.s32 v1, v30  }
0x11f: {  	v57 =	vadd.s32 v1, v13;
	v60 =	vld [tilespmem:s16+$0xFFFFFFB0];
	[tilespmem:v20+s20+$0x0] =	vst.idx.msk $0xffff, v51;
	v58 =	vadd.f32 v48, v6  }
0x120: {  	v59 =	vadd.s32 v2, v7;
	v56 =	vld [tilespmem:s16+$0xFFFFFF70];
	[tilespmem:v12+s20+$0x0] =	vst.idx.msk $0xffff, v18;
	v61 =	vadd.f32 v21, v6  }
0x121: {  	v62 =	vld [tilespmem:s16+$0xFFFFFF30];
	v29 =	vadd.s32 v2, v11;
	[tilespmem:v49+s20+$0x0] =	vst.idx.msk $0xffff, v58;
	v28 =	vadd.f32 v50, v6  }
0x122: {  	v63 =	vadd.s32 v2, v10;
	v31 =	vadd.f32 v52, v6;
	v32 =	vld [tilespmem:s19+$0xFFFFFFF0];
	[tilespmem:v53+s20+$0x0] =	vst.idx.msk $0xffff, v61  }
0x123: {  	v33 =	vadd.f32 v54, v5;
	v34 =	vadd.s32 v2, v8;
	[tilespmem:v55+s20+$0x0] =	vst.idx.msk $0xffff, v28;
	v35 =	vld [tilespmem:s19+$0xFFFFFF70]  }
0x124: {  	v37 =	vadd.s32 v2, v26;
	v39 =	vadd.f32 v60, v5;
	[tilespmem:v57+s20+$0x0] =	vst.idx.msk $0xffff, v31;
	v38 =	vld [tilespmem:s19+$0xFFFFFFB0]  }
0x125: {  	v41 =	vadd.s32 v2, v27;
	v36 =	vadd.f32 v56, v5;
	[tilespmem:v59+s20+$0x0] =	vst.idx.msk $0xffff, v33;
	v40 =	vld [tilespmem:s19+$0xFFFFFF30]  }
0x126: {  	v43 =	vadd.s32 v2, v30;
	v18 =	vadd.f32 v62, v5;
	v42 =	vld [tilespmem:s16+$0x0];
	[tilespmem:v29+s20+$0x0] =	vst.idx.msk $0xffff, v39  }
0x127: {  	v45 =	vadd.s32 v2, v13;
	[tilespmem:v63+s20+$0x0] =	vst.idx.msk $0xffff, v36;
	v47 =	vld [tilespmem:s16+$0xFFFFFFC0];
	v44 =	vadd.f32 v32, v5  }
0x128: {  	v46 =	vadd.s32 v3, v7;
	[tilespmem:v34+s20+$0x0] =	vst.idx.msk $0xffff, v18;
	v21 =	vld [tilespmem:s16+$0xFFFFFF80];
	v9 =	vadd.f32 v35, v5  }
0x129: {  	v18 =	vld [tilespmem:s16+$0xFFFFFF40];
	v50 =	vadd.s32 v3, v11;
	[tilespmem:v37+s20+$0x0] =	vst.idx.msk $0xffff, v44;
	v49 =	vadd.f32 v38, v5  }
0x12a: {  	v48 =	vadd.s32 v3, v10;
	v5 =	vadd.f32 v40, v5;
	v12 =	vld [tilespmem:s19+$0x0];
	[tilespmem:v41+s20+$0x0] =	vst.idx.msk $0xffff, v9  }
0x12b: {  	v52 =	vadd.s32 v3, v8;
	v51 =	vadd.f32 v42, v4;
	[tilespmem:v43+s20+$0x0] =	vst.idx.msk $0xffff, v49;
	v53 =	vld [tilespmem:s19+$0xFFFFFF80]  }
0x12c: {  	v55 =	vadd.s32 v3, v26;
	v56 =	vadd.f32 v47, v4;
	[tilespmem:v45+s20+$0x0] =	vst.idx.msk $0xffff, v5;
	v5 =	vld [tilespmem:s19+$0xFFFFFFC0]  }
0x12d: {  	v58 =	vadd.s32 v3, v27;
	[tilespmem:v46+s20+$0x0] =	vst.idx.msk $0xffff, v51;
	v54 =	vadd.f32 v21, v4;
	v57 =	vld [tilespmem:s19+$0xFFFFFF40]  }
0x12e: {  	v60 =	vadd.s32 v3, v30;
	v59 =	vadd.f32 v18, v4;
	[tilespmem:v50+s20+$0x0] =	vst.idx.msk $0xffff, v56  }
0x12f: {  	v62 =	vadd.s32 v3, v13;
	[tilespmem:v48+s20+$0x0] =	vst.idx.msk $0xffff, v54;
	v61 =	vadd.f32 v12, v4  }
0x130: {  	[tilespmem:v52+s20+$0x0] =	vst.idx.msk $0xffff, v59;
	v63 =	vadd.f32 v53, v4  }
0x131: {  	[tilespmem:v55+s20+$0x0] =	vst.idx.msk $0xffff, v61;
	v5 =	vadd.f32 v5, v4  }
0x132: {  	v4 =	vadd.f32 v57, v4;
	[tilespmem:v58+s20+$0x0] =	vst.idx.msk $0xffff, v63  }
0x133: {  	s21 =	sadd.s32 $0x0, s10;
	[tilespmem:v60+s20+$0x0] =	vst.idx.msk $0xffff, v5  }
0x134: {  	s18 =	simm.s32 $0x200;
	s16 =	simm.s32 $0x15A00;
	s19 =	simm.s32 $0x15A88;
	[tilespmem:v62+s20+$0x0] =	vst.idx.msk $0xffff, v4  }
.LBB2_12:
0x135: {  	[hbm4b:s21+s2] =	stream.linear.scatter [tilespmem:s16], [sflag:$0x7], $0x80, $0x38;
	[tilespmem:$0x19E00] =	vst v63  }
0x136: {  	s21 =	smov.u32 s18;
	s16 =	smov.u32 s19;
	p0 =	sne.s32 s18, $0x7E00  }
.Ltmp5:
0x137: {  	s18 =	sadd.s32 $0x200, s18;
	(pc) =	sbr.rel @p0 .LBB2_12-.Ltmp5, $2  }
0x138: {  	_ =	sdelay $0x2  }
0x139: {  	s19 =	sadd.s32 $0x88, s19;
	s21 =	sadd.s32 s21, s10  }
0x13a: {  	[hbm4b:s21+s2] =	stream.linear.scatter [tilespmem:s16], [sflag:$0x7], $0x80, $0x38;
	[tilespmem:$0x19E00] =	vst v63  }
0x13b: {  	s28 =	simm.s32 $0xD600;
	s18 =	simm.s32 $0x300;
	s31 =	simm.s32 $0x4  }
0x13c: {  	[tilespmem:s28], [sflag:$0x3] =	stream.indirect.gather [hbm4b:s4+s17], $0x40, s18, s17, $0xb8;
	[tilespmem:$0x19E00] =	vst v63  }
0x13d: {  	_ =	swait.ge [sflag:s31], $0x2000  }
0x13e: {  	[sflag:s31] =	ssyncset.done $0x0  }
0x13f: {  	[sflag:s31] =	ssyncadd.s32 $0xFFFFE000  }
0x140: {  	s22 =	simm.s32 $0xF6F0;
	s18 =	simm.s32 $0x3;
	v9 =	vld [tilespmem:$0x64C0]  }
0x141: {  	v4 =	vmov s18;
	v7 =	vld [tilespmem:s22+$0xFFFFFFD0]  }
0x142: {  	v13 =	vand.u32 $0x7F, v4  }
0x143: {  	s19 =	simm.s32 $0x0;
	v8 =	vadd.s32 v0, v13;
	v6 =	vld [tilespmem:$0x64D0]  }
0x144: {  	s21 =	simm.s32 $0x1;
	s24 =	simm.s32 $0x2;
	v4 =	vmov s19;
	v10 =	vld [tilespmem:s22+$0xFFFFFF10]  }
0x145: {  	v14 =	vmov s24;
	v12 =	vand.u32 $0x7C, v4;
	v4 =	vmov s21;
	v11 =	vld [tilespmem:s22+$0xFFFFFF50]  }
0x146: {  	v15 =	vadd.s32 v0, v12;
	v19 =	vand.u32 $0x7D, v4;
	v16 =	vld [tilespmem:s22+$0xFFFFFF90];
	v7 =	vadd.f32 v7, v9  }
0x147: {  	v20 =	vand.u32 $0x7E, v14;
	v5 =	vld [tilespmem:$0x64E0];
	v17 =	vadd.s32 v0, v19  }
0x148: {  	v14 =	vadd.s32 v0, v20;
	v4 =	vld [tilespmem:$0x64F0];
	[tilespmem:v8+s30+$0x0] =	vst.idx.msk $0xffff, v7  }
0x149: {  	v7 =	vadd.f32 v10, v9;
	v8 =	vld [tilespmem:s22+$0xFFFFFFE0]  }
0x14a: {  	v10 =	vadd.f32 v11, v9  }
0x14b: {  	v11 =	vadd.s32 v1, v13;
	[tilespmem:v15+s30+$0x0] =	vst.idx.msk $0xffff, v7;
	v7 =	vadd.f32 v16, v9  }
0x14c: {  	[tilespmem:v17+s30+$0x0] =	vst.idx.msk $0xffff, v10;
	v15 =	vld [tilespmem:s22+$0xFFFFFF20]  }
0x14d: {  	v10 =	vld [tilespmem:s22+$0xFFFFFF60];
	[tilespmem:v14+s30+$0x0] =	vst.idx.msk $0xffff, v7  }
0x14e: {  	v14 =	vld [tilespmem:s22+$0xFFFFFFA0];
	v7 =	vadd.f32 v8, v6  }
0x14f: {  	s16 =	simm.s32 $0xF7F0;
	s19 =	simm.s32 $0x7;
	v16 =	vadd.s32 v1, v19  }
0x150: {  	s25 =	simm.s32 $0x4;
	v26 =	vadd.s32 v2, v13;
	v18 =	vld [tilespmem:s16+$0xFFFFFFD0];
	v17 =	vadd.s32 v1, v20;
	[tilespmem:v11+s30+$0x0] =	vst.idx.msk $0xffff, v7;
	v7 =	vmov s19  }
0x151: {  	v21 =	vadd.s32 v1, v12;
	v8 =	vmov s25;
	v7 =	vand.u32 $0x7F, v7;
	v22 =	vld [tilespmem:s22+$0xFFFFFFF0]  }
0x152: {  	s26 =	simm.s32 $0x5;
	v23 =	vld [tilespmem:s16+$0xFFFFFF10];
	v8 =	vand.u32 $0x7C, v8;
	v10 =	vadd.f32 v10, v6;
	v24 =	vadd.s32 v0, v7  }
0x153: {  	s28 =	simm.s32 $0x6;
	v25 =	vld [tilespmem:s16+$0xFFFFFF50];
	v15 =	vadd.f32 v15, v6;
	v11 =	vadd.f32 v14, v6;
	v14 =	vmov s26  }
0x154: {  	v27 =	vadd.s32 v0, v8;
	[tilespmem:v16+s30+$0x0] =	vst.idx.msk $0xffff, v10;
	v16 =	vmov s28;
	v10 =	vand.u32 $0x7D, v14;
	v14 =	vld [tilespmem:s16+$0xFFFFFF90]  }
0x155: {  	[tilespmem:v17+s30+$0x0] =	vst.idx.msk $0xffff, v11;
	v17 =	vadd.s32 v0, v10;
	v11 =	vand.u32 $0x7E, v16;
	v16 =	vadd.f32 v18, v9;
	v18 =	vld [tilespmem:s22+$0xFFFFFF70]  }
0x156: {  	[tilespmem:v21+s30+$0x0] =	vst.idx.msk $0xffff, v15;
	v15 =	vadd.s32 v0, v11;
	v21 =	vld [tilespmem:s22+$0xFFFFFFB0];
	v22 =	vadd.f32 v22, v5  }
0x157: {  	v23 =	vadd.f32 v23, v9;
	[tilespmem:v24+s30+$0x0] =	vst.idx.msk $0xffff, v16;
	v16 =	vld [tilespmem:s22+$0xFFFFFF30];
	v24 =	vadd.s32 v2, v19  }
0x158: {  	v29 =	vadd.s32 v2, v20;
	v25 =	vadd.f32 v25, v9;
	v28 =	vld [tilespmem:s16+$0xFFFFFFE0];
	[tilespmem:v26+s30+$0x0] =	vst.idx.msk $0xffff, v22  }
0x159: {  	[tilespmem:v27+s30+$0x0] =	vst.idx.msk $0xffff, v23;
	v23 =	vadd.s32 v2, v12;
	v14 =	vadd.f32 v14, v9;
	v26 =	vld [tilespmem:s22+$0x0]  }
0x15a: {  	v27 =	vld [tilespmem:s16+$0xFFFFFF20];
	[tilespmem:v17+s30+$0x0] =	vst.idx.msk $0xffff, v25;
	v25 =	vadd.s32 v1, v7;
	v18 =	vadd.f32 v18, v5  }
0x15b: {  	v31 =	vadd.s32 v3, v13;
	v30 =	vld [tilespmem:s16+$0xFFFFFF60];
	[tilespmem:v15+s30+$0x0] =	vst.idx.msk $0xffff, v14;
	v14 =	vadd.f32 v21, v5  }
0x15c: {  	v22 =	vadd.s32 v1, v8;
	v17 =	vld [tilespmem:s16+$0xFFFFFFA0];
	v13 =	vadd.f32 v16, v5;
	[tilespmem:v24+s30+$0x0] =	vst.idx.msk $0xffff, v18  }
0x15d: {  	s21 =	simm.s32 $0x8;
	v21 =	vadd.s32 v1, v10;
	[tilespmem:v29+s30+$0x0] =	vst.idx.msk $0xffff, v14;
	v18 =	vadd.f32 v28, v6;
	v16 =	vld [tilespmem:s22+$0xFFFFFF80]  }
0x15e: {  	v24 =	vmov s21;
	v14 =	vadd.s32 v1, v11;
	v15 =	vld [tilespmem:s22+$0xFFFFFFC0];
	[tilespmem:v23+s30+$0x0] =	vst.idx.msk $0xffff, v13;
	v63 =	vadd.f32 v26, v4  }
0x15f: {  	s31 =	simm.s32 $0xB;
	s19 =	simm.s32 $0xF8F0;
	v19 =	vadd.s32 v3, v19;
	v13 =	vand.u32 $0x7C, v24;
	v24 =	vadd.f32 v27, v6;
	[tilespmem:v25+s30+$0x0] =	vst.idx.msk $0xffff, v18;
	v18 =	vld [tilespmem:s22+$0xFFFFFF40]  }
0x160: {  	s18 =	simm.s32 $0xC;
	v20 =	vadd.s32 v3, v20;
	v26 =	vmov s31;
	v23 =	vld [tilespmem:s19+$0xFFFFFFD0];
	v25 =	vadd.f32 v30, v6;
	[tilespmem:v31+s30+$0x0] =	vst.idx.msk $0xffff, v63  }
.LBB2_14:
0x161: {  	p0 =	slt.u32 s18, $0x7C;
	s22 =	sadd.s32 $0x1, s21;
	v26 =	vand.u32 $0x7F, v26;
	[tilespmem:v22+s30+$0x0] =	vst.idx.msk $0xffff, v24;
	v17 =	vadd.f32 v17, v6;
	v22 =	vld [tilespmem:s16+$0xFFFFFFF0];
	v24 =	vadd.s32 v3, v12  }
0x162: {  	v30 =	vmovc v11;
	v27 =	vld [tilespmem:s19+$0xFFFFFF10];
	v28 =	vmov s22;
	s22 =	sadd.s32 $0x2, s21;
	v29 =	vadd.s32 v0, v26;
	[tilespmem:v21+s30+$0x0] =	vst.idx.msk $0xffff, v25;
	v16 =	vadd.f32 v16, v4;
	s21 =	smov.u32 s18  }
0x163: {  	v12 =	vmovc v8;
	v21 =	vld [tilespmem:s19+$0xFFFFFF50];
	v11 =	vmov s22;
	[tilespmem:v14+s30+$0x0] =	vst.idx.msk $0xffff, v17;
	v14 =	vadd.s32 v2, v7;
	v15 =	vadd.f32 v15, v4  }
0x164: {  	v17 =	vadd.s32 v0, v13;
	v28 =	vand.u32 $0x7D, v28;
	v25 =	vld [tilespmem:s19+$0xFFFFFF90];
	v31 =	vadd.f32 v18, v4;
	[tilespmem:v19+s30+$0x0] =	vst.idx.msk $0xffff, v16  }
0x165: {  	v16 =	vadd.s32 v0, v28;
	v11 =	vand.u32 $0x7E, v11;
	v18 =	vadd.f32 v23, v9;
	v19 =	vld [tilespmem:s16+$0xFFFFFF70];
	[tilespmem:v20+s30+$0x0] =	vst.idx.msk $0xffff, v15  }
0x166: {  	v8 =	vmov v13;
	v15 =	vadd.s32 v0, v11;
	v20 =	vld [tilespmem:s16+$0xFFFFFFB0];
	v22 =	vadd.f32 v22, v5;
	[tilespmem:v24+s30+$0x0] =	vst.idx.msk $0xffff, v31  }
0x167: {  	v23 =	vadd.s32 v2, v10;
	v13 =	vadd.f32 v27, v9;
	[tilespmem:v29+s30+$0x0] =	vst.idx.msk $0xffff, v18;
	v18 =	vld [tilespmem:s16+$0xFFFFFF30]  }
0x168: {  	v27 =	vadd.s32 v2, v30;
	v21 =	vadd.f32 v21, v9;
	v24 =	vld [tilespmem:s19+$0xFFFFFFE0];
	[tilespmem:v14+s30+$0x0] =	vst.idx.msk $0xffff, v22  }
0x169: {  	[tilespmem:v17+s30+$0x0] =	vst.idx.msk $0xffff, v13;
	v13 =	vadd.f32 v25, v9;
	v25 =	vadd.s32 v2, v12;
	v29 =	vld [tilespmem:s16+$0x0]  }
0x16a: {  	v32 =	vadd.s32 v1, v26;
	v31 =	vld [tilespmem:s19+$0xFFFFFF20];
	[tilespmem:v16+s30+$0x0] =	vst.idx.msk $0xffff, v21;
	v14 =	vadd.f32 v19, v5  }
0x16b: {  	v34 =	vadd.s32 v3, v7;
	v7 =	vmov v26;
	v33 =	vld [tilespmem:s19+$0xFFFFFF60];
	[tilespmem:v15+s30+$0x0] =	vst.idx.msk $0xffff, v13;
	v13 =	vadd.f32 v20, v5  }
.Ltmp6:
0x16c: {  	v22 =	vadd.s32 v1, v8;
	v17 =	vld [tilespmem:s19+$0xFFFFFFA0];
	v15 =	vadd.f32 v18, v5;
	[tilespmem:v23+s30+$0x0] =	vst.idx.msk $0xffff, v14;
	(pc) =	sbr.rel @p0 .LBB2_14-.Ltmp6, $4  }
0x16d: {  	v21 =	vadd.s32 v1, v28;
	v18 =	vadd.f32 v24, v6;
	v16 =	vld [tilespmem:s16+$0xFFFFFF80];
	[tilespmem:v27+s30+$0x0] =	vst.idx.msk $0xffff, v13  }
0x16e: {  	v14 =	vadd.s32 v1, v11;
	v13 =	vmov s18;
	[tilespmem:v25+s30+$0x0] =	vst.idx.msk $0xffff, v15;
	v15 =	vld [tilespmem:s16+$0xFFFFFFC0];
	v27 =	vadd.f32 v29, v4  }
0x16f: {  	s22 =	sadd.s32 $0x3, s18;
	v19 =	vadd.s32 v3, v10;
	v13 =	vand.u32 $0x7C, v13;
	v24 =	vadd.f32 v31, v6;
	[tilespmem:v32+s30+$0x0] =	vst.idx.msk $0xffff, v18;
	v18 =	vld [tilespmem:s16+$0xFFFFFF40];
	s16 =	smov.u32 s19;
	s19 =	sadd.s32 $0x100, s19  }
0x170: {  	v26 =	vmov s22;
	v10 =	vmovc v28;
	v20 =	vadd.s32 v3, v30;
	s18 =	sadd.s32 $0x4, s18;
	v23 =	vld [tilespmem:s19+$0xFFFFFFD0];
	v25 =	vadd.f32 v33, v6;
	[tilespmem:v34+s30+$0x0] =	vst.idx.msk $0xffff, v27  }
0x171: {  	s18 =	sadd.s32 $0x1, s21  }
0x172: {  	v26 =	vand.u32 $0x7F, v26;
	s31 =	sadd.s32 $0x2, s21;
	v28 =	vld [tilespmem:s19+$0xFFFFFF50];
	v27 =	vmov s18  }
0x173: {  	v31 =	vld [tilespmem:s19+$0xFFFFFF90];
	v29 =	vadd.s32 v0, v26;
	v30 =	vmov s31;
	v27 =	vand.u32 $0x7D, v27  }
0x174: {  	v32 =	vld [tilespmem:s19+$0xFFFFFF10];
	v30 =	vand.u32 $0x7E, v30;
	v33 =	vadd.s32 v0, v27  }
0x175: {  	v34 =	vadd.s32 v0, v30  }
0x176: {  	[tilespmem:v22+s30+$0x0] =	vst.idx.msk $0xffff, v24;
	v44 =	vadd.s32 v0, v13;
	v23 =	vadd.f32 v23, v9  }
0x177: {  	[tilespmem:v21+s30+$0x0] =	vst.idx.msk $0xffff, v25;
	v45 =	vadd.f32 v28, v9  }
0x178: {  	v46 =	vadd.f32 v31, v9;
	[tilespmem:v29+s30+$0x0] =	vst.idx.msk $0xffff, v23  }
0x179: {  	v47 =	vadd.f32 v32, v9;
	v48 =	vld [tilespmem:s19+$0xFFFFFFE0];
	[tilespmem:v33+s30+$0x0] =	vst.idx.msk $0xffff, v45  }
0x17a: {  	v17 =	vadd.f32 v17, v6;
	v12 =	vadd.s32 v3, v12;
	[tilespmem:v34+s30+$0x0] =	vst.idx.msk $0xffff, v46;
	v21 =	vld [tilespmem:s19+$0xFFFFFF60]  }
0x17b: {  	v16 =	vadd.f32 v16, v4;
	v49 =	vadd.s32 v1, v26;
	[tilespmem:v44+s30+$0x0] =	vst.idx.msk $0xffff, v47;
	v50 =	vld [tilespmem:s19+$0xFFFFFFA0]  }
0x17c: {  	[tilespmem:v14+s30+$0x0] =	vst.idx.msk $0xffff, v17;
	v51 =	vadd.f32 v15, v4;
	v53 =	vadd.s32 v1, v27;
	v52 =	vld [tilespmem:s19+$0xFFFFFF20]  }
0x17d: {  	v54 =	vld [tilespmem:s16+$0xFFFFFFF0];
	v18 =	vadd.f32 v18, v4;
	[tilespmem:v19+s30+$0x0] =	vst.idx.msk $0xffff, v16;
	v55 =	vadd.s32 v1, v30  }
0x17e: {  	v57 =	vadd.s32 v1, v13;
	v60 =	vld [tilespmem:s16+$0xFFFFFFB0];
	[tilespmem:v20+s30+$0x0] =	vst.idx.msk $0xffff, v51;
	v58 =	vadd.f32 v48, v6  }
0x17f: {  	v59 =	vadd.s32 v2, v7;
	v56 =	vld [tilespmem:s16+$0xFFFFFF70];
	[tilespmem:v12+s30+$0x0] =	vst.idx.msk $0xffff, v18;
	v61 =	vadd.f32 v21, v6  }
0x180: {  	v62 =	vld [tilespmem:s16+$0xFFFFFF30];
	v29 =	vadd.s32 v2, v11;
	[tilespmem:v49+s30+$0x0] =	vst.idx.msk $0xffff, v58;
	v28 =	vadd.f32 v50, v6  }
0x181: {  	v63 =	vadd.s32 v2, v10;
	v31 =	vadd.f32 v52, v6;
	v32 =	vld [tilespmem:s19+$0xFFFFFFF0];
	[tilespmem:v53+s30+$0x0] =	vst.idx.msk $0xffff, v61  }
0x182: {  	v33 =	vadd.f32 v54, v5;
	v34 =	vadd.s32 v2, v8;
	[tilespmem:v55+s30+$0x0] =	vst.idx.msk $0xffff, v28;
	v35 =	vld [tilespmem:s19+$0xFFFFFF70]  }
0x183: {  	v37 =	vadd.s32 v2, v26;
	v39 =	vadd.f32 v60, v5;
	[tilespmem:v57+s30+$0x0] =	vst.idx.msk $0xffff, v31;
	v38 =	vld [tilespmem:s19+$0xFFFFFFB0]  }
0x184: {  	v41 =	vadd.s32 v2, v27;
	v36 =	vadd.f32 v56, v5;
	[tilespmem:v59+s30+$0x0] =	vst.idx.msk $0xffff, v33;
	v40 =	vld [tilespmem:s19+$0xFFFFFF30]  }
0x185: {  	v43 =	vadd.s32 v2, v30;
	v18 =	vadd.f32 v62, v5;
	v42 =	vld [tilespmem:s16+$0x0];
	[tilespmem:v29+s30+$0x0] =	vst.idx.msk $0xffff, v39  }
0x186: {  	v45 =	vadd.s32 v2, v13;
	[tilespmem:v63+s30+$0x0] =	vst.idx.msk $0xffff, v36;
	v47 =	vld [tilespmem:s16+$0xFFFFFFC0];
	v44 =	vadd.f32 v32, v5  }
0x187: {  	v46 =	vadd.s32 v3, v7;
	[tilespmem:v34+s30+$0x0] =	vst.idx.msk $0xffff, v18;
	v21 =	vld [tilespmem:s16+$0xFFFFFF80];
	v9 =	vadd.f32 v35, v5  }
0x188: {  	v18 =	vld [tilespmem:s16+$0xFFFFFF40];
	v50 =	vadd.s32 v3, v11;
	[tilespmem:v37+s30+$0x0] =	vst.idx.msk $0xffff, v44;
	v49 =	vadd.f32 v38, v5  }
0x189: {  	v48 =	vadd.s32 v3, v10;
	v5 =	vadd.f32 v40, v5;
	v12 =	vld [tilespmem:s19+$0x0];
	[tilespmem:v41+s30+$0x0] =	vst.idx.msk $0xffff, v9  }
0x18a: {  	v52 =	vadd.s32 v3, v8;
	v51 =	vadd.f32 v42, v4;
	[tilespmem:v43+s30+$0x0] =	vst.idx.msk $0xffff, v49;
	v53 =	vld [tilespmem:s19+$0xFFFFFF80]  }
0x18b: {  	v55 =	vadd.s32 v3, v26;
	v56 =	vadd.f32 v47, v4;
	[tilespmem:v45+s30+$0x0] =	vst.idx.msk $0xffff, v5;
	v5 =	vld [tilespmem:s19+$0xFFFFFFC0]  }
0x18c: {  	v58 =	vadd.s32 v3, v27;
	[tilespmem:v46+s30+$0x0] =	vst.idx.msk $0xffff, v51;
	v54 =	vadd.f32 v21, v4;
	v57 =	vld [tilespmem:s19+$0xFFFFFF40]  }
0x18d: {  	v60 =	vadd.s32 v3, v30;
	v59 =	vadd.f32 v18, v4;
	[tilespmem:v50+s30+$0x0] =	vst.idx.msk $0xffff, v56  }
0x18e: {  	v62 =	vadd.s32 v3, v13;
	[tilespmem:v48+s30+$0x0] =	vst.idx.msk $0xffff, v54;
	v61 =	vadd.f32 v12, v4  }
0x18f: {  	[tilespmem:v52+s30+$0x0] =	vst.idx.msk $0xffff, v59;
	v63 =	vadd.f32 v53, v4  }
0x190: {  	[tilespmem:v55+s30+$0x0] =	vst.idx.msk $0xffff, v61;
	v5 =	vadd.f32 v5, v4  }
0x191: {  	v4 =	vadd.f32 v57, v4;
	[tilespmem:v58+s30+$0x0] =	vst.idx.msk $0xffff, v63  }
0x192: {  	s22 =	sadd.s32 $0x0, s11;
	s21 =	simm.s32 $0x17C88;
	[tilespmem:v60+s30+$0x0] =	vst.idx.msk $0xffff, v5  }
0x193: {  	s18 =	simm.s32 $0x200;
	s16 =	simm.s32 $0x17C00;
	s19 =	simm.s32 $0x0;
	[tilespmem:v62+s30+$0x0] =	vst.idx.msk $0xffff, v4  }
.LBB2_16:
0x194: {  	[hbm4b:s22+s19] =	stream.linear.scatter [tilespmem:s16], [sflag:$0x8], $0x80, $0x38;
	[tilespmem:$0x19E00] =	vst v63  }
0x195: {  	s22 =	smov.u32 s18;
	s16 =	smov.u32 s21;
	p0 =	sne.s32 s18, $0x7E00  }
.Ltmp7:
0x196: {  	s18 =	sadd.s32 $0x200, s18;
	(pc) =	sbr.rel @p0 .LBB2_16-.Ltmp7, $2  }
0x197: {  	_ =	sdelay $0x2  }
0x198: {  	s21 =	sadd.s32 $0x88, s21;
	s22 =	sadd.s32 s22, s11  }
0x199: {  	[hbm4b:s22+s19] =	stream.linear.scatter [tilespmem:s16], [sflag:$0x8], $0x80, $0x38;
	[tilespmem:$0x19E00] =	vst v63  }
.LBB2_18:
0x19a: {  	s21 =	sshll.u32 s19, $0x2  }
0x19b: {  	s16 =	sadd.s32 $0x7, s21  }
0x19c: {  	s18 =	sshll.u32 s16, $0x7  }
0x19d: {  	s22 =	simm.s32 $0xF600;
	s24 =	simm.s32 $0x1;
	s18 =	sand.u32 $0x3FFFFF80, s18  }
0x19e: {  	[tilespmem:s22], [sflag:$0x4] =	stream.indirect.gather [hbm4b:s4+s17], $0x40, s18, s17, $0xb8;
	[tilespmem:$0x19E00] =	vst v63  }
0x19f: {  	_ =	swait.ge [sflag:s24], $0x2000  }
0x1a0: {  	[sflag:s24] =	ssyncset.done $0x0  }
0x1a1: {  	[sflag:s24] =	ssyncadd.s32 $0xFFFFE000  }
0x1a2: {  	s22 =	sadd.s32 $0x4, s21;
	_ =	swait.ge [sflag:s0], $0x2000  }
0x1a3: {  	s25 =	sshll.u32 s22, $0x6;
	[sflag:s0] =	ssyncset.done $0x0  }
0x1a4: {  	s18 =	sand.u32 $0x3FFFFF00, s25;
	[sflag:s0] =	ssyncadd.s32 $0xFFFFE000  }
0x1a5: {  	s31 =	simm.s32 $0x9680;
	s24 =	simm.s32 $0x3;
	v9 =	vld [tilespmem:s18+$0x6400]  }
0x1a6: {  	v4 =	vmov s24;
	v7 =	vld [tilespmem:s31+$0x40]  }
0x1a7: {  	v13 =	vand.u32 $0x7F, v4  }
0x1a8: {  	s26 =	simm.s32 $0x0;
	v8 =	vadd.s32 v0, v13;
	v6 =	vld [tilespmem:s18+$0x6410]  }
0x1a9: {  	s25 =	simm.s32 $0x1;
	v4 =	vmov s26;
	s26 =	simm.s32 $0x2;
	v10 =	vld [tilespmem:s31+$0xFFFFFF80]  }
0x1aa: {  	v12 =	vand.u32 $0x7C, v4;
	v4 =	vmov s25;
	v14 =	vmov s26;
	v11 =	vld [tilespmem:s31+$0xFFFFFFC0]  }
0x1ab: {  	v15 =	vadd.s32 v0, v12;
	v19 =	vand.u32 $0x7D, v4;
	v16 =	vld [tilespmem:s31+$0x0];
	v7 =	vadd.f32 v7, v9  }
0x1ac: {  	v5 =	vld [tilespmem:s18+$0x6420];
	v20 =	vand.u32 $0x7E, v14;
	v17 =	vadd.s32 v0, v19  }
0x1ad: {  	v4 =	vld [tilespmem:s18+$0x6430];
	v14 =	vadd.s32 v0, v20;
	[tilespmem:v8+s29+$0x0] =	vst.idx.msk $0xffff, v7  }
0x1ae: {  	v7 =	vadd.f32 v10, v9;
	v8 =	vld [tilespmem:s31+$0x50]  }
0x1af: {  	v10 =	vadd.f32 v11, v9  }
0x1b0: {  	v11 =	vadd.s32 v1, v13;
	[tilespmem:v15+s29+$0x0] =	vst.idx.msk $0xffff, v7;
	v7 =	vadd.f32 v16, v9  }
0x1b1: {  	[tilespmem:v17+s29+$0x0] =	vst.idx.msk $0xffff, v10;
	v15 =	vld [tilespmem:s31+$0xFFFFFF90]  }
0x1b2: {  	v10 =	vld [tilespmem:s31+$0xFFFFFFD0];
	[tilespmem:v14+s29+$0x0] =	vst.idx.msk $0xffff, v7  }
0x1b3: {  	v14 =	vld [tilespmem:s31+$0x10];
	v7 =	vadd.f32 v8, v6  }
0x1b4: {  	s24 =	simm.s32 $0x9780;
	s25 =	simm.s32 $0x7;
	v16 =	vadd.s32 v1, v19  }
0x1b5: {  	s26 =	simm.s32 $0x4;
	v26 =	vadd.s32 v2, v13;
	v18 =	vld [tilespmem:s24+$0x40];
	v17 =	vadd.s32 v1, v20;
	[tilespmem:v11+s29+$0x0] =	vst.idx.msk $0xffff, v7;
	v7 =	vmov s25  }
0x1b6: {  	v21 =	vadd.s32 v1, v12;
	v8 =	vmov s26;
	v7 =	vand.u32 $0x7F, v7;
	v22 =	vld [tilespmem:s31+$0x60]  }
0x1b7: {  	v23 =	vld [tilespmem:s24+$0xFFFFFF80];
	v8 =	vand.u32 $0x7C, v8;
	v10 =	vadd.f32 v10, v6;
	s25 =	simm.s32 $0x5;
	v24 =	vadd.s32 v0, v7  }
0x1b8: {  	v25 =	vld [tilespmem:s24+$0xFFFFFFC0];
	s26 =	simm.s32 $0x6;
	v15 =	vadd.f32 v15, v6;
	v11 =	vadd.f32 v14, v6;
	v14 =	vmov s25  }
0x1b9: {  	v27 =	vadd.s32 v0, v8;
	[tilespmem:v16+s29+$0x0] =	vst.idx.msk $0xffff, v10;
	v16 =	vmov s26;
	v10 =	vand.u32 $0x7D, v14;
	v14 =	vld [tilespmem:s24+$0x0]  }
0x1ba: {  	[tilespmem:v17+s29+$0x0] =	vst.idx.msk $0xffff, v11;
	v17 =	vadd.s32 v0, v10;
	v11 =	vand.u32 $0x7E, v16;
	v16 =	vadd.f32 v18, v9;
	v18 =	vld [tilespmem:s31+$0xFFFFFFE0]  }
0x1bb: {  	[tilespmem:v21+s29+$0x0] =	vst.idx.msk $0xffff, v15;
	v15 =	vadd.s32 v0, v11;
	v21 =	vld [tilespmem:s31+$0x20];
	v22 =	vadd.f32 v22, v5  }
0x1bc: {  	v23 =	vadd.f32 v23, v9;
	[tilespmem:v24+s29+$0x0] =	vst.idx.msk $0xffff, v16;
	v16 =	vld [tilespmem:s31+$0xFFFFFFA0];
	v24 =	vadd.s32 v2, v19  }
0x1bd: {  	v29 =	vadd.s32 v2, v20;
	v25 =	vadd.f32 v25, v9;
	v28 =	vld [tilespmem:s24+$0x50];
	[tilespmem:v26+s29+$0x0] =	vst.idx.msk $0xffff, v22  }
0x1be: {  	[tilespmem:v27+s29+$0x0] =	vst.idx.msk $0xffff, v23;
	v23 =	vadd.s32 v2, v12;
	v14 =	vadd.f32 v14, v9;
	v26 =	vld [tilespmem:s31+$0x70]  }
0x1bf: {  	v27 =	vld [tilespmem:s24+$0xFFFFFF90];
	[tilespmem:v17+s29+$0x0] =	vst.idx.msk $0xffff, v25;
	v25 =	vadd.s32 v1, v7;
	v18 =	vadd.f32 v18, v5  }
0x1c0: {  	v31 =	vadd.s32 v3, v13;
	v30 =	vld [tilespmem:s24+$0xFFFFFFD0];
	[tilespmem:v15+s29+$0x0] =	vst.idx.msk $0xffff, v14;
	v14 =	vadd.f32 v21, v5  }
0x1c1: {  	v22 =	vadd.s32 v1, v8;
	v17 =	vld [tilespmem:s24+$0x10];
	v13 =	vadd.f32 v16, v5;
	[tilespmem:v24+s29+$0x0] =	vst.idx.msk $0xffff, v18  }
0x1c2: {  	s28 =	simm.s32 $0x8;
	v21 =	vadd.s32 v1, v10;
	[tilespmem:v29+s29+$0x0] =	vst.idx.msk $0xffff, v14;
	v18 =	vadd.f32 v28, v6;
	v16 =	vld [tilespmem:s31+$0xFFFFFFF0]  }
0x1c3: {  	v24 =	vmov s28;
	v14 =	vadd.s32 v1, v11;
	v15 =	vld [tilespmem:s31+$0x30];
	[tilespmem:v23+s29+$0x0] =	vst.idx.msk $0xffff, v13;
	v63 =	vadd.f32 v26, v4  }
0x1c4: {  	s25 =	simm.s32 $0xB;
	s26 =	simm.s32 $0x9880;
	v19 =	vadd.s32 v3, v19;
	v13 =	vand.u32 $0x7C, v24;
	v24 =	vadd.f32 v27, v6;
	[tilespmem:v25+s29+$0x0] =	vst.idx.msk $0xffff, v18;
	v18 =	vld [tilespmem:s31+$0xFFFFFFB0]  }
0x1c5: {  	s18 =	simm.s32 $0xC;
	v20 =	vadd.s32 v3, v20;
	v26 =	vmov s25;
	v23 =	vld [tilespmem:s26+$0x40];
	v25 =	vadd.f32 v30, v6;
	[tilespmem:v31+s29+$0x0] =	vst.idx.msk $0xffff, v63  }
.LBB2_19:
0x1c6: {  	p0 =	slt.u32 s18, $0x7C;
	s31 =	sadd.s32 $0x1, s28;
	v26 =	vand.u32 $0x7F, v26;
	[tilespmem:v22+s29+$0x0] =	vst.idx.msk $0xffff, v24;
	v17 =	vadd.f32 v17, v6;
	v22 =	vld [tilespmem:s24+$0x60];
	v24 =	vadd.s32 v3, v12  }
0x1c7: {  	v30 =	vmovc v11;
	v27 =	vld [tilespmem:s26+$0xFFFFFF80];
	v28 =	vmov s31;
	s31 =	sadd.s32 $0x2, s28;
	v29 =	vadd.s32 v0, v26;
	[tilespmem:v21+s29+$0x0] =	vst.idx.msk $0xffff, v25;
	v16 =	vadd.f32 v16, v4;
	s28 =	smov.u32 s18  }
0x1c8: {  	v12 =	vmovc v8;
	v21 =	vld [tilespmem:s26+$0xFFFFFFC0];
	v11 =	vmov s31;
	[tilespmem:v14+s29+$0x0] =	vst.idx.msk $0xffff, v17;
	v14 =	vadd.s32 v2, v7;
	v15 =	vadd.f32 v15, v4  }
0x1c9: {  	v17 =	vadd.s32 v0, v13;
	v28 =	vand.u32 $0x7D, v28;
	v25 =	vld [tilespmem:s26+$0x0];
	v31 =	vadd.f32 v18, v4;
	[tilespmem:v19+s29+$0x0] =	vst.idx.msk $0xffff, v16  }
0x1ca: {  	v16 =	vadd.s32 v0, v28;
	v11 =	vand.u32 $0x7E, v11;
	v18 =	vadd.f32 v23, v9;
	v19 =	vld [tilespmem:s24+$0xFFFFFFE0];
	[tilespmem:v20+s29+$0x0] =	vst.idx.msk $0xffff, v15  }
0x1cb: {  	v8 =	vmov v13;
	v15 =	vadd.s32 v0, v11;
	v20 =	vld [tilespmem:s24+$0x20];
	v22 =	vadd.f32 v22, v5;
	[tilespmem:v24+s29+$0x0] =	vst.idx.msk $0xffff, v31  }
0x1cc: {  	v23 =	vadd.s32 v2, v10;
	v13 =	vadd.f32 v27, v9;
	[tilespmem:v29+s29+$0x0] =	vst.idx.msk $0xffff, v18;
	v18 =	vld [tilespmem:s24+$0xFFFFFFA0]  }
0x1cd: {  	v27 =	vadd.s32 v2, v30;
	v21 =	vadd.f32 v21, v9;
	v24 =	vld [tilespmem:s26+$0x50];
	[tilespmem:v14+s29+$0x0] =	vst.idx.msk $0xffff, v22  }
0x1ce: {  	[tilespmem:v17+s29+$0x0] =	vst.idx.msk $0xffff, v13;
	v13 =	vadd.f32 v25, v9;
	v25 =	vadd.s32 v2, v12;
	v29 =	vld [tilespmem:s24+$0x70]  }
0x1cf: {  	v32 =	vadd.s32 v1, v26;
	v31 =	vld [tilespmem:s26+$0xFFFFFF90];
	[tilespmem:v16+s29+$0x0] =	vst.idx.msk $0xffff, v21;
	v14 =	vadd.f32 v19, v5  }
0x1d0: {  	v34 =	vadd.s32 v3, v7;
	v7 =	vmov v26;
	v33 =	vld [tilespmem:s26+$0xFFFFFFD0];
	[tilespmem:v15+s29+$0x0] =	vst.idx.msk $0xffff, v13;
	v13 =	vadd.f32 v20, v5  }
.Ltmp8:
0x1d1: {  	v22 =	vadd.s32 v1, v8;
	v17 =	vld [tilespmem:s26+$0x10];
	v15 =	vadd.f32 v18, v5;
	[tilespmem:v23+s29+$0x0] =	vst.idx.msk $0xffff, v14;
	(pc) =	sbr.rel @p0 .LBB2_19-.Ltmp8, $4  }
0x1d2: {  	v21 =	vadd.s32 v1, v28;
	v18 =	vadd.f32 v24, v6;
	v16 =	vld [tilespmem:s24+$0xFFFFFFF0];
	[tilespmem:v27+s29+$0x0] =	vst.idx.msk $0xffff, v13  }
0x1d3: {  	v14 =	vadd.s32 v1, v11;
	v13 =	vmov s18;
	[tilespmem:v25+s29+$0x0] =	vst.idx.msk $0xffff, v15;
	v15 =	vld [tilespmem:s24+$0x30];
	v27 =	vadd.f32 v29, v4  }
0x1d4: {  	s31 =	sadd.s32 $0x3, s18;
	v19 =	vadd.s32 v3, v10;
	v13 =	vand.u32 $0x7C, v13;
	v24 =	vadd.f32 v31, v6;
	[tilespmem:v32+s29+$0x0] =	vst.idx.msk $0xffff, v18;
	v18 =	vld [tilespmem:s24+$0xFFFFFFB0];
	s24 =	smov.u32 s26;
	s26 =	sadd.s32 $0x100, s26  }
0x1d5: {  	v26 =	vmov s31;
	v10 =	vmovc v28;
	v20 =	vadd.s32 v3, v30;
	s18 =	sadd.s32 $0x4, s18;
	v23 =	vld [tilespmem:s26+$0x40];
	v25 =	vadd.f32 v33, v6;
	[tilespmem:v34+s29+$0x0] =	vst.idx.msk $0xffff, v27  }
0x1d6: {  	s18 =	sadd.s32 $0x1, s28  }
0x1d7: {  	v26 =	vand.u32 $0x7F, v26;
	s25 =	sadd.s32 $0x2, s28;
	v28 =	vld [tilespmem:s26+$0xFFFFFFC0];
	v27 =	vmov s18  }
0x1d8: {  	v31 =	vld [tilespmem:s26+$0x0];
	v29 =	vadd.s32 v0, v26;
	v30 =	vmov s25;
	v27 =	vand.u32 $0x7D, v27  }
0x1d9: {  	v32 =	vld [tilespmem:s26+$0xFFFFFF80];
	v30 =	vand.u32 $0x7E, v30;
	v33 =	vadd.s32 v0, v27  }
0x1da: {  	v34 =	vadd.s32 v0, v30  }
0x1db: {  	[tilespmem:v22+s29+$0x0] =	vst.idx.msk $0xffff, v24;
	v44 =	vadd.s32 v0, v13;
	v23 =	vadd.f32 v23, v9  }
0x1dc: {  	[tilespmem:v21+s29+$0x0] =	vst.idx.msk $0xffff, v25;
	v45 =	vadd.f32 v28, v9  }
0x1dd: {  	v46 =	vadd.f32 v31, v9;
	[tilespmem:v29+s29+$0x0] =	vst.idx.msk $0xffff, v23  }
0x1de: {  	v47 =	vadd.f32 v32, v9;
	v48 =	vld [tilespmem:s26+$0x50];
	[tilespmem:v33+s29+$0x0] =	vst.idx.msk $0xffff, v45  }
0x1df: {  	v17 =	vadd.f32 v17, v6;
	v12 =	vadd.s32 v3, v12;
	[tilespmem:v34+s29+$0x0] =	vst.idx.msk $0xffff, v46;
	v21 =	vld [tilespmem:s26+$0xFFFFFFD0]  }
0x1e0: {  	v16 =	vadd.f32 v16, v4;
	v49 =	vadd.s32 v1, v26;
	[tilespmem:v44+s29+$0x0] =	vst.idx.msk $0xffff, v47;
	v50 =	vld [tilespmem:s26+$0x10]  }
0x1e1: {  	[tilespmem:v14+s29+$0x0] =	vst.idx.msk $0xffff, v17;
	v51 =	vadd.f32 v15, v4;
	v53 =	vadd.s32 v1, v27;
	v52 =	vld [tilespmem:s26+$0xFFFFFF90]  }
0x1e2: {  	v54 =	vld [tilespmem:s24+$0x60];
	v18 =	vadd.f32 v18, v4;
	[tilespmem:v19+s29+$0x0] =	vst.idx.msk $0xffff, v16;
	v55 =	vadd.s32 v1, v30  }
0x1e3: {  	v57 =	vadd.s32 v1, v13;
	v60 =	vld [tilespmem:s24+$0x20];
	[tilespmem:v20+s29+$0x0] =	vst.idx.msk $0xffff, v51;
	v58 =	vadd.f32 v48, v6  }
0x1e4: {  	v59 =	vadd.s32 v2, v7;
	v56 =	vld [tilespmem:s24+$0xFFFFFFE0];
	[tilespmem:v12+s29+$0x0] =	vst.idx.msk $0xffff, v18;
	v61 =	vadd.f32 v21, v6  }
0x1e5: {  	v62 =	vld [tilespmem:s24+$0xFFFFFFA0];
	v29 =	vadd.s32 v2, v11;
	[tilespmem:v49+s29+$0x0] =	vst.idx.msk $0xffff, v58;
	v28 =	vadd.f32 v50, v6  }
0x1e6: {  	v63 =	vadd.s32 v2, v10;
	v31 =	vadd.f32 v52, v6;
	v32 =	vld [tilespmem:s26+$0x60];
	[tilespmem:v53+s29+$0x0] =	vst.idx.msk $0xffff, v61  }
0x1e7: {  	v33 =	vadd.f32 v54, v5;
	v34 =	vadd.s32 v2, v8;
	[tilespmem:v55+s29+$0x0] =	vst.idx.msk $0xffff, v28;
	v35 =	vld [tilespmem:s26+$0xFFFFFFE0]  }
0x1e8: {  	v37 =	vadd.s32 v2, v26;
	v39 =	vadd.f32 v60, v5;
	[tilespmem:v57+s29+$0x0] =	vst.idx.msk $0xffff, v31;
	v38 =	vld [tilespmem:s26+$0x20]  }
0x1e9: {  	v41 =	vadd.s32 v2, v27;
	v36 =	vadd.f32 v56, v5;
	[tilespmem:v59+s29+$0x0] =	vst.idx.msk $0xffff, v33;
	v40 =	vld [tilespmem:s26+$0xFFFFFFA0]  }
0x1ea: {  	v43 =	vadd.s32 v2, v30;
	v18 =	vadd.f32 v62, v5;
	v42 =	vld [tilespmem:s24+$0x70];
	[tilespmem:v29+s29+$0x0] =	vst.idx.msk $0xffff, v39  }
0x1eb: {  	v45 =	vadd.s32 v2, v13;
	[tilespmem:v63+s29+$0x0] =	vst.idx.msk $0xffff, v36;
	v47 =	vld [tilespmem:s24+$0x30];
	v44 =	vadd.f32 v32, v5  }
0x1ec: {  	v46 =	vadd.s32 v3, v7;
	[tilespmem:v34+s29+$0x0] =	vst.idx.msk $0xffff, v18;
	v21 =	vld [tilespmem:s24+$0xFFFFFFF0];
	v9 =	vadd.f32 v35, v5  }
0x1ed: {  	v18 =	vld [tilespmem:s24+$0xFFFFFFB0];
	v50 =	vadd.s32 v3, v11;
	[tilespmem:v37+s29+$0x0] =	vst.idx.msk $0xffff, v44;
	v49 =	vadd.f32 v38, v5  }
0x1ee: {  	v48 =	vadd.s32 v3, v10;
	v5 =	vadd.f32 v40, v5;
	v12 =	vld [tilespmem:s26+$0x70];
	[tilespmem:v41+s29+$0x0] =	vst.idx.msk $0xffff, v9  }
0x1ef: {  	v52 =	vadd.s32 v3, v8;
	v51 =	vadd.f32 v42, v4;
	[tilespmem:v43+s29+$0x0] =	vst.idx.msk $0xffff, v49;
	v53 =	vld [tilespmem:s26+$0xFFFFFFF0]  }
0x1f0: {  	v55 =	vadd.s32 v3, v26;
	v56 =	vadd.f32 v47, v4;
	[tilespmem:v45+s29+$0x0] =	vst.idx.msk $0xffff, v5;
	v5 =	vld [tilespmem:s26+$0x30]  }
0x1f1: {  	v58 =	vadd.s32 v3, v27;
	[tilespmem:v46+s29+$0x0] =	vst.idx.msk $0xffff, v51;
	v54 =	vadd.f32 v21, v4;
	v57 =	vld [tilespmem:s26+$0xFFFFFFB0]  }
0x1f2: {  	v60 =	vadd.s32 v3, v30;
	v59 =	vadd.f32 v18, v4;
	[tilespmem:v50+s29+$0x0] =	vst.idx.msk $0xffff, v56  }
0x1f3: {  	v62 =	vadd.s32 v3, v13;
	[tilespmem:v48+s29+$0x0] =	vst.idx.msk $0xffff, v54;
	v61 =	vadd.f32 v12, v4  }
0x1f4: {  	s31 =	sshll.u32 s22, $0x12;
	[tilespmem:v52+s29+$0x0] =	vst.idx.msk $0xffff, v59;
	v63 =	vadd.f32 v53, v4  }
0x1f5: {  	s18 =	sor.u32 s3, s31;
	[tilespmem:v55+s29+$0x0] =	vst.idx.msk $0xffff, v61;
	v5 =	vadd.f32 v5, v4  }
0x1f6: {  	s18 =	sshrl.u32 s18, $0x3;
	v4 =	vadd.f32 v57, v4;
	[tilespmem:v58+s29+$0x0] =	vst.idx.msk $0xffff, v63  }
0x1f7: {  	s22 =	simm.s32 $0x11600;
	s18 =	sadd.s32 s5, s18;
	[tilespmem:v60+s29+$0x0] =	vst.idx.msk $0xffff, v5  }
0x1f8: {  	s28 =	sadd.s32 $0x0, s18;
	s24 =	simm.s32 $0x200;
	s26 =	simm.s32 $0x11688;
	[tilespmem:v62+s29+$0x0] =	vst.idx.msk $0xffff, v4  }
.LBB2_21:
0x1f9: {  	[hbm4b:s28+s2] =	stream.linear.scatter [tilespmem:s22], [sflag:$0x5], $0x80, $0x38;
	[tilespmem:$0x19E00] =	vst v63  }
0x1fa: {  	s28 =	smov.u32 s24;
	s22 =	smov.u32 s26;
	p0 =	sne.s32 s24, $0x7E00  }
.Ltmp9:
0x1fb: {  	s24 =	sadd.s32 $0x200, s24;
	(pc) =	sbr.rel @p0 .LBB2_21-.Ltmp9, $2  }
0x1fc: {  	_ =	sdelay $0x2  }
0x1fd: {  	s26 =	sadd.s32 $0x88, s26;
	s28 =	sadd.s32 s28, s18  }
0x1fe: {  	[hbm4b:s28+s2] =	stream.linear.scatter [tilespmem:s22], [sflag:$0x5], $0x80, $0x38;
	[tilespmem:$0x19E00] =	vst v63  }
0x1ff: {  	s18 =	sshll.u32 s19, $0x9  }
0x200: {  	s22 =	sand.u32 $0x3FFFFE00, s18  }
0x201: {  	s24 =	simm.s32 $0x9600;
	s25 =	simm.s32 $0x2;
	s18 =	sadd.s32 $0x400, s22  }
0x202: {  	[tilespmem:s24], [sflag:$0x1] =	stream.indirect.gather [hbm4b:s4+s17], $0x40, s18, s17, $0xb8;
	[tilespmem:$0x19E00] =	vst v63  }
0x203: {  	_ =	swait.ge [sflag:s25], $0x2000  }
0x204: {  	[sflag:s25] =	ssyncset.done $0x0  }
0x205: {  	[sflag:s25] =	ssyncadd.s32 $0xFFFFE000  }
0x206: {  	s24 =	sadd.s32 $0x5, s21;
	_ =	swait.ge [sflag:s23], $0x2000  }
0x207: {  	s26 =	sshll.u32 s24, $0x6;
	[sflag:s23] =	ssyncset.done $0x0  }
0x208: {  	s26 =	sand.u32 $0x3FFFFFC0, s26;
	[sflag:s23] =	ssyncadd.s32 $0xFFFFE000  }
0x209: {  	s28 =	simm.s32 $0x3;
	s18 =	simm.s32 $0xB6F0;
	v9 =	vld [tilespmem:s26+$0x6400]  }
0x20a: {  	v4 =	vmov s28;
	v7 =	vld [tilespmem:s18+$0xFFFFFFD0]  }
0x20b: {  	v13 =	vand.u32 $0x7F, v4  }
0x20c: {  	s28 =	simm.s32 $0x0;
	v8 =	vadd.s32 v0, v13;
	v6 =	vld [tilespmem:s26+$0x6410]  }
0x20d: {  	s31 =	simm.s32 $0x2;
	v4 =	vmov s28;
	s28 =	simm.s32 $0x1;
	v10 =	vld [tilespmem:s18+$0xFFFFFF10]  }
0x20e: {  	v14 =	vmov s31;
	v12 =	vand.u32 $0x7C, v4;
	v4 =	vmov s28;
	v11 =	vld [tilespmem:s18+$0xFFFFFF50]  }
0x20f: {  	v15 =	vadd.s32 v0, v12;
	v19 =	vand.u32 $0x7D, v4;
	v16 =	vld [tilespmem:s18+$0xFFFFFF90];
	v7 =	vadd.f32 v7, v9  }
0x210: {  	v20 =	vand.u32 $0x7E, v14;
	v17 =	vadd.s32 v0, v19;
	v5 =	vld [tilespmem:s26+$0x6420]  }
0x211: {  	v14 =	vadd.s32 v0, v20;
	v4 =	vld [tilespmem:s26+$0x6430];
	[tilespmem:v8+s1+$0x0] =	vst.idx.msk $0xffff, v7  }
0x212: {  	v7 =	vadd.f32 v10, v9;
	v8 =	vld [tilespmem:s18+$0xFFFFFFE0]  }
0x213: {  	v10 =	vadd.f32 v11, v9  }
0x214: {  	v11 =	vadd.s32 v1, v13;
	[tilespmem:v15+s1+$0x0] =	vst.idx.msk $0xffff, v7;
	v7 =	vadd.f32 v16, v9  }
0x215: {  	[tilespmem:v17+s1+$0x0] =	vst.idx.msk $0xffff, v10;
	v15 =	vld [tilespmem:s18+$0xFFFFFF20]  }
0x216: {  	v10 =	vld [tilespmem:s18+$0xFFFFFF60];
	[tilespmem:v14+s1+$0x0] =	vst.idx.msk $0xffff, v7  }
0x217: {  	v14 =	vld [tilespmem:s18+$0xFFFFFFA0];
	v7 =	vadd.f32 v8, v6  }
0x218: {  	s31 =	simm.s32 $0x7;
	s26 =	simm.s32 $0xB7F0;
	v16 =	vadd.s32 v1, v19  }
0x219: {  	s28 =	simm.s32 $0x4;
	v26 =	vadd.s32 v2, v13;
	v18 =	vld [tilespmem:s26+$0xFFFFFFD0];
	v17 =	vadd.s32 v1, v20;
	[tilespmem:v11+s1+$0x0] =	vst.idx.msk $0xffff, v7;
	v7 =	vmov s31  }
0x21a: {  	v21 =	vadd.s32 v1, v12;
	v8 =	vmov s28;
	v7 =	vand.u32 $0x7F, v7;
	v22 =	vld [tilespmem:s18+$0xFFFFFFF0]  }
0x21b: {  	v23 =	vld [tilespmem:s26+$0xFFFFFF10];
	s28 =	simm.s32 $0x5;
	v8 =	vand.u32 $0x7C, v8;
	v10 =	vadd.f32 v10, v6;
	v24 =	vadd.s32 v0, v7  }
0x21c: {  	v25 =	vld [tilespmem:s26+$0xFFFFFF50];
	v15 =	vadd.f32 v15, v6;
	v11 =	vadd.f32 v14, v6;
	v14 =	vmov s28;
	s28 =	simm.s32 $0x6  }
0x21d: {  	v27 =	vadd.s32 v0, v8;
	[tilespmem:v16+s1+$0x0] =	vst.idx.msk $0xffff, v10;
	v16 =	vmov s28;
	v10 =	vand.u32 $0x7D, v14;
	v14 =	vld [tilespmem:s26+$0xFFFFFF90]  }
0x21e: {  	[tilespmem:v17+s1+$0x0] =	vst.idx.msk $0xffff, v11;
	v17 =	vadd.s32 v0, v10;
	v11 =	vand.u32 $0x7E, v16;
	v16 =	vadd.f32 v18, v9;
	v18 =	vld [tilespmem:s18+$0xFFFFFF70]  }
0x21f: {  	[tilespmem:v21+s1+$0x0] =	vst.idx.msk $0xffff, v15;
	v15 =	vadd.s32 v0, v11;
	v21 =	vld [tilespmem:s18+$0xFFFFFFB0];
	v22 =	vadd.f32 v22, v5  }
0x220: {  	v23 =	vadd.f32 v23, v9;
	[tilespmem:v24+s1+$0x0] =	vst.idx.msk $0xffff, v16;
	v16 =	vld [tilespmem:s18+$0xFFFFFF30];
	v24 =	vadd.s32 v2, v19  }
0x221: {  	v29 =	vadd.s32 v2, v20;
	v25 =	vadd.f32 v25, v9;
	v28 =	vld [tilespmem:s26+$0xFFFFFFE0];
	[tilespmem:v26+s1+$0x0] =	vst.idx.msk $0xffff, v22  }
0x222: {  	[tilespmem:v27+s1+$0x0] =	vst.idx.msk $0xffff, v23;
	v23 =	vadd.s32 v2, v12;
	v14 =	vadd.f32 v14, v9;
	v26 =	vld [tilespmem:s18+$0x0]  }
0x223: {  	v27 =	vld [tilespmem:s26+$0xFFFFFF20];
	[tilespmem:v17+s1+$0x0] =	vst.idx.msk $0xffff, v25;
	v25 =	vadd.s32 v1, v7;
	v18 =	vadd.f32 v18, v5  }
0x224: {  	v31 =	vadd.s32 v3, v13;
	v30 =	vld [tilespmem:s26+$0xFFFFFF60];
	[tilespmem:v15+s1+$0x0] =	vst.idx.msk $0xffff, v14;
	v14 =	vadd.f32 v21, v5  }
0x225: {  	v22 =	vadd.s32 v1, v8;
	v17 =	vld [tilespmem:s26+$0xFFFFFFA0];
	v13 =	vadd.f32 v16, v5;
	[tilespmem:v24+s1+$0x0] =	vst.idx.msk $0xffff, v18  }
0x226: {  	s31 =	simm.s32 $0x8;
	v21 =	vadd.s32 v1, v10;
	[tilespmem:v29+s1+$0x0] =	vst.idx.msk $0xffff, v14;
	v18 =	vadd.f32 v28, v6;
	v16 =	vld [tilespmem:s18+$0xFFFFFF80]  }
0x227: {  	v24 =	vmov s31;
	v14 =	vadd.s32 v1, v11;
	v15 =	vld [tilespmem:s18+$0xFFFFFFC0];
	[tilespmem:v23+s1+$0x0] =	vst.idx.msk $0xffff, v13;
	v63 =	vadd.f32 v26, v4  }
0x228: {  	s25 =	simm.s32 $0xB;
	s28 =	simm.s32 $0xB8F0;
	v19 =	vadd.s32 v3, v19;
	v13 =	vand.u32 $0x7C, v24;
	v24 =	vadd.f32 v27, v6;
	[tilespmem:v25+s1+$0x0] =	vst.idx.msk $0xffff, v18;
	v18 =	vld [tilespmem:s18+$0xFFFFFF40]  }
0x229: {  	v20 =	vadd.s32 v3, v20;
	v26 =	vmov s25;
	v23 =	vld [tilespmem:s28+$0xFFFFFFD0];
	s18 =	simm.s32 $0xC;
	v25 =	vadd.f32 v30, v6;
	[tilespmem:v31+s1+$0x0] =	vst.idx.msk $0xffff, v63  }
.LBB2_23:
0x22a: {  	p0 =	slt.u32 s18, $0x7C;
	s25 =	sadd.s32 $0x1, s31;
	v26 =	vand.u32 $0x7F, v26;
	[tilespmem:v22+s1+$0x0] =	vst.idx.msk $0xffff, v24;
	v17 =	vadd.f32 v17, v6;
	v22 =	vld [tilespmem:s26+$0xFFFFFFF0];
	v24 =	vadd.s32 v3, v12  }
0x22b: {  	v30 =	vmovc v11;
	v27 =	vld [tilespmem:s28+$0xFFFFFF10];
	v28 =	vmov s25;
	s25 =	sadd.s32 $0x2, s31;
	v29 =	vadd.s32 v0, v26;
	[tilespmem:v21+s1+$0x0] =	vst.idx.msk $0xffff, v25;
	v16 =	vadd.f32 v16, v4;
	s31 =	smov.u32 s18  }
0x22c: {  	v12 =	vmovc v8;
	v21 =	vld [tilespmem:s28+$0xFFFFFF50];
	v11 =	vmov s25;
	[tilespmem:v14+s1+$0x0] =	vst.idx.msk $0xffff, v17;
	v14 =	vadd.s32 v2, v7;
	v15 =	vadd.f32 v15, v4  }
0x22d: {  	v17 =	vadd.s32 v0, v13;
	v28 =	vand.u32 $0x7D, v28;
	v25 =	vld [tilespmem:s28+$0xFFFFFF90];
	v31 =	vadd.f32 v18, v4;
	[tilespmem:v19+s1+$0x0] =	vst.idx.msk $0xffff, v16  }
0x22e: {  	v16 =	vadd.s32 v0, v28;
	v11 =	vand.u32 $0x7E, v11;
	v18 =	vadd.f32 v23, v9;
	v19 =	vld [tilespmem:s26+$0xFFFFFF70];
	[tilespmem:v20+s1+$0x0] =	vst.idx.msk $0xffff, v15  }
0x22f: {  	v8 =	vmov v13;
	v15 =	vadd.s32 v0, v11;
	v20 =	vld [tilespmem:s26+$0xFFFFFFB0];
	v22 =	vadd.f32 v22, v5;
	[tilespmem:v24+s1+$0x0] =	vst.idx.msk $0xffff, v31  }
0x230: {  	v23 =	vadd.s32 v2, v10;
	v13 =	vadd.f32 v27, v9;
	[tilespmem:v29+s1+$0x0] =	vst.idx.msk $0xffff, v18;
	v18 =	vld [tilespmem:s26+$0xFFFFFF30]  }
0x231: {  	v27 =	vadd.s32 v2, v30;
	v21 =	vadd.f32 v21, v9;
	v24 =	vld [tilespmem:s28+$0xFFFFFFE0];
	[tilespmem:v14+s1+$0x0] =	vst.idx.msk $0xffff, v22  }
0x232: {  	[tilespmem:v17+s1+$0x0] =	vst.idx.msk $0xffff, v13;
	v13 =	vadd.f32 v25, v9;
	v25 =	vadd.s32 v2, v12;
	v29 =	vld [tilespmem:s26+$0x0]  }
0x233: {  	v32 =	vadd.s32 v1, v26;
	v31 =	vld [tilespmem:s28+$0xFFFFFF20];
	[tilespmem:v16+s1+$0x0] =	vst.idx.msk $0xffff, v21;
	v14 =	vadd.f32 v19, v5  }
0x234: {  	v34 =	vadd.s32 v3, v7;
	v7 =	vmov v26;
	v33 =	vld [tilespmem:s28+$0xFFFFFF60];
	[tilespmem:v15+s1+$0x0] =	vst.idx.msk $0xffff, v13;
	v13 =	vadd.f32 v20, v5  }
.Ltmp10:
0x235: {  	v22 =	vadd.s32 v1, v8;
	v17 =	vld [tilespmem:s28+$0xFFFFFFA0];
	v15 =	vadd.f32 v18, v5;
	[tilespmem:v23+s1+$0x0] =	vst.idx.msk $0xffff, v14;
	(pc) =	sbr.rel @p0 .LBB2_23-.Ltmp10, $4  }
0x236: {  	v21 =	vadd.s32 v1, v28;
	v18 =	vadd.f32 v24, v6;
	v16 =	vld [tilespmem:s26+$0xFFFFFF80];
	[tilespmem:v27+s1+$0x0] =	vst.idx.msk $0xffff, v13  }
0x237: {  	v14 =	vadd.s32 v1, v11;
	v13 =	vmov s18;
	[tilespmem:v25+s1+$0x0] =	vst.idx.msk $0xffff, v15;
	v15 =	vld [tilespmem:s26+$0xFFFFFFC0];
	v27 =	vadd.f32 v29, v4  }
0x238: {  	s25 =	sadd.s32 $0x3, s18;
	v19 =	vadd.s32 v3, v10;
	v13 =	vand.u32 $0x7C, v13;
	v24 =	vadd.f32 v31, v6;
	[tilespmem:v32+s1+$0x0] =	vst.idx.msk $0xffff, v18;
	v18 =	vld [tilespmem:s26+$0xFFFFFF40];
	s26 =	smov.u32 s28;
	s28 =	sadd.s32 $0x100, s28  }
0x239: {  	v26 =	vmov s25;
	v10 =	vmovc v28;
	v20 =	vadd.s32 v3, v30;
	s18 =	sadd.s32 $0x4, s18;
	v23 =	vld [tilespmem:s28+$0xFFFFFFD0];
	v25 =	vadd.f32 v33, v6;
	[tilespmem:v34+s1+$0x0] =	vst.idx.msk $0xffff, v27  }
0x23a: {  	s18 =	sadd.s32 $0x1, s31  }
0x23b: {  	v26 =	vand.u32 $0x7F, v26;
	s25 =	sadd.s32 $0x2, s31;
	v28 =	vld [tilespmem:s28+$0xFFFFFF50];
	v27 =	vmov s18  }
0x23c: {  	v31 =	vld [tilespmem:s28+$0xFFFFFF90];
	v29 =	vadd.s32 v0, v26;
	v30 =	vmov s25;
	v27 =	vand.u32 $0x7D, v27  }
0x23d: {  	v32 =	vld [tilespmem:s28+$0xFFFFFF10];
	v30 =	vand.u32 $0x7E, v30;
	v33 =	vadd.s32 v0, v27  }
0x23e: {  	v34 =	vadd.s32 v0, v30  }
0x23f: {  	[tilespmem:v22+s1+$0x0] =	vst.idx.msk $0xffff, v24;
	v44 =	vadd.s32 v0, v13;
	v23 =	vadd.f32 v23, v9  }
0x240: {  	[tilespmem:v21+s1+$0x0] =	vst.idx.msk $0xffff, v25;
	v45 =	vadd.f32 v28, v9  }
0x241: {  	v46 =	vadd.f32 v31, v9;
	[tilespmem:v29+s1+$0x0] =	vst.idx.msk $0xffff, v23  }
0x242: {  	v47 =	vadd.f32 v32, v9;
	v48 =	vld [tilespmem:s28+$0xFFFFFFE0];
	[tilespmem:v33+s1+$0x0] =	vst.idx.msk $0xffff, v45  }
0x243: {  	v17 =	vadd.f32 v17, v6;
	v12 =	vadd.s32 v3, v12;
	[tilespmem:v34+s1+$0x0] =	vst.idx.msk $0xffff, v46;
	v21 =	vld [tilespmem:s28+$0xFFFFFF60]  }
0x244: {  	v16 =	vadd.f32 v16, v4;
	v49 =	vadd.s32 v1, v26;
	[tilespmem:v44+s1+$0x0] =	vst.idx.msk $0xffff, v47;
	v50 =	vld [tilespmem:s28+$0xFFFFFFA0]  }
0x245: {  	[tilespmem:v14+s1+$0x0] =	vst.idx.msk $0xffff, v17;
	v51 =	vadd.f32 v15, v4;
	v53 =	vadd.s32 v1, v27;
	v52 =	vld [tilespmem:s28+$0xFFFFFF20]  }
0x246: {  	v54 =	vld [tilespmem:s26+$0xFFFFFFF0];
	v18 =	vadd.f32 v18, v4;
	[tilespmem:v19+s1+$0x0] =	vst.idx.msk $0xffff, v16;
	v55 =	vadd.s32 v1, v30  }
0x247: {  	v57 =	vadd.s32 v1, v13;
	v60 =	vld [tilespmem:s26+$0xFFFFFFB0];
	[tilespmem:v20+s1+$0x0] =	vst.idx.msk $0xffff, v51;
	v58 =	vadd.f32 v48, v6  }
0x248: {  	v59 =	vadd.s32 v2, v7;
	v56 =	vld [tilespmem:s26+$0xFFFFFF70];
	[tilespmem:v12+s1+$0x0] =	vst.idx.msk $0xffff, v18;
	v61 =	vadd.f32 v21, v6  }
0x249: {  	v62 =	vld [tilespmem:s26+$0xFFFFFF30];
	v29 =	vadd.s32 v2, v11;
	[tilespmem:v49+s1+$0x0] =	vst.idx.msk $0xffff, v58;
	v28 =	vadd.f32 v50, v6  }
0x24a: {  	v63 =	vadd.s32 v2, v10;
	v31 =	vadd.f32 v52, v6;
	v32 =	vld [tilespmem:s28+$0xFFFFFFF0];
	[tilespmem:v53+s1+$0x0] =	vst.idx.msk $0xffff, v61  }
0x24b: {  	v33 =	vadd.f32 v54, v5;
	v34 =	vadd.s32 v2, v8;
	[tilespmem:v55+s1+$0x0] =	vst.idx.msk $0xffff, v28;
	v35 =	vld [tilespmem:s28+$0xFFFFFF70]  }
0x24c: {  	v37 =	vadd.s32 v2, v26;
	v39 =	vadd.f32 v60, v5;
	[tilespmem:v57+s1+$0x0] =	vst.idx.msk $0xffff, v31;
	v38 =	vld [tilespmem:s28+$0xFFFFFFB0]  }
0x24d: {  	v41 =	vadd.s32 v2, v27;
	v36 =	vadd.f32 v56, v5;
	[tilespmem:v59+s1+$0x0] =	vst.idx.msk $0xffff, v33;
	v40 =	vld [tilespmem:s28+$0xFFFFFF30]  }
0x24e: {  	v43 =	vadd.s32 v2, v30;
	v18 =	vadd.f32 v62, v5;
	v42 =	vld [tilespmem:s26+$0x0];
	[tilespmem:v29+s1+$0x0] =	vst.idx.msk $0xffff, v39  }
0x24f: {  	v45 =	vadd.s32 v2, v13;
	[tilespmem:v63+s1+$0x0] =	vst.idx.msk $0xffff, v36;
	v47 =	vld [tilespmem:s26+$0xFFFFFFC0];
	v44 =	vadd.f32 v32, v5  }
0x250: {  	v46 =	vadd.s32 v3, v7;
	[tilespmem:v34+s1+$0x0] =	vst.idx.msk $0xffff, v18;
	v21 =	vld [tilespmem:s26+$0xFFFFFF80];
	v9 =	vadd.f32 v35, v5  }
0x251: {  	v18 =	vld [tilespmem:s26+$0xFFFFFF40];
	v50 =	vadd.s32 v3, v11;
	[tilespmem:v37+s1+$0x0] =	vst.idx.msk $0xffff, v44;
	v49 =	vadd.f32 v38, v5  }
0x252: {  	v48 =	vadd.s32 v3, v10;
	v5 =	vadd.f32 v40, v5;
	v12 =	vld [tilespmem:s28+$0x0];
	[tilespmem:v41+s1+$0x0] =	vst.idx.msk $0xffff, v9  }
0x253: {  	v52 =	vadd.s32 v3, v8;
	v51 =	vadd.f32 v42, v4;
	[tilespmem:v43+s1+$0x0] =	vst.idx.msk $0xffff, v49;
	v53 =	vld [tilespmem:s28+$0xFFFFFF80]  }
0x254: {  	v55 =	vadd.s32 v3, v26;
	v56 =	vadd.f32 v47, v4;
	[tilespmem:v45+s1+$0x0] =	vst.idx.msk $0xffff, v5;
	v5 =	vld [tilespmem:s28+$0xFFFFFFC0]  }
0x255: {  	v58 =	vadd.s32 v3, v27;
	[tilespmem:v46+s1+$0x0] =	vst.idx.msk $0xffff, v51;
	v54 =	vadd.f32 v21, v4;
	v57 =	vld [tilespmem:s28+$0xFFFFFF40]  }
0x256: {  	v60 =	vadd.s32 v3, v30;
	v59 =	vadd.f32 v18, v4;
	[tilespmem:v50+s1+$0x0] =	vst.idx.msk $0xffff, v56  }
0x257: {  	v62 =	vadd.s32 v3, v13;
	[tilespmem:v48+s1+$0x0] =	vst.idx.msk $0xffff, v54;
	v61 =	vadd.f32 v12, v4  }
0x258: {  	s26 =	sshll.u32 s24, $0x12;
	[tilespmem:v52+s1+$0x0] =	vst.idx.msk $0xffff, v59;
	v63 =	vadd.f32 v53, v4  }
0x259: {  	s18 =	sor.u32 s3, s26;
	[tilespmem:v55+s1+$0x0] =	vst.idx.msk $0xffff, v61;
	v5 =	vadd.f32 v5, v4  }
0x25a: {  	s18 =	sshrl.u32 s18, $0x3;
	v4 =	vadd.f32 v57, v4;
	[tilespmem:v58+s1+$0x0] =	vst.idx.msk $0xffff, v63  }
0x25b: {  	s24 =	simm.s32 $0x13800;
	s18 =	sadd.s32 s5, s18;
	[tilespmem:v60+s1+$0x0] =	vst.idx.msk $0xffff, v5  }
0x25c: {  	s26 =	simm.s32 $0x200;
	s31 =	sadd.s32 $0x0, s18;
	s28 =	simm.s32 $0x13888;
	[tilespmem:v62+s1+$0x0] =	vst.idx.msk $0xffff, v4  }
.LBB2_25:
0x25d: {  	[hbm4b:s31+s2] =	stream.linear.scatter [tilespmem:s24], [sflag:$0x6], $0x80, $0x38;
	[tilespmem:$0x19E00] =	vst v63  }
0x25e: {  	s25 =	smov.u32 s26;
	s24 =	smov.u32 s28;
	p0 =	sne.s32 s26, $0x7E00  }
.Ltmp11:
0x25f: {  	s26 =	sadd.s32 $0x200, s26;
	(pc) =	sbr.rel @p0 .LBB2_25-.Ltmp11, $2  }
0x260: {  	_ =	sdelay $0x2  }
0x261: {  	s28 =	sadd.s32 $0x88, s28;
	s31 =	sadd.s32 s25, s18  }
0x262: {  	[hbm4b:s31+s2] =	stream.linear.scatter [tilespmem:s24], [sflag:$0x6], $0x80, $0x38;
	[tilespmem:$0x19E00] =	vst v63  }
0x263: {  	s18 =	sadd.s32 $0x480, s22;
	s31 =	simm.s32 $0xB600;
	s24 =	simm.s32 $0x3  }
0x264: {  	[tilespmem:s31], [sflag:$0x2] =	stream.indirect.gather [hbm4b:s4+s17], $0x40, s18, s17, $0xb8;
	[tilespmem:$0x19E00] =	vst v63  }
0x265: {  	_ =	swait.ge [sflag:s24], $0x2000  }
0x266: {  	[sflag:s24] =	ssyncset.done $0x0  }
0x267: {  	[sflag:s24] =	ssyncadd.s32 $0xFFFFE000  }
0x268: {  	s21 =	sadd.s32 $0x6, s21;
	_ =	swait.ge [sflag:s6], $0x2000  }
0x269: {  	s25 =	sshll.u32 s21, $0x6;
	[sflag:s6] =	ssyncset.done $0x0  }
0x26a: {  	s24 =	sand.u32 $0x3FFFFFC0, s25;
	[sflag:s6] =	ssyncadd.s32 $0xFFFFE000  }
0x26b: {  	s18 =	simm.s32 $0xD6F0;
	s25 =	simm.s32 $0x3;
	v9 =	vld [tilespmem:s24+$0x6400]  }
0x26c: {  	v4 =	vmov s25;
	v7 =	vld [tilespmem:s18+$0xFFFFFFD0]  }
0x26d: {  	v13 =	vand.u32 $0x7F, v4  }
0x26e: {  	s26 =	simm.s32 $0x0;
	v8 =	vadd.s32 v0, v13;
	v6 =	vld [tilespmem:s24+$0x6410]  }
0x26f: {  	s31 =	simm.s32 $0x1;
	v4 =	vmov s26;
	s26 =	simm.s32 $0x2;
	v10 =	vld [tilespmem:s18+$0xFFFFFF10]  }
0x270: {  	v12 =	vand.u32 $0x7C, v4;
	v4 =	vmov s31;
	v14 =	vmov s26;
	v11 =	vld [tilespmem:s18+$0xFFFFFF50]  }
0x271: {  	v15 =	vadd.s32 v0, v12;
	v19 =	vand.u32 $0x7D, v4;
	v16 =	vld [tilespmem:s18+$0xFFFFFF90];
	v7 =	vadd.f32 v7, v9  }
0x272: {  	v5 =	vld [tilespmem:s24+$0x6420];
	v20 =	vand.u32 $0x7E, v14;
	v17 =	vadd.s32 v0, v19  }
0x273: {  	v4 =	vld [tilespmem:s24+$0x6430];
	v14 =	vadd.s32 v0, v20;
	[tilespmem:v8+s20+$0x0] =	vst.idx.msk $0xffff, v7  }
0x274: {  	v7 =	vadd.f32 v10, v9;
	v8 =	vld [tilespmem:s18+$0xFFFFFFE0]  }
0x275: {  	v10 =	vadd.f32 v11, v9  }
0x276: {  	v11 =	vadd.s32 v1, v13;
	[tilespmem:v15+s20+$0x0] =	vst.idx.msk $0xffff, v7;
	v7 =	vadd.f32 v16, v9  }
0x277: {  	[tilespmem:v17+s20+$0x0] =	vst.idx.msk $0xffff, v10;
	v15 =	vld [tilespmem:s18+$0xFFFFFF20]  }
0x278: {  	v10 =	vld [tilespmem:s18+$0xFFFFFF60];
	[tilespmem:v14+s20+$0x0] =	vst.idx.msk $0xffff, v7  }
0x279: {  	v14 =	vld [tilespmem:s18+$0xFFFFFFA0];
	v7 =	vadd.f32 v8, v6  }
0x27a: {  	s31 =	simm.s32 $0x7;
	s24 =	simm.s32 $0xD7F0;
	v16 =	vadd.s32 v1, v19  }
0x27b: {  	s26 =	simm.s32 $0x4;
	v26 =	vadd.s32 v2, v13;
	v18 =	vld [tilespmem:s24+$0xFFFFFFD0];
	v17 =	vadd.s32 v1, v20;
	[tilespmem:v11+s20+$0x0] =	vst.idx.msk $0xffff, v7;
	v7 =	vmov s31  }
0x27c: {  	v21 =	vadd.s32 v1, v12;
	v8 =	vmov s26;
	v7 =	vand.u32 $0x7F, v7;
	v22 =	vld [tilespmem:s18+$0xFFFFFFF0]  }
0x27d: {  	v23 =	vld [tilespmem:s24+$0xFFFFFF10];
	v8 =	vand.u32 $0x7C, v8;
	v10 =	vadd.f32 v10, v6;
	s31 =	simm.s32 $0x5;
	v24 =	vadd.s32 v0, v7  }
0x27e: {  	v25 =	vld [tilespmem:s24+$0xFFFFFF50];
	s26 =	simm.s32 $0x6;
	v15 =	vadd.f32 v15, v6;
	v11 =	vadd.f32 v14, v6;
	v14 =	vmov s31  }
0x27f: {  	v27 =	vadd.s32 v0, v8;
	[tilespmem:v16+s20+$0x0] =	vst.idx.msk $0xffff, v10;
	v16 =	vmov s26;
	v10 =	vand.u32 $0x7D, v14;
	v14 =	vld [tilespmem:s24+$0xFFFFFF90]  }
0x280: {  	[tilespmem:v17+s20+$0x0] =	vst.idx.msk $0xffff, v11;
	v17 =	vadd.s32 v0, v10;
	v11 =	vand.u32 $0x7E, v16;
	v16 =	vadd.f32 v18, v9;
	v18 =	vld [tilespmem:s18+$0xFFFFFF70]  }
0x281: {  	[tilespmem:v21+s20+$0x0] =	vst.idx.msk $0xffff, v15;
	v15 =	vadd.s32 v0, v11;
	v21 =	vld [tilespmem:s18+$0xFFFFFFB0];
	v22 =	vadd.f32 v22, v5  }
0x282: {  	v23 =	vadd.f32 v23, v9;
	[tilespmem:v24+s20+$0x0] =	vst.idx.msk $0xffff, v16;
	v16 =	vld [tilespmem:s18+$0xFFFFFF30];
	v24 =	vadd.s32 v2, v19  }
0x283: {  	v29 =	vadd.s32 v2, v20;
	v25 =	vadd.f32 v25, v9;
	v28 =	vld [tilespmem:s24+$0xFFFFFFE0];
	[tilespmem:v26+s20+$0x0] =	vst.idx.msk $0xffff, v22  }
0x284: {  	[tilespmem:v27+s20+$0x0] =	vst.idx.msk $0xffff, v23;
	v23 =	vadd.s32 v2, v12;
	v14 =	vadd.f32 v14, v9;
	v26 =	vld [tilespmem:s18+$0x0]  }
0x285: {  	v27 =	vld [tilespmem:s24+$0xFFFFFF20];
	[tilespmem:v17+s20+$0x0] =	vst.idx.msk $0xffff, v25;
	v25 =	vadd.s32 v1, v7;
	v18 =	vadd.f32 v18, v5  }
0x286: {  	v31 =	vadd.s32 v3, v13;
	v30 =	vld [tilespmem:s24+$0xFFFFFF60];
	[tilespmem:v15+s20+$0x0] =	vst.idx.msk $0xffff, v14;
	v14 =	vadd.f32 v21, v5  }
0x287: {  	v22 =	vadd.s32 v1, v8;
	v17 =	vld [tilespmem:s24+$0xFFFFFFA0];
	v13 =	vadd.f32 v16, v5;
	[tilespmem:v24+s20+$0x0] =	vst.idx.msk $0xffff, v18  }
0x288: {  	s28 =	simm.s32 $0x8;
	v21 =	vadd.s32 v1, v10;
	[tilespmem:v29+s20+$0x0] =	vst.idx.msk $0xffff, v14;
	v18 =	vadd.f32 v28, v6;
	v16 =	vld [tilespmem:s18+$0xFFFFFF80]  }
0x289: {  	v24 =	vmov s28;
	v14 =	vadd.s32 v1, v11;
	v15 =	vld [tilespmem:s18+$0xFFFFFFC0];
	[tilespmem:v23+s20+$0x0] =	vst.idx.msk $0xffff, v13;
	v63 =	vadd.f32 v26, v4  }
0x28a: {  	s31 =	simm.s32 $0xB;
	s26 =	simm.s32 $0xD8F0;
	v19 =	vadd.s32 v3, v19;
	v13 =	vand.u32 $0x7C, v24;
	v24 =	vadd.f32 v27, v6;
	[tilespmem:v25+s20+$0x0] =	vst.idx.msk $0xffff, v18;
	v18 =	vld [tilespmem:s18+$0xFFFFFF40]  }
0x28b: {  	v20 =	vadd.s32 v3, v20;
	v26 =	vmov s31;
	v23 =	vld [tilespmem:s26+$0xFFFFFFD0];
	s18 =	simm.s32 $0xC;
	v25 =	vadd.f32 v30, v6;
	[tilespmem:v31+s20+$0x0] =	vst.idx.msk $0xffff, v63  }
.LBB2_27:
0x28c: {  	p0 =	slt.u32 s18, $0x7C;
	s25 =	sadd.s32 $0x1, s28;
	v26 =	vand.u32 $0x7F, v26;
	[tilespmem:v22+s20+$0x0] =	vst.idx.msk $0xffff, v24;
	v17 =	vadd.f32 v17, v6;
	v22 =	vld [tilespmem:s24+$0xFFFFFFF0];
	v24 =	vadd.s32 v3, v12  }
0x28d: {  	v30 =	vmovc v11;
	v27 =	vld [tilespmem:s26+$0xFFFFFF10];
	v28 =	vmov s25;
	s25 =	sadd.s32 $0x2, s28;
	v29 =	vadd.s32 v0, v26;
	[tilespmem:v21+s20+$0x0] =	vst.idx.msk $0xffff, v25;
	v16 =	vadd.f32 v16, v4;
	s28 =	smov.u32 s18  }
0x28e: {  	v12 =	vmovc v8;
	v21 =	vld [tilespmem:s26+$0xFFFFFF50];
	v11 =	vmov s25;
	[tilespmem:v14+s20+$0x0] =	vst.idx.msk $0xffff, v17;
	v14 =	vadd.s32 v2, v7;
	v15 =	vadd.f32 v15, v4  }
0x28f: {  	v17 =	vadd.s32 v0, v13;
	v28 =	vand.u32 $0x7D, v28;
	v25 =	vld [tilespmem:s26+$0xFFFFFF90];
	v31 =	vadd.f32 v18, v4;
	[tilespmem:v19+s20+$0x0] =	vst.idx.msk $0xffff, v16  }
0x290: {  	v16 =	vadd.s32 v0, v28;
	v11 =	vand.u32 $0x7E, v11;
	v18 =	vadd.f32 v23, v9;
	v19 =	vld [tilespmem:s24+$0xFFFFFF70];
	[tilespmem:v20+s20+$0x0] =	vst.idx.msk $0xffff, v15  }
0x291: {  	v8 =	vmov v13;
	v15 =	vadd.s32 v0, v11;
	v20 =	vld [tilespmem:s24+$0xFFFFFFB0];
	v22 =	vadd.f32 v22, v5;
	[tilespmem:v24+s20+$0x0] =	vst.idx.msk $0xffff, v31  }
0x292: {  	v23 =	vadd.s32 v2, v10;
	v13 =	vadd.f32 v27, v9;
	[tilespmem:v29+s20+$0x0] =	vst.idx.msk $0xffff, v18;
	v18 =	vld [tilespmem:s24+$0xFFFFFF30]  }
0x293: {  	v27 =	vadd.s32 v2, v30;
	v21 =	vadd.f32 v21, v9;
	v24 =	vld [tilespmem:s26+$0xFFFFFFE0];
	[tilespmem:v14+s20+$0x0] =	vst.idx.msk $0xffff, v22  }
0x294: {  	[tilespmem:v17+s20+$0x0] =	vst.idx.msk $0xffff, v13;
	v13 =	vadd.f32 v25, v9;
	v25 =	vadd.s32 v2, v12;
	v29 =	vld [tilespmem:s24+$0x0]  }
0x295: {  	v32 =	vadd.s32 v1, v26;
	v31 =	vld [tilespmem:s26+$0xFFFFFF20];
	[tilespmem:v16+s20+$0x0] =	vst.idx.msk $0xffff, v21;
	v14 =	vadd.f32 v19, v5  }
0x296: {  	v34 =	vadd.s32 v3, v7;
	v7 =	vmov v26;
	v33 =	vld [tilespmem:s26+$0xFFFFFF60];
	[tilespmem:v15+s20+$0x0] =	vst.idx.msk $0xffff, v13;
	v13 =	vadd.f32 v20, v5  }
.Ltmp12:
0x297: {  	v22 =	vadd.s32 v1, v8;
	v17 =	vld [tilespmem:s26+$0xFFFFFFA0];
	v15 =	vadd.f32 v18, v5;
	[tilespmem:v23+s20+$0x0] =	vst.idx.msk $0xffff, v14;
	(pc) =	sbr.rel @p0 .LBB2_27-.Ltmp12, $4  }
0x298: {  	v21 =	vadd.s32 v1, v28;
	v18 =	vadd.f32 v24, v6;
	v16 =	vld [tilespmem:s24+$0xFFFFFF80];
	[tilespmem:v27+s20+$0x0] =	vst.idx.msk $0xffff, v13  }
0x299: {  	v14 =	vadd.s32 v1, v11;
	v13 =	vmov s18;
	[tilespmem:v25+s20+$0x0] =	vst.idx.msk $0xffff, v15;
	v15 =	vld [tilespmem:s24+$0xFFFFFFC0];
	v27 =	vadd.f32 v29, v4  }
0x29a: {  	s25 =	sadd.s32 $0x3, s18;
	v19 =	vadd.s32 v3, v10;
	v13 =	vand.u32 $0x7C, v13;
	v24 =	vadd.f32 v31, v6;
	[tilespmem:v32+s20+$0x0] =	vst.idx.msk $0xffff, v18;
	v18 =	vld [tilespmem:s24+$0xFFFFFF40];
	s24 =	smov.u32 s26;
	s26 =	sadd.s32 $0x100, s26  }
0x29b: {  	v26 =	vmov s25;
	v10 =	vmovc v28;
	v20 =	vadd.s32 v3, v30;
	s18 =	sadd.s32 $0x4, s18;
	v23 =	vld [tilespmem:s26+$0xFFFFFFD0];
	v25 =	vadd.f32 v33, v6;
	[tilespmem:v34+s20+$0x0] =	vst.idx.msk $0xffff, v27  }
0x29c: {  	s18 =	sadd.s32 $0x1, s28  }
0x29d: {  	v26 =	vand.u32 $0x7F, v26;
	s25 =	sadd.s32 $0x2, s28;
	v28 =	vld [tilespmem:s26+$0xFFFFFF50];
	v27 =	vmov s18  }
0x29e: {  	v31 =	vld [tilespmem:s26+$0xFFFFFF90];
	v29 =	vadd.s32 v0, v26;
	v30 =	vmov s25;
	v27 =	vand.u32 $0x7D, v27  }
0x29f: {  	v32 =	vld [tilespmem:s26+$0xFFFFFF10];
	v30 =	vand.u32 $0x7E, v30;
	v33 =	vadd.s32 v0, v27  }
0x2a0: {  	v34 =	vadd.s32 v0, v30  }
0x2a1: {  	[tilespmem:v22+s20+$0x0] =	vst.idx.msk $0xffff, v24;
	v44 =	vadd.s32 v0, v13;
	v23 =	vadd.f32 v23, v9  }
0x2a2: {  	[tilespmem:v21+s20+$0x0] =	vst.idx.msk $0xffff, v25;
	v45 =	vadd.f32 v28, v9  }
0x2a3: {  	v46 =	vadd.f32 v31, v9;
	[tilespmem:v29+s20+$0x0] =	vst.idx.msk $0xffff, v23  }
0x2a4: {  	v47 =	vadd.f32 v32, v9;
	v48 =	vld [tilespmem:s26+$0xFFFFFFE0];
	[tilespmem:v33+s20+$0x0] =	vst.idx.msk $0xffff, v45  }
0x2a5: {  	v17 =	vadd.f32 v17, v6;
	v12 =	vadd.s32 v3, v12;
	[tilespmem:v34+s20+$0x0] =	vst.idx.msk $0xffff, v46;
	v21 =	vld [tilespmem:s26+$0xFFFFFF60]  }
0x2a6: {  	v16 =	vadd.f32 v16, v4;
	v49 =	vadd.s32 v1, v26;
	[tilespmem:v44+s20+$0x0] =	vst.idx.msk $0xffff, v47;
	v50 =	vld [tilespmem:s26+$0xFFFFFFA0]  }
0x2a7: {  	[tilespmem:v14+s20+$0x0] =	vst.idx.msk $0xffff, v17;
	v51 =	vadd.f32 v15, v4;
	v53 =	vadd.s32 v1, v27;
	v52 =	vld [tilespmem:s26+$0xFFFFFF20]  }
0x2a8: {  	v54 =	vld [tilespmem:s24+$0xFFFFFFF0];
	v18 =	vadd.f32 v18, v4;
	[tilespmem:v19+s20+$0x0] =	vst.idx.msk $0xffff, v16;
	v55 =	vadd.s32 v1, v30  }
0x2a9: {  	v57 =	vadd.s32 v1, v13;
	v60 =	vld [tilespmem:s24+$0xFFFFFFB0];
	[tilespmem:v20+s20+$0x0] =	vst.idx.msk $0xffff, v51;
	v58 =	vadd.f32 v48, v6  }
0x2aa: {  	v59 =	vadd.s32 v2, v7;
	v56 =	vld [tilespmem:s24+$0xFFFFFF70];
	[tilespmem:v12+s20+$0x0] =	vst.idx.msk $0xffff, v18;
	v61 =	vadd.f32 v21, v6  }
0x2ab: {  	v62 =	vld [tilespmem:s24+$0xFFFFFF30];
	v29 =	vadd.s32 v2, v11;
	[tilespmem:v49+s20+$0x0] =	vst.idx.msk $0xffff, v58;
	v28 =	vadd.f32 v50, v6  }
0x2ac: {  	v63 =	vadd.s32 v2, v10;
	v31 =	vadd.f32 v52, v6;
	v32 =	vld [tilespmem:s26+$0xFFFFFFF0];
	[tilespmem:v53+s20+$0x0] =	vst.idx.msk $0xffff, v61  }
0x2ad: {  	v33 =	vadd.f32 v54, v5;
	v34 =	vadd.s32 v2, v8;
	[tilespmem:v55+s20+$0x0] =	vst.idx.msk $0xffff, v28;
	v35 =	vld [tilespmem:s26+$0xFFFFFF70]  }
0x2ae: {  	v37 =	vadd.s32 v2, v26;
	v39 =	vadd.f32 v60, v5;
	[tilespmem:v57+s20+$0x0] =	vst.idx.msk $0xffff, v31;
	v38 =	vld [tilespmem:s26+$0xFFFFFFB0]  }
0x2af: {  	v41 =	vadd.s32 v2, v27;
	v36 =	vadd.f32 v56, v5;
	[tilespmem:v59+s20+$0x0] =	vst.idx.msk $0xffff, v33;
	v40 =	vld [tilespmem:s26+$0xFFFFFF30]  }
0x2b0: {  	v43 =	vadd.s32 v2, v30;
	v18 =	vadd.f32 v62, v5;
	v42 =	vld [tilespmem:s24+$0x0];
	[tilespmem:v29+s20+$0x0] =	vst.idx.msk $0xffff, v39  }
0x2b1: {  	v45 =	vadd.s32 v2, v13;
	[tilespmem:v63+s20+$0x0] =	vst.idx.msk $0xffff, v36;
	v47 =	vld [tilespmem:s24+$0xFFFFFFC0];
	v44 =	vadd.f32 v32, v5  }
0x2b2: {  	v46 =	vadd.s32 v3, v7;
	[tilespmem:v34+s20+$0x0] =	vst.idx.msk $0xffff, v18;
	v21 =	vld [tilespmem:s24+$0xFFFFFF80];
	v9 =	vadd.f32 v35, v5  }
0x2b3: {  	v18 =	vld [tilespmem:s24+$0xFFFFFF40];
	v50 =	vadd.s32 v3, v11;
	[tilespmem:v37+s20+$0x0] =	vst.idx.msk $0xffff, v44;
	v49 =	vadd.f32 v38, v5  }
0x2b4: {  	v48 =	vadd.s32 v3, v10;
	v5 =	vadd.f32 v40, v5;
	v12 =	vld [tilespmem:s26+$0x0];
	[tilespmem:v41+s20+$0x0] =	vst.idx.msk $0xffff, v9  }
0x2b5: {  	v52 =	vadd.s32 v3, v8;
	v51 =	vadd.f32 v42, v4;
	[tilespmem:v43+s20+$0x0] =	vst.idx.msk $0xffff, v49;
	v53 =	vld [tilespmem:s26+$0xFFFFFF80]  }
0x2b6: {  	v55 =	vadd.s32 v3, v26;
	v56 =	vadd.f32 v47, v4;
	[tilespmem:v45+s20+$0x0] =	vst.idx.msk $0xffff, v5;
	v5 =	vld [tilespmem:s26+$0xFFFFFFC0]  }
0x2b7: {  	v58 =	vadd.s32 v3, v27;
	[tilespmem:v46+s20+$0x0] =	vst.idx.msk $0xffff, v51;
	v54 =	vadd.f32 v21, v4;
	v57 =	vld [tilespmem:s26+$0xFFFFFF40]  }
0x2b8: {  	v60 =	vadd.s32 v3, v30;
	v59 =	vadd.f32 v18, v4;
	[tilespmem:v50+s20+$0x0] =	vst.idx.msk $0xffff, v56  }
0x2b9: {  	v62 =	vadd.s32 v3, v13;
	[tilespmem:v48+s20+$0x0] =	vst.idx.msk $0xffff, v54;
	v61 =	vadd.f32 v12, v4  }
0x2ba: {  	s31 =	sshll.u32 s21, $0x12;
	[tilespmem:v52+s20+$0x0] =	vst.idx.msk $0xffff, v59;
	v63 =	vadd.f32 v53, v4  }
0x2bb: {  	s18 =	sor.u32 s3, s31;
	[tilespmem:v55+s20+$0x0] =	vst.idx.msk $0xffff, v61;
	v5 =	vadd.f32 v5, v4  }
0x2bc: {  	s18 =	sshrl.u32 s18, $0x3;
	v4 =	vadd.f32 v57, v4;
	[tilespmem:v58+s20+$0x0] =	vst.idx.msk $0xffff, v63  }
0x2bd: {  	s21 =	simm.s32 $0x15A00;
	s18 =	sadd.s32 s5, s18;
	[tilespmem:v60+s20+$0x0] =	vst.idx.msk $0xffff, v5  }
0x2be: {  	s28 =	sadd.s32 $0x0, s18;
	s24 =	simm.s32 $0x200;
	s26 =	simm.s32 $0x15A88;
	[tilespmem:v62+s20+$0x0] =	vst.idx.msk $0xffff, v4  }
.LBB2_29:
0x2bf: {  	[hbm4b:s28+s2] =	stream.linear.scatter [tilespmem:s21], [sflag:$0x7], $0x80, $0x38;
	[tilespmem:$0x19E00] =	vst v63  }
0x2c0: {  	s25 =	smov.u32 s24;
	s21 =	smov.u32 s26;
	p0 =	sne.s32 s24, $0x7E00  }
.Ltmp13:
0x2c1: {  	s24 =	sadd.s32 $0x200, s24;
	(pc) =	sbr.rel @p0 .LBB2_29-.Ltmp13, $2  }
0x2c2: {  	_ =	sdelay $0x2  }
0x2c3: {  	s26 =	sadd.s32 $0x88, s26;
	s28 =	sadd.s32 s25, s18  }
0x2c4: {  	[hbm4b:s28+s2] =	stream.linear.scatter [tilespmem:s21], [sflag:$0x7], $0x80, $0x38;
	[tilespmem:$0x19E00] =	vst v63  }
0x2c5: {  	s18 =	sadd.s32 $0x500, s22;
	s31 =	simm.s32 $0xD600;
	s22 =	simm.s32 $0x4  }
0x2c6: {  	[tilespmem:s31], [sflag:$0x3] =	stream.indirect.gather [hbm4b:s4+s17], $0x40, s18, s17, $0xb8;
	[tilespmem:$0x19E00] =	vst v63  }
0x2c7: {  	_ =	swait.ge [sflag:s22], $0x2000  }
0x2c8: {  	[sflag:s22] =	ssyncset.done $0x0  }
0x2c9: {  	[sflag:s22] =	ssyncadd.s32 $0xFFFFE000  }
0x2ca: {  	_ =	swait.ge [sflag:s8], $0x2000  }
0x2cb: {  	s24 =	sshll.u32 s16, $0x6;
	[sflag:s8] =	ssyncset.done $0x0  }
0x2cc: {  	s25 =	sand.u32 $0x3FFFFFC0, s24;
	[sflag:s8] =	ssyncadd.s32 $0xFFFFE000  }
0x2cd: {  	s26 =	simm.s32 $0x3;
	s18 =	simm.s32 $0xF6F0;
	v9 =	vld [tilespmem:s25+$0x6400]  }
0x2ce: {  	v4 =	vmov s26;
	v7 =	vld [tilespmem:s18+$0xFFFFFFD0]  }
0x2cf: {  	v13 =	vand.u32 $0x7F, v4  }
0x2d0: {  	s28 =	simm.s32 $0x0;
	v8 =	vadd.s32 v0, v13;
	v6 =	vld [tilespmem:s25+$0x6410]  }
0x2d1: {  	s24 =	simm.s32 $0x2;
	v4 =	vmov s28;
	s31 =	simm.s32 $0x1;
	v10 =	vld [tilespmem:s18+$0xFFFFFF10]  }
0x2d2: {  	v14 =	vmov s24;
	v12 =	vand.u32 $0x7C, v4;
	v4 =	vmov s31;
	v11 =	vld [tilespmem:s18+$0xFFFFFF50]  }
0x2d3: {  	v15 =	vadd.s32 v0, v12;
	v19 =	vand.u32 $0x7D, v4;
	v16 =	vld [tilespmem:s18+$0xFFFFFF90];
	v7 =	vadd.f32 v7, v9  }
0x2d4: {  	v20 =	vand.u32 $0x7E, v14;
	v17 =	vadd.s32 v0, v19;
	v5 =	vld [tilespmem:s25+$0x6420]  }
0x2d5: {  	v14 =	vadd.s32 v0, v20;
	v4 =	vld [tilespmem:s25+$0x6430];
	[tilespmem:v8+s30+$0x0] =	vst.idx.msk $0xffff, v7  }
0x2d6: {  	v7 =	vadd.f32 v10, v9;
	v8 =	vld [tilespmem:s18+$0xFFFFFFE0]  }
0x2d7: {  	v10 =	vadd.f32 v11, v9  }
0x2d8: {  	v11 =	vadd.s32 v1, v13;
	[tilespmem:v15+s30+$0x0] =	vst.idx.msk $0xffff, v7;
	v7 =	vadd.f32 v16, v9  }
0x2d9: {  	[tilespmem:v17+s30+$0x0] =	vst.idx.msk $0xffff, v10;
	v15 =	vld [tilespmem:s18+$0xFFFFFF20]  }
0x2da: {  	v10 =	vld [tilespmem:s18+$0xFFFFFF60];
	[tilespmem:v14+s30+$0x0] =	vst.idx.msk $0xffff, v7  }
0x2db: {  	v14 =	vld [tilespmem:s18+$0xFFFFFFA0];
	v7 =	vadd.f32 v8, v6  }
0x2dc: {  	s21 =	simm.s32 $0xF7F0;
	s26 =	simm.s32 $0x7;
	v16 =	vadd.s32 v1, v19  }
0x2dd: {  	v26 =	vadd.s32 v2, v13;
	s25 =	simm.s32 $0x4;
	v18 =	vld [tilespmem:s21+$0xFFFFFFD0];
	v17 =	vadd.s32 v1, v20;
	[tilespmem:v11+s30+$0x0] =	vst.idx.msk $0xffff, v7;
	v7 =	vmov s26  }
0x2de: {  	v21 =	vadd.s32 v1, v12;
	v8 =	vmov s25;
	v7 =	vand.u32 $0x7F, v7;
	v22 =	vld [tilespmem:s18+$0xFFFFFFF0]  }
0x2df: {  	s28 =	simm.s32 $0x5;
	v23 =	vld [tilespmem:s21+$0xFFFFFF10];
	v8 =	vand.u32 $0x7C, v8;
	v10 =	vadd.f32 v10, v6;
	v24 =	vadd.s32 v0, v7  }
0x2e0: {  	s31 =	simm.s32 $0x6;
	v25 =	vld [tilespmem:s21+$0xFFFFFF50];
	v15 =	vadd.f32 v15, v6;
	v11 =	vadd.f32 v14, v6;
	v14 =	vmov s28  }
0x2e1: {  	v27 =	vadd.s32 v0, v8;
	[tilespmem:v16+s30+$0x0] =	vst.idx.msk $0xffff, v10;
	v16 =	vmov s31;
	v10 =	vand.u32 $0x7D, v14;
	v14 =	vld [tilespmem:s21+$0xFFFFFF90]  }
0x2e2: {  	[tilespmem:v17+s30+$0x0] =	vst.idx.msk $0xffff, v11;
	v17 =	vadd.s32 v0, v10;
	v11 =	vand.u32 $0x7E, v16;
	v16 =	vadd.f32 v18, v9;
	v18 =	vld [tilespmem:s18+$0xFFFFFF70]  }
0x2e3: {  	[tilespmem:v21+s30+$0x0] =	vst.idx.msk $0xffff, v15;
	v15 =	vadd.s32 v0, v11;
	v21 =	vld [tilespmem:s18+$0xFFFFFFB0];
	v22 =	vadd.f32 v22, v5  }
0x2e4: {  	v23 =	vadd.f32 v23, v9;
	[tilespmem:v24+s30+$0x0] =	vst.idx.msk $0xffff, v16;
	v16 =	vld [tilespmem:s18+$0xFFFFFF30];
	v24 =	vadd.s32 v2, v19  }
0x2e5: {  	v29 =	vadd.s32 v2, v20;
	v25 =	vadd.f32 v25, v9;
	v28 =	vld [tilespmem:s21+$0xFFFFFFE0];
	[tilespmem:v26+s30+$0x0] =	vst.idx.msk $0xffff, v22  }
0x2e6: {  	[tilespmem:v27+s30+$0x0] =	vst.idx.msk $0xffff, v23;
	v23 =	vadd.s32 v2, v12;
	v14 =	vadd.f32 v14, v9;
	v26 =	vld [tilespmem:s18+$0x0]  }
0x2e7: {  	v27 =	vld [tilespmem:s21+$0xFFFFFF20];
	[tilespmem:v17+s30+$0x0] =	vst.idx.msk $0xffff, v25;
	v25 =	vadd.s32 v1, v7;
	v18 =	vadd.f32 v18, v5  }
0x2e8: {  	v31 =	vadd.s32 v3, v13;
	v30 =	vld [tilespmem:s21+$0xFFFFFF60];
	[tilespmem:v15+s30+$0x0] =	vst.idx.msk $0xffff, v14;
	v14 =	vadd.f32 v21, v5  }
0x2e9: {  	v22 =	vadd.s32 v1, v8;
	v17 =	vld [tilespmem:s21+$0xFFFFFFA0];
	v13 =	vadd.f32 v16, v5;
	[tilespmem:v24+s30+$0x0] =	vst.idx.msk $0xffff, v18  }
0x2ea: {  	s24 =	simm.s32 $0x8;
	v21 =	vadd.s32 v1, v10;
	[tilespmem:v29+s30+$0x0] =	vst.idx.msk $0xffff, v14;
	v18 =	vadd.f32 v28, v6;
	v16 =	vld [tilespmem:s18+$0xFFFFFF80]  }
0x2eb: {  	v24 =	vmov s24;
	v14 =	vadd.s32 v1, v11;
	v15 =	vld [tilespmem:s18+$0xFFFFFFC0];
	[tilespmem:v23+s30+$0x0] =	vst.idx.msk $0xffff, v13;
	v63 =	vadd.f32 v26, v4  }
0x2ec: {  	s22 =	simm.s32 $0xF8F0;
	s25 =	simm.s32 $0xB;
	v19 =	vadd.s32 v3, v19;
	v13 =	vand.u32 $0x7C, v24;
	v24 =	vadd.f32 v27, v6;
	[tilespmem:v25+s30+$0x0] =	vst.idx.msk $0xffff, v18;
	v18 =	vld [tilespmem:s18+$0xFFFFFF40]  }
0x2ed: {  	v20 =	vadd.s32 v3, v20;
	v26 =	vmov s25;
	v23 =	vld [tilespmem:s22+$0xFFFFFFD0];
	s18 =	simm.s32 $0xC;
	v25 =	vadd.f32 v30, v6;
	[tilespmem:v31+s30+$0x0] =	vst.idx.msk $0xffff, v63  }
.LBB2_31:
0x2ee: {  	p0 =	slt.u32 s18, $0x7C;
	s25 =	sadd.s32 $0x1, s24;
	v26 =	vand.u32 $0x7F, v26;
	[tilespmem:v22+s30+$0x0] =	vst.idx.msk $0xffff, v24;
	v17 =	vadd.f32 v17, v6;
	v22 =	vld [tilespmem:s21+$0xFFFFFFF0];
	v24 =	vadd.s32 v3, v12  }
0x2ef: {  	v30 =	vmovc v11;
	v27 =	vld [tilespmem:s22+$0xFFFFFF10];
	v28 =	vmov s25;
	s25 =	sadd.s32 $0x2, s24;
	v29 =	vadd.s32 v0, v26;
	[tilespmem:v21+s30+$0x0] =	vst.idx.msk $0xffff, v25;
	v16 =	vadd.f32 v16, v4;
	s24 =	smov.u32 s18  }
0x2f0: {  	v12 =	vmovc v8;
	v21 =	vld [tilespmem:s22+$0xFFFFFF50];
	v11 =	vmov s25;
	[tilespmem:v14+s30+$0x0] =	vst.idx.msk $0xffff, v17;
	v14 =	vadd.s32 v2, v7;
	v15 =	vadd.f32 v15, v4  }
0x2f1: {  	v17 =	vadd.s32 v0, v13;
	v28 =	vand.u32 $0x7D, v28;
	v25 =	vld [tilespmem:s22+$0xFFFFFF90];
	v31 =	vadd.f32 v18, v4;
	[tilespmem:v19+s30+$0x0] =	vst.idx.msk $0xffff, v16  }
0x2f2: {  	v16 =	vadd.s32 v0, v28;
	v11 =	vand.u32 $0x7E, v11;
	v18 =	vadd.f32 v23, v9;
	v19 =	vld [tilespmem:s21+$0xFFFFFF70];
	[tilespmem:v20+s30+$0x0] =	vst.idx.msk $0xffff, v15  }
0x2f3: {  	v8 =	vmov v13;
	v15 =	vadd.s32 v0, v11;
	v20 =	vld [tilespmem:s21+$0xFFFFFFB0];
	v22 =	vadd.f32 v22, v5;
	[tilespmem:v24+s30+$0x0] =	vst.idx.msk $0xffff, v31  }
0x2f4: {  	v23 =	vadd.s32 v2, v10;
	v13 =	vadd.f32 v27, v9;
	[tilespmem:v29+s30+$0x0] =	vst.idx.msk $0xffff, v18;
	v18 =	vld [tilespmem:s21+$0xFFFFFF30]  }
0x2f5: {  	v27 =	vadd.s32 v2, v30;
	v21 =	vadd.f32 v21, v9;
	v24 =	vld [tilespmem:s22+$0xFFFFFFE0];
	[tilespmem:v14+s30+$0x0] =	vst.idx.msk $0xffff, v22  }
0x2f6: {  	[tilespmem:v17+s30+$0x0] =	vst.idx.msk $0xffff, v13;
	v13 =	vadd.f32 v25, v9;
	v25 =	vadd.s32 v2, v12;
	v29 =	vld [tilespmem:s21+$0x0]  }
0x2f7: {  	v32 =	vadd.s32 v1, v26;
	v31 =	vld [tilespmem:s22+$0xFFFFFF20];
	[tilespmem:v16+s30+$0x0] =	vst.idx.msk $0xffff, v21;
	v14 =	vadd.f32 v19, v5  }
0x2f8: {  	v34 =	vadd.s32 v3, v7;
	v7 =	vmov v26;
	v33 =	vld [tilespmem:s22+$0xFFFFFF60];
	[tilespmem:v15+s30+$0x0] =	vst.idx.msk $0xffff, v13;
	v13 =	vadd.f32 v20, v5  }
.Ltmp14:
0x2f9: {  	v22 =	vadd.s32 v1, v8;
	v17 =	vld [tilespmem:s22+$0xFFFFFFA0];
	v15 =	vadd.f32 v18, v5;
	[tilespmem:v23+s30+$0x0] =	vst.idx.msk $0xffff, v14;
	(pc) =	sbr.rel @p0 .LBB2_31-.Ltmp14, $4  }
0x2fa: {  	v21 =	vadd.s32 v1, v28;
	v18 =	vadd.f32 v24, v6;
	v16 =	vld [tilespmem:s21+$0xFFFFFF80];
	[tilespmem:v27+s30+$0x0] =	vst.idx.msk $0xffff, v13  }
0x2fb: {  	v14 =	vadd.s32 v1, v11;
	v13 =	vmov s18;
	[tilespmem:v25+s30+$0x0] =	vst.idx.msk $0xffff, v15;
	v15 =	vld [tilespmem:s21+$0xFFFFFFC0];
	v27 =	vadd.f32 v29, v4  }
0x2fc: {  	s25 =	sadd.s32 $0x3, s18;
	v19 =	vadd.s32 v3, v10;
	v13 =	vand.u32 $0x7C, v13;
	v24 =	vadd.f32 v31, v6;
	[tilespmem:v32+s30+$0x0] =	vst.idx.msk $0xffff, v18;
	v18 =	vld [tilespmem:s21+$0xFFFFFF40];
	s21 =	smov.u32 s22;
	s22 =	sadd.s32 $0x100, s22  }
0x2fd: {  	v26 =	vmov s25;
	v10 =	vmovc v28;
	v20 =	vadd.s32 v3, v30;
	s18 =	sadd.s32 $0x4, s18;
	v23 =	vld [tilespmem:s22+$0xFFFFFFD0];
	v25 =	vadd.f32 v33, v6;
	[tilespmem:v34+s30+$0x0] =	vst.idx.msk $0xffff, v27  }
0x2fe: {  	s18 =	sadd.s32 $0x1, s24  }
0x2ff: {  	v26 =	vand.u32 $0x7F, v26;
	s31 =	sadd.s32 $0x2, s24;
	v28 =	vld [tilespmem:s22+$0xFFFFFF50];
	v27 =	vmov s18  }
0x300: {  	v31 =	vld [tilespmem:s22+$0xFFFFFF90];
	v29 =	vadd.s32 v0, v26;
	v30 =	vmov s31;
	v27 =	vand.u32 $0x7D, v27  }
0x301: {  	v32 =	vld [tilespmem:s22+$0xFFFFFF10];
	v30 =	vand.u32 $0x7E, v30;
	v33 =	vadd.s32 v0, v27  }
0x302: {  	v34 =	vadd.s32 v0, v30  }
0x303: {  	[tilespmem:v22+s30+$0x0] =	vst.idx.msk $0xffff, v24;
	v44 =	vadd.s32 v0, v13;
	v23 =	vadd.f32 v23, v9  }
0x304: {  	[tilespmem:v21+s30+$0x0] =	vst.idx.msk $0xffff, v25;
	v45 =	vadd.f32 v28, v9  }
0x305: {  	v46 =	vadd.f32 v31, v9;
	[tilespmem:v29+s30+$0x0] =	vst.idx.msk $0xffff, v23  }
0x306: {  	v47 =	vadd.f32 v32, v9;
	v48 =	vld [tilespmem:s22+$0xFFFFFFE0];
	[tilespmem:v33+s30+$0x0] =	vst.idx.msk $0xffff, v45  }
0x307: {  	v17 =	vadd.f32 v17, v6;
	v12 =	vadd.s32 v3, v12;
	[tilespmem:v34+s30+$0x0] =	vst.idx.msk $0xffff, v46;
	v21 =	vld [tilespmem:s22+$0xFFFFFF60]  }
0x308: {  	v16 =	vadd.f32 v16, v4;
	v49 =	vadd.s32 v1, v26;
	[tilespmem:v44+s30+$0x0] =	vst.idx.msk $0xffff, v47;
	v50 =	vld [tilespmem:s22+$0xFFFFFFA0]  }
0x309: {  	[tilespmem:v14+s30+$0x0] =	vst.idx.msk $0xffff, v17;
	v51 =	vadd.f32 v15, v4;
	v53 =	vadd.s32 v1, v27;
	v52 =	vld [tilespmem:s22+$0xFFFFFF20]  }
0x30a: {  	v54 =	vld [tilespmem:s21+$0xFFFFFFF0];
	v18 =	vadd.f32 v18, v4;
	[tilespmem:v19+s30+$0x0] =	vst.idx.msk $0xffff, v16;
	v55 =	vadd.s32 v1, v30  }
0x30b: {  	v57 =	vadd.s32 v1, v13;
	v60 =	vld [tilespmem:s21+$0xFFFFFFB0];
	[tilespmem:v20+s30+$0x0] =	vst.idx.msk $0xffff, v51;
	v58 =	vadd.f32 v48, v6  }
0x30c: {  	v59 =	vadd.s32 v2, v7;
	v56 =	vld [tilespmem:s21+$0xFFFFFF70];
	[tilespmem:v12+s30+$0x0] =	vst.idx.msk $0xffff, v18;
	v61 =	vadd.f32 v21, v6  }
0x30d: {  	v62 =	vld [tilespmem:s21+$0xFFFFFF30];
	v29 =	vadd.s32 v2, v11;
	[tilespmem:v49+s30+$0x0] =	vst.idx.msk $0xffff, v58;
	v28 =	vadd.f32 v50, v6  }
0x30e: {  	v63 =	vadd.s32 v2, v10;
	v31 =	vadd.f32 v52, v6;
	v32 =	vld [tilespmem:s22+$0xFFFFFFF0];
	[tilespmem:v53+s30+$0x0] =	vst.idx.msk $0xffff, v61  }
0x30f: {  	v33 =	vadd.f32 v54, v5;
	v34 =	vadd.s32 v2, v8;
	[tilespmem:v55+s30+$0x0] =	vst.idx.msk $0xffff, v28;
	v35 =	vld [tilespmem:s22+$0xFFFFFF70]  }
0x310: {  	v37 =	vadd.s32 v2, v26;
	v39 =	vadd.f32 v60, v5;
	[tilespmem:v57+s30+$0x0] =	vst.idx.msk $0xffff, v31;
	v38 =	vld [tilespmem:s22+$0xFFFFFFB0]  }
0x311: {  	v41 =	vadd.s32 v2, v27;
	v36 =	vadd.f32 v56, v5;
	[tilespmem:v59+s30+$0x0] =	vst.idx.msk $0xffff, v33;
	v40 =	vld [tilespmem:s22+$0xFFFFFF30]  }
0x312: {  	v43 =	vadd.s32 v2, v30;
	v18 =	vadd.f32 v62, v5;
	v42 =	vld [tilespmem:s21+$0x0];
	[tilespmem:v29+s30+$0x0] =	vst.idx.msk $0xffff, v39  }
0x313: {  	v45 =	vadd.s32 v2, v13;
	[tilespmem:v63+s30+$0x0] =	vst.idx.msk $0xffff, v36;
	v47 =	vld [tilespmem:s21+$0xFFFFFFC0];
	v44 =	vadd.f32 v32, v5  }
0x314: {  	v46 =	vadd.s32 v3, v7;
	[tilespmem:v34+s30+$0x0] =	vst.idx.msk $0xffff, v18;
	v21 =	vld [tilespmem:s21+$0xFFFFFF80];
	v9 =	vadd.f32 v35, v5  }
0x315: {  	v18 =	vld [tilespmem:s21+$0xFFFFFF40];
	v50 =	vadd.s32 v3, v11;
	[tilespmem:v37+s30+$0x0] =	vst.idx.msk $0xffff, v44;
	v49 =	vadd.f32 v38, v5  }
0x316: {  	v48 =	vadd.s32 v3, v10;
	v5 =	vadd.f32 v40, v5;
	v12 =	vld [tilespmem:s22+$0x0];
	[tilespmem:v41+s30+$0x0] =	vst.idx.msk $0xffff, v9  }
0x317: {  	v52 =	vadd.s32 v3, v8;
	v51 =	vadd.f32 v42, v4;
	[tilespmem:v43+s30+$0x0] =	vst.idx.msk $0xffff, v49;
	v53 =	vld [tilespmem:s22+$0xFFFFFF80]  }
0x318: {  	v55 =	vadd.s32 v3, v26;
	v56 =	vadd.f32 v47, v4;
	[tilespmem:v45+s30+$0x0] =	vst.idx.msk $0xffff, v5;
	v5 =	vld [tilespmem:s22+$0xFFFFFFC0]  }
0x319: {  	v58 =	vadd.s32 v3, v27;
	[tilespmem:v46+s30+$0x0] =	vst.idx.msk $0xffff, v51;
	v54 =	vadd.f32 v21, v4;
	v57 =	vld [tilespmem:s22+$0xFFFFFF40]  }
0x31a: {  	v60 =	vadd.s32 v3, v30;
	v59 =	vadd.f32 v18, v4;
	[tilespmem:v50+s30+$0x0] =	vst.idx.msk $0xffff, v56  }
0x31b: {  	v62 =	vadd.s32 v3, v13;
	[tilespmem:v48+s30+$0x0] =	vst.idx.msk $0xffff, v54;
	v61 =	vadd.f32 v12, v4  }
0x31c: {  	s16 =	sshll.u32 s16, $0x12;
	[tilespmem:v52+s30+$0x0] =	vst.idx.msk $0xffff, v59;
	v63 =	vadd.f32 v53, v4  }
0x31d: {  	s16 =	sor.u32 s3, s16;
	[tilespmem:v55+s30+$0x0] =	vst.idx.msk $0xffff, v61;
	v5 =	vadd.f32 v5, v4  }
0x31e: {  	s16 =	sshrl.u32 s16, $0x3;
	v4 =	vadd.f32 v57, v4;
	[tilespmem:v58+s30+$0x0] =	vst.idx.msk $0xffff, v63  }
0x31f: {  	s18 =	simm.s32 $0x17C00;
	s16 =	sadd.s32 s5, s16;
	[tilespmem:v60+s30+$0x0] =	vst.idx.msk $0xffff, v5  }
0x320: {  	s24 =	sadd.s32 $0x0, s16;
	s21 =	simm.s32 $0x200;
	s22 =	simm.s32 $0x17C88;
	[tilespmem:v62+s30+$0x0] =	vst.idx.msk $0xffff, v4  }
.LBB2_33:
0x321: {  	[hbm4b:s24+s2] =	stream.linear.scatter [tilespmem:s18], [sflag:$0x8], $0x80, $0x38;
	[tilespmem:$0x19E00] =	vst v63  }
0x322: {  	s24 =	smov.u32 s21;
	s18 =	smov.u32 s22;
	p0 =	sne.s32 s21, $0x7E00  }
.Ltmp15:
0x323: {  	s21 =	sadd.s32 $0x200, s21;
	(pc) =	sbr.rel @p0 .LBB2_33-.Ltmp15, $2  }
0x324: {  	_ =	sdelay $0x2  }
0x325: {  	s22 =	sadd.s32 $0x88, s22;
	s24 =	sadd.s32 s24, s16  }
0x326: {  	s19 =	sadd.s32 $0x1, s19  }
0x327: {  	p0 =	sne.s32 s19, $0x30  }
.Ltmp16:
0x328: {  	_ = 	snop;
	(pc) =	sbr.rel @p0 .LBB2_18-.Ltmp16, $2  }
0x329: {  	_ =	sdelay $0x2  }
0x32a: {  	[hbm4b:s24+s2] =	stream.linear.scatter [tilespmem:s18], [sflag:$0x8], $0x80, $0x38;
	[tilespmem:$0x19E00] =	vst v63  }
0x32b: {  	s16 =	simm.s32 $0xF600;
	s18 =	simm.s32 $0x6380;
	s21 =	simm.s32 $0x1  }
0x32c: {  	[tilespmem:s16], [sflag:$0x4] =	stream.indirect.gather [hbm4b:s4+s17], $0x40, s18, s17, $0xb8;
	[tilespmem:$0x19E00] =	vst v63  }
0x32d: {  	_ =	swait.ge [sflag:s21], $0x2000  }
0x32e: {  	[sflag:s21] =	ssyncset.done $0x0  }
0x32f: {  	[sflag:s21] =	ssyncadd.s32 $0xFFFFE000  }
0x330: {  	_ =	swait.ge [sflag:s0], $0x2000  }
0x331: {  	[sflag:s0] =	ssyncset.done $0x0  }
0x332: {  	[sflag:s0] =	ssyncadd.s32 $0xFFFFE000  }
0x333: {  	s22 =	simm.s32 $0x3;
	s18 =	simm.s32 $0x9680;
	v9 =	vld [tilespmem:$0x9500]  }
0x334: {  	v4 =	vmov s22;
	v7 =	vld [tilespmem:s18+$0x40]  }
0x335: {  	v13 =	vand.u32 $0x7F, v4  }
0x336: {  	s24 =	simm.s32 $0x0;
	v8 =	vadd.s32 v0, v13;
	v6 =	vld [tilespmem:$0x9510]  }
0x337: {  	s25 =	simm.s32 $0x1;
	s19 =	simm.s32 $0x2;
	v4 =	vmov s24;
	v10 =	vld [tilespmem:s18+$0xFFFFFF80]  }
0x338: {  	v14 =	vmov s19;
	v12 =	vand.u32 $0x7C, v4;
	v4 =	vmov s25;
	v11 =	vld [tilespmem:s18+$0xFFFFFFC0]  }
0x339: {  	v15 =	vadd.s32 v0, v12;
	v19 =	vand.u32 $0x7D, v4;
	v16 =	vld [tilespmem:s18+$0x0];
	v7 =	vadd.f32 v7, v9  }
0x33a: {  	v20 =	vand.u32 $0x7E, v14;
	v17 =	vadd.s32 v0, v19;
	v5 =	vld [tilespmem:$0x9520]  }
0x33b: {  	v14 =	vadd.s32 v0, v20;
	v4 =	vld [tilespmem:$0x9530];
	[tilespmem:v8+s29+$0x0] =	vst.idx.msk $0xffff, v7  }
0x33c: {  	v7 =	vadd.f32 v10, v9;
	v8 =	vld [tilespmem:s18+$0x50]  }
0x33d: {  	v10 =	vadd.f32 v11, v9  }
0x33e: {  	v11 =	vadd.s32 v1, v13;
	[tilespmem:v15+s29+$0x0] =	vst.idx.msk $0xffff, v7;
	v7 =	vadd.f32 v16, v9  }
0x33f: {  	[tilespmem:v17+s29+$0x0] =	vst.idx.msk $0xffff, v10;
	v15 =	vld [tilespmem:s18+$0xFFFFFF90]  }
0x340: {  	v10 =	vld [tilespmem:s18+$0xFFFFFFD0];
	[tilespmem:v14+s29+$0x0] =	vst.idx.msk $0xffff, v7  }
0x341: {  	v14 =	vld [tilespmem:s18+$0x10];
	v7 =	vadd.f32 v8, v6  }
0x342: {  	s16 =	simm.s32 $0x9780;
	s21 =	simm.s32 $0x7;
	v16 =	vadd.s32 v1, v19  }
0x343: {  	s26 =	simm.s32 $0x4;
	v26 =	vadd.s32 v2, v13;
	v18 =	vld [tilespmem:s16+$0x40];
	v17 =	vadd.s32 v1, v20;
	[tilespmem:v11+s29+$0x0] =	vst.idx.msk $0xffff, v7;
	v7 =	vmov s21  }
0x344: {  	v21 =	vadd.s32 v1, v12;
	v8 =	vmov s26;
	v7 =	vand.u32 $0x7F, v7;
	v22 =	vld [tilespmem:s18+$0x60]  }
0x345: {  	s28 =	simm.s32 $0x5;
	v23 =	vld [tilespmem:s16+$0xFFFFFF80];
	v8 =	vand.u32 $0x7C, v8;
	v10 =	vadd.f32 v10, v6;
	v24 =	vadd.s32 v0, v7  }
0x346: {  	s31 =	simm.s32 $0x6;
	v25 =	vld [tilespmem:s16+$0xFFFFFFC0];
	v15 =	vadd.f32 v15, v6;
	v11 =	vadd.f32 v14, v6;
	v14 =	vmov s28  }
0x347: {  	v27 =	vadd.s32 v0, v8;
	[tilespmem:v16+s29+$0x0] =	vst.idx.msk $0xffff, v10;
	v16 =	vmov s31;
	v10 =	vand.u32 $0x7D, v14;
	v14 =	vld [tilespmem:s16+$0x0]  }
0x348: {  	[tilespmem:v17+s29+$0x0] =	vst.idx.msk $0xffff, v11;
	v17 =	vadd.s32 v0, v10;
	v11 =	vand.u32 $0x7E, v16;
	v16 =	vadd.f32 v18, v9;
	v18 =	vld [tilespmem:s18+$0xFFFFFFE0]  }
0x349: {  	[tilespmem:v21+s29+$0x0] =	vst.idx.msk $0xffff, v15;
	v15 =	vadd.s32 v0, v11;
	v21 =	vld [tilespmem:s18+$0x20];
	v22 =	vadd.f32 v22, v5  }
0x34a: {  	v23 =	vadd.f32 v23, v9;
	[tilespmem:v24+s29+$0x0] =	vst.idx.msk $0xffff, v16;
	v16 =	vld [tilespmem:s18+$0xFFFFFFA0];
	v24 =	vadd.s32 v2, v19  }
0x34b: {  	v29 =	vadd.s32 v2, v20;
	v25 =	vadd.f32 v25, v9;
	v28 =	vld [tilespmem:s16+$0x50];
	[tilespmem:v26+s29+$0x0] =	vst.idx.msk $0xffff, v22  }
0x34c: {  	[tilespmem:v27+s29+$0x0] =	vst.idx.msk $0xffff, v23;
	v23 =	vadd.s32 v2, v12;
	v14 =	vadd.f32 v14, v9;
	v26 =	vld [tilespmem:s18+$0x70]  }
0x34d: {  	v27 =	vld [tilespmem:s16+$0xFFFFFF90];
	[tilespmem:v17+s29+$0x0] =	vst.idx.msk $0xffff, v25;
	v25 =	vadd.s32 v1, v7;
	v18 =	vadd.f32 v18, v5  }
0x34e: {  	v31 =	vadd.s32 v3, v13;
	v30 =	vld [tilespmem:s16+$0xFFFFFFD0];
	[tilespmem:v15+s29+$0x0] =	vst.idx.msk $0xffff, v14;
	v14 =	vadd.f32 v21, v5  }
0x34f: {  	v22 =	vadd.s32 v1, v8;
	v17 =	vld [tilespmem:s16+$0x10];
	v13 =	vadd.f32 v16, v5;
	[tilespmem:v24+s29+$0x0] =	vst.idx.msk $0xffff, v18  }
0x350: {  	s21 =	simm.s32 $0x8;
	v21 =	vadd.s32 v1, v10;
	[tilespmem:v29+s29+$0x0] =	vst.idx.msk $0xffff, v14;
	v18 =	vadd.f32 v28, v6;
	v16 =	vld [tilespmem:s18+$0xFFFFFFF0]  }
0x351: {  	v24 =	vmov s21;
	v14 =	vadd.s32 v1, v11;
	v15 =	vld [tilespmem:s18+$0x30];
	[tilespmem:v23+s29+$0x0] =	vst.idx.msk $0xffff, v13;
	v63 =	vadd.f32 v26, v4  }
0x352: {  	s22 =	simm.s32 $0xB;
	s19 =	simm.s32 $0x9880;
	v19 =	vadd.s32 v3, v19;
	v13 =	vand.u32 $0x7C, v24;
	v24 =	vadd.f32 v27, v6;
	[tilespmem:v25+s29+$0x0] =	vst.idx.msk $0xffff, v18;
	v18 =	vld [tilespmem:s18+$0xFFFFFFB0]  }
0x353: {  	v20 =	vadd.s32 v3, v20;
	v26 =	vmov s22;
	v23 =	vld [tilespmem:s19+$0x40];
	s18 =	simm.s32 $0xC;
	v25 =	vadd.f32 v30, v6;
	[tilespmem:v31+s29+$0x0] =	vst.idx.msk $0xffff, v63  }
.LBB2_36:
0x354: {  	p0 =	slt.u32 s18, $0x7C;
	s22 =	sadd.s32 $0x1, s21;
	v26 =	vand.u32 $0x7F, v26;
	[tilespmem:v22+s29+$0x0] =	vst.idx.msk $0xffff, v24;
	v17 =	vadd.f32 v17, v6;
	v22 =	vld [tilespmem:s16+$0x60];
	v24 =	vadd.s32 v3, v12  }
0x355: {  	v30 =	vmovc v11;
	v27 =	vld [tilespmem:s19+$0xFFFFFF80];
	v28 =	vmov s22;
	s22 =	sadd.s32 $0x2, s21;
	v29 =	vadd.s32 v0, v26;
	[tilespmem:v21+s29+$0x0] =	vst.idx.msk $0xffff, v25;
	v16 =	vadd.f32 v16, v4;
	s21 =	smov.u32 s18  }
0x356: {  	v12 =	vmovc v8;
	v21 =	vld [tilespmem:s19+$0xFFFFFFC0];
	v11 =	vmov s22;
	[tilespmem:v14+s29+$0x0] =	vst.idx.msk $0xffff, v17;
	v14 =	vadd.s32 v2, v7;
	v15 =	vadd.f32 v15, v4  }
0x357: {  	v17 =	vadd.s32 v0, v13;
	v28 =	vand.u32 $0x7D, v28;
	v25 =	vld [tilespmem:s19+$0x0];
	v31 =	vadd.f32 v18, v4;
	[tilespmem:v19+s29+$0x0] =	vst.idx.msk $0xffff, v16  }
0x358: {  	v16 =	vadd.s32 v0, v28;
	v11 =	vand.u32 $0x7E, v11;
	v18 =	vadd.f32 v23, v9;
	v19 =	vld [tilespmem:s16+$0xFFFFFFE0];
	[tilespmem:v20+s29+$0x0] =	vst.idx.msk $0xffff, v15  }
0x359: {  	v8 =	vmov v13;
	v15 =	vadd.s32 v0, v11;
	v20 =	vld [tilespmem:s16+$0x20];
	v22 =	vadd.f32 v22, v5;
	[tilespmem:v24+s29+$0x0] =	vst.idx.msk $0xffff, v31  }
0x35a: {  	v23 =	vadd.s32 v2, v10;
	v13 =	vadd.f32 v27, v9;
	[tilespmem:v29+s29+$0x0] =	vst.idx.msk $0xffff, v18;
	v18 =	vld [tilespmem:s16+$0xFFFFFFA0]  }
0x35b: {  	v27 =	vadd.s32 v2, v30;
	v21 =	vadd.f32 v21, v9;
	v24 =	vld [tilespmem:s19+$0x50];
	[tilespmem:v14+s29+$0x0] =	vst.idx.msk $0xffff, v22  }
0x35c: {  	[tilespmem:v17+s29+$0x0] =	vst.idx.msk $0xffff, v13;
	v13 =	vadd.f32 v25, v9;
	v25 =	vadd.s32 v2, v12;
	v29 =	vld [tilespmem:s16+$0x70]  }
0x35d: {  	v32 =	vadd.s32 v1, v26;
	v31 =	vld [tilespmem:s19+$0xFFFFFF90];
	[tilespmem:v16+s29+$0x0] =	vst.idx.msk $0xffff, v21;
	v14 =	vadd.f32 v19, v5  }
0x35e: {  	v34 =	vadd.s32 v3, v7;
	v7 =	vmov v26;
	v33 =	vld [tilespmem:s19+$0xFFFFFFD0];
	[tilespmem:v15+s29+$0x0] =	vst.idx.msk $0xffff, v13;
	v13 =	vadd.f32 v20, v5  }
.Ltmp17:
0x35f: {  	v22 =	vadd.s32 v1, v8;
	v17 =	vld [tilespmem:s19+$0x10];
	v15 =	vadd.f32 v18, v5;
	[tilespmem:v23+s29+$0x0] =	vst.idx.msk $0xffff, v14;
	(pc) =	sbr.rel @p0 .LBB2_36-.Ltmp17, $4  }
0x360: {  	v21 =	vadd.s32 v1, v28;
	v18 =	vadd.f32 v24, v6;
	v16 =	vld [tilespmem:s16+$0xFFFFFFF0];
	[tilespmem:v27+s29+$0x0] =	vst.idx.msk $0xffff, v13  }
0x361: {  	v14 =	vadd.s32 v1, v11;
	v13 =	vmov s18;
	[tilespmem:v25+s29+$0x0] =	vst.idx.msk $0xffff, v15;
	v15 =	vld [tilespmem:s16+$0x30];
	v27 =	vadd.f32 v29, v4  }
0x362: {  	s22 =	sadd.s32 $0x3, s18;
	v19 =	vadd.s32 v3, v10;
	v13 =	vand.u32 $0x7C, v13;
	v24 =	vadd.f32 v31, v6;
	[tilespmem:v32+s29+$0x0] =	vst.idx.msk $0xffff, v18;
	v18 =	vld [tilespmem:s16+$0xFFFFFFB0];
	s16 =	smov.u32 s19;
	s19 =	sadd.s32 $0x100, s19  }
0x363: {  	v26 =	vmov s22;
	v10 =	vmovc v28;
	v20 =	vadd.s32 v3, v30;
	s18 =	sadd.s32 $0x4, s18;
	v23 =	vld [tilespmem:s19+$0x40];
	v25 =	vadd.f32 v33, v6;
	[tilespmem:v34+s29+$0x0] =	vst.idx.msk $0xffff, v27  }
0x364: {  	s18 =	sadd.s32 $0x1, s21  }
0x365: {  	v26 =	vand.u32 $0x7F, v26;
	s31 =	sadd.s32 $0x2, s21;
	v28 =	vld [tilespmem:s19+$0xFFFFFFC0];
	v27 =	vmov s18  }
0x366: {  	v31 =	vld [tilespmem:s19+$0x0];
	v29 =	vadd.s32 v0, v26;
	v30 =	vmov s31;
	v27 =	vand.u32 $0x7D, v27  }
0x367: {  	v32 =	vld [tilespmem:s19+$0xFFFFFF80];
	v30 =	vand.u32 $0x7E, v30;
	v33 =	vadd.s32 v0, v27  }
0x368: {  	v34 =	vadd.s32 v0, v30  }
0x369: {  	[tilespmem:v22+s29+$0x0] =	vst.idx.msk $0xffff, v24;
	v44 =	vadd.s32 v0, v13;
	v23 =	vadd.f32 v23, v9  }
0x36a: {  	[tilespmem:v21+s29+$0x0] =	vst.idx.msk $0xffff, v25;
	v45 =	vadd.f32 v28, v9  }
0x36b: {  	v46 =	vadd.f32 v31, v9;
	[tilespmem:v29+s29+$0x0] =	vst.idx.msk $0xffff, v23  }
0x36c: {  	v47 =	vadd.f32 v32, v9;
	v48 =	vld [tilespmem:s19+$0x50];
	[tilespmem:v33+s29+$0x0] =	vst.idx.msk $0xffff, v45  }
0x36d: {  	v17 =	vadd.f32 v17, v6;
	v12 =	vadd.s32 v3, v12;
	[tilespmem:v34+s29+$0x0] =	vst.idx.msk $0xffff, v46;
	v21 =	vld [tilespmem:s19+$0xFFFFFFD0]  }
0x36e: {  	v16 =	vadd.f32 v16, v4;
	v49 =	vadd.s32 v1, v26;
	[tilespmem:v44+s29+$0x0] =	vst.idx.msk $0xffff, v47;
	v50 =	vld [tilespmem:s19+$0x10]  }
0x36f: {  	[tilespmem:v14+s29+$0x0] =	vst.idx.msk $0xffff, v17;
	v51 =	vadd.f32 v15, v4;
	v53 =	vadd.s32 v1, v27;
	v52 =	vld [tilespmem:s19+$0xFFFFFF90]  }
0x370: {  	v54 =	vld [tilespmem:s16+$0x60];
	v18 =	vadd.f32 v18, v4;
	[tilespmem:v19+s29+$0x0] =	vst.idx.msk $0xffff, v16;
	v55 =	vadd.s32 v1, v30  }
0x371: {  	v57 =	vadd.s32 v1, v13;
	v60 =	vld [tilespmem:s16+$0x20];
	[tilespmem:v20+s29+$0x0] =	vst.idx.msk $0xffff, v51;
	v58 =	vadd.f32 v48, v6  }
0x372: {  	v59 =	vadd.s32 v2, v7;
	v56 =	vld [tilespmem:s16+$0xFFFFFFE0];
	[tilespmem:v12+s29+$0x0] =	vst.idx.msk $0xffff, v18;
	v61 =	vadd.f32 v21, v6  }
0x373: {  	v62 =	vld [tilespmem:s16+$0xFFFFFFA0];
	v29 =	vadd.s32 v2, v11;
	[tilespmem:v49+s29+$0x0] =	vst.idx.msk $0xffff, v58;
	v28 =	vadd.f32 v50, v6  }
0x374: {  	v63 =	vadd.s32 v2, v10;
	v31 =	vadd.f32 v52, v6;
	v32 =	vld [tilespmem:s19+$0x60];
	[tilespmem:v53+s29+$0x0] =	vst.idx.msk $0xffff, v61  }
0x375: {  	v33 =	vadd.f32 v54, v5;
	v34 =	vadd.s32 v2, v8;
	[tilespmem:v55+s29+$0x0] =	vst.idx.msk $0xffff, v28;
	v35 =	vld [tilespmem:s19+$0xFFFFFFE0]  }
0x376: {  	v37 =	vadd.s32 v2, v26;
	v39 =	vadd.f32 v60, v5;
	[tilespmem:v57+s29+$0x0] =	vst.idx.msk $0xffff, v31;
	v38 =	vld [tilespmem:s19+$0x20]  }
0x377: {  	v41 =	vadd.s32 v2, v27;
	v36 =	vadd.f32 v56, v5;
	[tilespmem:v59+s29+$0x0] =	vst.idx.msk $0xffff, v33;
	v40 =	vld [tilespmem:s19+$0xFFFFFFA0]  }
0x378: {  	v43 =	vadd.s32 v2, v30;
	v18 =	vadd.f32 v62, v5;
	v42 =	vld [tilespmem:s16+$0x70];
	[tilespmem:v29+s29+$0x0] =	vst.idx.msk $0xffff, v39  }
0x379: {  	v45 =	vadd.s32 v2, v13;
	[tilespmem:v63+s29+$0x0] =	vst.idx.msk $0xffff, v36;
	v47 =	vld [tilespmem:s16+$0x30];
	v44 =	vadd.f32 v32, v5  }
0x37a: {  	v46 =	vadd.s32 v3, v7;
	[tilespmem:v34+s29+$0x0] =	vst.idx.msk $0xffff, v18;
	v21 =	vld [tilespmem:s16+$0xFFFFFFF0];
	v9 =	vadd.f32 v35, v5  }
0x37b: {  	v18 =	vld [tilespmem:s16+$0xFFFFFFB0];
	v50 =	vadd.s32 v3, v11;
	[tilespmem:v37+s29+$0x0] =	vst.idx.msk $0xffff, v44;
	v49 =	vadd.f32 v38, v5  }
0x37c: {  	v48 =	vadd.s32 v3, v10;
	v5 =	vadd.f32 v40, v5;
	v12 =	vld [tilespmem:s19+$0x70];
	[tilespmem:v41+s29+$0x0] =	vst.idx.msk $0xffff, v9  }
0x37d: {  	v52 =	vadd.s32 v3, v8;
	v51 =	vadd.f32 v42, v4;
	[tilespmem:v43+s29+$0x0] =	vst.idx.msk $0xffff, v49;
	v53 =	vld [tilespmem:s19+$0xFFFFFFF0]  }
0x37e: {  	v55 =	vadd.s32 v3, v26;
	v56 =	vadd.f32 v47, v4;
	[tilespmem:v45+s29+$0x0] =	vst.idx.msk $0xffff, v5;
	v5 =	vld [tilespmem:s19+$0x30]  }
0x37f: {  	v58 =	vadd.s32 v3, v27;
	[tilespmem:v46+s29+$0x0] =	vst.idx.msk $0xffff, v51;
	v54 =	vadd.f32 v21, v4;
	v57 =	vld [tilespmem:s19+$0xFFFFFFB0]  }
0x380: {  	v60 =	vadd.s32 v3, v30;
	v59 =	vadd.f32 v18, v4;
	[tilespmem:v50+s29+$0x0] =	vst.idx.msk $0xffff, v56  }
0x381: {  	v62 =	vadd.s32 v3, v13;
	[tilespmem:v48+s29+$0x0] =	vst.idx.msk $0xffff, v54;
	v61 =	vadd.f32 v12, v4  }
0x382: {  	[tilespmem:v52+s29+$0x0] =	vst.idx.msk $0xffff, v59;
	v63 =	vadd.f32 v53, v4  }
0x383: {  	[tilespmem:v55+s29+$0x0] =	vst.idx.msk $0xffff, v61;
	v5 =	vadd.f32 v5, v4  }
0x384: {  	v4 =	vadd.f32 v57, v4;
	[tilespmem:v58+s29+$0x0] =	vst.idx.msk $0xffff, v63  }
0x385: {  	s21 =	sadd.s32 $0x0, s12;
	[tilespmem:v60+s29+$0x0] =	vst.idx.msk $0xffff, v5  }
0x386: {  	s18 =	simm.s32 $0x200;
	s16 =	simm.s32 $0x11600;
	s19 =	simm.s32 $0x11688;
	[tilespmem:v62+s29+$0x0] =	vst.idx.msk $0xffff, v4  }
.LBB2_38:
0x387: {  	[hbm4b:s21+s2] =	stream.linear.scatter [tilespmem:s16], [sflag:$0x5], $0x80, $0x38;
	[tilespmem:$0x19E00] =	vst v63  }
0x388: {  	s21 =	smov.u32 s18;
	s16 =	smov.u32 s19;
	p0 =	sne.s32 s18, $0x7E00  }
.Ltmp18:
0x389: {  	s18 =	sadd.s32 $0x200, s18;
	(pc) =	sbr.rel @p0 .LBB2_38-.Ltmp18, $2  }
0x38a: {  	_ =	sdelay $0x2  }
0x38b: {  	s19 =	sadd.s32 $0x88, s19;
	s21 =	sadd.s32 s21, s12  }
0x38c: {  	[hbm4b:s21+s2] =	stream.linear.scatter [tilespmem:s16], [sflag:$0x5], $0x80, $0x38;
	[tilespmem:$0x19E00] =	vst v63  }
0x38d: {  	s19 =	simm.s32 $0x2  }
0x38e: {  	_ =	swait.ge [sflag:s19], $0x2000  }
0x38f: {  	[sflag:s19] =	ssyncset.done $0x0  }
0x390: {  	[sflag:s19] =	ssyncadd.s32 $0xFFFFE000  }
0x391: {  	_ =	swait.ge [sflag:s23], $0x2000  }
0x392: {  	[sflag:s23] =	ssyncset.done $0x0  }
0x393: {  	[sflag:s23] =	ssyncadd.s32 $0xFFFFE000  }
0x394: {  	s18 =	simm.s32 $0xB6F0;
	s21 =	simm.s32 $0x3;
	v9 =	vld [tilespmem:$0x9540]  }
0x395: {  	v4 =	vmov s21;
	v7 =	vld [tilespmem:s18+$0xFFFFFFD0]  }
0x396: {  	v13 =	vand.u32 $0x7F, v4  }
0x397: {  	s22 =	simm.s32 $0x0;
	v8 =	vadd.s32 v0, v13;
	v6 =	vld [tilespmem:$0x9550]  }
0x398: {  	s24 =	simm.s32 $0x1;
	v4 =	vmov s22;
	s19 =	simm.s32 $0x2;
	v10 =	vld [tilespmem:s18+$0xFFFFFF10]  }
0x399: {  	v12 =	vand.u32 $0x7C, v4;
	v4 =	vmov s24;
	v14 =	vmov s19;
	v11 =	vld [tilespmem:s18+$0xFFFFFF50]  }
0x39a: {  	v15 =	vadd.s32 v0, v12;
	v19 =	vand.u32 $0x7D, v4;
	v16 =	vld [tilespmem:s18+$0xFFFFFF90];
	v7 =	vadd.f32 v7, v9  }
0x39b: {  	v17 =	vadd.s32 v0, v19;
	v20 =	vand.u32 $0x7E, v14;
	v5 =	vld [tilespmem:$0x9560]  }
0x39c: {  	v14 =	vadd.s32 v0, v20;
	v4 =	vld [tilespmem:$0x9570];
	[tilespmem:v8+s1+$0x0] =	vst.idx.msk $0xffff, v7  }
0x39d: {  	v7 =	vadd.f32 v10, v9;
	v8 =	vld [tilespmem:s18+$0xFFFFFFE0]  }
0x39e: {  	v10 =	vadd.f32 v11, v9  }
0x39f: {  	v11 =	vadd.s32 v1, v13;
	[tilespmem:v15+s1+$0x0] =	vst.idx.msk $0xffff, v7;
	v7 =	vadd.f32 v16, v9  }
0x3a0: {  	[tilespmem:v17+s1+$0x0] =	vst.idx.msk $0xffff, v10;
	v15 =	vld [tilespmem:s18+$0xFFFFFF20]  }
0x3a1: {  	v10 =	vld [tilespmem:s18+$0xFFFFFF60];
	[tilespmem:v14+s1+$0x0] =	vst.idx.msk $0xffff, v7  }
0x3a2: {  	v14 =	vld [tilespmem:s18+$0xFFFFFFA0];
	v7 =	vadd.f32 v8, v6  }
0x3a3: {  	s26 =	simm.s32 $0x7;
	s16 =	simm.s32 $0xB7F0;
	v16 =	vadd.s32 v1, v19  }
0x3a4: {  	s25 =	simm.s32 $0x4;
	v26 =	vadd.s32 v2, v13;
	v18 =	vld [tilespmem:s16+$0xFFFFFFD0];
	v17 =	vadd.s32 v1, v20;
	[tilespmem:v11+s1+$0x0] =	vst.idx.msk $0xffff, v7;
	v7 =	vmov s26  }
0x3a5: {  	v21 =	vadd.s32 v1, v12;
	v8 =	vmov s25;
	v7 =	vand.u32 $0x7F, v7;
	v22 =	vld [tilespmem:s18+$0xFFFFFFF0]  }
0x3a6: {  	s28 =	simm.s32 $0x5;
	v23 =	vld [tilespmem:s16+$0xFFFFFF10];
	v8 =	vand.u32 $0x7C, v8;
	v10 =	vadd.f32 v10, v6;
	v24 =	vadd.s32 v0, v7  }
0x3a7: {  	s31 =	simm.s32 $0x6;
	v25 =	vld [tilespmem:s16+$0xFFFFFF50];
	v15 =	vadd.f32 v15, v6;
	v11 =	vadd.f32 v14, v6;
	v14 =	vmov s28  }
0x3a8: {  	v27 =	vadd.s32 v0, v8;
	[tilespmem:v16+s1+$0x0] =	vst.idx.msk $0xffff, v10;
	v16 =	vmov s31;
	v10 =	vand.u32 $0x7D, v14;
	v14 =	vld [tilespmem:s16+$0xFFFFFF90]  }
0x3a9: {  	[tilespmem:v17+s1+$0x0] =	vst.idx.msk $0xffff, v11;
	v17 =	vadd.s32 v0, v10;
	v11 =	vand.u32 $0x7E, v16;
	v16 =	vadd.f32 v18, v9;
	v18 =	vld [tilespmem:s18+$0xFFFFFF70]  }
0x3aa: {  	[tilespmem:v21+s1+$0x0] =	vst.idx.msk $0xffff, v15;
	v15 =	vadd.s32 v0, v11;
	v21 =	vld [tilespmem:s18+$0xFFFFFFB0];
	v22 =	vadd.f32 v22, v5  }
0x3ab: {  	v23 =	vadd.f32 v23, v9;
	[tilespmem:v24+s1+$0x0] =	vst.idx.msk $0xffff, v16;
	v16 =	vld [tilespmem:s18+$0xFFFFFF30];
	v24 =	vadd.s32 v2, v19  }
0x3ac: {  	v29 =	vadd.s32 v2, v20;
	v25 =	vadd.f32 v25, v9;
	v28 =	vld [tilespmem:s16+$0xFFFFFFE0];
	[tilespmem:v26+s1+$0x0] =	vst.idx.msk $0xffff, v22  }
0x3ad: {  	[tilespmem:v27+s1+$0x0] =	vst.idx.msk $0xffff, v23;
	v23 =	vadd.s32 v2, v12;
	v14 =	vadd.f32 v14, v9;
	v26 =	vld [tilespmem:s18+$0x0]  }
0x3ae: {  	v27 =	vld [tilespmem:s16+$0xFFFFFF20];
	[tilespmem:v17+s1+$0x0] =	vst.idx.msk $0xffff, v25;
	v25 =	vadd.s32 v1, v7;
	v18 =	vadd.f32 v18, v5  }
0x3af: {  	v31 =	vadd.s32 v3, v13;
	v30 =	vld [tilespmem:s16+$0xFFFFFF60];
	[tilespmem:v15+s1+$0x0] =	vst.idx.msk $0xffff, v14;
	v14 =	vadd.f32 v21, v5  }
0x3b0: {  	v22 =	vadd.s32 v1, v8;
	v17 =	vld [tilespmem:s16+$0xFFFFFFA0];
	v13 =	vadd.f32 v16, v5;
	[tilespmem:v24+s1+$0x0] =	vst.idx.msk $0xffff, v18  }
0x3b1: {  	s21 =	simm.s32 $0x8;
	v21 =	vadd.s32 v1, v10;
	[tilespmem:v29+s1+$0x0] =	vst.idx.msk $0xffff, v14;
	v18 =	vadd.f32 v28, v6;
	v16 =	vld [tilespmem:s18+$0xFFFFFF80]  }
0x3b2: {  	v24 =	vmov s21;
	v14 =	vadd.s32 v1, v11;
	v15 =	vld [tilespmem:s18+$0xFFFFFFC0];
	[tilespmem:v23+s1+$0x0] =	vst.idx.msk $0xffff, v13;
	v63 =	vadd.f32 v26, v4  }
0x3b3: {  	s22 =	simm.s32 $0xB;
	s19 =	simm.s32 $0xB8F0;
	v19 =	vadd.s32 v3, v19;
	v13 =	vand.u32 $0x7C, v24;
	v24 =	vadd.f32 v27, v6;
	[tilespmem:v25+s1+$0x0] =	vst.idx.msk $0xffff, v18;
	v18 =	vld [tilespmem:s18+$0xFFFFFF40]  }
0x3b4: {  	v20 =	vadd.s32 v3, v20;
	v26 =	vmov s22;
	v23 =	vld [tilespmem:s19+$0xFFFFFFD0];
	s18 =	simm.s32 $0xC;
	v25 =	vadd.f32 v30, v6;
	[tilespmem:v31+s1+$0x0] =	vst.idx.msk $0xffff, v63  }
.LBB2_40:
0x3b5: {  	p0 =	slt.u32 s18, $0x7C;
	s22 =	sadd.s32 $0x1, s21;
	v26 =	vand.u32 $0x7F, v26;
	[tilespmem:v22+s1+$0x0] =	vst.idx.msk $0xffff, v24;
	v17 =	vadd.f32 v17, v6;
	v22 =	vld [tilespmem:s16+$0xFFFFFFF0];
	v24 =	vadd.s32 v3, v12  }
0x3b6: {  	v30 =	vmovc v11;
	v27 =	vld [tilespmem:s19+$0xFFFFFF10];
	v28 =	vmov s22;
	s22 =	sadd.s32 $0x2, s21;
	v29 =	vadd.s32 v0, v26;
	[tilespmem:v21+s1+$0x0] =	vst.idx.msk $0xffff, v25;
	v16 =	vadd.f32 v16, v4;
	s21 =	smov.u32 s18  }
0x3b7: {  	v12 =	vmovc v8;
	v21 =	vld [tilespmem:s19+$0xFFFFFF50];
	v11 =	vmov s22;
	[tilespmem:v14+s1+$0x0] =	vst.idx.msk $0xffff, v17;
	v14 =	vadd.s32 v2, v7;
	v15 =	vadd.f32 v15, v4  }
0x3b8: {  	v17 =	vadd.s32 v0, v13;
	v28 =	vand.u32 $0x7D, v28;
	v25 =	vld [tilespmem:s19+$0xFFFFFF90];
	v31 =	vadd.f32 v18, v4;
	[tilespmem:v19+s1+$0x0] =	vst.idx.msk $0xffff, v16  }
0x3b9: {  	v16 =	vadd.s32 v0, v28;
	v11 =	vand.u32 $0x7E, v11;
	v18 =	vadd.f32 v23, v9;
	v19 =	vld [tilespmem:s16+$0xFFFFFF70];
	[tilespmem:v20+s1+$0x0] =	vst.idx.msk $0xffff, v15  }
0x3ba: {  	v8 =	vmov v13;
	v15 =	vadd.s32 v0, v11;
	v20 =	vld [tilespmem:s16+$0xFFFFFFB0];
	v22 =	vadd.f32 v22, v5;
	[tilespmem:v24+s1+$0x0] =	vst.idx.msk $0xffff, v31  }
0x3bb: {  	v23 =	vadd.s32 v2, v10;
	v13 =	vadd.f32 v27, v9;
	[tilespmem:v29+s1+$0x0] =	vst.idx.msk $0xffff, v18;
	v18 =	vld [tilespmem:s16+$0xFFFFFF30]  }
0x3bc: {  	v27 =	vadd.s32 v2, v30;
	v21 =	vadd.f32 v21, v9;
	v24 =	vld [tilespmem:s19+$0xFFFFFFE0];
	[tilespmem:v14+s1+$0x0] =	vst.idx.msk $0xffff, v22  }
0x3bd: {  	[tilespmem:v17+s1+$0x0] =	vst.idx.msk $0xffff, v13;
	v13 =	vadd.f32 v25, v9;
	v25 =	vadd.s32 v2, v12;
	v29 =	vld [tilespmem:s16+$0x0]  }
0x3be: {  	v32 =	vadd.s32 v1, v26;
	v31 =	vld [tilespmem:s19+$0xFFFFFF20];
	[tilespmem:v16+s1+$0x0] =	vst.idx.msk $0xffff, v21;
	v14 =	vadd.f32 v19, v5  }
0x3bf: {  	v34 =	vadd.s32 v3, v7;
	v7 =	vmov v26;
	v33 =	vld [tilespmem:s19+$0xFFFFFF60];
	[tilespmem:v15+s1+$0x0] =	vst.idx.msk $0xffff, v13;
	v13 =	vadd.f32 v20, v5  }
.Ltmp19:
0x3c0: {  	v22 =	vadd.s32 v1, v8;
	v17 =	vld [tilespmem:s19+$0xFFFFFFA0];
	v15 =	vadd.f32 v18, v5;
	[tilespmem:v23+s1+$0x0] =	vst.idx.msk $0xffff, v14;
	(pc) =	sbr.rel @p0 .LBB2_40-.Ltmp19, $4  }
0x3c1: {  	v21 =	vadd.s32 v1, v28;
	v18 =	vadd.f32 v24, v6;
	v16 =	vld [tilespmem:s16+$0xFFFFFF80];
	[tilespmem:v27+s1+$0x0] =	vst.idx.msk $0xffff, v13  }
0x3c2: {  	v14 =	vadd.s32 v1, v11;
	v13 =	vmov s18;
	[tilespmem:v25+s1+$0x0] =	vst.idx.msk $0xffff, v15;
	v15 =	vld [tilespmem:s16+$0xFFFFFFC0];
	v27 =	vadd.f32 v29, v4  }
0x3c3: {  	s22 =	sadd.s32 $0x3, s18;
	v19 =	vadd.s32 v3, v10;
	v13 =	vand.u32 $0x7C, v13;
	v24 =	vadd.f32 v31, v6;
	[tilespmem:v32+s1+$0x0] =	vst.idx.msk $0xffff, v18;
	v18 =	vld [tilespmem:s16+$0xFFFFFF40];
	s16 =	smov.u32 s19;
	s19 =	sadd.s32 $0x100, s19  }
0x3c4: {  	v26 =	vmov s22;
	v10 =	vmovc v28;
	v20 =	vadd.s32 v3, v30;
	s18 =	sadd.s32 $0x4, s18;
	v23 =	vld [tilespmem:s19+$0xFFFFFFD0];
	v25 =	vadd.f32 v33, v6;
	[tilespmem:v34+s1+$0x0] =	vst.idx.msk $0xffff, v27  }
0x3c5: {  	s18 =	sadd.s32 $0x1, s21  }
0x3c6: {  	v26 =	vand.u32 $0x7F, v26;
	s31 =	sadd.s32 $0x2, s21;
	v28 =	vld [tilespmem:s19+$0xFFFFFF50];
	v27 =	vmov s18  }
0x3c7: {  	v31 =	vld [tilespmem:s19+$0xFFFFFF90];
	v29 =	vadd.s32 v0, v26;
	v30 =	vmov s31;
	v27 =	vand.u32 $0x7D, v27  }
0x3c8: {  	v32 =	vld [tilespmem:s19+$0xFFFFFF10];
	v30 =	vand.u32 $0x7E, v30;
	v33 =	vadd.s32 v0, v27  }
0x3c9: {  	v34 =	vadd.s32 v0, v30  }
0x3ca: {  	[tilespmem:v22+s1+$0x0] =	vst.idx.msk $0xffff, v24;
	v44 =	vadd.s32 v0, v13;
	v23 =	vadd.f32 v23, v9  }
0x3cb: {  	[tilespmem:v21+s1+$0x0] =	vst.idx.msk $0xffff, v25;
	v45 =	vadd.f32 v28, v9  }
0x3cc: {  	v46 =	vadd.f32 v31, v9;
	[tilespmem:v29+s1+$0x0] =	vst.idx.msk $0xffff, v23  }
0x3cd: {  	v47 =	vadd.f32 v32, v9;
	v48 =	vld [tilespmem:s19+$0xFFFFFFE0];
	[tilespmem:v33+s1+$0x0] =	vst.idx.msk $0xffff, v45  }
0x3ce: {  	v17 =	vadd.f32 v17, v6;
	v12 =	vadd.s32 v3, v12;
	[tilespmem:v34+s1+$0x0] =	vst.idx.msk $0xffff, v46;
	v21 =	vld [tilespmem:s19+$0xFFFFFF60]  }
0x3cf: {  	v16 =	vadd.f32 v16, v4;
	v49 =	vadd.s32 v1, v26;
	[tilespmem:v44+s1+$0x0] =	vst.idx.msk $0xffff, v47;
	v50 =	vld [tilespmem:s19+$0xFFFFFFA0]  }
0x3d0: {  	[tilespmem:v14+s1+$0x0] =	vst.idx.msk $0xffff, v17;
	v51 =	vadd.f32 v15, v4;
	v53 =	vadd.s32 v1, v27;
	v52 =	vld [tilespmem:s19+$0xFFFFFF20]  }
0x3d1: {  	v54 =	vld [tilespmem:s16+$0xFFFFFFF0];
	v18 =	vadd.f32 v18, v4;
	[tilespmem:v19+s1+$0x0] =	vst.idx.msk $0xffff, v16;
	v55 =	vadd.s32 v1, v30  }
0x3d2: {  	v57 =	vadd.s32 v1, v13;
	v60 =	vld [tilespmem:s16+$0xFFFFFFB0];
	[tilespmem:v20+s1+$0x0] =	vst.idx.msk $0xffff, v51;
	v58 =	vadd.f32 v48, v6  }
0x3d3: {  	v59 =	vadd.s32 v2, v7;
	v56 =	vld [tilespmem:s16+$0xFFFFFF70];
	[tilespmem:v12+s1+$0x0] =	vst.idx.msk $0xffff, v18;
	v61 =	vadd.f32 v21, v6  }
0x3d4: {  	v62 =	vld [tilespmem:s16+$0xFFFFFF30];
	v29 =	vadd.s32 v2, v11;
	[tilespmem:v49+s1+$0x0] =	vst.idx.msk $0xffff, v58;
	v28 =	vadd.f32 v50, v6  }
0x3d5: {  	v63 =	vadd.s32 v2, v10;
	v31 =	vadd.f32 v52, v6;
	v32 =	vld [tilespmem:s19+$0xFFFFFFF0];
	[tilespmem:v53+s1+$0x0] =	vst.idx.msk $0xffff, v61  }
0x3d6: {  	v33 =	vadd.f32 v54, v5;
	v34 =	vadd.s32 v2, v8;
	[tilespmem:v55+s1+$0x0] =	vst.idx.msk $0xffff, v28;
	v35 =	vld [tilespmem:s19+$0xFFFFFF70]  }
0x3d7: {  	v37 =	vadd.s32 v2, v26;
	v39 =	vadd.f32 v60, v5;
	[tilespmem:v57+s1+$0x0] =	vst.idx.msk $0xffff, v31;
	v38 =	vld [tilespmem:s19+$0xFFFFFFB0]  }
0x3d8: {  	v41 =	vadd.s32 v2, v27;
	v36 =	vadd.f32 v56, v5;
	[tilespmem:v59+s1+$0x0] =	vst.idx.msk $0xffff, v33;
	v40 =	vld [tilespmem:s19+$0xFFFFFF30]  }
0x3d9: {  	v43 =	vadd.s32 v2, v30;
	v18 =	vadd.f32 v62, v5;
	v42 =	vld [tilespmem:s16+$0x0];
	[tilespmem:v29+s1+$0x0] =	vst.idx.msk $0xffff, v39  }
0x3da: {  	v45 =	vadd.s32 v2, v13;
	[tilespmem:v63+s1+$0x0] =	vst.idx.msk $0xffff, v36;
	v47 =	vld [tilespmem:s16+$0xFFFFFFC0];
	v44 =	vadd.f32 v32, v5  }
0x3db: {  	v46 =	vadd.s32 v3, v7;
	[tilespmem:v34+s1+$0x0] =	vst.idx.msk $0xffff, v18;
	v21 =	vld [tilespmem:s16+$0xFFFFFF80];
	v9 =	vadd.f32 v35, v5  }
0x3dc: {  	v18 =	vld [tilespmem:s16+$0xFFFFFF40];
	v50 =	vadd.s32 v3, v11;
	[tilespmem:v37+s1+$0x0] =	vst.idx.msk $0xffff, v44;
	v49 =	vadd.f32 v38, v5  }
0x3dd: {  	v48 =	vadd.s32 v3, v10;
	v5 =	vadd.f32 v40, v5;
	v12 =	vld [tilespmem:s19+$0x0];
	[tilespmem:v41+s1+$0x0] =	vst.idx.msk $0xffff, v9  }
0x3de: {  	v52 =	vadd.s32 v3, v8;
	v51 =	vadd.f32 v42, v4;
	[tilespmem:v43+s1+$0x0] =	vst.idx.msk $0xffff, v49;
	v53 =	vld [tilespmem:s19+$0xFFFFFF80]  }
0x3df: {  	v55 =	vadd.s32 v3, v26;
	v56 =	vadd.f32 v47, v4;
	[tilespmem:v45+s1+$0x0] =	vst.idx.msk $0xffff, v5;
	v5 =	vld [tilespmem:s19+$0xFFFFFFC0]  }
0x3e0: {  	v58 =	vadd.s32 v3, v27;
	[tilespmem:v46+s1+$0x0] =	vst.idx.msk $0xffff, v51;
	v54 =	vadd.f32 v21, v4;
	v57 =	vld [tilespmem:s19+$0xFFFFFF40]  }
0x3e1: {  	v60 =	vadd.s32 v3, v30;
	v59 =	vadd.f32 v18, v4;
	[tilespmem:v50+s1+$0x0] =	vst.idx.msk $0xffff, v56  }
0x3e2: {  	v62 =	vadd.s32 v3, v13;
	[tilespmem:v48+s1+$0x0] =	vst.idx.msk $0xffff, v54;
	v61 =	vadd.f32 v12, v4  }
0x3e3: {  	[tilespmem:v52+s1+$0x0] =	vst.idx.msk $0xffff, v59;
	v63 =	vadd.f32 v53, v4  }
0x3e4: {  	[tilespmem:v55+s1+$0x0] =	vst.idx.msk $0xffff, v61;
	v5 =	vadd.f32 v5, v4  }
0x3e5: {  	v4 =	vadd.f32 v57, v4;
	[tilespmem:v58+s1+$0x0] =	vst.idx.msk $0xffff, v63  }
0x3e6: {  	s21 =	sadd.s32 $0x0, s13;
	[tilespmem:v60+s1+$0x0] =	vst.idx.msk $0xffff, v5  }
0x3e7: {  	s18 =	simm.s32 $0x200;
	s16 =	simm.s32 $0x13800;
	s19 =	simm.s32 $0x13888;
	[tilespmem:v62+s1+$0x0] =	vst.idx.msk $0xffff, v4  }
.LBB2_42:
0x3e8: {  	[hbm4b:s21+s2] =	stream.linear.scatter [tilespmem:s16], [sflag:$0x6], $0x80, $0x38;
	[tilespmem:$0x19E00] =	vst v63  }
0x3e9: {  	s21 =	smov.u32 s18;
	s16 =	smov.u32 s19;
	p0 =	sne.s32 s18, $0x7E00  }
.Ltmp20:
0x3ea: {  	s18 =	sadd.s32 $0x200, s18;
	(pc) =	sbr.rel @p0 .LBB2_42-.Ltmp20, $2  }
0x3eb: {  	_ =	sdelay $0x2  }
0x3ec: {  	s19 =	sadd.s32 $0x88, s19;
	s21 =	sadd.s32 s21, s13  }
0x3ed: {  	[hbm4b:s21+s2] =	stream.linear.scatter [tilespmem:s16], [sflag:$0x6], $0x80, $0x38;
	[tilespmem:$0x19E00] =	vst v63  }
0x3ee: {  	s19 =	simm.s32 $0x3  }
0x3ef: {  	_ =	swait.ge [sflag:s19], $0x2000  }
0x3f0: {  	[sflag:s19] =	ssyncset.done $0x0  }
0x3f1: {  	[sflag:s19] =	ssyncadd.s32 $0xFFFFE000  }
0x3f2: {  	_ =	swait.ge [sflag:s6], $0x2000  }
0x3f3: {  	[sflag:s6] =	ssyncset.done $0x0  }
0x3f4: {  	[sflag:s6] =	ssyncadd.s32 $0xFFFFE000  }
0x3f5: {  	s18 =	simm.s32 $0xD6F0;
	s21 =	simm.s32 $0x3;
	v9 =	vld [tilespmem:$0x9580]  }
0x3f6: {  	v4 =	vmov s21;
	v7 =	vld [tilespmem:s18+$0xFFFFFFD0]  }
0x3f7: {  	v13 =	vand.u32 $0x7F, v4  }
0x3f8: {  	s22 =	simm.s32 $0x0;
	v8 =	vadd.s32 v0, v13;
	v6 =	vld [tilespmem:$0x9590]  }
0x3f9: {  	s24 =	simm.s32 $0x1;
	v4 =	vmov s22;
	s19 =	simm.s32 $0x2;
	v10 =	vld [tilespmem:s18+$0xFFFFFF10]  }
0x3fa: {  	v12 =	vand.u32 $0x7C, v4;
	v4 =	vmov s24;
	v14 =	vmov s19;
	v11 =	vld [tilespmem:s18+$0xFFFFFF50]  }
0x3fb: {  	v15 =	vadd.s32 v0, v12;
	v19 =	vand.u32 $0x7D, v4;
	v16 =	vld [tilespmem:s18+$0xFFFFFF90];
	v7 =	vadd.f32 v7, v9  }
0x3fc: {  	v17 =	vadd.s32 v0, v19;
	v20 =	vand.u32 $0x7E, v14;
	v5 =	vld [tilespmem:$0x95A0]  }
0x3fd: {  	v14 =	vadd.s32 v0, v20;
	v4 =	vld [tilespmem:$0x95B0];
	[tilespmem:v8+s20+$0x0] =	vst.idx.msk $0xffff, v7  }
0x3fe: {  	v7 =	vadd.f32 v10, v9;
	v8 =	vld [tilespmem:s18+$0xFFFFFFE0]  }
0x3ff: {  	v10 =	vadd.f32 v11, v9  }
0x400: {  	v11 =	vadd.s32 v1, v13;
	[tilespmem:v15+s20+$0x0] =	vst.idx.msk $0xffff, v7;
	v7 =	vadd.f32 v16, v9  }
0x401: {  	[tilespmem:v17+s20+$0x0] =	vst.idx.msk $0xffff, v10;
	v15 =	vld [tilespmem:s18+$0xFFFFFF20]  }
0x402: {  	v10 =	vld [tilespmem:s18+$0xFFFFFF60];
	[tilespmem:v14+s20+$0x0] =	vst.idx.msk $0xffff, v7  }
0x403: {  	v14 =	vld [tilespmem:s18+$0xFFFFFFA0];
	v7 =	vadd.f32 v8, v6  }
0x404: {  	s26 =	simm.s32 $0x7;
	s16 =	simm.s32 $0xD7F0;
	v16 =	vadd.s32 v1, v19  }
0x405: {  	s25 =	simm.s32 $0x4;
	v26 =	vadd.s32 v2, v13;
	v18 =	vld [tilespmem:s16+$0xFFFFFFD0];
	v17 =	vadd.s32 v1, v20;
	[tilespmem:v11+s20+$0x0] =	vst.idx.msk $0xffff, v7;
	v7 =	vmov s26  }
0x406: {  	v21 =	vadd.s32 v1, v12;
	v8 =	vmov s25;
	v7 =	vand.u32 $0x7F, v7;
	v22 =	vld [tilespmem:s18+$0xFFFFFFF0]  }
0x407: {  	s28 =	simm.s32 $0x5;
	v23 =	vld [tilespmem:s16+$0xFFFFFF10];
	v8 =	vand.u32 $0x7C, v8;
	v10 =	vadd.f32 v10, v6;
	v24 =	vadd.s32 v0, v7  }
0x408: {  	s31 =	simm.s32 $0x6;
	v25 =	vld [tilespmem:s16+$0xFFFFFF50];
	v15 =	vadd.f32 v15, v6;
	v11 =	vadd.f32 v14, v6;
	v14 =	vmov s28  }
0x409: {  	v27 =	vadd.s32 v0, v8;
	[tilespmem:v16+s20+$0x0] =	vst.idx.msk $0xffff, v10;
	v16 =	vmov s31;
	v10 =	vand.u32 $0x7D, v14;
	v14 =	vld [tilespmem:s16+$0xFFFFFF90]  }
0x40a: {  	[tilespmem:v17+s20+$0x0] =	vst.idx.msk $0xffff, v11;
	v17 =	vadd.s32 v0, v10;
	v11 =	vand.u32 $0x7E, v16;
	v16 =	vadd.f32 v18, v9;
	v18 =	vld [tilespmem:s18+$0xFFFFFF70]  }
0x40b: {  	[tilespmem:v21+s20+$0x0] =	vst.idx.msk $0xffff, v15;
	v15 =	vadd.s32 v0, v11;
	v21 =	vld [tilespmem:s18+$0xFFFFFFB0];
	v22 =	vadd.f32 v22, v5  }
0x40c: {  	v23 =	vadd.f32 v23, v9;
	[tilespmem:v24+s20+$0x0] =	vst.idx.msk $0xffff, v16;
	v16 =	vld [tilespmem:s18+$0xFFFFFF30];
	v24 =	vadd.s32 v2, v19  }
0x40d: {  	v29 =	vadd.s32 v2, v20;
	v25 =	vadd.f32 v25, v9;
	v28 =	vld [tilespmem:s16+$0xFFFFFFE0];
	[tilespmem:v26+s20+$0x0] =	vst.idx.msk $0xffff, v22  }
0x40e: {  	[tilespmem:v27+s20+$0x0] =	vst.idx.msk $0xffff, v23;
	v23 =	vadd.s32 v2, v12;
	v14 =	vadd.f32 v14, v9;
	v26 =	vld [tilespmem:s18+$0x0]  }
0x40f: {  	v27 =	vld [tilespmem:s16+$0xFFFFFF20];
	[tilespmem:v17+s20+$0x0] =	vst.idx.msk $0xffff, v25;
	v25 =	vadd.s32 v1, v7;
	v18 =	vadd.f32 v18, v5  }
0x410: {  	v31 =	vadd.s32 v3, v13;
	v30 =	vld [tilespmem:s16+$0xFFFFFF60];
	[tilespmem:v15+s20+$0x0] =	vst.idx.msk $0xffff, v14;
	v14 =	vadd.f32 v21, v5  }
0x411: {  	v22 =	vadd.s32 v1, v8;
	v17 =	vld [tilespmem:s16+$0xFFFFFFA0];
	v13 =	vadd.f32 v16, v5;
	[tilespmem:v24+s20+$0x0] =	vst.idx.msk $0xffff, v18  }
0x412: {  	s21 =	simm.s32 $0x8;
	v21 =	vadd.s32 v1, v10;
	[tilespmem:v29+s20+$0x0] =	vst.idx.msk $0xffff, v14;
	v18 =	vadd.f32 v28, v6;
	v16 =	vld [tilespmem:s18+$0xFFFFFF80]  }
0x413: {  	v24 =	vmov s21;
	v14 =	vadd.s32 v1, v11;
	v15 =	vld [tilespmem:s18+$0xFFFFFFC0];
	[tilespmem:v23+s20+$0x0] =	vst.idx.msk $0xffff, v13;
	v63 =	vadd.f32 v26, v4  }
0x414: {  	s22 =	simm.s32 $0xB;
	s19 =	simm.s32 $0xD8F0;
	v19 =	vadd.s32 v3, v19;
	v13 =	vand.u32 $0x7C, v24;
	v24 =	vadd.f32 v27, v6;
	[tilespmem:v25+s20+$0x0] =	vst.idx.msk $0xffff, v18;
	v18 =	vld [tilespmem:s18+$0xFFFFFF40]  }
0x415: {  	v20 =	vadd.s32 v3, v20;
	v26 =	vmov s22;
	v23 =	vld [tilespmem:s19+$0xFFFFFFD0];
	s18 =	simm.s32 $0xC;
	v25 =	vadd.f32 v30, v6;
	[tilespmem:v31+s20+$0x0] =	vst.idx.msk $0xffff, v63  }
.LBB2_44:
0x416: {  	p0 =	slt.u32 s18, $0x7C;
	s22 =	sadd.s32 $0x1, s21;
	v26 =	vand.u32 $0x7F, v26;
	[tilespmem:v22+s20+$0x0] =	vst.idx.msk $0xffff, v24;
	v17 =	vadd.f32 v17, v6;
	v22 =	vld [tilespmem:s16+$0xFFFFFFF0];
	v24 =	vadd.s32 v3, v12  }
0x417: {  	v30 =	vmovc v11;
	v27 =	vld [tilespmem:s19+$0xFFFFFF10];
	v28 =	vmov s22;
	s22 =	sadd.s32 $0x2, s21;
	v29 =	vadd.s32 v0, v26;
	[tilespmem:v21+s20+$0x0] =	vst.idx.msk $0xffff, v25;
	v16 =	vadd.f32 v16, v4;
	s21 =	smov.u32 s18  }
0x418: {  	v12 =	vmovc v8;
	v21 =	vld [tilespmem:s19+$0xFFFFFF50];
	v11 =	vmov s22;
	[tilespmem:v14+s20+$0x0] =	vst.idx.msk $0xffff, v17;
	v14 =	vadd.s32 v2, v7;
	v15 =	vadd.f32 v15, v4  }
0x419: {  	v17 =	vadd.s32 v0, v13;
	v28 =	vand.u32 $0x7D, v28;
	v25 =	vld [tilespmem:s19+$0xFFFFFF90];
	v31 =	vadd.f32 v18, v4;
	[tilespmem:v19+s20+$0x0] =	vst.idx.msk $0xffff, v16  }
0x41a: {  	v16 =	vadd.s32 v0, v28;
	v11 =	vand.u32 $0x7E, v11;
	v18 =	vadd.f32 v23, v9;
	v19 =	vld [tilespmem:s16+$0xFFFFFF70];
	[tilespmem:v20+s20+$0x0] =	vst.idx.msk $0xffff, v15  }
0x41b: {  	v8 =	vmov v13;
	v15 =	vadd.s32 v0, v11;
	v20 =	vld [tilespmem:s16+$0xFFFFFFB0];
	v22 =	vadd.f32 v22, v5;
	[tilespmem:v24+s20+$0x0] =	vst.idx.msk $0xffff, v31  }
0x41c: {  	v23 =	vadd.s32 v2, v10;
	v13 =	vadd.f32 v27, v9;
	[tilespmem:v29+s20+$0x0] =	vst.idx.msk $0xffff, v18;
	v18 =	vld [tilespmem:s16+$0xFFFFFF30]  }
0x41d: {  	v27 =	vadd.s32 v2, v30;
	v21 =	vadd.f32 v21, v9;
	v24 =	vld [tilespmem:s19+$0xFFFFFFE0];
	[tilespmem:v14+s20+$0x0] =	vst.idx.msk $0xffff, v22  }
0x41e: {  	[tilespmem:v17+s20+$0x0] =	vst.idx.msk $0xffff, v13;
	v13 =	vadd.f32 v25, v9;
	v25 =	vadd.s32 v2, v12;
	v29 =	vld [tilespmem:s16+$0x0]  }
0x41f: {  	v32 =	vadd.s32 v1, v26;
	v31 =	vld [tilespmem:s19+$0xFFFFFF20];
	[tilespmem:v16+s20+$0x0] =	vst.idx.msk $0xffff, v21;
	v14 =	vadd.f32 v19, v5  }
0x420: {  	v34 =	vadd.s32 v3, v7;
	v7 =	vmov v26;
	v33 =	vld [tilespmem:s19+$0xFFFFFF60];
	[tilespmem:v15+s20+$0x0] =	vst.idx.msk $0xffff, v13;
	v13 =	vadd.f32 v20, v5  }
.Ltmp21:
0x421: {  	v22 =	vadd.s32 v1, v8;
	v17 =	vld [tilespmem:s19+$0xFFFFFFA0];
	v15 =	vadd.f32 v18, v5;
	[tilespmem:v23+s20+$0x0] =	vst.idx.msk $0xffff, v14;
	(pc) =	sbr.rel @p0 .LBB2_44-.Ltmp21, $4  }
0x422: {  	v21 =	vadd.s32 v1, v28;
	v18 =	vadd.f32 v24, v6;
	v16 =	vld [tilespmem:s16+$0xFFFFFF80];
	[tilespmem:v27+s20+$0x0] =	vst.idx.msk $0xffff, v13  }
0x423: {  	v14 =	vadd.s32 v1, v11;
	v13 =	vmov s18;
	[tilespmem:v25+s20+$0x0] =	vst.idx.msk $0xffff, v15;
	v15 =	vld [tilespmem:s16+$0xFFFFFFC0];
	v27 =	vadd.f32 v29, v4  }
0x424: {  	s22 =	sadd.s32 $0x3, s18;
	v19 =	vadd.s32 v3, v10;
	v13 =	vand.u32 $0x7C, v13;
	v24 =	vadd.f32 v31, v6;
	[tilespmem:v32+s20+$0x0] =	vst.idx.msk $0xffff, v18;
	v18 =	vld [tilespmem:s16+$0xFFFFFF40];
	s16 =	smov.u32 s19;
	s19 =	sadd.s32 $0x100, s19  }
0x425: {  	v26 =	vmov s22;
	v10 =	vmovc v28;
	v20 =	vadd.s32 v3, v30;
	s18 =	sadd.s32 $0x4, s18;
	v23 =	vld [tilespmem:s19+$0xFFFFFFD0];
	v25 =	vadd.f32 v33, v6;
	[tilespmem:v34+s20+$0x0] =	vst.idx.msk $0xffff, v27  }
0x426: {  	s18 =	sadd.s32 $0x1, s21  }
0x427: {  	v26 =	vand.u32 $0x7F, v26;
	s31 =	sadd.s32 $0x2, s21;
	v28 =	vld [tilespmem:s19+$0xFFFFFF50];
	v27 =	vmov s18  }
0x428: {  	v31 =	vld [tilespmem:s19+$0xFFFFFF90];
	v29 =	vadd.s32 v0, v26;
	v30 =	vmov s31;
	v27 =	vand.u32 $0x7D, v27  }
0x429: {  	v32 =	vld [tilespmem:s19+$0xFFFFFF10];
	v30 =	vand.u32 $0x7E, v30;
	v33 =	vadd.s32 v0, v27  }
0x42a: {  	v34 =	vadd.s32 v0, v30  }
0x42b: {  	[tilespmem:v22+s20+$0x0] =	vst.idx.msk $0xffff, v24;
	v44 =	vadd.s32 v0, v13;
	v23 =	vadd.f32 v23, v9  }
0x42c: {  	[tilespmem:v21+s20+$0x0] =	vst.idx.msk $0xffff, v25;
	v45 =	vadd.f32 v28, v9  }
0x42d: {  	v46 =	vadd.f32 v31, v9;
	[tilespmem:v29+s20+$0x0] =	vst.idx.msk $0xffff, v23  }
0x42e: {  	v47 =	vadd.f32 v32, v9;
	v48 =	vld [tilespmem:s19+$0xFFFFFFE0];
	[tilespmem:v33+s20+$0x0] =	vst.idx.msk $0xffff, v45  }
0x42f: {  	v17 =	vadd.f32 v17, v6;
	v12 =	vadd.s32 v3, v12;
	[tilespmem:v34+s20+$0x0] =	vst.idx.msk $0xffff, v46;
	v21 =	vld [tilespmem:s19+$0xFFFFFF60]  }
0x430: {  	v16 =	vadd.f32 v16, v4;
	v49 =	vadd.s32 v1, v26;
	[tilespmem:v44+s20+$0x0] =	vst.idx.msk $0xffff, v47;
	v50 =	vld [tilespmem:s19+$0xFFFFFFA0]  }
0x431: {  	[tilespmem:v14+s20+$0x0] =	vst.idx.msk $0xffff, v17;
	v51 =	vadd.f32 v15, v4;
	v53 =	vadd.s32 v1, v27;
	v52 =	vld [tilespmem:s19+$0xFFFFFF20]  }
0x432: {  	v54 =	vld [tilespmem:s16+$0xFFFFFFF0];
	v18 =	vadd.f32 v18, v4;
	[tilespmem:v19+s20+$0x0] =	vst.idx.msk $0xffff, v16;
	v55 =	vadd.s32 v1, v30  }
0x433: {  	v57 =	vadd.s32 v1, v13;
	v60 =	vld [tilespmem:s16+$0xFFFFFFB0];
	[tilespmem:v20+s20+$0x0] =	vst.idx.msk $0xffff, v51;
	v58 =	vadd.f32 v48, v6  }
0x434: {  	v59 =	vadd.s32 v2, v7;
	v56 =	vld [tilespmem:s16+$0xFFFFFF70];
	[tilespmem:v12+s20+$0x0] =	vst.idx.msk $0xffff, v18;
	v61 =	vadd.f32 v21, v6  }
0x435: {  	v62 =	vld [tilespmem:s16+$0xFFFFFF30];
	v29 =	vadd.s32 v2, v11;
	[tilespmem:v49+s20+$0x0] =	vst.idx.msk $0xffff, v58;
	v28 =	vadd.f32 v50, v6  }
0x436: {  	v63 =	vadd.s32 v2, v10;
	v31 =	vadd.f32 v52, v6;
	v32 =	vld [tilespmem:s19+$0xFFFFFFF0];
	[tilespmem:v53+s20+$0x0] =	vst.idx.msk $0xffff, v61  }
0x437: {  	v33 =	vadd.f32 v54, v5;
	v34 =	vadd.s32 v2, v8;
	[tilespmem:v55+s20+$0x0] =	vst.idx.msk $0xffff, v28;
	v35 =	vld [tilespmem:s19+$0xFFFFFF70]  }
0x438: {  	v37 =	vadd.s32 v2, v26;
	v39 =	vadd.f32 v60, v5;
	[tilespmem:v57+s20+$0x0] =	vst.idx.msk $0xffff, v31;
	v38 =	vld [tilespmem:s19+$0xFFFFFFB0]  }
0x439: {  	v41 =	vadd.s32 v2, v27;
	v36 =	vadd.f32 v56, v5;
	[tilespmem:v59+s20+$0x0] =	vst.idx.msk $0xffff, v33;
	v40 =	vld [tilespmem:s19+$0xFFFFFF30]  }
0x43a: {  	v43 =	vadd.s32 v2, v30;
	v18 =	vadd.f32 v62, v5;
	v42 =	vld [tilespmem:s16+$0x0];
	[tilespmem:v29+s20+$0x0] =	vst.idx.msk $0xffff, v39  }
0x43b: {  	v45 =	vadd.s32 v2, v13;
	[tilespmem:v63+s20+$0x0] =	vst.idx.msk $0xffff, v36;
	v47 =	vld [tilespmem:s16+$0xFFFFFFC0];
	v44 =	vadd.f32 v32, v5  }
0x43c: {  	v46 =	vadd.s32 v3, v7;
	[tilespmem:v34+s20+$0x0] =	vst.idx.msk $0xffff, v18;
	v21 =	vld [tilespmem:s16+$0xFFFFFF80];
	v9 =	vadd.f32 v35, v5  }
0x43d: {  	v18 =	vld [tilespmem:s16+$0xFFFFFF40];
	v50 =	vadd.s32 v3, v11;
	[tilespmem:v37+s20+$0x0] =	vst.idx.msk $0xffff, v44;
	v49 =	vadd.f32 v38, v5  }
0x43e: {  	v48 =	vadd.s32 v3, v10;
	v5 =	vadd.f32 v40, v5;
	v12 =	vld [tilespmem:s19+$0x0];
	[tilespmem:v41+s20+$0x0] =	vst.idx.msk $0xffff, v9  }
0x43f: {  	v52 =	vadd.s32 v3, v8;
	v51 =	vadd.f32 v42, v4;
	[tilespmem:v43+s20+$0x0] =	vst.idx.msk $0xffff, v49;
	v53 =	vld [tilespmem:s19+$0xFFFFFF80]  }
0x440: {  	v55 =	vadd.s32 v3, v26;
	v56 =	vadd.f32 v47, v4;
	[tilespmem:v45+s20+$0x0] =	vst.idx.msk $0xffff, v5;
	v5 =	vld [tilespmem:s19+$0xFFFFFFC0]  }
0x441: {  	v58 =	vadd.s32 v3, v27;
	[tilespmem:v46+s20+$0x0] =	vst.idx.msk $0xffff, v51;
	v54 =	vadd.f32 v21, v4;
	v57 =	vld [tilespmem:s19+$0xFFFFFF40]  }
0x442: {  	v60 =	vadd.s32 v3, v30;
	v59 =	vadd.f32 v18, v4;
	[tilespmem:v50+s20+$0x0] =	vst.idx.msk $0xffff, v56  }
0x443: {  	v62 =	vadd.s32 v3, v13;
	[tilespmem:v48+s20+$0x0] =	vst.idx.msk $0xffff, v54;
	v61 =	vadd.f32 v12, v4  }
0x444: {  	[tilespmem:v52+s20+$0x0] =	vst.idx.msk $0xffff, v59;
	v63 =	vadd.f32 v53, v4  }
0x445: {  	[tilespmem:v55+s20+$0x0] =	vst.idx.msk $0xffff, v61;
	v5 =	vadd.f32 v5, v4  }
0x446: {  	v4 =	vadd.f32 v57, v4;
	[tilespmem:v58+s20+$0x0] =	vst.idx.msk $0xffff, v63  }
0x447: {  	s21 =	sadd.s32 $0x0, s14;
	[tilespmem:v60+s20+$0x0] =	vst.idx.msk $0xffff, v5  }
0x448: {  	s18 =	simm.s32 $0x200;
	s16 =	simm.s32 $0x15A00;
	s19 =	simm.s32 $0x15A88;
	[tilespmem:v62+s20+$0x0] =	vst.idx.msk $0xffff, v4  }
.LBB2_46:
0x449: {  	[hbm4b:s21+s2] =	stream.linear.scatter [tilespmem:s16], [sflag:$0x7], $0x80, $0x38;
	[tilespmem:$0x19E00] =	vst v63  }
0x44a: {  	s21 =	smov.u32 s18;
	s16 =	smov.u32 s19;
	p0 =	sne.s32 s18, $0x7E00  }
.Ltmp22:
0x44b: {  	s18 =	sadd.s32 $0x200, s18;
	(pc) =	sbr.rel @p0 .LBB2_46-.Ltmp22, $2  }
0x44c: {  	_ =	sdelay $0x2  }
0x44d: {  	s19 =	sadd.s32 $0x88, s19;
	s21 =	sadd.s32 s21, s14  }
0x44e: {  	[hbm4b:s21+s2] =	stream.linear.scatter [tilespmem:s16], [sflag:$0x7], $0x80, $0x38;
	[tilespmem:$0x19E00] =	vst v63  }
0x44f: {  	s19 =	simm.s32 $0x4  }
0x450: {  	_ =	swait.ge [sflag:s19], $0x2000  }
0x451: {  	[sflag:s19] =	ssyncset.done $0x0  }
0x452: {  	[sflag:s19] =	ssyncadd.s32 $0xFFFFE000  }
0x453: {  	_ =	swait.ge [sflag:s8], $0x2000  }
0x454: {  	[sflag:s8] =	ssyncset.done $0x0  }
0x455: {  	[sflag:s8] =	ssyncadd.s32 $0xFFFFE000  }
0x456: {  	s18 =	simm.s32 $0xF6F0;
	s21 =	simm.s32 $0x3;
	v9 =	vld [tilespmem:$0x95C0]  }
0x457: {  	v4 =	vmov s21;
	v7 =	vld [tilespmem:s18+$0xFFFFFFD0]  }
0x458: {  	v13 =	vand.u32 $0x7F, v4  }
0x459: {  	s22 =	simm.s32 $0x0;
	v8 =	vadd.s32 v0, v13;
	v6 =	vld [tilespmem:$0x95D0]  }
0x45a: {  	s24 =	simm.s32 $0x1;
	v4 =	vmov s22;
	s19 =	simm.s32 $0x2;
	v10 =	vld [tilespmem:s18+$0xFFFFFF10]  }
0x45b: {  	v12 =	vand.u32 $0x7C, v4;
	v4 =	vmov s24;
	v14 =	vmov s19;
	v11 =	vld [tilespmem:s18+$0xFFFFFF50]  }
0x45c: {  	v15 =	vadd.s32 v0, v12;
	v19 =	vand.u32 $0x7D, v4;
	v16 =	vld [tilespmem:s18+$0xFFFFFF90];
	v7 =	vadd.f32 v7, v9  }
0x45d: {  	v17 =	vadd.s32 v0, v19;
	v20 =	vand.u32 $0x7E, v14;
	v5 =	vld [tilespmem:$0x95E0]  }
0x45e: {  	v14 =	vadd.s32 v0, v20;
	v4 =	vld [tilespmem:$0x95F0];
	[tilespmem:v8+s30+$0x0] =	vst.idx.msk $0xffff, v7  }
0x45f: {  	v7 =	vadd.f32 v10, v9;
	v8 =	vld [tilespmem:s18+$0xFFFFFFE0]  }
0x460: {  	v10 =	vadd.f32 v11, v9  }
0x461: {  	v11 =	vadd.s32 v1, v13;
	[tilespmem:v15+s30+$0x0] =	vst.idx.msk $0xffff, v7;
	v7 =	vadd.f32 v16, v9  }
0x462: {  	[tilespmem:v17+s30+$0x0] =	vst.idx.msk $0xffff, v10;
	v15 =	vld [tilespmem:s18+$0xFFFFFF20]  }
0x463: {  	v10 =	vld [tilespmem:s18+$0xFFFFFF60];
	[tilespmem:v14+s30+$0x0] =	vst.idx.msk $0xffff, v7  }
0x464: {  	v14 =	vld [tilespmem:s18+$0xFFFFFFA0];
	v7 =	vadd.f32 v8, v6  }
0x465: {  	s26 =	simm.s32 $0x7;
	s16 =	simm.s32 $0xF7F0;
	v16 =	vadd.s32 v1, v19  }
0x466: {  	s25 =	simm.s32 $0x4;
	v26 =	vadd.s32 v2, v13;
	v18 =	vld [tilespmem:s16+$0xFFFFFFD0];
	v17 =	vadd.s32 v1, v20;
	[tilespmem:v11+s30+$0x0] =	vst.idx.msk $0xffff, v7;
	v7 =	vmov s26  }
0x467: {  	v21 =	vadd.s32 v1, v12;
	v8 =	vmov s25;
	v7 =	vand.u32 $0x7F, v7;
	v22 =	vld [tilespmem:s18+$0xFFFFFFF0]  }
0x468: {  	s28 =	simm.s32 $0x5;
	v23 =	vld [tilespmem:s16+$0xFFFFFF10];
	v8 =	vand.u32 $0x7C, v8;
	v10 =	vadd.f32 v10, v6;
	v24 =	vadd.s32 v0, v7  }
0x469: {  	s31 =	simm.s32 $0x6;
	v25 =	vld [tilespmem:s16+$0xFFFFFF50];
	v15 =	vadd.f32 v15, v6;
	v11 =	vadd.f32 v14, v6;
	v14 =	vmov s28  }
0x46a: {  	v27 =	vadd.s32 v0, v8;
	[tilespmem:v16+s30+$0x0] =	vst.idx.msk $0xffff, v10;
	v16 =	vmov s31;
	v10 =	vand.u32 $0x7D, v14;
	v14 =	vld [tilespmem:s16+$0xFFFFFF90]  }
0x46b: {  	[tilespmem:v17+s30+$0x0] =	vst.idx.msk $0xffff, v11;
	v17 =	vadd.s32 v0, v10;
	v11 =	vand.u32 $0x7E, v16;
	v16 =	vadd.f32 v18, v9;
	v18 =	vld [tilespmem:s18+$0xFFFFFF70]  }
0x46c: {  	[tilespmem:v21+s30+$0x0] =	vst.idx.msk $0xffff, v15;
	v15 =	vadd.s32 v0, v11;
	v21 =	vld [tilespmem:s18+$0xFFFFFFB0];
	v22 =	vadd.f32 v22, v5  }
0x46d: {  	v23 =	vadd.f32 v23, v9;
	[tilespmem:v24+s30+$0x0] =	vst.idx.msk $0xffff, v16;
	v16 =	vld [tilespmem:s18+$0xFFFFFF30];
	v24 =	vadd.s32 v2, v19  }
0x46e: {  	v29 =	vadd.s32 v2, v20;
	v25 =	vadd.f32 v25, v9;
	v28 =	vld [tilespmem:s16+$0xFFFFFFE0];
	[tilespmem:v26+s30+$0x0] =	vst.idx.msk $0xffff, v22  }
0x46f: {  	[tilespmem:v27+s30+$0x0] =	vst.idx.msk $0xffff, v23;
	v23 =	vadd.s32 v2, v12;
	v14 =	vadd.f32 v14, v9;
	v26 =	vld [tilespmem:s18+$0x0]  }
0x470: {  	v27 =	vld [tilespmem:s16+$0xFFFFFF20];
	[tilespmem:v17+s30+$0x0] =	vst.idx.msk $0xffff, v25;
	v25 =	vadd.s32 v1, v7;
	v18 =	vadd.f32 v18, v5  }
0x471: {  	v31 =	vadd.s32 v3, v13;
	v30 =	vld [tilespmem:s16+$0xFFFFFF60];
	[tilespmem:v15+s30+$0x0] =	vst.idx.msk $0xffff, v14;
	v14 =	vadd.f32 v21, v5  }
0x472: {  	v22 =	vadd.s32 v1, v8;
	v17 =	vld [tilespmem:s16+$0xFFFFFFA0];
	v13 =	vadd.f32 v16, v5;
	[tilespmem:v24+s30+$0x0] =	vst.idx.msk $0xffff, v18  }
0x473: {  	s21 =	simm.s32 $0x8;
	v21 =	vadd.s32 v1, v10;
	[tilespmem:v29+s30+$0x0] =	vst.idx.msk $0xffff, v14;
	v18 =	vadd.f32 v28, v6;
	v16 =	vld [tilespmem:s18+$0xFFFFFF80]  }
0x474: {  	v24 =	vmov s21;
	v14 =	vadd.s32 v1, v11;
	v15 =	vld [tilespmem:s18+$0xFFFFFFC0];
	[tilespmem:v23+s30+$0x0] =	vst.idx.msk $0xffff, v13;
	v63 =	vadd.f32 v26, v4  }
0x475: {  	s22 =	simm.s32 $0xB;
	s19 =	simm.s32 $0xF8F0;
	v19 =	vadd.s32 v3, v19;
	v13 =	vand.u32 $0x7C, v24;
	v24 =	vadd.f32 v27, v6;
	[tilespmem:v25+s30+$0x0] =	vst.idx.msk $0xffff, v18;
	v18 =	vld [tilespmem:s18+$0xFFFFFF40]  }
0x476: {  	v20 =	vadd.s32 v3, v20;
	v26 =	vmov s22;
	v23 =	vld [tilespmem:s19+$0xFFFFFFD0];
	s18 =	simm.s32 $0xC;
	v25 =	vadd.f32 v30, v6;
	[tilespmem:v31+s30+$0x0] =	vst.idx.msk $0xffff, v63  }
.LBB2_48:
0x477: {  	p0 =	slt.u32 s18, $0x7C;
	s22 =	sadd.s32 $0x1, s21;
	v26 =	vand.u32 $0x7F, v26;
	[tilespmem:v22+s30+$0x0] =	vst.idx.msk $0xffff, v24;
	v17 =	vadd.f32 v17, v6;
	v22 =	vld [tilespmem:s16+$0xFFFFFFF0];
	v24 =	vadd.s32 v3, v12  }
0x478: {  	v30 =	vmovc v11;
	v27 =	vld [tilespmem:s19+$0xFFFFFF10];
	v28 =	vmov s22;
	s22 =	sadd.s32 $0x2, s21;
	v29 =	vadd.s32 v0, v26;
	[tilespmem:v21+s30+$0x0] =	vst.idx.msk $0xffff, v25;
	v16 =	vadd.f32 v16, v4;
	s21 =	smov.u32 s18  }
0x479: {  	v12 =	vmovc v8;
	v21 =	vld [tilespmem:s19+$0xFFFFFF50];
	v11 =	vmov s22;
	[tilespmem:v14+s30+$0x0] =	vst.idx.msk $0xffff, v17;
	v14 =	vadd.s32 v2, v7;
	v15 =	vadd.f32 v15, v4  }
0x47a: {  	v17 =	vadd.s32 v0, v13;
	v28 =	vand.u32 $0x7D, v28;
	v25 =	vld [tilespmem:s19+$0xFFFFFF90];
	v31 =	vadd.f32 v18, v4;
	[tilespmem:v19+s30+$0x0] =	vst.idx.msk $0xffff, v16  }
0x47b: {  	v16 =	vadd.s32 v0, v28;
	v11 =	vand.u32 $0x7E, v11;
	v18 =	vadd.f32 v23, v9;
	v19 =	vld [tilespmem:s16+$0xFFFFFF70];
	[tilespmem:v20+s30+$0x0] =	vst.idx.msk $0xffff, v15  }
0x47c: {  	v8 =	vmov v13;
	v15 =	vadd.s32 v0, v11;
	v20 =	vld [tilespmem:s16+$0xFFFFFFB0];
	v22 =	vadd.f32 v22, v5;
	[tilespmem:v24+s30+$0x0] =	vst.idx.msk $0xffff, v31  }
0x47d: {  	v23 =	vadd.s32 v2, v10;
	v13 =	vadd.f32 v27, v9;
	[tilespmem:v29+s30+$0x0] =	vst.idx.msk $0xffff, v18;
	v18 =	vld [tilespmem:s16+$0xFFFFFF30]  }
0x47e: {  	v27 =	vadd.s32 v2, v30;
	v21 =	vadd.f32 v21, v9;
	v24 =	vld [tilespmem:s19+$0xFFFFFFE0];
	[tilespmem:v14+s30+$0x0] =	vst.idx.msk $0xffff, v22  }
0x47f: {  	[tilespmem:v17+s30+$0x0] =	vst.idx.msk $0xffff, v13;
	v13 =	vadd.f32 v25, v9;
	v25 =	vadd.s32 v2, v12;
	v29 =	vld [tilespmem:s16+$0x0]  }
0x480: {  	v32 =	vadd.s32 v1, v26;
	v31 =	vld [tilespmem:s19+$0xFFFFFF20];
	[tilespmem:v16+s30+$0x0] =	vst.idx.msk $0xffff, v21;
	v14 =	vadd.f32 v19, v5  }
0x481: {  	v34 =	vadd.s32 v3, v7;
	v7 =	vmov v26;
	v33 =	vld [tilespmem:s19+$0xFFFFFF60];
	[tilespmem:v15+s30+$0x0] =	vst.idx.msk $0xffff, v13;
	v13 =	vadd.f32 v20, v5  }
.Ltmp23:
0x482: {  	v22 =	vadd.s32 v1, v8;
	v17 =	vld [tilespmem:s19+$0xFFFFFFA0];
	v15 =	vadd.f32 v18, v5;
	[tilespmem:v23+s30+$0x0] =	vst.idx.msk $0xffff, v14;
	(pc) =	sbr.rel @p0 .LBB2_48-.Ltmp23, $4  }
0x483: {  	v21 =	vadd.s32 v1, v28;
	v18 =	vadd.f32 v24, v6;
	v16 =	vld [tilespmem:s16+$0xFFFFFF80];
	[tilespmem:v27+s30+$0x0] =	vst.idx.msk $0xffff, v13  }
0x484: {  	v14 =	vadd.s32 v1, v11;
	v13 =	vmov s18;
	[tilespmem:v25+s30+$0x0] =	vst.idx.msk $0xffff, v15;
	v15 =	vld [tilespmem:s16+$0xFFFFFFC0];
	v27 =	vadd.f32 v29, v4  }
0x485: {  	s22 =	sadd.s32 $0x3, s18;
	v19 =	vadd.s32 v3, v10;
	v13 =	vand.u32 $0x7C, v13;
	v24 =	vadd.f32 v31, v6;
	[tilespmem:v32+s30+$0x0] =	vst.idx.msk $0xffff, v18;
	v18 =	vld [tilespmem:s16+$0xFFFFFF40];
	s16 =	smov.u32 s19;
	s19 =	sadd.s32 $0x100, s19  }
0x486: {  	v26 =	vmov s22;
	v10 =	vmovc v28;
	v20 =	vadd.s32 v3, v30;
	s18 =	sadd.s32 $0x4, s18;
	v23 =	vld [tilespmem:s19+$0xFFFFFFD0];
	v25 =	vadd.f32 v33, v6;
	[tilespmem:v34+s30+$0x0] =	vst.idx.msk $0xffff, v27  }
0x487: {  	s18 =	sadd.s32 $0x1, s21  }
0x488: {  	v26 =	vand.u32 $0x7F, v26;
	s31 =	sadd.s32 $0x2, s21;
	v28 =	vld [tilespmem:s19+$0xFFFFFF50];
	v27 =	vmov s18  }
0x489: {  	v31 =	vld [tilespmem:s19+$0xFFFFFF90];
	v29 =	vadd.s32 v0, v26;
	v30 =	vmov s31;
	v27 =	vand.u32 $0x7D, v27  }
0x48a: {  	v32 =	vld [tilespmem:s19+$0xFFFFFF10];
	v30 =	vand.u32 $0x7E, v30;
	v33 =	vadd.s32 v0, v27  }
0x48b: {  	v34 =	vadd.s32 v0, v30  }
0x48c: {  	[tilespmem:v22+s30+$0x0] =	vst.idx.msk $0xffff, v24;
	v44 =	vadd.s32 v0, v13;
	v23 =	vadd.f32 v23, v9  }
0x48d: {  	[tilespmem:v21+s30+$0x0] =	vst.idx.msk $0xffff, v25;
	v45 =	vadd.f32 v28, v9  }
0x48e: {  	v46 =	vadd.f32 v31, v9;
	[tilespmem:v29+s30+$0x0] =	vst.idx.msk $0xffff, v23  }
0x48f: {  	v47 =	vadd.f32 v32, v9;
	v48 =	vld [tilespmem:s19+$0xFFFFFFE0];
	[tilespmem:v33+s30+$0x0] =	vst.idx.msk $0xffff, v45  }
0x490: {  	v17 =	vadd.f32 v17, v6;
	v12 =	vadd.s32 v3, v12;
	[tilespmem:v34+s30+$0x0] =	vst.idx.msk $0xffff, v46;
	v21 =	vld [tilespmem:s19+$0xFFFFFF60]  }
0x491: {  	v16 =	vadd.f32 v16, v4;
	v49 =	vadd.s32 v1, v26;
	[tilespmem:v44+s30+$0x0] =	vst.idx.msk $0xffff, v47;
	v50 =	vld [tilespmem:s19+$0xFFFFFFA0]  }
0x492: {  	[tilespmem:v14+s30+$0x0] =	vst.idx.msk $0xffff, v17;
	v51 =	vadd.f32 v15, v4;
	v53 =	vadd.s32 v1, v27;
	v52 =	vld [tilespmem:s19+$0xFFFFFF20]  }
0x493: {  	v54 =	vld [tilespmem:s16+$0xFFFFFFF0];
	v18 =	vadd.f32 v18, v4;
	[tilespmem:v19+s30+$0x0] =	vst.idx.msk $0xffff, v16;
	v55 =	vadd.s32 v1, v30  }
0x494: {  	v57 =	vadd.s32 v1, v13;
	v60 =	vld [tilespmem:s16+$0xFFFFFFB0];
	[tilespmem:v20+s30+$0x0] =	vst.idx.msk $0xffff, v51;
	v58 =	vadd.f32 v48, v6  }
0x495: {  	v59 =	vadd.s32 v2, v7;
	v56 =	vld [tilespmem:s16+$0xFFFFFF70];
	[tilespmem:v12+s30+$0x0] =	vst.idx.msk $0xffff, v18;
	v61 =	vadd.f32 v21, v6  }
0x496: {  	v62 =	vld [tilespmem:s16+$0xFFFFFF30];
	v29 =	vadd.s32 v2, v11;
	[tilespmem:v49+s30+$0x0] =	vst.idx.msk $0xffff, v58;
	v28 =	vadd.f32 v50, v6  }
0x497: {  	v63 =	vadd.s32 v2, v10;
	v31 =	vadd.f32 v52, v6;
	v32 =	vld [tilespmem:s19+$0xFFFFFFF0];
	[tilespmem:v53+s30+$0x0] =	vst.idx.msk $0xffff, v61  }
0x498: {  	v33 =	vadd.f32 v54, v5;
	v34 =	vadd.s32 v2, v8;
	[tilespmem:v55+s30+$0x0] =	vst.idx.msk $0xffff, v28;
	v35 =	vld [tilespmem:s19+$0xFFFFFF70]  }
0x499: {  	v37 =	vadd.s32 v2, v26;
	v39 =	vadd.f32 v60, v5;
	[tilespmem:v57+s30+$0x0] =	vst.idx.msk $0xffff, v31;
	v38 =	vld [tilespmem:s19+$0xFFFFFFB0]  }
0x49a: {  	v41 =	vadd.s32 v2, v27;
	v36 =	vadd.f32 v56, v5;
	[tilespmem:v59+s30+$0x0] =	vst.idx.msk $0xffff, v33;
	v40 =	vld [tilespmem:s19+$0xFFFFFF30]  }
0x49b: {  	v43 =	vadd.s32 v2, v30;
	v18 =	vadd.f32 v62, v5;
	v42 =	vld [tilespmem:s16+$0x0];
	[tilespmem:v29+s30+$0x0] =	vst.idx.msk $0xffff, v39  }
0x49c: {  	v45 =	vadd.s32 v2, v13;
	[tilespmem:v63+s30+$0x0] =	vst.idx.msk $0xffff, v36;
	v47 =	vld [tilespmem:s16+$0xFFFFFFC0];
	v44 =	vadd.f32 v32, v5  }
0x49d: {  	v46 =	vadd.s32 v3, v7;
	[tilespmem:v34+s30+$0x0] =	vst.idx.msk $0xffff, v18;
	v21 =	vld [tilespmem:s16+$0xFFFFFF80];
	v9 =	vadd.f32 v35, v5  }
0x49e: {  	v18 =	vld [tilespmem:s16+$0xFFFFFF40];
	v50 =	vadd.s32 v3, v11;
	[tilespmem:v37+s30+$0x0] =	vst.idx.msk $0xffff, v44;
	v49 =	vadd.f32 v38, v5  }
0x49f: {  	v48 =	vadd.s32 v3, v10;
	v5 =	vadd.f32 v40, v5;
	v12 =	vld [tilespmem:s19+$0x0];
	[tilespmem:v41+s30+$0x0] =	vst.idx.msk $0xffff, v9  }
0x4a0: {  	v52 =	vadd.s32 v3, v8;
	v51 =	vadd.f32 v42, v4;
	[tilespmem:v43+s30+$0x0] =	vst.idx.msk $0xffff, v49;
	v53 =	vld [tilespmem:s19+$0xFFFFFF80]  }
0x4a1: {  	v55 =	vadd.s32 v3, v26;
	v56 =	vadd.f32 v47, v4;
	[tilespmem:v45+s30+$0x0] =	vst.idx.msk $0xffff, v5;
	v5 =	vld [tilespmem:s19+$0xFFFFFFC0]  }
0x4a2: {  	v58 =	vadd.s32 v3, v27;
	[tilespmem:v46+s30+$0x0] =	vst.idx.msk $0xffff, v51;
	v54 =	vadd.f32 v21, v4;
	v57 =	vld [tilespmem:s19+$0xFFFFFF40]  }
0x4a3: {  	v60 =	vadd.s32 v3, v30;
	v59 =	vadd.f32 v18, v4;
	[tilespmem:v50+s30+$0x0] =	vst.idx.msk $0xffff, v56  }
0x4a4: {  	v62 =	vadd.s32 v3, v13;
	[tilespmem:v48+s30+$0x0] =	vst.idx.msk $0xffff, v54;
	v61 =	vadd.f32 v12, v4  }
0x4a5: {  	[tilespmem:v52+s30+$0x0] =	vst.idx.msk $0xffff, v59;
	v63 =	vadd.f32 v53, v4  }
0x4a6: {  	[tilespmem:v55+s30+$0x0] =	vst.idx.msk $0xffff, v61;
	v5 =	vadd.f32 v5, v4  }
0x4a7: {  	v4 =	vadd.f32 v57, v4;
	[tilespmem:v58+s30+$0x0] =	vst.idx.msk $0xffff, v63  }
0x4a8: {  	s21 =	sadd.s32 $0x0, s15;
	[tilespmem:v60+s30+$0x0] =	vst.idx.msk $0xffff, v5  }
0x4a9: {  	s18 =	simm.s32 $0x200;
	s16 =	simm.s32 $0x17C00;
	s19 =	simm.s32 $0x17C88;
	[tilespmem:v62+s30+$0x0] =	vst.idx.msk $0xffff, v4  }
.LBB2_50:
0x4aa: {  	[hbm4b:s21+s2] =	stream.linear.scatter [tilespmem:s16], [sflag:$0x8], $0x80, $0x38;
	[tilespmem:$0x19E00] =	vst v63  }
0x4ab: {  	s21 =	smov.u32 s18;
	s16 =	smov.u32 s19;
	p0 =	sne.s32 s18, $0x7E00  }
.Ltmp24:
0x4ac: {  	s18 =	sadd.s32 $0x200, s18;
	(pc) =	sbr.rel @p0 .LBB2_50-.Ltmp24, $2  }
0x4ad: {  	_ =	sdelay $0x2  }
0x4ae: {  	s19 =	sadd.s32 $0x88, s19;
	s21 =	sadd.s32 s21, s15  }
0x4af: {  	[hbm4b:s21+s2] =	stream.linear.scatter [tilespmem:s16], [sflag:$0x8], $0x80, $0x38;
	[tilespmem:$0x19E00] =	vst v63  }
0x4b0: {  	_ =	swait.ge [sflag:s0], $0x2000  }
0x4b1: {  	[sflag:s0] =	ssyncset.done $0x0  }
0x4b2: {  	[sflag:s0] =	ssyncadd.s32 $0xFFFFE000  }
0x4b3: {  	_ =	swait.ge [sflag:s23], $0x2000  }
0x4b4: {  	[sflag:s23] =	ssyncset.done $0x0  }
0x4b5: {  	[sflag:s23] =	ssyncadd.s32 $0xFFFFE000  }
0x4b6: {  	_ =	swait.ge [sflag:s6], $0x2000  }
0x4b7: {  	[sflag:s6] =	ssyncset.done $0x0  }
0x4b8: {  	[sflag:s6] =	ssyncadd.s32 $0xFFFFE000  }
0x4b9: {  	_ =	swait.ge [sflag:s8], $0x2000  }
0x4ba: {  	s18 =	rddreg [dreg:$0x5]  }
0x4bb: {  	s31 =	rddreg [dreg:$0x4];
	s18 =	sadd.s32 $0x1, s18  }
0x4bc: {  	p0 =	sne.s32 s18, s31  }
.Ltmp25:
0x4bd: {  	_ = 	snop;
	(pc) =	sbr.rel @p0 .LBB2_1-.Ltmp25, $3  }
0x4be: {  	_ =	sdelay $0x1  }
0x4bf: {  	[sflag:s8] =	ssyncset.done $0x0  }
0x4c0: {  	[sflag:s8] =	ssyncadd.s32 $0xFFFFE000  }
0x4c1: {  	_ =	sfence.sel $0x180000  }
0x4c2: {  	[bflag:$0x0] =	sbarrier.arrive $0xFFFF  }
0x4c3: {  	_ =	strace $0x90000047  }
0x4c4: {  	s0 =	stileid.u32;
	[bflag:$0x2] =	sbarrier.arrive $0xFFFF  }
0x4c5: {  	p0 =	sne.s32 s0, $0x0;
	s0 =	rddreg [dreg:$0x1]  }
0x4c6: {  	s0 =	sadd.s32 @!p0 $0x100000, s0  }
0x4c7: {  	[sflag:s0] =	ssyncadd.tile.s32 @!p0 $0x1;
	_ =	shalt  }
.Lfunc_end2:
_tile_overlayer_lowered:
.L_overlay_start_2:
0x4c8: {  	(tag) =	ssettag $0x2  }
0x4c9: {  	s0 =	rddreg [dreg:$0x0];
	s2 =	stileid.u32  }
0x4ca: {  	s1 =	rddreg [dreg:$0x1];
	p0 =	sne.s32 s2, $0x0  }
0x4cb: {  	s3 =	rddreg [dreg:$0x2];
	[bflag:$0x3] =	sbarrier.arrive $0xFFFF;
	s2 =	simm.s32 @!p0 $0x1C09  }
0x4cc: {  	[timem:s3], [sflag:s2] =	dma.local @!p0 [hbm:s0], s1  }
0x4cd: {  	s0 =	simm.s32 @!p0 $0x9  }
0x4ce: {  	_ =	swait.ge @!p0 [sflag:s0], s1  }
0x4cf: {  	s1 =	ssub.s32 @!p0 $0x0, s1;
	[sflag:s0] =	ssyncset.done @!p0 $0x0  }
0x4d0: {  	[sflag:s0] =	ssyncadd.s32 @!p0 s1  }
0x4d1: {  	[bflag:$0x3] =	sbarrier.arrive $0xFFFF  }
0x4d2: {  	_ =	shalt  }

</sc_bundles>
